<compile_context>
chip_gen: v7x
topology: tpu7x:2x2x1
jax: 0.10.2.dev20260603
libtpu: 0.0.44.dev20260713+nightly
codegen_flags: <defaults>
</compile_context>

<pallas_src>
import functools

import jax
import jax.numpy as jnp
from jax import lax
from jax.experimental import pallas as pl
from jax.experimental.pallas import tpu as pltpu
from jax.experimental.pallas import tpu_sc as plsc

B = 16384
NJ = 26
E = 64
NC, NS = 2, 16
NW = NC * NS
SPW = B // NW
CH_S = 16
CH_P = CH_S * NJ
NSTR = 4
STR_P = CH_P // NSTR
NCH = SPW // CH_S


def _sc_emb_dot(idx2d, table, w_emb):

    @functools.partial(
        pl.kernel,
        out_type=jax.ShapeDtypeStruct((B,), jnp.float32),
        mesh=plsc.VectorSubcoreMesh(core_axis_name="c", subcore_axis_name="s"),
        compiler_params=pltpu.CompilerParams(use_tc_tiling_on_sc=False),
        scratch_types=[
            pltpu.VMEM((NCH * NSTR, STR_P), jnp.int32),
            pltpu.VMEM((CH_P, E), jnp.float32),
            pltpu.VMEM((CH_P, E), jnp.float32),
            pltpu.VMEM((NJ, E), jnp.float32),
            pltpu.VMEM((SPW,), jnp.float32),
            pltpu.SemaphoreType.DMA,
            pltpu.SemaphoreType.DMA,
        ],
    )
    def k(idx_hbm, table_hbm, w_hbm, out_hbm,
          idx_v, rows0, rows1, w_v, out_v, sem0, sem1):
        wid = lax.axis_index("s") * NC + lax.axis_index("c")
        pltpu.sync_copy(idx_hbm.at[pl.ds(wid * NCH * NSTR, NCH * NSTR)], idx_v)
        pltpu.sync_copy(w_hbm, w_v)

        rows = (rows0, rows1)
        sems = (sem0, sem1)
        lane = lax.iota(jnp.int32, 16)

        def fire(c, par):
            for q in range(NSTR):
                pltpu.async_copy(
                    table_hbm.at[idx_v.at[c * NSTR + q]],
                    rows[par].at[pl.ds(q * STR_P, STR_P)], sems[par])

        def drain(c, par):
            for q in range(NSTR):
                pltpu.make_async_copy(
                    table_hbm.at[idx_v.at[c * NSTR + q]],
                    rows[par].at[pl.ds(q * STR_P, STR_P)], sems[par]).wait()

        fire(0, 0)

        def compute_chunk(c, rbuf):
            vec = jnp.zeros((16,), jnp.float32)
            for s in range(CH_S):
                zero = jnp.zeros((16,), jnp.float32)

                def jbody(j, accs):
                    r = s * NJ + j
                    return tuple(
                        accs[t]
                        + rbuf[r, pl.ds(t * 16, 16)] * w_v[j, pl.ds(t * 16, 16)]
                        for t in range(4)
                    )

                a = lax.fori_loop(0, NJ, jbody, (zero, zero, zero, zero))
                tot = a[0] + a[1] + a[2] + a[3]
                for sh in (8, 4, 2, 1):
                    perm = jnp.bitwise_xor(lane, sh)
                    tot = tot + tot.at[perm].get(mode="promise_in_bounds")
                vec = jnp.where(lane == s, tot, vec)
            out_v[pl.ds(c * CH_S, CH_S)] = vec

        def body2(cc, carry):
            for par in range(2):
                c = cc * 2 + par
                nxt = c + 1

                @pl.when(nxt < NCH)
                def _(nxt=nxt, par=par):
                    fire(nxt, (par + 1) % 2)

                drain(c, par)
                compute_chunk(c, rows[par])
            return carry

        lax.fori_loop(0, NCH // 2, body2, 0)
        pltpu.sync_copy(out_v, out_hbm.at[pl.ds(wid * SPW, SPW)])

    return k(idx2d, table, w_emb)


BLK = 2048


def _mlp_body(x_ref, w1_ref, b1_ref, w2_ref, b2_ref, w3_ref, b3_ref,
              w4t_ref, b4_ref, emb_ref, out_ref):
    hi = jax.lax.Precision.HIGHEST
    x = x_ref[...]
    h1 = jnp.maximum(jnp.dot(x, w1_ref[...], precision=hi) + b1_ref[...], 0.0)
    h2 = jnp.maximum(jnp.dot(h1, w2_ref[...], precision=hi) + b2_ref[...], 0.0)
    v = jnp.dot(w3_ref[...], w4t_ref[...], precision=hi)
    c0 = jnp.dot(b3_ref[...], w4t_ref[...], precision=hi)
    out_ref[...] = (jnp.dot(h2, v, precision=hi)
                    + c0 + b4_ref[...] + emb_ref[...])


def _mlp(xpad, W1p, b1, W2, b2, W3, b3, w4t, b4, emb):
    full = lambda shape: pl.BlockSpec(shape, lambda i: (0, 0))
    return pl.pallas_call(
        _mlp_body,
        grid=(B // BLK,),
        in_specs=[
            pl.BlockSpec((BLK, 16), lambda i: (i, 0)),
            full((16, 256)), full((1, 256)),
            full((256, 256)), full((1, 256)),
            full((256, 256)), full((1, 256)),
            full((256, 1)), full((1, 1)),
            pl.BlockSpec((BLK, 1), lambda i: (i, 0)),
        ],
        out_specs=pl.BlockSpec((BLK, 1), lambda i: (i, 0)),
        out_shape=jax.ShapeDtypeStruct((B, 1), jnp.float32),
    )(xpad, W1p, b1, W2, b2, W3, b3, w4t, b4, emb)


def kernel(dense_in, sparse_idx, W1, b1, W2, b2, W3, b3, W4, b4, table):
    idx2d = sparse_idx.astype(jnp.int32).reshape(NW * NCH * NSTR, STR_P)
    w_emb = W4[:NJ * E, 0].reshape(NJ, E)
    w4t = W4[NJ * E:]
    emb = _sc_emb_dot(idx2d, table, w_emb)
    xpad = jnp.pad(dense_in, ((0, 0), (0, 3)))
    W1p = jnp.pad(W1, ((0, 3), (0, 0)))
    return _mlp(xpad, W1p, b1.reshape(1, -1), W2, b2.reshape(1, -1),
                W3, b3.reshape(1, -1), w4t, b4.reshape(1, 1),
                emb.reshape(B, 1))

# --- scband reference (transcript-rebuilt; emitter-appended) ---
"""Pipeline reference for scband-criteo-network-34153579937818 (READ-ONLY COPY).

The authoritative reference and input builder live on the scoring server;
editing this copy changes nothing except your own understanding.
"""

import jax, jax.numpy as jnp
import numpy as np

FEATURE_DIM = 1000000
EMBED_DIM = 64
BATCH = 16384
N_SPARSE = 26

def setup_inputs(seed: int = 0) -> dict:
    key = jax.random.key(seed)
    ks = jax.random.split(key, 12)
    dense_in = jax.random.normal(ks[0], (BATCH, 13), dtype=jnp.float32)
    sparse_idx = jax.random.randint(ks[1], (BATCH, N_SPARSE), 0, FEATURE_DIM, dtype=jnp.int64)
    # Linear params stored as [in, out] (transposed vs torch)
    W1 = jax.random.normal(ks[2], (13, 256), dtype=jnp.float32) * (1.0 / np.sqrt(13))
    b1 = jnp.zeros((256,), dtype=jnp.float32)
    W2 = jax.random.normal(ks[3], (256, 256), dtype=jnp.float32) * (1.0 / np.sqrt(256))
    b2 = jnp.zeros((256,), dtype=jnp.float32)
    W3 = jax.random.normal(ks[4], (256, 256), dtype=jnp.float32) * (1.0 / np.sqrt(256))
    b3 = jnp.zeros((256,), dtype=jnp.float32)
    W4 = jax.random.normal(ks[5], (256 + N_SPARSE * EMBED_DIM, 1), dtype=jnp.float32) * (1.0 / np.sqrt(256 + N_SPARSE * EMBED_DIM))
    b4 = jnp.zeros((1,), dtype=jnp.float32)
    table = jax.random.normal(ks[6], (FEATURE_DIM, EMBED_DIM), dtype=jnp.float32)
    return {"dense_in": dense_in, "sparse_idx": sparse_idx, "W1": W1, "b1": b1, "W2": W2, "b2": b2, "W3": W3, "b3": b3, "W4": W4, "b4": b4, "table": table}

def reference(dense_in, sparse_idx, W1, b1, W2, b2, W3, b3, W4, b4, table):
    r1 = dense_in @ W1 + b1
    relu1 = jax.nn.relu(r1)
    relu2 = jax.nn.relu(relu1 @ W2 + b2)
    y3 = relu2 @ W3 + b3
    embs = jnp.take(table, sparse_idx, axis=0)  # [B, 26, E]
    flat_embeddings = embs.reshape(embs.shape[0], -1)  # [B, 26*E]
    y4 = jnp.concatenate((flat_embeddings, y3), axis=1)
    y = y4 @ W4 + b4
    return y

if __name__ == "__main__":
    import jax
    _d = setup_inputs()
    print(jax.jit(kernel)(*tuple(_d.values())))

</pallas_src>

<mosaic_0001>
#map = affine_map<(d0, d1) -> (0, 0)>
#map1 = affine_map<(d0, d1) -> (0)>
module attributes {stable_mosaic.version = 14 : i64} {
  func.func @k(%arg0: i32, %arg1: i32, %arg2: memref<4096x104xi32, #tpu.memory_space<hbm>>, %arg3: memref<1000000x64xf32, #tpu.memory_space<hbm>>, %arg4: memref<26x64xf32, #tpu.memory_space<hbm>>, %arg5: memref<16384xf32, #tpu.memory_space<hbm>>, %arg6: memref<128x104xi32, #tpu.memory_space<vmem>>, %arg7: memref<416x64xf32, #tpu.memory_space<vmem>>, %arg8: memref<416x64xf32, #tpu.memory_space<vmem>>, %arg9: memref<26x64xf32, #tpu.memory_space<vmem>>, %arg10: memref<512xf32, #tpu.memory_space<vmem>>, %arg11: memref<!tpu.dma_semaphore, #tpu.memory_space<semaphore_mem>>, %arg12: memref<!tpu.dma_semaphore, #tpu.memory_space<semaphore_mem>>) attributes {dimension_semantics = [#tpu.dimension_semantics<core_parallel>, #tpu.dimension_semantics<subcore_parallel>], iteration_bounds = array<i64: 2, 16>, scalar_prefetch = 0 : i64, scratch_operands = 7 : i64, tpu.core_type = #tpu.core_type<sc_vector_subcore>, window_params = [{transform_indices = #map}, {transform_indices = #map}, {transform_indices = #map}, {transform_indices = #map1}]} {
    %mul3A = arith.constant 2 : i32
    %mul3A_0 = arith.muli %arg1, %mul3A : i32
    %add3A = arith.addi %mul3A_0, %arg0 : i32
    %mul3A_1 = arith.constant 32 : i32
    %mul3A_2 = arith.muli %add3A, %mul3A_1 : i32
    %mul3A_3 = arith.constant 4 : i32
    %mul3A_4 = arith.muli %mul3A_2, %mul3A_3 : i32
    "tpu.region"() ({
      %run_scoped3A = tpu.sem_alloc : memref<!tpu.dma_semaphore, #tpu.memory_space<semaphore_mem>>
      %dma_start3A_51 = arith.constant 0 : i32
      %dma_start3A_52 = tpu.memref_slice %arg2[%mul3A_4, %dma_start3A_51] : memref<4096x104xi32, #tpu.memory_space<hbm>> -> memref<128x104xi32, #tpu.memory_space<hbm>>
      %dma_start3A_53 = arith.constant 0 : i32
      %dma_start3A_54 = tpu.memref_slice %arg2[%mul3A_4, %dma_start3A_53] : memref<4096x104xi32, #tpu.memory_space<hbm>> -> memref<128x104xi32, #tpu.memory_space<hbm>>
      tpu.enqueue_dma source(%dma_start3A_54 : memref<128x104xi32, #tpu.memory_space<hbm>>) target(%arg6 : memref<128x104xi32, #tpu.memory_space<vmem>>) target_semaphore(%run_scoped3A : memref<!tpu.dma_semaphore, #tpu.memory_space<semaphore_mem>>)
      %dma_wait3A = arith.constant 0 : i32
      %dma_wait3A_55 = tpu.memref_slice %arg2[%mul3A_4, %dma_wait3A] : memref<4096x104xi32, #tpu.memory_space<hbm>> -> memref<128x104xi32, #tpu.memory_space<hbm>>
      %dma_wait3A_56 = arith.constant 0 : i32
      %dma_wait3A_57 = tpu.memref_slice %arg2[%mul3A_4, %dma_wait3A_56] : memref<4096x104xi32, #tpu.memory_space<hbm>> -> memref<128x104xi32, #tpu.memory_space<hbm>>
      tpu.wait_dma2 semaphore(%run_scoped3A : memref<!tpu.dma_semaphore, #tpu.memory_space<semaphore_mem>>) src(%dma_wait3A_57 : memref<128x104xi32, #tpu.memory_space<hbm>>) dst(%arg6 : memref<128x104xi32, #tpu.memory_space<vmem>>)
      tpu.yield
    }) : () -> ()
    "tpu.region"() ({
      %run_scoped3A = tpu.sem_alloc : memref<!tpu.dma_semaphore, #tpu.memory_space<semaphore_mem>>
      tpu.enqueue_dma source(%arg4 : memref<26x64xf32, #tpu.memory_space<hbm>>) target(%arg9 : memref<26x64xf32, #tpu.memory_space<vmem>>) target_semaphore(%run_scoped3A : memref<!tpu.dma_semaphore, #tpu.memory_space<semaphore_mem>>)
      tpu.wait_dma2 semaphore(%run_scoped3A : memref<!tpu.dma_semaphore, #tpu.memory_space<semaphore_mem>>) src(%arg4 : memref<26x64xf32, #tpu.memory_space<hbm>>) dst(%arg9 : memref<26x64xf32, #tpu.memory_space<vmem>>)
      tpu.yield
    }) : () -> ()
    %iota3A = tpu.iota {dimensions = array<i32: 0>} : vector<16xi32>
    %dma_start3A = arith.constant 0 : i32
    %dma_start3A_5 = arith.constant 0 : i32
    %dma_start3A_6 = arith.constant 0 : i32
    %dma_start3A_7 = tpu.memref_slice %arg7[%dma_start3A_5, %dma_start3A_6] : memref<416x64xf32, #tpu.memory_space<vmem>> -> memref<104x64xf32, #tpu.memory_space<vmem>>
    %dma_start3A_8 = arith.constant 0 : i32
    %dma_start3A_9 = tpu.memref_slice %arg6[%dma_start3A, %dma_start3A_8] : memref<128x104xi32, #tpu.memory_space<vmem>> -> memref<1x104xi32, #tpu.memory_space<vmem>>
    %dma_start3A_10 = tpu.memref_squeeze %dma_start3A_9 : memref<1x104xi32, #tpu.memory_space<vmem>> -> memref<104xi32, #tpu.memory_space<vmem>>
    %dma_start3A_11 = arith.constant 0 : i32
    %dma_start3A_12 = arith.constant 0 : i32
    %dma_start3A_13 = tpu.memref_slice %arg3[%dma_start3A_11, %dma_start3A_12] : memref<1000000x64xf32, #tpu.memory_space<hbm>> -> memref<1000000x64xf32, #tpu.memory_space<hbm>>
    tpu.enqueue_indirect_dma source(%dma_start3A_13 : memref<1000000x64xf32, #tpu.memory_space<hbm>>) target(%dma_start3A_7 : memref<104x64xf32, #tpu.memory_space<vmem>>) offsets(%dma_start3A_10 : memref<104xi32, #tpu.memory_space<vmem>>) semaphore(%arg11 : memref<!tpu.dma_semaphore, #tpu.memory_space<semaphore_mem>>)
    %dma_start3A_14 = arith.constant 1 : i32
    %dma_start3A_15 = arith.constant 104 : i32
    %dma_start3A_16 = arith.constant 0 : i32
    %dma_start3A_17 = tpu.memref_slice %arg7[%dma_start3A_15, %dma_start3A_16] : memref<416x64xf32, #tpu.memory_space<vmem>> -> memref<104x64xf32, #tpu.memory_space<vmem>>
    %dma_start3A_18 = arith.constant 0 : i32
    %dma_start3A_19 = tpu.memref_slice %arg6[%dma_start3A_14, %dma_start3A_18] : memref<128x104xi32, #tpu.memory_space<vmem>> -> memref<1x104xi32, #tpu.memory_space<vmem>>
    %dma_start3A_20 = tpu.memref_squeeze %dma_start3A_19 : memref<1x104xi32, #tpu.memory_space<vmem>> -> memref<104xi32, #tpu.memory_space<vmem>>
    %dma_start3A_21 = arith.constant 0 : i32
    %dma_start3A_22 = arith.constant 0 : i32
    %dma_start3A_23 = tpu.memref_slice %arg3[%dma_start3A_21, %dma_start3A_22] : memref<1000000x64xf32, #tpu.memory_space<hbm>> -> memref<1000000x64xf32, #tpu.memory_space<hbm>>
    tpu.enqueue_indirect_dma source(%dma_start3A_23 : memref<1000000x64xf32, #tpu.memory_space<hbm>>) target(%dma_start3A_17 : memref<104x64xf32, #tpu.memory_space<vmem>>) offsets(%dma_start3A_20 : memref<104xi32, #tpu.memory_space<vmem>>) semaphore(%arg11 : memref<!tpu.dma_semaphore, #tpu.memory_space<semaphore_mem>>)
    %dma_start3A_24 = arith.constant 2 : i32
    %dma_start3A_25 = arith.constant 208 : i32
    %dma_start3A_26 = arith.constant 0 : i32
    %dma_start3A_27 = tpu.memref_slice %arg7[%dma_start3A_25, %dma_start3A_26] : memref<416x64xf32, #tpu.memory_space<vmem>> -> memref<104x64xf32, #tpu.memory_space<vmem>>
    %dma_start3A_28 = arith.constant 0 : i32
    %dma_start3A_29 = tpu.memref_slice %arg6[%dma_start3A_24, %dma_start3A_28] : memref<128x104xi32, #tpu.memory_space<vmem>> -> memref<1x104xi32, #tpu.memory_space<vmem>>
    %dma_start3A_30 = tpu.memref_squeeze %dma_start3A_29 : memref<1x104xi32, #tpu.memory_space<vmem>> -> memref<104xi32, #tpu.memory_space<vmem>>
    %dma_start3A_31 = arith.constant 0 : i32
    %dma_start3A_32 = arith.constant 0 : i32
    %dma_start3A_33 = tpu.memref_slice %arg3[%dma_start3A_31, %dma_start3A_32] : memref<1000000x64xf32, #tpu.memory_space<hbm>> -> memref<1000000x64xf32, #tpu.memory_space<hbm>>
    tpu.enqueue_indirect_dma source(%dma_start3A_33 : memref<1000000x64xf32, #tpu.memory_space<hbm>>) target(%dma_start3A_27 : memref<104x64xf32, #tpu.memory_space<vmem>>) offsets(%dma_start3A_30 : memref<104xi32, #tpu.memory_space<vmem>>) semaphore(%arg11 : memref<!tpu.dma_semaphore, #tpu.memory_space<semaphore_mem>>)
    %dma_start3A_34 = arith.constant 3 : i32
    %dma_start3A_35 = arith.constant 312 : i32
    %dma_start3A_36 = arith.constant 0 : i32
    %dma_start3A_37 = tpu.memref_slice %arg7[%dma_start3A_35, %dma_start3A_36] : memref<416x64xf32, #tpu.memory_space<vmem>> -> memref<104x64xf32, #tpu.memory_space<vmem>>
    %dma_start3A_38 = arith.constant 0 : i32
    %dma_start3A_39 = tpu.memref_slice %arg6[%dma_start3A_34, %dma_start3A_38] : memref<128x104xi32, #tpu.memory_space<vmem>> -> memref<1x104xi32, #tpu.memory_space<vmem>>
    %dma_start3A_40 = tpu.memref_squeeze %dma_start3A_39 : memref<1x104xi32, #tpu.memory_space<vmem>> -> memref<104xi32, #tpu.memory_space<vmem>>
    %dma_start3A_41 = arith.constant 0 : i32
    %dma_start3A_42 = arith.constant 0 : i32
    %dma_start3A_43 = tpu.memref_slice %arg3[%dma_start3A_41, %dma_start3A_42] : memref<1000000x64xf32, #tpu.memory_space<hbm>> -> memref<1000000x64xf32, #tpu.memory_space<hbm>>
    tpu.enqueue_indirect_dma source(%dma_start3A_43 : memref<1000000x64xf32, #tpu.memory_space<hbm>>) target(%dma_start3A_37 : memref<104x64xf32, #tpu.memory_space<vmem>>) offsets(%dma_start3A_40 : memref<104xi32, #tpu.memory_space<vmem>>) semaphore(%arg11 : memref<!tpu.dma_semaphore, #tpu.memory_space<semaphore_mem>>)
    %scan3A = arith.constant 0 : i32
    %scan3A_44 = arith.constant 0 : i32
    %scan3A_45 = arith.constant 16 : i32
    %scan3A_46 = arith.addi %scan3A_44, %scan3A_45 : i32
    %scan3A_47 = arith.constant 1 : i32
    scf.for %scan3A_51 = %scan3A_44 to %scan3A_46 step %scan3A_47  : i32 {
      %mul3A_52 = arith.constant 2 : i32
      %mul3A_53 = arith.muli %scan3A_51, %mul3A_52 : i32
      %add3A_54 = arith.constant 0 : i32
      %add3A_55 = arith.addi %mul3A_53, %add3A_54 : i32
      %add3A_56 = arith.constant 1 : i32
      %add3A_57 = arith.addi %add3A_55, %add3A_56 : i32
      %lt3A = arith.constant 32 : i32
      %lt3A_58 = arith.cmpi slt, %add3A_57, %lt3A : i32
      %convert_element_type3A = arith.extui %lt3A_58 : i1 to i32
      %cond3A = arith.constant 0 : i32
      %cond3A_59 = arith.cmpi ne, %convert_element_type3A, %cond3A : i32
      scf.if %cond3A_59 {
        %mul3A_2456 = arith.constant 4 : i32
        %mul3A_2457 = arith.muli %add3A_57, %mul3A_2456 : i32
        %add3A_2458 = arith.constant 0 : i32
        %add3A_2459 = arith.addi %mul3A_2457, %add3A_2458 : i32
        %dma_start3A_2460 = arith.constant 0 : i32
        %dma_start3A_2461 = arith.constant 0 : i32
        %dma_start3A_2462 = tpu.memref_slice %arg8[%dma_start3A_2460, %dma_start3A_2461] : memref<416x64xf32, #tpu.memory_space<vmem>> -> memref<104x64xf32, #tpu.memory_space<vmem>>
        %dma_start3A_2463 = arith.constant 0 : i32
        %dma_start3A_2464 = tpu.memref_slice %arg6[%add3A_2459, %dma_start3A_2463] : memref<128x104xi32, #tpu.memory_space<vmem>> -> memref<1x104xi32, #tpu.memory_space<vmem>>
        %dma_start3A_2465 = tpu.memref_squeeze %dma_start3A_2464 : memref<1x104xi32, #tpu.memory_space<vmem>> -> memref<104xi32, #tpu.memory_space<vmem>>
        %dma_start3A_2466 = arith.constant 0 : i32
        %dma_start3A_2467 = arith.constant 0 : i32
        %dma_start3A_2468 = tpu.memref_slice %arg3[%dma_start3A_2466, %dma_start3A_2467] : memref<1000000x64xf32, #tpu.memory_space<hbm>> -> memref<1000000x64xf32, #tpu.memory_space<hbm>>
        tpu.enqueue_indirect_dma source(%dma_start3A_2468 : memref<1000000x64xf32, #tpu.memory_space<hbm>>) target(%dma_start3A_2462 : memref<104x64xf32, #tpu.memory_space<vmem>>) offsets(%dma_start3A_2465 : memref<104xi32, #tpu.memory_space<vmem>>) semaphore(%arg12 : memref<!tpu.dma_semaphore, #tpu.memory_space<semaphore_mem>>)
        %mul3A_2469 = arith.constant 4 : i32
        %mul3A_2470 = arith.muli %add3A_57, %mul3A_2469 : i32
        %add3A_2471 = arith.constant 1 : i32
        %add3A_2472 = arith.addi %mul3A_2470, %add3A_2471 : i32
        %dma_start3A_2473 = arith.constant 104 : i32
        %dma_start3A_2474 = arith.constant 0 : i32
        %dma_start3A_2475 = tpu.memref_slice %arg8[%dma_start3A_2473, %dma_start3A_2474] : memref<416x64xf32, #tpu.memory_space<vmem>> -> memref<104x64xf32, #tpu.memory_space<vmem>>
        %dma_start3A_2476 = arith.constant 0 : i32
        %dma_start3A_2477 = tpu.memref_slice %arg6[%add3A_2472, %dma_start3A_2476] : memref<128x104xi32, #tpu.memory_space<vmem>> -> memref<1x104xi32, #tpu.memory_space<vmem>>
        %dma_start3A_2478 = tpu.memref_squeeze %dma_start3A_2477 : memref<1x104xi32, #tpu.memory_space<vmem>> -> memref<104xi32, #tpu.memory_space<vmem>>
        %dma_start3A_2479 = arith.constant 0 : i32
        %dma_start3A_2480 = arith.constant 0 : i32
        %dma_start3A_2481 = tpu.memref_slice %arg3[%dma_start3A_2479, %dma_start3A_2480] : memref<1000000x64xf32, #tpu.memory_space<hbm>> -> memref<1000000x64xf32, #tpu.memory_space<hbm>>
        tpu.enqueue_indirect_dma source(%dma_start3A_2481 : memref<1000000x64xf32, #tpu.memory_space<hbm>>) target(%dma_start3A_2475 : memref<104x64xf32, #tpu.memory_space<vmem>>) offsets(%dma_start3A_2478 : memref<104xi32, #tpu.memory_space<vmem>>) semaphore(%arg12 : memref<!tpu.dma_semaphore, #tpu.memory_space<semaphore_mem>>)
        %mul3A_2482 = arith.constant 4 : i32
        %mul3A_2483 = arith.muli %add3A_57, %mul3A_2482 : i32
        %add3A_2484 = arith.constant 2 : i32
        %add3A_2485 = arith.addi %mul3A_2483, %add3A_2484 : i32
        %dma_start3A_2486 = arith.constant 208 : i32
        %dma_start3A_2487 = arith.constant 0 : i32
        %dma_start3A_2488 = tpu.memref_slice %arg8[%dma_start3A_2486, %dma_start3A_2487] : memref<416x64xf32, #tpu.memory_space<vmem>> -> memref<104x64xf32, #tpu.memory_space<vmem>>
        %dma_start3A_2489 = arith.constant 0 : i32
        %dma_start3A_2490 = tpu.memref_slice %arg6[%add3A_2485, %dma_start3A_2489] : memref<128x104xi32, #tpu.memory_space<vmem>> -> memref<1x104xi32, #tpu.memory_space<vmem>>
        %dma_start3A_2491 = tpu.memref_squeeze %dma_start3A_2490 : memref<1x104xi32, #tpu.memory_space<vmem>> -> memref<104xi32, #tpu.memory_space<vmem>>
        %dma_start3A_2492 = arith.constant 0 : i32
        %dma_start3A_2493 = arith.constant 0 : i32
        %dma_start3A_2494 = tpu.memref_slice %arg3[%dma_start3A_2492, %dma_start3A_2493] : memref<1000000x64xf32, #tpu.memory_space<hbm>> -> memref<1000000x64xf32, #tpu.memory_space<hbm>>
        tpu.enqueue_indirect_dma source(%dma_start3A_2494 : memref<1000000x64xf32, #tpu.memory_space<hbm>>) target(%dma_start3A_2488 : memref<104x64xf32, #tpu.memory_space<vmem>>) offsets(%dma_start3A_2491 : memref<104xi32, #tpu.memory_space<vmem>>) semaphore(%arg12 : memref<!tpu.dma_semaphore, #tpu.memory_space<semaphore_mem>>)
        %mul3A_2495 = arith.constant 4 : i32
        %mul3A_2496 = arith.muli %add3A_57, %mul3A_2495 : i32
        %add3A_2497 = arith.constant 3 : i32
        %add3A_2498 = arith.addi %mul3A_2496, %add3A_2497 : i32
        %dma_start3A_2499 = arith.constant 312 : i32
        %dma_start3A_2500 = arith.constant 0 : i32
        %dma_start3A_2501 = tpu.memref_slice %arg8[%dma_start3A_2499, %dma_start3A_2500] : memref<416x64xf32, #tpu.memory_space<vmem>> -> memref<104x64xf32, #tpu.memory_space<vmem>>
        %dma_start3A_2502 = arith.constant 0 : i32
        %dma_start3A_2503 = tpu.memref_slice %arg6[%add3A_2498, %dma_start3A_2502] : memref<128x104xi32, #tpu.memory_space<vmem>> -> memref<1x104xi32, #tpu.memory_space<vmem>>
        %dma_start3A_2504 = tpu.memref_squeeze %dma_start3A_2503 : memref<1x104xi32, #tpu.memory_space<vmem>> -> memref<104xi32, #tpu.memory_space<vmem>>
        %dma_start3A_2505 = arith.constant 0 : i32
        %dma_start3A_2506 = arith.constant 0 : i32
        %dma_start3A_2507 = tpu.memref_slice %arg3[%dma_start3A_2505, %dma_start3A_2506] : memref<1000000x64xf32, #tpu.memory_space<hbm>> -> memref<1000000x64xf32, #tpu.memory_space<hbm>>
        tpu.enqueue_indirect_dma source(%dma_start3A_2507 : memref<1000000x64xf32, #tpu.memory_space<hbm>>) target(%dma_start3A_2501 : memref<104x64xf32, #tpu.memory_space<vmem>>) offsets(%dma_start3A_2504 : memref<104xi32, #tpu.memory_space<vmem>>) semaphore(%arg12 : memref<!tpu.dma_semaphore, #tpu.memory_space<semaphore_mem>>)
      } else {
      }
      %mul3A_60 = arith.constant 4 : i32
      %mul3A_61 = arith.muli %add3A_55, %mul3A_60 : i32
      %add3A_62 = arith.constant 0 : i32
      %add3A_63 = arith.addi %mul3A_61, %add3A_62 : i32
      %dma_wait3A = arith.constant 0 : i32
      %dma_wait3A_64 = arith.constant 0 : i32
      %dma_wait3A_65 = tpu.memref_slice %arg7[%dma_wait3A, %dma_wait3A_64] : memref<416x64xf32, #tpu.memory_space<vmem>> -> memref<104x64xf32, #tpu.memory_space<vmem>>
      %dma_wait3A_66 = arith.constant 0 : i32
      %dma_wait3A_67 = tpu.memref_slice %arg6[%add3A_63, %dma_wait3A_66] : memref<128x104xi32, #tpu.memory_space<vmem>> -> memref<1x104xi32, #tpu.memory_space<vmem>>
      %dma_wait3A_68 = tpu.memref_squeeze %dma_wait3A_67 : memref<1x104xi32, #tpu.memory_space<vmem>> -> memref<104xi32, #tpu.memory_space<vmem>>
      %dma_wait3A_69 = arith.constant 0 : i32
      %dma_wait3A_70 = arith.constant 0 : i32
      %dma_wait3A_71 = tpu.memref_slice %arg3[%dma_wait3A_69, %dma_wait3A_70] : memref<1000000x64xf32, #tpu.memory_space<hbm>> -> memref<1000000x64xf32, #tpu.memory_space<hbm>>
      tpu.wait_indirect_dma semaphore(%arg11 : memref<!tpu.dma_semaphore, #tpu.memory_space<semaphore_mem>>) src(%dma_wait3A_71 : memref<1000000x64xf32, #tpu.memory_space<hbm>>) dst(%dma_wait3A_65 : memref<104x64xf32, #tpu.memory_space<vmem>>)
      %mul3A_72 = arith.constant 4 : i32
      %mul3A_73 = arith.muli %add3A_55, %mul3A_72 : i32
      %add3A_74 = arith.constant 1 : i32
      %add3A_75 = arith.addi %mul3A_73, %add3A_74 : i32
      %dma_wait3A_76 = arith.constant 104 : i32
      %dma_wait3A_77 = arith.constant 0 : i32
      %dma_wait3A_78 = tpu.memref_slice %arg7[%dma_wait3A_76, %dma_wait3A_77] : memref<416x64xf32, #tpu.memory_space<vmem>> -> memref<104x64xf32, #tpu.memory_space<vmem>>
      %dma_wait3A_79 = arith.constant 0 : i32
      %dma_wait3A_80 = tpu.memref_slice %arg6[%add3A_75, %dma_wait3A_79] : memref<128x104xi32, #tpu.memory_space<vmem>> -> memref<1x104xi32, #tpu.memory_space<vmem>>
      %dma_wait3A_81 = tpu.memref_squeeze %dma_wait3A_80 : memref<1x104xi32, #tpu.memory_space<vmem>> -> memref<104xi32, #tpu.memory_space<vmem>>
      %dma_wait3A_82 = arith.constant 0 : i32
      %dma_wait3A_83 = arith.constant 0 : i32
      %dma_wait3A_84 = tpu.memref_slice %arg3[%dma_wait3A_82, %dma_wait3A_83] : memref<1000000x64xf32, #tpu.memory_space<hbm>> -> memref<1000000x64xf32, #tpu.memory_space<hbm>>
      tpu.wait_indirect_dma semaphore(%arg11 : memref<!tpu.dma_semaphore, #tpu.memory_space<semaphore_mem>>) src(%dma_wait3A_84 : memref<1000000x64xf32, #tpu.memory_space<hbm>>) dst(%dma_wait3A_78 : memref<104x64xf32, #tpu.memory_space<vmem>>)
      %mul3A_85 = arith.constant 4 : i32
      %mul3A_86 = arith.muli %add3A_55, %mul3A_85 : i32
      %add3A_87 = arith.constant 2 : i32
      %add3A_88 = arith.addi %mul3A_86, %add3A_87 : i32
      %dma_wait3A_89 = arith.constant 208 : i32
      %dma_wait3A_90 = arith.constant 0 : i32
      %dma_wait3A_91 = tpu.memref_slice %arg7[%dma_wait3A_89, %dma_wait3A_90] : memref<416x64xf32, #tpu.memory_space<vmem>> -> memref<104x64xf32, #tpu.memory_space<vmem>>
      %dma_wait3A_92 = arith.constant 0 : i32
      %dma_wait3A_93 = tpu.memref_slice %arg6[%add3A_88, %dma_wait3A_92] : memref<128x104xi32, #tpu.memory_space<vmem>> -> memref<1x104xi32, #tpu.memory_space<vmem>>
      %dma_wait3A_94 = tpu.memref_squeeze %dma_wait3A_93 : memref<1x104xi32, #tpu.memory_space<vmem>> -> memref<104xi32, #tpu.memory_space<vmem>>
      %dma_wait3A_95 = arith.constant 0 : i32
      %dma_wait3A_96 = arith.constant 0 : i32
      %dma_wait3A_97 = tpu.memref_slice %arg3[%dma_wait3A_95, %dma_wait3A_96] : memref<1000000x64xf32, #tpu.memory_space<hbm>> -> memref<1000000x64xf32, #tpu.memory_space<hbm>>
      tpu.wait_indirect_dma semaphore(%arg11 : memref<!tpu.dma_semaphore, #tpu.memory_space<semaphore_mem>>) src(%dma_wait3A_97 : memref<1000000x64xf32, #tpu.memory_space<hbm>>) dst(%dma_wait3A_91 : memref<104x64xf32, #tpu.memory_space<vmem>>)
      %mul3A_98 = arith.constant 4 : i32
      %mul3A_99 = arith.muli %add3A_55, %mul3A_98 : i32
      %add3A_100 = arith.constant 3 : i32
      %add3A_101 = arith.addi %mul3A_99, %add3A_100 : i32
      %dma_wait3A_102 = arith.constant 312 : i32
      %dma_wait3A_103 = arith.constant 0 : i32
      %dma_wait3A_104 = tpu.memref_slice %arg7[%dma_wait3A_102, %dma_wait3A_103] : memref<416x64xf32, #tpu.memory_space<vmem>> -> memref<104x64xf32, #tpu.memory_space<vmem>>
      %dma_wait3A_105 = arith.constant 0 : i32
      %dma_wait3A_106 = tpu.memref_slice %arg6[%add3A_101, %dma_wait3A_105] : memref<128x104xi32, #tpu.memory_space<vmem>> -> memref<1x104xi32, #tpu.memory_space<vmem>>
      %dma_wait3A_107 = tpu.memref_squeeze %dma_wait3A_106 : memref<1x104xi32, #tpu.memory_space<vmem>> -> memref<104xi32, #tpu.memory_space<vmem>>
      %dma_wait3A_108 = arith.constant 0 : i32
      %dma_wait3A_109 = arith.constant 0 : i32
      %dma_wait3A_110 = tpu.memref_slice %arg3[%dma_wait3A_108, %dma_wait3A_109] : memref<1000000x64xf32, #tpu.memory_space<hbm>> -> memref<1000000x64xf32, #tpu.memory_space<hbm>>
      tpu.wait_indirect_dma semaphore(%arg11 : memref<!tpu.dma_semaphore, #tpu.memory_space<semaphore_mem>>) src(%dma_wait3A_110 : memref<1000000x64xf32, #tpu.memory_space<hbm>>) dst(%dma_wait3A_104 : memref<104x64xf32, #tpu.memory_space<vmem>>)
      %broadcast_in_dim3A = arith.constant 0.000000e+00 : f32
      %broadcast_in_dim3A_111 = vector.broadcast %broadcast_in_dim3A : f32 to vector<16xf32>
      %broadcast_in_dim3A_112 = arith.constant 0.000000e+00 : f32
      %broadcast_in_dim3A_113 = vector.broadcast %broadcast_in_dim3A_112 : f32 to vector<16xf32>
      %scan3A_114 = arith.constant 0 : i32
      %scan3A_115 = arith.constant 26 : i32
      %scan3A_116 = arith.addi %scan3A_114, %scan3A_115 : i32
      %scan3A_117 = arith.constant 1 : i32
      %scan3A_118:4 = scf.for %scan3A_2456 = %scan3A_114 to %scan3A_116 step %scan3A_117 iter_args(%scan3A_2457 = %broadcast_in_dim3A_113, %scan3A_2458 = %broadcast_in_dim3A_113, %scan3A_2459 = %broadcast_in_dim3A_113, %scan3A_2460 = %broadcast_in_dim3A_113) -> (vector<16xf32>, vector<16xf32>, vector<16xf32>, vector<16xf32>)  : i32 {
        %add3A_2461 = arith.constant 0 : i32
        %add3A_2462 = arith.addi %add3A_2461, %scan3A_2456 : i32
        %get3A = arith.index_cast %add3A_2462 : i32 to index
        %get3A_2463 = arith.constant 0 : index
        %get3A_2464 = tpu.vector_load %arg7[%get3A, %get3A_2463] {strides = array<i32>} : memref<416x64xf32, #tpu.memory_space<vmem>>, vector<1x16xf32>,
        %get3A_2465 = vector.shape_cast %get3A_2464 : vector<1x16xf32> to vector<16xf32>
        %get3A_2466 = arith.index_cast %scan3A_2456 : i32 to index
        %get3A_2467 = arith.constant 0 : index
        %get3A_2468 = tpu.vector_load %arg9[%get3A_2466, %get3A_2467] {strides = array<i32>} : memref<26x64xf32, #tpu.memory_space<vmem>>, vector<1x16xf32>,
        %get3A_2469 = vector.shape_cast %get3A_2468 : vector<1x16xf32> to vector<16xf32>
        %mul3A_2470 = arith.mulf %get3A_2465, %get3A_2469 : vector<16xf32>
        %add3A_2471 = arith.addf %scan3A_2457, %mul3A_2470 : vector<16xf32>
        %get3A_2472 = arith.index_cast %add3A_2462 : i32 to index
        %get3A_2473 = arith.constant 16 : index
        %get3A_2474 = tpu.vector_load %arg7[%get3A_2472, %get3A_2473] {strides = array<i32>} : memref<416x64xf32, #tpu.memory_space<vmem>>, vector<1x16xf32>,
        %get3A_2475 = vector.shape_cast %get3A_2474 : vector<1x16xf32> to vector<16xf32>
        %get3A_2476 = arith.index_cast %scan3A_2456 : i32 to index
        %get3A_2477 = arith.constant 16 : index
        %get3A_2478 = tpu.vector_load %arg9[%get3A_2476, %get3A_2477] {strides = array<i32>} : memref<26x64xf32, #tpu.memory_space<vmem>>, vector<1x16xf32>,
        %get3A_2479 = vector.shape_cast %get3A_2478 : vector<1x16xf32> to vector<16xf32>
        %mul3A_2480 = arith.mulf %get3A_2475, %get3A_2479 : vector<16xf32>
        %add3A_2481 = arith.addf %scan3A_2458, %mul3A_2480 : vector<16xf32>
        %get3A_2482 = arith.index_cast %add3A_2462 : i32 to index
        %get3A_2483 = arith.constant 32 : index
        %get3A_2484 = tpu.vector_load %arg7[%get3A_2482, %get3A_2483] {strides = array<i32>} : memref<416x64xf32, #tpu.memory_space<vmem>>, vector<1x16xf32>,
        %get3A_2485 = vector.shape_cast %get3A_2484 : vector<1x16xf32> to vector<16xf32>
        %get3A_2486 = arith.index_cast %scan3A_2456 : i32 to index
        %get3A_2487 = arith.constant 32 : index
        %get3A_2488 = tpu.vector_load %arg9[%get3A_2486, %get3A_2487] {strides = array<i32>} : memref<26x64xf32, #tpu.memory_space<vmem>>, vector<1x16xf32>,
        %get3A_2489 = vector.shape_cast %get3A_2488 : vector<1x16xf32> to vector<16xf32>
        %mul3A_2490 = arith.mulf %get3A_2485, %get3A_2489 : vector<16xf32>
        %add3A_2491 = arith.addf %scan3A_2459, %mul3A_2490 : vector<16xf32>
        %get3A_2492 = arith.index_cast %add3A_2462 : i32 to index
        %get3A_2493 = arith.constant 48 : index
        %get3A_2494 = tpu.vector_load %arg7[%get3A_2492, %get3A_2493] {strides = array<i32>} : memref<416x64xf32, #tpu.memory_space<vmem>>, vector<1x16xf32>,
        %get3A_2495 = vector.shape_cast %get3A_2494 : vector<1x16xf32> to vector<16xf32>
        %get3A_2496 = arith.index_cast %scan3A_2456 : i32 to index
        %get3A_2497 = arith.constant 48 : index
        %get3A_2498 = tpu.vector_load %arg9[%get3A_2496, %get3A_2497] {strides = array<i32>} : memref<26x64xf32, #tpu.memory_space<vmem>>, vector<1x16xf32>,
        %get3A_2499 = vector.shape_cast %get3A_2498 : vector<1x16xf32> to vector<16xf32>
        %mul3A_2500 = arith.mulf %get3A_2495, %get3A_2499 : vector<16xf32>
        %add3A_2501 = arith.addf %scan3A_2460, %mul3A_2500 : vector<16xf32>
        scf.yield %add3A_2471, %add3A_2481, %add3A_2491, %add3A_2501 : vector<16xf32>, vector<16xf32>, vector<16xf32>, vector<16xf32>
      }
      %scan3A_119 = arith.constant 26 : i32
      %add3A_120 = arith.addf %scan3A_118#0, %scan3A_118#1 : vector<16xf32>
      %add3A_121 = arith.addf %add3A_120, %scan3A_118#2 : vector<16xf32>
      %add3A_122 = arith.addf %add3A_121, %scan3A_118#3 : vector<16xf32>
      %xor3A = arith.constant 8 : i32
      %xor3A_123 = vector.broadcast %xor3A : i32 to vector<16xi32>
      %xor3A_124 = arith.xori %iota3A, %xor3A_123 : vector<16xi32>
      %lt3A_125 = arith.constant 0 : i32
      %lt3A_126 = vector.broadcast %lt3A_125 : i32 to vector<16xi32>
      %lt3A_127 = arith.cmpi slt, %xor3A_124, %lt3A_126 : vector<16xi32>
      %add3A_128 = arith.constant 16 : i32
      %add3A_129 = vector.broadcast %add3A_128 : i32 to vector<16xi32>
      %add3A_130 = arith.addi %xor3A_124, %add3A_129 : vector<16xi32>
      %select_n3A = arith.select %lt3A_127, %add3A_130, %xor3A_124 : vector<16xi1>, vector<16xi32>
      %broadcast_in_dim3A_131 = vector.shape_cast %select_n3A : vector<16xi32> to vector<16x1xi32>
      %gather3A = vector.shape_cast %broadcast_in_dim3A_131 : vector<16x1xi32> to vector<16xi32>
      %gather3A_132 = tpu.dynamic_gather %add3A_122[%gather3A] in [0] : vector<16xf32>, vector<16xi32> -> vector<16xf32>
      %add3A_133 = arith.addf %add3A_122, %gather3A_132 : vector<16xf32>
      %xor3A_134 = arith.constant 4 : i32
      %xor3A_135 = vector.broadcast %xor3A_134 : i32 to vector<16xi32>
      %xor3A_136 = arith.xori %iota3A, %xor3A_135 : vector<16xi32>
      %lt3A_137 = arith.constant 0 : i32
      %lt3A_138 = vector.broadcast %lt3A_137 : i32 to vector<16xi32>
      %lt3A_139 = arith.cmpi slt, %xor3A_136, %lt3A_138 : vector<16xi32>
      %add3A_140 = arith.constant 16 : i32
      %add3A_141 = vector.broadcast %add3A_140 : i32 to vector<16xi32>
      %add3A_142 = arith.addi %xor3A_136, %add3A_141 : vector<16xi32>
      %select_n3A_143 = arith.select %lt3A_139, %add3A_142, %xor3A_136 : vector<16xi1>, vector<16xi32>
      %broadcast_in_dim3A_144 = vector.shape_cast %select_n3A_143 : vector<16xi32> to vector<16x1xi32>
      %gather3A_145 = vector.shape_cast %broadcast_in_dim3A_144 : vector<16x1xi32> to vector<16xi32>
      %gather3A_146 = tpu.dynamic_gather %add3A_133[%gather3A_145] in [0] : vector<16xf32>, vector<16xi32> -> vector<16xf32>
      %add3A_147 = arith.addf %add3A_133, %gather3A_146 : vector<16xf32>
      %xor3A_148 = arith.constant 2 : i32
      %xor3A_149 = vector.broadcast %xor3A_148 : i32 to vector<16xi32>
      %xor3A_150 = arith.xori %iota3A, %xor3A_149 : vector<16xi32>
      %lt3A_151 = arith.constant 0 : i32
      %lt3A_152 = vector.broadcast %lt3A_151 : i32 to vector<16xi32>
      %lt3A_153 = arith.cmpi slt, %xor3A_150, %lt3A_152 : vector<16xi32>
      %add3A_154 = arith.constant 16 : i32
      %add3A_155 = vector.broadcast %add3A_154 : i32 to vector<16xi32>
      %add3A_156 = arith.addi %xor3A_150, %add3A_155 : vector<16xi32>
      %select_n3A_157 = arith.select %lt3A_153, %add3A_156, %xor3A_150 : vector<16xi1>, vector<16xi32>
      %broadcast_in_dim3A_158 = vector.shape_cast %select_n3A_157 : vector<16xi32> to vector<16x1xi32>
      %gather3A_159 = vector.shape_cast %broadcast_in_dim3A_158 : vector<16x1xi32> to vector<16xi32>
      %gather3A_160 = tpu.dynamic_gather %add3A_147[%gather3A_159] in [0] : vector<16xf32>, vector<16xi32> -> vector<16xf32>
      %add3A_161 = arith.addf %add3A_147, %gather3A_160 : vector<16xf32>
      %xor3A_162 = arith.constant 1 : i32
      %xor3A_163 = vector.broadcast %xor3A_162 : i32 to vector<16xi32>
      %xor3A_164 = arith.xori %iota3A, %xor3A_163 : vector<16xi32>
      %lt3A_165 = arith.constant 0 : i32
      %lt3A_166 = vector.broadcast %lt3A_165 : i32 to vector<16xi32>
      %lt3A_167 = arith.cmpi slt, %xor3A_164, %lt3A_166 : vector<16xi32>
      %add3A_168 = arith.constant 16 : i32
      %add3A_169 = vector.broadcast %add3A_168 : i32 to vector<16xi32>
      %add3A_170 = arith.addi %xor3A_164, %add3A_169 : vector<16xi32>
      %select_n3A_171 = arith.select %lt3A_167, %add3A_170, %xor3A_164 : vector<16xi1>, vector<16xi32>
      %broadcast_in_dim3A_172 = vector.shape_cast %select_n3A_171 : vector<16xi32> to vector<16x1xi32>
      %gather3A_173 = vector.shape_cast %broadcast_in_dim3A_172 : vector<16x1xi32> to vector<16xi32>
      %gather3A_174 = tpu.dynamic_gather %add3A_161[%gather3A_173] in [0] : vector<16xf32>, vector<16xi32> -> vector<16xf32>
      %add3A_175 = arith.addf %add3A_161, %gather3A_174 : vector<16xf32>
      %eq3A = arith.constant 0 : i32
      %eq3A_176 = vector.broadcast %eq3A : i32 to vector<16xi32>
      %eq3A_177 = arith.cmpi eq, %iota3A, %eq3A_176 : vector<16xi32>
      %select_n3A_178 = arith.select %eq3A_177, %add3A_175, %broadcast_in_dim3A_111 : vector<16xi1>, vector<16xf32>
      %broadcast_in_dim3A_179 = arith.constant 0.000000e+00 : f32
      %broadcast_in_dim3A_180 = vector.broadcast %broadcast_in_dim3A_179 : f32 to vector<16xf32>
      %scan3A_181 = arith.constant 0 : i32
      %scan3A_182 = arith.constant 26 : i32
      %scan3A_183 = arith.addi %scan3A_181, %scan3A_182 : i32
      %scan3A_184 = arith.constant 1 : i32
      %scan3A_185:4 = scf.for %scan3A_2456 = %scan3A_181 to %scan3A_183 step %scan3A_184 iter_args(%scan3A_2457 = %broadcast_in_dim3A_180, %scan3A_2458 = %broadcast_in_dim3A_180, %scan3A_2459 = %broadcast_in_dim3A_180, %scan3A_2460 = %broadcast_in_dim3A_180) -> (vector<16xf32>, vector<16xf32>, vector<16xf32>, vector<16xf32>)  : i32 {
        %add3A_2461 = arith.constant 26 : i32
        %add3A_2462 = arith.addi %add3A_2461, %scan3A_2456 : i32
        %get3A = arith.index_cast %add3A_2462 : i32 to index
        %get3A_2463 = arith.constant 0 : index
        %get3A_2464 = tpu.vector_load %arg7[%get3A, %get3A_2463] {strides = array<i32>} : memref<416x64xf32, #tpu.memory_space<vmem>>, vector<1x16xf32>,
        %get3A_2465 = vector.shape_cast %get3A_2464 : vector<1x16xf32> to vector<16xf32>
        %get3A_2466 = arith.index_cast %scan3A_2456 : i32 to index
        %get3A_2467 = arith.constant 0 : index
        %get3A_2468 = tpu.vector_load %arg9[%get3A_2466, %get3A_2467] {strides = array<i32>} : memref<26x64xf32, #tpu.memory_space<vmem>>, vector<1x16xf32>,
        %get3A_2469 = vector.shape_cast %get3A_2468 : vector<1x16xf32> to vector<16xf32>
        %mul3A_2470 = arith.mulf %get3A_2465, %get3A_2469 : vector<16xf32>
        %add3A_2471 = arith.addf %scan3A_2457, %mul3A_2470 : vector<16xf32>
        %get3A_2472 = arith.index_cast %add3A_2462 : i32 to index
        %get3A_2473 = arith.constant 16 : index
        %get3A_2474 = tpu.vector_load %arg7[%get3A_2472, %get3A_2473] {strides = array<i32>} : memref<416x64xf32, #tpu.memory_space<vmem>>, vector<1x16xf32>,
        %get3A_2475 = vector.shape_cast %get3A_2474 : vector<1x16xf32> to vector<16xf32>
        %get3A_2476 = arith.index_cast %scan3A_2456 : i32 to index
        %get3A_2477 = arith.constant 16 : index
        %get3A_2478 = tpu.vector_load %arg9[%get3A_2476, %get3A_2477] {strides = array<i32>} : memref<26x64xf32, #tpu.memory_space<vmem>>, vector<1x16xf32>,
        %get3A_2479 = vector.shape_cast %get3A_2478 : vector<1x16xf32> to vector<16xf32>
        %mul3A_2480 = arith.mulf %get3A_2475, %get3A_2479 : vector<16xf32>
        %add3A_2481 = arith.addf %scan3A_2458, %mul3A_2480 : vector<16xf32>
        %get3A_2482 = arith.index_cast %add3A_2462 : i32 to index
        %get3A_2483 = arith.constant 32 : index
        %get3A_2484 = tpu.vector_load %arg7[%get3A_2482, %get3A_2483] {strides = array<i32>} : memref<416x64xf32, #tpu.memory_space<vmem>>, vector<1x16xf32>,
        %get3A_2485 = vector.shape_cast %get3A_2484 : vector<1x16xf32> to vector<16xf32>
        %get3A_2486 = arith.index_cast %scan3A_2456 : i32 to index
        %get3A_2487 = arith.constant 32 : index
        %get3A_2488 = tpu.vector_load %arg9[%get3A_2486, %get3A_2487] {strides = array<i32>} : memref<26x64xf32, #tpu.memory_space<vmem>>, vector<1x16xf32>,
        %get3A_2489 = vector.shape_cast %get3A_2488 : vector<1x16xf32> to vector<16xf32>
        %mul3A_2490 = arith.mulf %get3A_2485, %get3A_2489 : vector<16xf32>
        %add3A_2491 = arith.addf %scan3A_2459, %mul3A_2490 : vector<16xf32>
        %get3A_2492 = arith.index_cast %add3A_2462 : i32 to index
        %get3A_2493 = arith.constant 48 : index
        %get3A_2494 = tpu.vector_load %arg7[%get3A_2492, %get3A_2493] {strides = array<i32>} : memref<416x64xf32, #tpu.memory_space<vmem>>, vector<1x16xf32>,
        %get3A_2495 = vector.shape_cast %get3A_2494 : vector<1x16xf32> to vector<16xf32>
        %get3A_2496 = arith.index_cast %scan3A_2456 : i32 to index
        %get3A_2497 = arith.constant 48 : index
        %get3A_2498 = tpu.vector_load %arg9[%get3A_2496, %get3A_2497] {strides = array<i32>} : memref<26x64xf32, #tpu.memory_space<vmem>>, vector<1x16xf32>,
        %get3A_2499 = vector.shape_cast %get3A_2498 : vector<1x16xf32> to vector<16xf32>
        %mul3A_2500 = arith.mulf %get3A_2495, %get3A_2499 : vector<16xf32>
        %add3A_2501 = arith.addf %scan3A_2460, %mul3A_2500 : vector<16xf32>
        scf.yield %add3A_2471, %add3A_2481, %add3A_2491, %add3A_2501 : vector<16xf32>, vector<16xf32>, vector<16xf32>, vector<16xf32>
      }
      %scan3A_186 = arith.constant 26 : i32
      %add3A_187 = arith.addf %scan3A_185#0, %scan3A_185#1 : vector<16xf32>
      %add3A_188 = arith.addf %add3A_187, %scan3A_185#2 : vector<16xf32>
      %add3A_189 = arith.addf %add3A_188, %scan3A_185#3 : vector<16xf32>
      %xor3A_190 = arith.constant 8 : i32
      %xor3A_191 = vector.broadcast %xor3A_190 : i32 to vector<16xi32>
      %xor3A_192 = arith.xori %iota3A, %xor3A_191 : vector<16xi32>
      %lt3A_193 = arith.constant 0 : i32
      %lt3A_194 = vector.broadcast %lt3A_193 : i32 to vector<16xi32>
      %lt3A_195 = arith.cmpi slt, %xor3A_192, %lt3A_194 : vector<16xi32>
      %add3A_196 = arith.constant 16 : i32
      %add3A_197 = vector.broadcast %add3A_196 : i32 to vector<16xi32>
      %add3A_198 = arith.addi %xor3A_192, %add3A_197 : vector<16xi32>
      %select_n3A_199 = arith.select %lt3A_195, %add3A_198, %xor3A_192 : vector<16xi1>, vector<16xi32>
      %broadcast_in_dim3A_200 = vector.shape_cast %select_n3A_199 : vector<16xi32> to vector<16x1xi32>
      %gather3A_201 = vector.shape_cast %broadcast_in_dim3A_200 : vector<16x1xi32> to vector<16xi32>
      %gather3A_202 = tpu.dynamic_gather %add3A_189[%gather3A_201] in [0] : vector<16xf32>, vector<16xi32> -> vector<16xf32>
      %add3A_203 = arith.addf %add3A_189, %gather3A_202 : vector<16xf32>
      %xor3A_204 = arith.constant 4 : i32
      %xor3A_205 = vector.broadcast %xor3A_204 : i32 to vector<16xi32>
      %xor3A_206 = arith.xori %iota3A, %xor3A_205 : vector<16xi32>
      %lt3A_207 = arith.constant 0 : i32
      %lt3A_208 = vector.broadcast %lt3A_207 : i32 to vector<16xi32>
      %lt3A_209 = arith.cmpi slt, %xor3A_206, %lt3A_208 : vector<16xi32>
      %add3A_210 = arith.constant 16 : i32
      %add3A_211 = vector.broadcast %add3A_210 : i32 to vector<16xi32>
      %add3A_212 = arith.addi %xor3A_206, %add3A_211 : vector<16xi32>
      %select_n3A_213 = arith.select %lt3A_209, %add3A_212, %xor3A_206 : vector<16xi1>, vector<16xi32>
      %broadcast_in_dim3A_214 = vector.shape_cast %select_n3A_213 : vector<16xi32> to vector<16x1xi32>
      %gather3A_215 = vector.shape_cast %broadcast_in_dim3A_214 : vector<16x1xi32> to vector<16xi32>
      %gather3A_216 = tpu.dynamic_gather %add3A_203[%gather3A_215] in [0] : vector<16xf32>, vector<16xi32> -> vector<16xf32>
      %add3A_217 = arith.addf %add3A_203, %gather3A_216 : vector<16xf32>
      %xor3A_218 = arith.constant 2 : i32
      %xor3A_219 = vector.broadcast %xor3A_218 : i32 to vector<16xi32>
      %xor3A_220 = arith.xori %iota3A, %xor3A_219 : vector<16xi32>
      %lt3A_221 = arith.constant 0 : i32
      %lt3A_222 = vector.broadcast %lt3A_221 : i32 to vector<16xi32>
      %lt3A_223 = arith.cmpi slt, %xor3A_220, %lt3A_222 : vector<16xi32>
      %add3A_224 = arith.constant 16 : i32
      %add3A_225 = vector.broadcast %add3A_224 : i32 to vector<16xi32>
      %add3A_226 = arith.addi %xor3A_220, %add3A_225 : vector<16xi32>
      %select_n3A_227 = arith.select %lt3A_223, %add3A_226, %xor3A_220 : vector<16xi1>, vector<16xi32>
      %broadcast_in_dim3A_228 = vector.shape_cast %select_n3A_227 : vector<16xi32> to vector<16x1xi32>
      %gather3A_229 = vector.shape_cast %broadcast_in_dim3A_228 : vector<16x1xi32> to vector<16xi32>
      %gather3A_230 = tpu.dynamic_gather %add3A_217[%gather3A_229] in [0] : vector<16xf32>, vector<16xi32> -> vector<16xf32>
      %add3A_231 = arith.addf %add3A_217, %gather3A_230 : vector<16xf32>
      %xor3A_232 = arith.constant 1 : i32
      %xor3A_233 = vector.broadcast %xor3A_232 : i32 to vector<16xi32>
      %xor3A_234 = arith.xori %iota3A, %xor3A_233 : vector<16xi32>
      %lt3A_235 = arith.constant 0 : i32
      %lt3A_236 = vector.broadcast %lt3A_235 : i32 to vector<16xi32>
      %lt3A_237 = arith.cmpi slt, %xor3A_234, %lt3A_236 : vector<16xi32>
      %add3A_238 = arith.constant 16 : i32
      %add3A_239 = vector.broadcast %add3A_238 : i32 to vector<16xi32>
      %add3A_240 = arith.addi %xor3A_234, %add3A_239 : vector<16xi32>
      %select_n3A_241 = arith.select %lt3A_237, %add3A_240, %xor3A_234 : vector<16xi1>, vector<16xi32>
      %broadcast_in_dim3A_242 = vector.shape_cast %select_n3A_241 : vector<16xi32> to vector<16x1xi32>
      %gather3A_243 = vector.shape_cast %broadcast_in_dim3A_242 : vector<16x1xi32> to vector<16xi32>
      %gather3A_244 = tpu.dynamic_gather %add3A_231[%gather3A_243] in [0] : vector<16xf32>, vector<16xi32> -> vector<16xf32>
      %add3A_245 = arith.addf %add3A_231, %gather3A_244 : vector<16xf32>
      %eq3A_246 = arith.constant 1 : i32
      %eq3A_247 = vector.broadcast %eq3A_246 : i32 to vector<16xi32>
      %eq3A_248 = arith.cmpi eq, %iota3A, %eq3A_247 : vector<16xi32>
      %select_n3A_249 = arith.select %eq3A_248, %add3A_245, %select_n3A_178 : vector<16xi1>, vector<16xf32>
      %broadcast_in_dim3A_250 = arith.constant 0.000000e+00 : f32
      %broadcast_in_dim3A_251 = vector.broadcast %broadcast_in_dim3A_250 : f32 to vector<16xf32>
      %scan3A_252 = arith.constant 0 : i32
      %scan3A_253 = arith.constant 26 : i32
      %scan3A_254 = arith.addi %scan3A_252, %scan3A_253 : i32
      %scan3A_255 = arith.constant 1 : i32
      %scan3A_256:4 = scf.for %scan3A_2456 = %scan3A_252 to %scan3A_254 step %scan3A_255 iter_args(%scan3A_2457 = %broadcast_in_dim3A_251, %scan3A_2458 = %broadcast_in_dim3A_251, %scan3A_2459 = %broadcast_in_dim3A_251, %scan3A_2460 = %broadcast_in_dim3A_251) -> (vector<16xf32>, vector<16xf32>, vector<16xf32>, vector<16xf32>)  : i32 {
        %add3A_2461 = arith.constant 52 : i32
        %add3A_2462 = arith.addi %add3A_2461, %scan3A_2456 : i32
        %get3A = arith.index_cast %add3A_2462 : i32 to index
        %get3A_2463 = arith.constant 0 : index
        %get3A_2464 = tpu.vector_load %arg7[%get3A, %get3A_2463] {strides = array<i32>} : memref<416x64xf32, #tpu.memory_space<vmem>>, vector<1x16xf32>,
        %get3A_2465 = vector.shape_cast %get3A_2464 : vector<1x16xf32> to vector<16xf32>
        %get3A_2466 = arith.index_cast %scan3A_2456 : i32 to index
        %get3A_2467 = arith.constant 0 : index
        %get3A_2468 = tpu.vector_load %arg9[%get3A_2466, %get3A_2467] {strides = array<i32>} : memref<26x64xf32, #tpu.memory_space<vmem>>, vector<1x16xf32>,
        %get3A_2469 = vector.shape_cast %get3A_2468 : vector<1x16xf32> to vector<16xf32>
        %mul3A_2470 = arith.mulf %get3A_2465, %get3A_2469 : vector<16xf32>
        %add3A_2471 = arith.addf %scan3A_2457, %mul3A_2470 : vector<16xf32>
        %get3A_2472 = arith.index_cast %add3A_2462 : i32 to index
        %get3A_2473 = arith.constant 16 : index
        %get3A_2474 = tpu.vector_load %arg7[%get3A_2472, %get3A_2473] {strides = array<i32>} : memref<416x64xf32, #tpu.memory_space<vmem>>, vector<1x16xf32>,
        %get3A_2475 = vector.shape_cast %get3A_2474 : vector<1x16xf32> to vector<16xf32>
        %get3A_2476 = arith.index_cast %scan3A_2456 : i32 to index
        %get3A_2477 = arith.constant 16 : index
        %get3A_2478 = tpu.vector_load %arg9[%get3A_2476, %get3A_2477] {strides = array<i32>} : memref<26x64xf32, #tpu.memory_space<vmem>>, vector<1x16xf32>,
        %get3A_2479 = vector.shape_cast %get3A_2478 : vector<1x16xf32> to vector<16xf32>
        %mul3A_2480 = arith.mulf %get3A_2475, %get3A_2479 : vector<16xf32>
        %add3A_2481 = arith.addf %scan3A_2458, %mul3A_2480 : vector<16xf32>
        %get3A_2482 = arith.index_cast %add3A_2462 : i32 to index
        %get3A_2483 = arith.constant 32 : index
        %get3A_2484 = tpu.vector_load %arg7[%get3A_2482, %get3A_2483] {strides = array<i32>} : memref<416x64xf32, #tpu.memory_space<vmem>>, vector<1x16xf32>,
        %get3A_2485 = vector.shape_cast %get3A_2484 : vector<1x16xf32> to vector<16xf32>
        %get3A_2486 = arith.index_cast %scan3A_2456 : i32 to index
        %get3A_2487 = arith.constant 32 : index
        %get3A_2488 = tpu.vector_load %arg9[%get3A_2486, %get3A_2487] {strides = array<i32>} : memref<26x64xf32, #tpu.memory_space<vmem>>, vector<1x16xf32>,
        %get3A_2489 = vector.shape_cast %get3A_2488 : vector<1x16xf32> to vector<16xf32>
        %mul3A_2490 = arith.mulf %get3A_2485, %get3A_2489 : vector<16xf32>
        %add3A_2491 = arith.addf %scan3A_2459, %mul3A_2490 : vector<16xf32>
        %get3A_2492 = arith.index_cast %add3A_2462 : i32 to index
        %get3A_2493 = arith.constant 48 : index
        %get3A_2494 = tpu.vector_load %arg7[%get3A_2492, %get3A_2493] {strides = array<i32>} : memref<416x64xf32, #tpu.memory_space<vmem>>, vector<1x16xf32>,
        %get3A_2495 = vector.shape_cast %get3A_2494 : vector<1x16xf32> to vector<16xf32>
        %get3A_2496 = arith.index_cast %scan3A_2456 : i32 to index
        %get3A_2497 = arith.constant 48 : index
        %get3A_2498 = tpu.vector_load %arg9[%get3A_2496, %get3A_2497] {strides = array<i32>} : memref<26x64xf32, #tpu.memory_space<vmem>>, vector<1x16xf32>,
        %get3A_2499 = vector.shape_cast %get3A_2498 : vector<1x16xf32> to vector<16xf32>
        %mul3A_2500 = arith.mulf %get3A_2495, %get3A_2499 : vector<16xf32>
        %add3A_2501 = arith.addf %scan3A_2460, %mul3A_2500 : vector<16xf32>
        scf.yield %add3A_2471, %add3A_2481, %add3A_2491, %add3A_2501 : vector<16xf32>, vector<16xf32>, vector<16xf32>, vector<16xf32>
      }
      %scan3A_257 = arith.constant 26 : i32
      %add3A_258 = arith.addf %scan3A_256#0, %scan3A_256#1 : vector<16xf32>
      %add3A_259 = arith.addf %add3A_258, %scan3A_256#2 : vector<16xf32>
      %add3A_260 = arith.addf %add3A_259, %scan3A_256#3 : vector<16xf32>
      %xor3A_261 = arith.constant 8 : i32
      %xor3A_262 = vector.broadcast %xor3A_261 : i32 to vector<16xi32>
      %xor3A_263 = arith.xori %iota3A, %xor3A_262 : vector<16xi32>
      %lt3A_264 = arith.constant 0 : i32
      %lt3A_265 = vector.broadcast %lt3A_264 : i32 to vector<16xi32>
      %lt3A_266 = arith.cmpi slt, %xor3A_263, %lt3A_265 : vector<16xi32>
      %add3A_267 = arith.constant 16 : i32
      %add3A_268 = vector.broadcast %add3A_267 : i32 to vector<16xi32>
      %add3A_269 = arith.addi %xor3A_263, %add3A_268 : vector<16xi32>
      %select_n3A_270 = arith.select %lt3A_266, %add3A_269, %xor3A_263 : vector<16xi1>, vector<16xi32>
      %broadcast_in_dim3A_271 = vector.shape_cast %select_n3A_270 : vector<16xi32> to vector<16x1xi32>
      %gather3A_272 = vector.shape_cast %broadcast_in_dim3A_271 : vector<16x1xi32> to vector<16xi32>
      %gather3A_273 = tpu.dynamic_gather %add3A_260[%gather3A_272] in [0] : vector<16xf32>, vector<16xi32> -> vector<16xf32>
      %add3A_274 = arith.addf %add3A_260, %gather3A_273 : vector<16xf32>
      %xor3A_275 = arith.constant 4 : i32
      %xor3A_276 = vector.broadcast %xor3A_275 : i32 to vector<16xi32>
      %xor3A_277 = arith.xori %iota3A, %xor3A_276 : vector<16xi32>
      %lt3A_278 = arith.constant 0 : i32
      %lt3A_279 = vector.broadcast %lt3A_278 : i32 to vector<16xi32>
      %lt3A_280 = arith.cmpi slt, %xor3A_277, %lt3A_279 : vector<16xi32>
      %add3A_281 = arith.constant 16 : i32
      %add3A_282 = vector.broadcast %add3A_281 : i32 to vector<16xi32>
      %add3A_283 = arith.addi %xor3A_277, %add3A_282 : vector<16xi32>
      %select_n3A_284 = arith.select %lt3A_280, %add3A_283, %xor3A_277 : vector<16xi1>, vector<16xi32>
      %broadcast_in_dim3A_285 = vector.shape_cast %select_n3A_284 : vector<16xi32> to vector<16x1xi32>
      %gather3A_286 = vector.shape_cast %broadcast_in_dim3A_285 : vector<16x1xi32> to vector<16xi32>
      %gather3A_287 = tpu.dynamic_gather %add3A_274[%gather3A_286] in [0] : vector<16xf32>, vector<16xi32> -> vector<16xf32>
      %add3A_288 = arith.addf %add3A_274, %gather3A_287 : vector<16xf32>
      %xor3A_289 = arith.constant 2 : i32
      %xor3A_290 = vector.broadcast %xor3A_289 : i32 to vector<16xi32>
      %xor3A_291 = arith.xori %iota3A, %xor3A_290 : vector<16xi32>
      %lt3A_292 = arith.constant 0 : i32
      %lt3A_293 = vector.broadcast %lt3A_292 : i32 to vector<16xi32>
      %lt3A_294 = arith.cmpi slt, %xor3A_291, %lt3A_293 : vector<16xi32>
      %add3A_295 = arith.constant 16 : i32
      %add3A_296 = vector.broadcast %add3A_295 : i32 to vector<16xi32>
      %add3A_297 = arith.addi %xor3A_291, %add3A_296 : vector<16xi32>
      %select_n3A_298 = arith.select %lt3A_294, %add3A_297, %xor3A_291 : vector<16xi1>, vector<16xi32>
      %broadcast_in_dim3A_299 = vector.shape_cast %select_n3A_298 : vector<16xi32> to vector<16x1xi32>
      %gather3A_300 = vector.shape_cast %broadcast_in_dim3A_299 : vector<16x1xi32> to vector<16xi32>
      %gather3A_301 = tpu.dynamic_gather %add3A_288[%gather3A_300] in [0] : vector<16xf32>, vector<16xi32> -> vector<16xf32>
      %add3A_302 = arith.addf %add3A_288, %gather3A_301 : vector<16xf32>
      %xor3A_303 = arith.constant 1 : i32
      %xor3A_304 = vector.broadcast %xor3A_303 : i32 to vector<16xi32>
      %xor3A_305 = arith.xori %iota3A, %xor3A_304 : vector<16xi32>
      %lt3A_306 = arith.constant 0 : i32
      %lt3A_307 = vector.broadcast %lt3A_306 : i32 to vector<16xi32>
      %lt3A_308 = arith.cmpi slt, %xor3A_305, %lt3A_307 : vector<16xi32>
      %add3A_309 = arith.constant 16 : i32
      %add3A_310 = vector.broadcast %add3A_309 : i32 to vector<16xi32>
      %add3A_311 = arith.addi %xor3A_305, %add3A_310 : vector<16xi32>
      %select_n3A_312 = arith.select %lt3A_308, %add3A_311, %xor3A_305 : vector<16xi1>, vector<16xi32>
      %broadcast_in_dim3A_313 = vector.shape_cast %select_n3A_312 : vector<16xi32> to vector<16x1xi32>
      %gather3A_314 = vector.shape_cast %broadcast_in_dim3A_313 : vector<16x1xi32> to vector<16xi32>
      %gather3A_315 = tpu.dynamic_gather %add3A_302[%gather3A_314] in [0] : vector<16xf32>, vector<16xi32> -> vector<16xf32>
      %add3A_316 = arith.addf %add3A_302, %gather3A_315 : vector<16xf32>
      %eq3A_317 = arith.constant 2 : i32
      %eq3A_318 = vector.broadcast %eq3A_317 : i32 to vector<16xi32>
      %eq3A_319 = arith.cmpi eq, %iota3A, %eq3A_318 : vector<16xi32>
      %select_n3A_320 = arith.select %eq3A_319, %add3A_316, %select_n3A_249 : vector<16xi1>, vector<16xf32>
      %broadcast_in_dim3A_321 = arith.constant 0.000000e+00 : f32
      %broadcast_in_dim3A_322 = vector.broadcast %broadcast_in_dim3A_321 : f32 to vector<16xf32>
      %scan3A_323 = arith.constant 0 : i32
      %scan3A_324 = arith.constant 26 : i32
      %scan3A_325 = arith.addi %scan3A_323, %scan3A_324 : i32
      %scan3A_326 = arith.constant 1 : i32
      %scan3A_327:4 = scf.for %scan3A_2456 = %scan3A_323 to %scan3A_325 step %scan3A_326 iter_args(%scan3A_2457 = %broadcast_in_dim3A_322, %scan3A_2458 = %broadcast_in_dim3A_322, %scan3A_2459 = %broadcast_in_dim3A_322, %scan3A_2460 = %broadcast_in_dim3A_322) -> (vector<16xf32>, vector<16xf32>, vector<16xf32>, vector<16xf32>)  : i32 {
        %add3A_2461 = arith.constant 78 : i32
        %add3A_2462 = arith.addi %add3A_2461, %scan3A_2456 : i32
        %get3A = arith.index_cast %add3A_2462 : i32 to index
        %get3A_2463 = arith.constant 0 : index
        %get3A_2464 = tpu.vector_load %arg7[%get3A, %get3A_2463] {strides = array<i32>} : memref<416x64xf32, #tpu.memory_space<vmem>>, vector<1x16xf32>,
        %get3A_2465 = vector.shape_cast %get3A_2464 : vector<1x16xf32> to vector<16xf32>
        %get3A_2466 = arith.index_cast %scan3A_2456 : i32 to index
        %get3A_2467 = arith.constant 0 : index
        %get3A_2468 = tpu.vector_load %arg9[%get3A_2466, %get3A_2467] {strides = array<i32>} : memref<26x64xf32, #tpu.memory_space<vmem>>, vector<1x16xf32>,
        %get3A_2469 = vector.shape_cast %get3A_2468 : vector<1x16xf32> to vector<16xf32>
        %mul3A_2470 = arith.mulf %get3A_2465, %get3A_2469 : vector<16xf32>
        %add3A_2471 = arith.addf %scan3A_2457, %mul3A_2470 : vector<16xf32>
        %get3A_2472 = arith.index_cast %add3A_2462 : i32 to index
        %get3A_2473 = arith.constant 16 : index
        %get3A_2474 = tpu.vector_load %arg7[%get3A_2472, %get3A_2473] {strides = array<i32>} : memref<416x64xf32, #tpu.memory_space<vmem>>, vector<1x16xf32>,
        %get3A_2475 = vector.shape_cast %get3A_2474 : vector<1x16xf32> to vector<16xf32>
        %get3A_2476 = arith.index_cast %scan3A_2456 : i32 to index
        %get3A_2477 = arith.constant 16 : index
        %get3A_2478 = tpu.vector_load %arg9[%get3A_2476, %get3A_2477] {strides = array<i32>} : memref<26x64xf32, #tpu.memory_space<vmem>>, vector<1x16xf32>,
        %get3A_2479 = vector.shape_cast %get3A_2478 : vector<1x16xf32> to vector<16xf32>
        %mul3A_2480 = arith.mulf %get3A_2475, %get3A_2479 : vector<16xf32>
        %add3A_2481 = arith.addf %scan3A_2458, %mul3A_2480 : vector<16xf32>
        %get3A_2482 = arith.index_cast %add3A_2462 : i32 to index
        %get3A_2483 = arith.constant 32 : index
        %get3A_2484 = tpu.vector_load %arg7[%get3A_2482, %get3A_2483] {strides = array<i32>} : memref<416x64xf32, #tpu.memory_space<vmem>>, vector<1x16xf32>,
        %get3A_2485 = vector.shape_cast %get3A_2484 : vector<1x16xf32> to vector<16xf32>
        %get3A_2486 = arith.index_cast %scan3A_2456 : i32 to index
        %get3A_2487 = arith.constant 32 : index
        %get3A_2488 = tpu.vector_load %arg9[%get3A_2486, %get3A_2487] {strides = array<i32>} : memref<26x64xf32, #tpu.memory_space<vmem>>, vector<1x16xf32>,
        %get3A_2489 = vector.shape_cast %get3A_2488 : vector<1x16xf32> to vector<16xf32>
        %mul3A_2490 = arith.mulf %get3A_2485, %get3A_2489 : vector<16xf32>
        %add3A_2491 = arith.addf %scan3A_2459, %mul3A_2490 : vector<16xf32>
        %get3A_2492 = arith.index_cast %add3A_2462 : i32 to index
        %get3A_2493 = arith.constant 48 : index
        %get3A_2494 = tpu.vector_load %arg7[%get3A_2492, %get3A_2493] {strides = array<i32>} : memref<416x64xf32, #tpu.memory_space<vmem>>, vector<1x16xf32>,
        %get3A_2495 = vector.shape_cast %get3A_2494 : vector<1x16xf32> to vector<16xf32>
        %get3A_2496 = arith.index_cast %scan3A_2456 : i32 to index
        %get3A_2497 = arith.constant 48 : index
        %get3A_2498 = tpu.vector_load %arg9[%get3A_2496, %get3A_2497] {strides = array<i32>} : memref<26x64xf32, #tpu.memory_space<vmem>>, vector<1x16xf32>,
        %get3A_2499 = vector.shape_cast %get3A_2498 : vector<1x16xf32> to vector<16xf32>
        %mul3A_2500 = arith.mulf %get3A_2495, %get3A_2499 : vector<16xf32>
        %add3A_2501 = arith.addf %scan3A_2460, %mul3A_2500 : vector<16xf32>
        scf.yield %add3A_2471, %add3A_2481, %add3A_2491, %add3A_2501 : vector<16xf32>, vector<16xf32>, vector<16xf32>, vector<16xf32>
      }
      %scan3A_328 = arith.constant 26 : i32
      %add3A_329 = arith.addf %scan3A_327#0, %scan3A_327#1 : vector<16xf32>
      %add3A_330 = arith.addf %add3A_329, %scan3A_327#2 : vector<16xf32>
      %add3A_331 = arith.addf %add3A_330, %scan3A_327#3 : vector<16xf32>
      %xor3A_332 = arith.constant 8 : i32
      %xor3A_333 = vector.broadcast %xor3A_332 : i32 to vector<16xi32>
      %xor3A_334 = arith.xori %iota3A, %xor3A_333 : vector<16xi32>
      %lt3A_335 = arith.constant 0 : i32
      %lt3A_336 = vector.broadcast %lt3A_335 : i32 to vector<16xi32>
      %lt3A_337 = arith.cmpi slt, %xor3A_334, %lt3A_336 : vector<16xi32>
      %add3A_338 = arith.constant 16 : i32
      %add3A_339 = vector.broadcast %add3A_338 : i32 to vector<16xi32>
      %add3A_340 = arith.addi %xor3A_334, %add3A_339 : vector<16xi32>
      %select_n3A_341 = arith.select %lt3A_337, %add3A_340, %xor3A_334 : vector<16xi1>, vector<16xi32>
      %broadcast_in_dim3A_342 = vector.shape_cast %select_n3A_341 : vector<16xi32> to vector<16x1xi32>
      %gather3A_343 = vector.shape_cast %broadcast_in_dim3A_342 : vector<16x1xi32> to vector<16xi32>
      %gather3A_344 = tpu.dynamic_gather %add3A_331[%gather3A_343] in [0] : vector<16xf32>, vector<16xi32> -> vector<16xf32>
      %add3A_345 = arith.addf %add3A_331, %gather3A_344 : vector<16xf32>
      %xor3A_346 = arith.constant 4 : i32
      %xor3A_347 = vector.broadcast %xor3A_346 : i32 to vector<16xi32>
      %xor3A_348 = arith.xori %iota3A, %xor3A_347 : vector<16xi32>
      %lt3A_349 = arith.constant 0 : i32
      %lt3A_350 = vector.broadcast %lt3A_349 : i32 to vector<16xi32>
      %lt3A_351 = arith.cmpi slt, %xor3A_348, %lt3A_350 : vector<16xi32>
      %add3A_352 = arith.constant 16 : i32
      %add3A_353 = vector.broadcast %add3A_352 : i32 to vector<16xi32>
      %add3A_354 = arith.addi %xor3A_348, %add3A_353 : vector<16xi32>
      %select_n3A_355 = arith.select %lt3A_351, %add3A_354, %xor3A_348 : vector<16xi1>, vector<16xi32>
      %broadcast_in_dim3A_356 = vector.shape_cast %select_n3A_355 : vector<16xi32> to vector<16x1xi32>
      %gather3A_357 = vector.shape_cast %broadcast_in_dim3A_356 : vector<16x1xi32> to vector<16xi32>
      %gather3A_358 = tpu.dynamic_gather %add3A_345[%gather3A_357] in [0] : vector<16xf32>, vector<16xi32> -> vector<16xf32>
      %add3A_359 = arith.addf %add3A_345, %gather3A_358 : vector<16xf32>
      %xor3A_360 = arith.constant 2 : i32
      %xor3A_361 = vector.broadcast %xor3A_360 : i32 to vector<16xi32>
      %xor3A_362 = arith.xori %iota3A, %xor3A_361 : vector<16xi32>
      %lt3A_363 = arith.constant 0 : i32
      %lt3A_364 = vector.broadcast %lt3A_363 : i32 to vector<16xi32>
      %lt3A_365 = arith.cmpi slt, %xor3A_362, %lt3A_364 : vector<16xi32>
      %add3A_366 = arith.constant 16 : i32
      %add3A_367 = vector.broadcast %add3A_366 : i32 to vector<16xi32>
      %add3A_368 = arith.addi %xor3A_362, %add3A_367 : vector<16xi32>
      %select_n3A_369 = arith.select %lt3A_365, %add3A_368, %xor3A_362 : vector<16xi1>, vector<16xi32>
      %broadcast_in_dim3A_370 = vector.shape_cast %select_n3A_369 : vector<16xi32> to vector<16x1xi32>
      %gather3A_371 = vector.shape_cast %broadcast_in_dim3A_370 : vector<16x1xi32> to vector<16xi32>
      %gather3A_372 = tpu.dynamic_gather %add3A_359[%gather3A_371] in [0] : vector<16xf32>, vector<16xi32> -> vector<16xf32>
      %add3A_373 = arith.addf %add3A_359, %gather3A_372 : vector<16xf32>
      %xor3A_374 = arith.constant 1 : i32
      %xor3A_375 = vector.broadcast %xor3A_374 : i32 to vector<16xi32>
      %xor3A_376 = arith.xori %iota3A, %xor3A_375 : vector<16xi32>
      %lt3A_377 = arith.constant 0 : i32
      %lt3A_378 = vector.broadcast %lt3A_377 : i32 to vector<16xi32>
      %lt3A_379 = arith.cmpi slt, %xor3A_376, %lt3A_378 : vector<16xi32>
      %add3A_380 = arith.constant 16 : i32
      %add3A_381 = vector.broadcast %add3A_380 : i32 to vector<16xi32>
      %add3A_382 = arith.addi %xor3A_376, %add3A_381 : vector<16xi32>
      %select_n3A_383 = arith.select %lt3A_379, %add3A_382, %xor3A_376 : vector<16xi1>, vector<16xi32>
      %broadcast_in_dim3A_384 = vector.shape_cast %select_n3A_383 : vector<16xi32> to vector<16x1xi32>
      %gather3A_385 = vector.shape_cast %broadcast_in_dim3A_384 : vector<16x1xi32> to vector<16xi32>
      %gather3A_386 = tpu.dynamic_gather %add3A_373[%gather3A_385] in [0] : vector<16xf32>, vector<16xi32> -> vector<16xf32>
      %add3A_387 = arith.addf %add3A_373, %gather3A_386 : vector<16xf32>
      %eq3A_388 = arith.constant 3 : i32
      %eq3A_389 = vector.broadcast %eq3A_388 : i32 to vector<16xi32>
      %eq3A_390 = arith.cmpi eq, %iota3A, %eq3A_389 : vector<16xi32>
      %select_n3A_391 = arith.select %eq3A_390, %add3A_387, %select_n3A_320 : vector<16xi1>, vector<16xf32>
      %broadcast_in_dim3A_392 = arith.constant 0.000000e+00 : f32
      %broadcast_in_dim3A_393 = vector.broadcast %broadcast_in_dim3A_392 : f32 to vector<16xf32>
      %scan3A_394 = arith.constant 0 : i32
      %scan3A_395 = arith.constant 26 : i32
      %scan3A_396 = arith.addi %scan3A_394, %scan3A_395 : i32
      %scan3A_397 = arith.constant 1 : i32
      %scan3A_398:4 = scf.for %scan3A_2456 = %scan3A_394 to %scan3A_396 step %scan3A_397 iter_args(%scan3A_2457 = %broadcast_in_dim3A_393, %scan3A_2458 = %broadcast_in_dim3A_393, %scan3A_2459 = %broadcast_in_dim3A_393, %scan3A_2460 = %broadcast_in_dim3A_393) -> (vector<16xf32>, vector<16xf32>, vector<16xf32>, vector<16xf32>)  : i32 {
        %add3A_2461 = arith.constant 104 : i32
        %add3A_2462 = arith.addi %add3A_2461, %scan3A_2456 : i32
        %get3A = arith.index_cast %add3A_2462 : i32 to index
        %get3A_2463 = arith.constant 0 : index
        %get3A_2464 = tpu.vector_load %arg7[%get3A, %get3A_2463] {strides = array<i32>} : memref<416x64xf32, #tpu.memory_space<vmem>>, vector<1x16xf32>,
        %get3A_2465 = vector.shape_cast %get3A_2464 : vector<1x16xf32> to vector<16xf32>
        %get3A_2466 = arith.index_cast %scan3A_2456 : i32 to index
        %get3A_2467 = arith.constant 0 : index
        %get3A_2468 = tpu.vector_load %arg9[%get3A_2466, %get3A_2467] {strides = array<i32>} : memref<26x64xf32, #tpu.memory_space<vmem>>, vector<1x16xf32>,
        %get3A_2469 = vector.shape_cast %get3A_2468 : vector<1x16xf32> to vector<16xf32>
        %mul3A_2470 = arith.mulf %get3A_2465, %get3A_2469 : vector<16xf32>
        %add3A_2471 = arith.addf %scan3A_2457, %mul3A_2470 : vector<16xf32>
        %get3A_2472 = arith.index_cast %add3A_2462 : i32 to index
        %get3A_2473 = arith.constant 16 : index
        %get3A_2474 = tpu.vector_load %arg7[%get3A_2472, %get3A_2473] {strides = array<i32>} : memref<416x64xf32, #tpu.memory_space<vmem>>, vector<1x16xf32>,
        %get3A_2475 = vector.shape_cast %get3A_2474 : vector<1x16xf32> to vector<16xf32>
        %get3A_2476 = arith.index_cast %scan3A_2456 : i32 to index
        %get3A_2477 = arith.constant 16 : index
        %get3A_2478 = tpu.vector_load %arg9[%get3A_2476, %get3A_2477] {strides = array<i32>} : memref<26x64xf32, #tpu.memory_space<vmem>>, vector<1x16xf32>,
        %get3A_2479 = vector.shape_cast %get3A_2478 : vector<1x16xf32> to vector<16xf32>
        %mul3A_2480 = arith.mulf %get3A_2475, %get3A_2479 : vector<16xf32>
        %add3A_2481 = arith.addf %scan3A_2458, %mul3A_2480 : vector<16xf32>
        %get3A_2482 = arith.index_cast %add3A_2462 : i32 to index
        %get3A_2483 = arith.constant 32 : index
        %get3A_2484 = tpu.vector_load %arg7[%get3A_2482, %get3A_2483] {strides = array<i32>} : memref<416x64xf32, #tpu.memory_space<vmem>>, vector<1x16xf32>,
        %get3A_2485 = vector.shape_cast %get3A_2484 : vector<1x16xf32> to vector<16xf32>
        %get3A_2486 = arith.index_cast %scan3A_2456 : i32 to index
        %get3A_2487 = arith.constant 32 : index
        %get3A_2488 = tpu.vector_load %arg9[%get3A_2486, %get3A_2487] {strides = array<i32>} : memref<26x64xf32, #tpu.memory_space<vmem>>, vector<1x16xf32>,
        %get3A_2489 = vector.shape_cast %get3A_2488 : vector<1x16xf32> to vector<16xf32>
        %mul3A_2490 = arith.mulf %get3A_2485, %get3A_2489 : vector<16xf32>
        %add3A_2491 = arith.addf %scan3A_2459, %mul3A_2490 : vector<16xf32>
        %get3A_2492 = arith.index_cast %add3A_2462 : i32 to index
        %get3A_2493 = arith.constant 48 : index
        %get3A_2494 = tpu.vector_load %arg7[%get3A_2492, %get3A_2493] {strides = array<i32>} : memref<416x64xf32, #tpu.memory_space<vmem>>, vector<1x16xf32>,
        %get3A_2495 = vector.shape_cast %get3A_2494 : vector<1x16xf32> to vector<16xf32>
        %get3A_2496 = arith.index_cast %scan3A_2456 : i32 to index
        %get3A_2497 = arith.constant 48 : index
        %get3A_2498 = tpu.vector_load %arg9[%get3A_2496, %get3A_2497] {strides = array<i32>} : memref<26x64xf32, #tpu.memory_space<vmem>>, vector<1x16xf32>,
        %get3A_2499 = vector.shape_cast %get3A_2498 : vector<1x16xf32> to vector<16xf32>
        %mul3A_2500 = arith.mulf %get3A_2495, %get3A_2499 : vector<16xf32>
        %add3A_2501 = arith.addf %scan3A_2460, %mul3A_2500 : vector<16xf32>
        scf.yield %add3A_2471, %add3A_2481, %add3A_2491, %add3A_2501 : vector<16xf32>, vector<16xf32>, vector<16xf32>, vector<16xf32>
      }
      %scan3A_399 = arith.constant 26 : i32
      %add3A_400 = arith.addf %scan3A_398#0, %scan3A_398#1 : vector<16xf32>
      %add3A_401 = arith.addf %add3A_400, %scan3A_398#2 : vector<16xf32>
      %add3A_402 = arith.addf %add3A_401, %scan3A_398#3 : vector<16xf32>
      %xor3A_403 = arith.constant 8 : i32
      %xor3A_404 = vector.broadcast %xor3A_403 : i32 to vector<16xi32>
      %xor3A_405 = arith.xori %iota3A, %xor3A_404 : vector<16xi32>
      %lt3A_406 = arith.constant 0 : i32
      %lt3A_407 = vector.broadcast %lt3A_406 : i32 to vector<16xi32>
      %lt3A_408 = arith.cmpi slt, %xor3A_405, %lt3A_407 : vector<16xi32>
      %add3A_409 = arith.constant 16 : i32
      %add3A_410 = vector.broadcast %add3A_409 : i32 to vector<16xi32>
      %add3A_411 = arith.addi %xor3A_405, %add3A_410 : vector<16xi32>
      %select_n3A_412 = arith.select %lt3A_408, %add3A_411, %xor3A_405 : vector<16xi1>, vector<16xi32>
      %broadcast_in_dim3A_413 = vector.shape_cast %select_n3A_412 : vector<16xi32> to vector<16x1xi32>
      %gather3A_414 = vector.shape_cast %broadcast_in_dim3A_413 : vector<16x1xi32> to vector<16xi32>
      %gather3A_415 = tpu.dynamic_gather %add3A_402[%gather3A_414] in [0] : vector<16xf32>, vector<16xi32> -> vector<16xf32>
      %add3A_416 = arith.addf %add3A_402, %gather3A_415 : vector<16xf32>
      %xor3A_417 = arith.constant 4 : i32
      %xor3A_418 = vector.broadcast %xor3A_417 : i32 to vector<16xi32>
      %xor3A_419 = arith.xori %iota3A, %xor3A_418 : vector<16xi32>
      %lt3A_420 = arith.constant 0 : i32
      %lt3A_421 = vector.broadcast %lt3A_420 : i32 to vector<16xi32>
      %lt3A_422 = arith.cmpi slt, %xor3A_419, %lt3A_421 : vector<16xi32>
      %add3A_423 = arith.constant 16 : i32
      %add3A_424 = vector.broadcast %add3A_423 : i32 to vector<16xi32>
      %add3A_425 = arith.addi %xor3A_419, %add3A_424 : vector<16xi32>
      %select_n3A_426 = arith.select %lt3A_422, %add3A_425, %xor3A_419 : vector<16xi1>, vector<16xi32>
      %broadcast_in_dim3A_427 = vector.shape_cast %select_n3A_426 : vector<16xi32> to vector<16x1xi32>
      %gather3A_428 = vector.shape_cast %broadcast_in_dim3A_427 : vector<16x1xi32> to vector<16xi32>
      %gather3A_429 = tpu.dynamic_gather %add3A_416[%gather3A_428] in [0] : vector<16xf32>, vector<16xi32> -> vector<16xf32>
      %add3A_430 = arith.addf %add3A_416, %gather3A_429 : vector<16xf32>
      %xor3A_431 = arith.constant 2 : i32
      %xor3A_432 = vector.broadcast %xor3A_431 : i32 to vector<16xi32>
      %xor3A_433 = arith.xori %iota3A, %xor3A_432 : vector<16xi32>
      %lt3A_434 = arith.constant 0 : i32
      %lt3A_435 = vector.broadcast %lt3A_434 : i32 to vector<16xi32>
      %lt3A_436 = arith.cmpi slt, %xor3A_433, %lt3A_435 : vector<16xi32>
      %add3A_437 = arith.constant 16 : i32
      %add3A_438 = vector.broadcast %add3A_437 : i32 to vector<16xi32>
      %add3A_439 = arith.addi %xor3A_433, %add3A_438 : vector<16xi32>
      %select_n3A_440 = arith.select %lt3A_436, %add3A_439, %xor3A_433 : vector<16xi1>, vector<16xi32>
      %broadcast_in_dim3A_441 = vector.shape_cast %select_n3A_440 : vector<16xi32> to vector<16x1xi32>
      %gather3A_442 = vector.shape_cast %broadcast_in_dim3A_441 : vector<16x1xi32> to vector<16xi32>
      %gather3A_443 = tpu.dynamic_gather %add3A_430[%gather3A_442] in [0] : vector<16xf32>, vector<16xi32> -> vector<16xf32>
      %add3A_444 = arith.addf %add3A_430, %gather3A_443 : vector<16xf32>
      %xor3A_445 = arith.constant 1 : i32
      %xor3A_446 = vector.broadcast %xor3A_445 : i32 to vector<16xi32>
      %xor3A_447 = arith.xori %iota3A, %xor3A_446 : vector<16xi32>
      %lt3A_448 = arith.constant 0 : i32
      %lt3A_449 = vector.broadcast %lt3A_448 : i32 to vector<16xi32>
      %lt3A_450 = arith.cmpi slt, %xor3A_447, %lt3A_449 : vector<16xi32>
      %add3A_451 = arith.constant 16 : i32
      %add3A_452 = vector.broadcast %add3A_451 : i32 to vector<16xi32>
      %add3A_453 = arith.addi %xor3A_447, %add3A_452 : vector<16xi32>
      %select_n3A_454 = arith.select %lt3A_450, %add3A_453, %xor3A_447 : vector<16xi1>, vector<16xi32>
      %broadcast_in_dim3A_455 = vector.shape_cast %select_n3A_454 : vector<16xi32> to vector<16x1xi32>
      %gather3A_456 = vector.shape_cast %broadcast_in_dim3A_455 : vector<16x1xi32> to vector<16xi32>
      %gather3A_457 = tpu.dynamic_gather %add3A_444[%gather3A_456] in [0] : vector<16xf32>, vector<16xi32> -> vector<16xf32>
      %add3A_458 = arith.addf %add3A_444, %gather3A_457 : vector<16xf32>
      %eq3A_459 = arith.constant 4 : i32
      %eq3A_460 = vector.broadcast %eq3A_459 : i32 to vector<16xi32>
      %eq3A_461 = arith.cmpi eq, %iota3A, %eq3A_460 : vector<16xi32>
      %select_n3A_462 = arith.select %eq3A_461, %add3A_458, %select_n3A_391 : vector<16xi1>, vector<16xf32>
      %broadcast_in_dim3A_463 = arith.constant 0.000000e+00 : f32
      %broadcast_in_dim3A_464 = vector.broadcast %broadcast_in_dim3A_463 : f32 to vector<16xf32>
      %scan3A_465 = arith.constant 0 : i32
      %scan3A_466 = arith.constant 26 : i32
      %scan3A_467 = arith.addi %scan3A_465, %scan3A_466 : i32
      %scan3A_468 = arith.constant 1 : i32
      %scan3A_469:4 = scf.for %scan3A_2456 = %scan3A_465 to %scan3A_467 step %scan3A_468 iter_args(%scan3A_2457 = %broadcast_in_dim3A_464, %scan3A_2458 = %broadcast_in_dim3A_464, %scan3A_2459 = %broadcast_in_dim3A_464, %scan3A_2460 = %broadcast_in_dim3A_464) -> (vector<16xf32>, vector<16xf32>, vector<16xf32>, vector<16xf32>)  : i32 {
        %add3A_2461 = arith.constant 130 : i32
        %add3A_2462 = arith.addi %add3A_2461, %scan3A_2456 : i32
        %get3A = arith.index_cast %add3A_2462 : i32 to index
        %get3A_2463 = arith.constant 0 : index
        %get3A_2464 = tpu.vector_load %arg7[%get3A, %get3A_2463] {strides = array<i32>} : memref<416x64xf32, #tpu.memory_space<vmem>>, vector<1x16xf32>,
        %get3A_2465 = vector.shape_cast %get3A_2464 : vector<1x16xf32> to vector<16xf32>
        %get3A_2466 = arith.index_cast %scan3A_2456 : i32 to index
        %get3A_2467 = arith.constant 0 : index
        %get3A_2468 = tpu.vector_load %arg9[%get3A_2466, %get3A_2467] {strides = array<i32>} : memref<26x64xf32, #tpu.memory_space<vmem>>, vector<1x16xf32>,
        %get3A_2469 = vector.shape_cast %get3A_2468 : vector<1x16xf32> to vector<16xf32>
        %mul3A_2470 = arith.mulf %get3A_2465, %get3A_2469 : vector<16xf32>
        %add3A_2471 = arith.addf %scan3A_2457, %mul3A_2470 : vector<16xf32>
        %get3A_2472 = arith.index_cast %add3A_2462 : i32 to index
        %get3A_2473 = arith.constant 16 : index
        %get3A_2474 = tpu.vector_load %arg7[%get3A_2472, %get3A_2473] {strides = array<i32>} : memref<416x64xf32, #tpu.memory_space<vmem>>, vector<1x16xf32>,
        %get3A_2475 = vector.shape_cast %get3A_2474 : vector<1x16xf32> to vector<16xf32>
        %get3A_2476 = arith.index_cast %scan3A_2456 : i32 to index
        %get3A_2477 = arith.constant 16 : index
        %get3A_2478 = tpu.vector_load %arg9[%get3A_2476, %get3A_2477] {strides = array<i32>} : memref<26x64xf32, #tpu.memory_space<vmem>>, vector<1x16xf32>,
        %get3A_2479 = vector.shape_cast %get3A_2478 : vector<1x16xf32> to vector<16xf32>
        %mul3A_2480 = arith.mulf %get3A_2475, %get3A_2479 : vector<16xf32>
        %add3A_2481 = arith.addf %scan3A_2458, %mul3A_2480 : vector<16xf32>
        %get3A_2482 = arith.index_cast %add3A_2462 : i32 to index
        %get3A_2483 = arith.constant 32 : index
        %get3A_2484 = tpu.vector_load %arg7[%get3A_2482, %get3A_2483] {strides = array<i32>} : memref<416x64xf32, #tpu.memory_space<vmem>>, vector<1x16xf32>,
        %get3A_2485 = vector.shape_cast %get3A_2484 : vector<1x16xf32> to vector<16xf32>
        %get3A_2486 = arith.index_cast %scan3A_2456 : i32 to index
        %get3A_2487 = arith.constant 32 : index
        %get3A_2488 = tpu.vector_load %arg9[%get3A_2486, %get3A_2487] {strides = array<i32>} : memref<26x64xf32, #tpu.memory_space<vmem>>, vector<1x16xf32>,
        %get3A_2489 = vector.shape_cast %get3A_2488 : vector<1x16xf32> to vector<16xf32>
        %mul3A_2490 = arith.mulf %get3A_2485, %get3A_2489 : vector<16xf32>
        %add3A_2491 = arith.addf %scan3A_2459, %mul3A_2490 : vector<16xf32>
        %get3A_2492 = arith.index_cast %add3A_2462 : i32 to index
        %get3A_2493 = arith.constant 48 : index
        %get3A_2494 = tpu.vector_load %arg7[%get3A_2492, %get3A_2493] {strides = array<i32>} : memref<416x64xf32, #tpu.memory_space<vmem>>, vector<1x16xf32>,
        %get3A_2495 = vector.shape_cast %get3A_2494 : vector<1x16xf32> to vector<16xf32>
        %get3A_2496 = arith.index_cast %scan3A_2456 : i32 to index
        %get3A_2497 = arith.constant 48 : index
        %get3A_2498 = tpu.vector_load %arg9[%get3A_2496, %get3A_2497] {strides = array<i32>} : memref<26x64xf32, #tpu.memory_space<vmem>>, vector<1x16xf32>,
        %get3A_2499 = vector.shape_cast %get3A_2498 : vector<1x16xf32> to vector<16xf32>
        %mul3A_2500 = arith.mulf %get3A_2495, %get3A_2499 : vector<16xf32>
        %add3A_2501 = arith.addf %scan3A_2460, %mul3A_2500 : vector<16xf32>
        scf.yield %add3A_2471, %add3A_2481, %add3A_2491, %add3A_2501 : vector<16xf32>, vector<16xf32>, vector<16xf32>, vector<16xf32>
      }
      %scan3A_470 = arith.constant 26 : i32
      %add3A_471 = arith.addf %scan3A_469#0, %scan3A_469#1 : vector<16xf32>
      %add3A_472 = arith.addf %add3A_471, %scan3A_469#2 : vector<16xf32>
      %add3A_473 = arith.addf %add3A_472, %scan3A_469#3 : vector<16xf32>
      %xor3A_474 = arith.constant 8 : i32
      %xor3A_475 = vector.broadcast %xor3A_474 : i32 to vector<16xi32>
      %xor3A_476 = arith.xori %iota3A, %xor3A_475 : vector<16xi32>
      %lt3A_477 = arith.constant 0 : i32
      %lt3A_478 = vector.broadcast %lt3A_477 : i32 to vector<16xi32>
      %lt3A_479 = arith.cmpi slt, %xor3A_476, %lt3A_478 : vector<16xi32>
      %add3A_480 = arith.constant 16 : i32
      %add3A_481 = vector.broadcast %add3A_480 : i32 to vector<16xi32>
      %add3A_482 = arith.addi %xor3A_476, %add3A_481 : vector<16xi32>
      %select_n3A_483 = arith.select %lt3A_479, %add3A_482, %xor3A_476 : vector<16xi1>, vector<16xi32>
      %broadcast_in_dim3A_484 = vector.shape_cast %select_n3A_483 : vector<16xi32> to vector<16x1xi32>
      %gather3A_485 = vector.shape_cast %broadcast_in_dim3A_484 : vector<16x1xi32> to vector<16xi32>
      %gather3A_486 = tpu.dynamic_gather %add3A_473[%gather3A_485] in [0] : vector<16xf32>, vector<16xi32> -> vector<16xf32>
      %add3A_487 = arith.addf %add3A_473, %gather3A_486 : vector<16xf32>
      %xor3A_488 = arith.constant 4 : i32
      %xor3A_489 = vector.broadcast %xor3A_488 : i32 to vector<16xi32>
      %xor3A_490 = arith.xori %iota3A, %xor3A_489 : vector<16xi32>
      %lt3A_491 = arith.constant 0 : i32
      %lt3A_492 = vector.broadcast %lt3A_491 : i32 to vector<16xi32>
      %lt3A_493 = arith.cmpi slt, %xor3A_490, %lt3A_492 : vector<16xi32>
      %add3A_494 = arith.constant 16 : i32
      %add3A_495 = vector.broadcast %add3A_494 : i32 to vector<16xi32>
      %add3A_496 = arith.addi %xor3A_490, %add3A_495 : vector<16xi32>
      %select_n3A_497 = arith.select %lt3A_493, %add3A_496, %xor3A_490 : vector<16xi1>, vector<16xi32>
      %broadcast_in_dim3A_498 = vector.shape_cast %select_n3A_497 : vector<16xi32> to vector<16x1xi32>
      %gather3A_499 = vector.shape_cast %broadcast_in_dim3A_498 : vector<16x1xi32> to vector<16xi32>
      %gather3A_500 = tpu.dynamic_gather %add3A_487[%gather3A_499] in [0] : vector<16xf32>, vector<16xi32> -> vector<16xf32>
      %add3A_501 = arith.addf %add3A_487, %gather3A_500 : vector<16xf32>
      %xor3A_502 = arith.constant 2 : i32
      %xor3A_503 = vector.broadcast %xor3A_502 : i32 to vector<16xi32>
      %xor3A_504 = arith.xori %iota3A, %xor3A_503 : vector<16xi32>
      %lt3A_505 = arith.constant 0 : i32
      %lt3A_506 = vector.broadcast %lt3A_505 : i32 to vector<16xi32>
      %lt3A_507 = arith.cmpi slt, %xor3A_504, %lt3A_506 : vector<16xi32>
      %add3A_508 = arith.constant 16 : i32
      %add3A_509 = vector.broadcast %add3A_508 : i32 to vector<16xi32>
      %add3A_510 = arith.addi %xor3A_504, %add3A_509 : vector<16xi32>
      %select_n3A_511 = arith.select %lt3A_507, %add3A_510, %xor3A_504 : vector<16xi1>, vector<16xi32>
      %broadcast_in_dim3A_512 = vector.shape_cast %select_n3A_511 : vector<16xi32> to vector<16x1xi32>
      %gather3A_513 = vector.shape_cast %broadcast_in_dim3A_512 : vector<16x1xi32> to vector<16xi32>
      %gather3A_514 = tpu.dynamic_gather %add3A_501[%gather3A_513] in [0] : vector<16xf32>, vector<16xi32> -> vector<16xf32>
      %add3A_515 = arith.addf %add3A_501, %gather3A_514 : vector<16xf32>
      %xor3A_516 = arith.constant 1 : i32
      %xor3A_517 = vector.broadcast %xor3A_516 : i32 to vector<16xi32>
      %xor3A_518 = arith.xori %iota3A, %xor3A_517 : vector<16xi32>
      %lt3A_519 = arith.constant 0 : i32
      %lt3A_520 = vector.broadcast %lt3A_519 : i32 to vector<16xi32>
      %lt3A_521 = arith.cmpi slt, %xor3A_518, %lt3A_520 : vector<16xi32>
      %add3A_522 = arith.constant 16 : i32
      %add3A_523 = vector.broadcast %add3A_522 : i32 to vector<16xi32>
      %add3A_524 = arith.addi %xor3A_518, %add3A_523 : vector<16xi32>
      %select_n3A_525 = arith.select %lt3A_521, %add3A_524, %xor3A_518 : vector<16xi1>, vector<16xi32>
      %broadcast_in_dim3A_526 = vector.shape_cast %select_n3A_525 : vector<16xi32> to vector<16x1xi32>
      %gather3A_527 = vector.shape_cast %broadcast_in_dim3A_526 : vector<16x1xi32> to vector<16xi32>
      %gather3A_528 = tpu.dynamic_gather %add3A_515[%gather3A_527] in [0] : vector<16xf32>, vector<16xi32> -> vector<16xf32>
      %add3A_529 = arith.addf %add3A_515, %gather3A_528 : vector<16xf32>
      %eq3A_530 = arith.constant 5 : i32
      %eq3A_531 = vector.broadcast %eq3A_530 : i32 to vector<16xi32>
      %eq3A_532 = arith.cmpi eq, %iota3A, %eq3A_531 : vector<16xi32>
      %select_n3A_533 = arith.select %eq3A_532, %add3A_529, %select_n3A_462 : vector<16xi1>, vector<16xf32>
      %broadcast_in_dim3A_534 = arith.constant 0.000000e+00 : f32
      %broadcast_in_dim3A_535 = vector.broadcast %broadcast_in_dim3A_534 : f32 to vector<16xf32>
      %scan3A_536 = arith.constant 0 : i32
      %scan3A_537 = arith.constant 26 : i32
      %scan3A_538 = arith.addi %scan3A_536, %scan3A_537 : i32
      %scan3A_539 = arith.constant 1 : i32
      %scan3A_540:4 = scf.for %scan3A_2456 = %scan3A_536 to %scan3A_538 step %scan3A_539 iter_args(%scan3A_2457 = %broadcast_in_dim3A_535, %scan3A_2458 = %broadcast_in_dim3A_535, %scan3A_2459 = %broadcast_in_dim3A_535, %scan3A_2460 = %broadcast_in_dim3A_535) -> (vector<16xf32>, vector<16xf32>, vector<16xf32>, vector<16xf32>)  : i32 {
        %add3A_2461 = arith.constant 156 : i32
        %add3A_2462 = arith.addi %add3A_2461, %scan3A_2456 : i32
        %get3A = arith.index_cast %add3A_2462 : i32 to index
        %get3A_2463 = arith.constant 0 : index
        %get3A_2464 = tpu.vector_load %arg7[%get3A, %get3A_2463] {strides = array<i32>} : memref<416x64xf32, #tpu.memory_space<vmem>>, vector<1x16xf32>,
        %get3A_2465 = vector.shape_cast %get3A_2464 : vector<1x16xf32> to vector<16xf32>
        %get3A_2466 = arith.index_cast %scan3A_2456 : i32 to index
        %get3A_2467 = arith.constant 0 : index
        %get3A_2468 = tpu.vector_load %arg9[%get3A_2466, %get3A_2467] {strides = array<i32>} : memref<26x64xf32, #tpu.memory_space<vmem>>, vector<1x16xf32>,
        %get3A_2469 = vector.shape_cast %get3A_2468 : vector<1x16xf32> to vector<16xf32>
        %mul3A_2470 = arith.mulf %get3A_2465, %get3A_2469 : vector<16xf32>
        %add3A_2471 = arith.addf %scan3A_2457, %mul3A_2470 : vector<16xf32>
        %get3A_2472 = arith.index_cast %add3A_2462 : i32 to index
        %get3A_2473 = arith.constant 16 : index
        %get3A_2474 = tpu.vector_load %arg7[%get3A_2472, %get3A_2473] {strides = array<i32>} : memref<416x64xf32, #tpu.memory_space<vmem>>, vector<1x16xf32>,
        %get3A_2475 = vector.shape_cast %get3A_2474 : vector<1x16xf32> to vector<16xf32>
        %get3A_2476 = arith.index_cast %scan3A_2456 : i32 to index
        %get3A_2477 = arith.constant 16 : index
        %get3A_2478 = tpu.vector_load %arg9[%get3A_2476, %get3A_2477] {strides = array<i32>} : memref<26x64xf32, #tpu.memory_space<vmem>>, vector<1x16xf32>,
        %get3A_2479 = vector.shape_cast %get3A_2478 : vector<1x16xf32> to vector<16xf32>
        %mul3A_2480 = arith.mulf %get3A_2475, %get3A_2479 : vector<16xf32>
        %add3A_2481 = arith.addf %scan3A_2458, %mul3A_2480 : vector<16xf32>
        %get3A_2482 = arith.index_cast %add3A_2462 : i32 to index
        %get3A_2483 = arith.constant 32 : index
        %get3A_2484 = tpu.vector_load %arg7[%get3A_2482, %get3A_2483] {strides = array<i32>} : memref<416x64xf32, #tpu.memory_space<vmem>>, vector<1x16xf32>,
        %get3A_2485 = vector.shape_cast %get3A_2484 : vector<1x16xf32> to vector<16xf32>
        %get3A_2486 = arith.index_cast %scan3A_2456 : i32 to index
        %get3A_2487 = arith.constant 32 : index
        %get3A_2488 = tpu.vector_load %arg9[%get3A_2486, %get3A_2487] {strides = array<i32>} : memref<26x64xf32, #tpu.memory_space<vmem>>, vector<1x16xf32>,
        %get3A_2489 = vector.shape_cast %get3A_2488 : vector<1x16xf32> to vector<16xf32>
        %mul3A_2490 = arith.mulf %get3A_2485, %get3A_2489 : vector<16xf32>
        %add3A_2491 = arith.addf %scan3A_2459, %mul3A_2490 : vector<16xf32>
        %get3A_2492 = arith.index_cast %add3A_2462 : i32 to index
        %get3A_2493 = arith.constant 48 : index
        %get3A_2494 = tpu.vector_load %arg7[%get3A_2492, %get3A_2493] {strides = array<i32>} : memref<416x64xf32, #tpu.memory_space<vmem>>, vector<1x16xf32>,
        %get3A_2495 = vector.shape_cast %get3A_2494 : vector<1x16xf32> to vector<16xf32>
        %get3A_2496 = arith.index_cast %scan3A_2456 : i32 to index
        %get3A_2497 = arith.constant 48 : index
        %get3A_2498 = tpu.vector_load %arg9[%get3A_2496, %get3A_2497] {strides = array<i32>} : memref<26x64xf32, #tpu.memory_space<vmem>>, vector<1x16xf32>,
        %get3A_2499 = vector.shape_cast %get3A_2498 : vector<1x16xf32> to vector<16xf32>
        %mul3A_2500 = arith.mulf %get3A_2495, %get3A_2499 : vector<16xf32>
        %add3A_2501 = arith.addf %scan3A_2460, %mul3A_2500 : vector<16xf32>
        scf.yield %add3A_2471, %add3A_2481, %add3A_2491, %add3A_2501 : vector<16xf32>, vector<16xf32>, vector<16xf32>, vector<16xf32>
      }
      %scan3A_541 = arith.constant 26 : i32
      %add3A_542 = arith.addf %scan3A_540#0, %scan3A_540#1 : vector<16xf32>
      %add3A_543 = arith.addf %add3A_542, %scan3A_540#2 : vector<16xf32>
      %add3A_544 = arith.addf %add3A_543, %scan3A_540#3 : vector<16xf32>
      %xor3A_545 = arith.constant 8 : i32
      %xor3A_546 = vector.broadcast %xor3A_545 : i32 to vector<16xi32>
      %xor3A_547 = arith.xori %iota3A, %xor3A_546 : vector<16xi32>
      %lt3A_548 = arith.constant 0 : i32
      %lt3A_549 = vector.broadcast %lt3A_548 : i32 to vector<16xi32>
      %lt3A_550 = arith.cmpi slt, %xor3A_547, %lt3A_549 : vector<16xi32>
      %add3A_551 = arith.constant 16 : i32
      %add3A_552 = vector.broadcast %add3A_551 : i32 to vector<16xi32>
      %add3A_553 = arith.addi %xor3A_547, %add3A_552 : vector<16xi32>
      %select_n3A_554 = arith.select %lt3A_550, %add3A_553, %xor3A_547 : vector<16xi1>, vector<16xi32>
      %broadcast_in_dim3A_555 = vector.shape_cast %select_n3A_554 : vector<16xi32> to vector<16x1xi32>
      %gather3A_556 = vector.shape_cast %broadcast_in_dim3A_555 : vector<16x1xi32> to vector<16xi32>
      %gather3A_557 = tpu.dynamic_gather %add3A_544[%gather3A_556] in [0] : vector<16xf32>, vector<16xi32> -> vector<16xf32>
      %add3A_558 = arith.addf %add3A_544, %gather3A_557 : vector<16xf32>
      %xor3A_559 = arith.constant 4 : i32
      %xor3A_560 = vector.broadcast %xor3A_559 : i32 to vector<16xi32>
      %xor3A_561 = arith.xori %iota3A, %xor3A_560 : vector<16xi32>
      %lt3A_562 = arith.constant 0 : i32
      %lt3A_563 = vector.broadcast %lt3A_562 : i32 to vector<16xi32>
      %lt3A_564 = arith.cmpi slt, %xor3A_561, %lt3A_563 : vector<16xi32>
      %add3A_565 = arith.constant 16 : i32
      %add3A_566 = vector.broadcast %add3A_565 : i32 to vector<16xi32>
      %add3A_567 = arith.addi %xor3A_561, %add3A_566 : vector<16xi32>
      %select_n3A_568 = arith.select %lt3A_564, %add3A_567, %xor3A_561 : vector<16xi1>, vector<16xi32>
      %broadcast_in_dim3A_569 = vector.shape_cast %select_n3A_568 : vector<16xi32> to vector<16x1xi32>
      %gather3A_570 = vector.shape_cast %broadcast_in_dim3A_569 : vector<16x1xi32> to vector<16xi32>
      %gather3A_571 = tpu.dynamic_gather %add3A_558[%gather3A_570] in [0] : vector<16xf32>, vector<16xi32> -> vector<16xf32>
      %add3A_572 = arith.addf %add3A_558, %gather3A_571 : vector<16xf32>
      %xor3A_573 = arith.constant 2 : i32
      %xor3A_574 = vector.broadcast %xor3A_573 : i32 to vector<16xi32>
      %xor3A_575 = arith.xori %iota3A, %xor3A_574 : vector<16xi32>
      %lt3A_576 = arith.constant 0 : i32
      %lt3A_577 = vector.broadcast %lt3A_576 : i32 to vector<16xi32>
      %lt3A_578 = arith.cmpi slt, %xor3A_575, %lt3A_577 : vector<16xi32>
      %add3A_579 = arith.constant 16 : i32
      %add3A_580 = vector.broadcast %add3A_579 : i32 to vector<16xi32>
      %add3A_581 = arith.addi %xor3A_575, %add3A_580 : vector<16xi32>
      %select_n3A_582 = arith.select %lt3A_578, %add3A_581, %xor3A_575 : vector<16xi1>, vector<16xi32>
      %broadcast_in_dim3A_583 = vector.shape_cast %select_n3A_582 : vector<16xi32> to vector<16x1xi32>
      %gather3A_584 = vector.shape_cast %broadcast_in_dim3A_583 : vector<16x1xi32> to vector<16xi32>
      %gather3A_585 = tpu.dynamic_gather %add3A_572[%gather3A_584] in [0] : vector<16xf32>, vector<16xi32> -> vector<16xf32>
      %add3A_586 = arith.addf %add3A_572, %gather3A_585 : vector<16xf32>
      %xor3A_587 = arith.constant 1 : i32
      %xor3A_588 = vector.broadcast %xor3A_587 : i32 to vector<16xi32>
      %xor3A_589 = arith.xori %iota3A, %xor3A_588 : vector<16xi32>
      %lt3A_590 = arith.constant 0 : i32
      %lt3A_591 = vector.broadcast %lt3A_590 : i32 to vector<16xi32>
      %lt3A_592 = arith.cmpi slt, %xor3A_589, %lt3A_591 : vector<16xi32>
      %add3A_593 = arith.constant 16 : i32
      %add3A_594 = vector.broadcast %add3A_593 : i32 to vector<16xi32>
      %add3A_595 = arith.addi %xor3A_589, %add3A_594 : vector<16xi32>
      %select_n3A_596 = arith.select %lt3A_592, %add3A_595, %xor3A_589 : vector<16xi1>, vector<16xi32>
      %broadcast_in_dim3A_597 = vector.shape_cast %select_n3A_596 : vector<16xi32> to vector<16x1xi32>
      %gather3A_598 = vector.shape_cast %broadcast_in_dim3A_597 : vector<16x1xi32> to vector<16xi32>
      %gather3A_599 = tpu.dynamic_gather %add3A_586[%gather3A_598] in [0] : vector<16xf32>, vector<16xi32> -> vector<16xf32>
      %add3A_600 = arith.addf %add3A_586, %gather3A_599 : vector<16xf32>
      %eq3A_601 = arith.constant 6 : i32
      %eq3A_602 = vector.broadcast %eq3A_601 : i32 to vector<16xi32>
      %eq3A_603 = arith.cmpi eq, %iota3A, %eq3A_602 : vector<16xi32>
      %select_n3A_604 = arith.select %eq3A_603, %add3A_600, %select_n3A_533 : vector<16xi1>, vector<16xf32>
      %broadcast_in_dim3A_605 = arith.constant 0.000000e+00 : f32
      %broadcast_in_dim3A_606 = vector.broadcast %broadcast_in_dim3A_605 : f32 to vector<16xf32>
      %scan3A_607 = arith.constant 0 : i32
      %scan3A_608 = arith.constant 26 : i32
      %scan3A_609 = arith.addi %scan3A_607, %scan3A_608 : i32
      %scan3A_610 = arith.constant 1 : i32
      %scan3A_611:4 = scf.for %scan3A_2456 = %scan3A_607 to %scan3A_609 step %scan3A_610 iter_args(%scan3A_2457 = %broadcast_in_dim3A_606, %scan3A_2458 = %broadcast_in_dim3A_606, %scan3A_2459 = %broadcast_in_dim3A_606, %scan3A_2460 = %broadcast_in_dim3A_606) -> (vector<16xf32>, vector<16xf32>, vector<16xf32>, vector<16xf32>)  : i32 {
        %add3A_2461 = arith.constant 182 : i32
        %add3A_2462 = arith.addi %add3A_2461, %scan3A_2456 : i32
        %get3A = arith.index_cast %add3A_2462 : i32 to index
        %get3A_2463 = arith.constant 0 : index
        %get3A_2464 = tpu.vector_load %arg7[%get3A, %get3A_2463] {strides = array<i32>} : memref<416x64xf32, #tpu.memory_space<vmem>>, vector<1x16xf32>,
        %get3A_2465 = vector.shape_cast %get3A_2464 : vector<1x16xf32> to vector<16xf32>
        %get3A_2466 = arith.index_cast %scan3A_2456 : i32 to index
        %get3A_2467 = arith.constant 0 : index
        %get3A_2468 = tpu.vector_load %arg9[%get3A_2466, %get3A_2467] {strides = array<i32>} : memref<26x64xf32, #tpu.memory_space<vmem>>, vector<1x16xf32>,
        %get3A_2469 = vector.shape_cast %get3A_2468 : vector<1x16xf32> to vector<16xf32>
        %mul3A_2470 = arith.mulf %get3A_2465, %get3A_2469 : vector<16xf32>
        %add3A_2471 = arith.addf %scan3A_2457, %mul3A_2470 : vector<16xf32>
        %get3A_2472 = arith.index_cast %add3A_2462 : i32 to index
        %get3A_2473 = arith.constant 16 : index
        %get3A_2474 = tpu.vector_load %arg7[%get3A_2472, %get3A_2473] {strides = array<i32>} : memref<416x64xf32, #tpu.memory_space<vmem>>, vector<1x16xf32>,
        %get3A_2475 = vector.shape_cast %get3A_2474 : vector<1x16xf32> to vector<16xf32>
        %get3A_2476 = arith.index_cast %scan3A_2456 : i32 to index
        %get3A_2477 = arith.constant 16 : index
        %get3A_2478 = tpu.vector_load %arg9[%get3A_2476, %get3A_2477] {strides = array<i32>} : memref<26x64xf32, #tpu.memory_space<vmem>>, vector<1x16xf32>,
        %get3A_2479 = vector.shape_cast %get3A_2478 : vector<1x16xf32> to vector<16xf32>
        %mul3A_2480 = arith.mulf %get3A_2475, %get3A_2479 : vector<16xf32>
        %add3A_2481 = arith.addf %scan3A_2458, %mul3A_2480 : vector<16xf32>
        %get3A_2482 = arith.index_cast %add3A_2462 : i32 to index
        %get3A_2483 = arith.constant 32 : index
        %get3A_2484 = tpu.vector_load %arg7[%get3A_2482, %get3A_2483] {strides = array<i32>} : memref<416x64xf32, #tpu.memory_space<vmem>>, vector<1x16xf32>,
        %get3A_2485 = vector.shape_cast %get3A_2484 : vector<1x16xf32> to vector<16xf32>
        %get3A_2486 = arith.index_cast %scan3A_2456 : i32 to index
        %get3A_2487 = arith.constant 32 : index
        %get3A_2488 = tpu.vector_load %arg9[%get3A_2486, %get3A_2487] {strides = array<i32>} : memref<26x64xf32, #tpu.memory_space<vmem>>, vector<1x16xf32>,
        %get3A_2489 = vector.shape_cast %get3A_2488 : vector<1x16xf32> to vector<16xf32>
        %mul3A_2490 = arith.mulf %get3A_2485, %get3A_2489 : vector<16xf32>
        %add3A_2491 = arith.addf %scan3A_2459, %mul3A_2490 : vector<16xf32>
        %get3A_2492 = arith.index_cast %add3A_2462 : i32 to index
        %get3A_2493 = arith.constant 48 : index
        %get3A_2494 = tpu.vector_load %arg7[%get3A_2492, %get3A_2493] {strides = array<i32>} : memref<416x64xf32, #tpu.memory_space<vmem>>, vector<1x16xf32>,
        %get3A_2495 = vector.shape_cast %get3A_2494 : vector<1x16xf32> to vector<16xf32>
        %get3A_2496 = arith.index_cast %scan3A_2456 : i32 to index
        %get3A_2497 = arith.constant 48 : index
        %get3A_2498 = tpu.vector_load %arg9[%get3A_2496, %get3A_2497] {strides = array<i32>} : memref<26x64xf32, #tpu.memory_space<vmem>>, vector<1x16xf32>,
        %get3A_2499 = vector.shape_cast %get3A_2498 : vector<1x16xf32> to vector<16xf32>
        %mul3A_2500 = arith.mulf %get3A_2495, %get3A_2499 : vector<16xf32>
        %add3A_2501 = arith.addf %scan3A_2460, %mul3A_2500 : vector<16xf32>
        scf.yield %add3A_2471, %add3A_2481, %add3A_2491, %add3A_2501 : vector<16xf32>, vector<16xf32>, vector<16xf32>, vector<16xf32>
      }
      %scan3A_612 = arith.constant 26 : i32
      %add3A_613 = arith.addf %scan3A_611#0, %scan3A_611#1 : vector<16xf32>
      %add3A_614 = arith.addf %add3A_613, %scan3A_611#2 : vector<16xf32>
      %add3A_615 = arith.addf %add3A_614, %scan3A_611#3 : vector<16xf32>
      %xor3A_616 = arith.constant 8 : i32
      %xor3A_617 = vector.broadcast %xor3A_616 : i32 to vector<16xi32>
      %xor3A_618 = arith.xori %iota3A, %xor3A_617 : vector<16xi32>
      %lt3A_619 = arith.constant 0 : i32
      %lt3A_620 = vector.broadcast %lt3A_619 : i32 to vector<16xi32>
      %lt3A_621 = arith.cmpi slt, %xor3A_618, %lt3A_620 : vector<16xi32>
      %add3A_622 = arith.constant 16 : i32
      %add3A_623 = vector.broadcast %add3A_622 : i32 to vector<16xi32>
      %add3A_624 = arith.addi %xor3A_618, %add3A_623 : vector<16xi32>
      %select_n3A_625 = arith.select %lt3A_621, %add3A_624, %xor3A_618 : vector<16xi1>, vector<16xi32>
      %broadcast_in_dim3A_626 = vector.shape_cast %select_n3A_625 : vector<16xi32> to vector<16x1xi32>
      %gather3A_627 = vector.shape_cast %broadcast_in_dim3A_626 : vector<16x1xi32> to vector<16xi32>
      %gather3A_628 = tpu.dynamic_gather %add3A_615[%gather3A_627] in [0] : vector<16xf32>, vector<16xi32> -> vector<16xf32>
      %add3A_629 = arith.addf %add3A_615, %gather3A_628 : vector<16xf32>
      %xor3A_630 = arith.constant 4 : i32
      %xor3A_631 = vector.broadcast %xor3A_630 : i32 to vector<16xi32>
      %xor3A_632 = arith.xori %iota3A, %xor3A_631 : vector<16xi32>
      %lt3A_633 = arith.constant 0 : i32
      %lt3A_634 = vector.broadcast %lt3A_633 : i32 to vector<16xi32>
      %lt3A_635 = arith.cmpi slt, %xor3A_632, %lt3A_634 : vector<16xi32>
      %add3A_636 = arith.constant 16 : i32
      %add3A_637 = vector.broadcast %add3A_636 : i32 to vector<16xi32>
      %add3A_638 = arith.addi %xor3A_632, %add3A_637 : vector<16xi32>
      %select_n3A_639 = arith.select %lt3A_635, %add3A_638, %xor3A_632 : vector<16xi1>, vector<16xi32>
      %broadcast_in_dim3A_640 = vector.shape_cast %select_n3A_639 : vector<16xi32> to vector<16x1xi32>
      %gather3A_641 = vector.shape_cast %broadcast_in_dim3A_640 : vector<16x1xi32> to vector<16xi32>
      %gather3A_642 = tpu.dynamic_gather %add3A_629[%gather3A_641] in [0] : vector<16xf32>, vector<16xi32> -> vector<16xf32>
      %add3A_643 = arith.addf %add3A_629, %gather3A_642 : vector<16xf32>
      %xor3A_644 = arith.constant 2 : i32
      %xor3A_645 = vector.broadcast %xor3A_644 : i32 to vector<16xi32>
      %xor3A_646 = arith.xori %iota3A, %xor3A_645 : vector<16xi32>
      %lt3A_647 = arith.constant 0 : i32
      %lt3A_648 = vector.broadcast %lt3A_647 : i32 to vector<16xi32>
      %lt3A_649 = arith.cmpi slt, %xor3A_646, %lt3A_648 : vector<16xi32>
      %add3A_650 = arith.constant 16 : i32
      %add3A_651 = vector.broadcast %add3A_650 : i32 to vector<16xi32>
      %add3A_652 = arith.addi %xor3A_646, %add3A_651 : vector<16xi32>
      %select_n3A_653 = arith.select %lt3A_649, %add3A_652, %xor3A_646 : vector<16xi1>, vector<16xi32>
      %broadcast_in_dim3A_654 = vector.shape_cast %select_n3A_653 : vector<16xi32> to vector<16x1xi32>
      %gather3A_655 = vector.shape_cast %broadcast_in_dim3A_654 : vector<16x1xi32> to vector<16xi32>
      %gather3A_656 = tpu.dynamic_gather %add3A_643[%gather3A_655] in [0] : vector<16xf32>, vector<16xi32> -> vector<16xf32>
      %add3A_657 = arith.addf %add3A_643, %gather3A_656 : vector<16xf32>
      %xor3A_658 = arith.constant 1 : i32
      %xor3A_659 = vector.broadcast %xor3A_658 : i32 to vector<16xi32>
      %xor3A_660 = arith.xori %iota3A, %xor3A_659 : vector<16xi32>
      %lt3A_661 = arith.constant 0 : i32
      %lt3A_662 = vector.broadcast %lt3A_661 : i32 to vector<16xi32>
      %lt3A_663 = arith.cmpi slt, %xor3A_660, %lt3A_662 : vector<16xi32>
      %add3A_664 = arith.constant 16 : i32
      %add3A_665 = vector.broadcast %add3A_664 : i32 to vector<16xi32>
      %add3A_666 = arith.addi %xor3A_660, %add3A_665 : vector<16xi32>
      %select_n3A_667 = arith.select %lt3A_663, %add3A_666, %xor3A_660 : vector<16xi1>, vector<16xi32>
      %broadcast_in_dim3A_668 = vector.shape_cast %select_n3A_667 : vector<16xi32> to vector<16x1xi32>
      %gather3A_669 = vector.shape_cast %broadcast_in_dim3A_668 : vector<16x1xi32> to vector<16xi32>
      %gather3A_670 = tpu.dynamic_gather %add3A_657[%gather3A_669] in [0] : vector<16xf32>, vector<16xi32> -> vector<16xf32>
      %add3A_671 = arith.addf %add3A_657, %gather3A_670 : vector<16xf32>
      %eq3A_672 = arith.constant 7 : i32
      %eq3A_673 = vector.broadcast %eq3A_672 : i32 to vector<16xi32>
      %eq3A_674 = arith.cmpi eq, %iota3A, %eq3A_673 : vector<16xi32>
      %select_n3A_675 = arith.select %eq3A_674, %add3A_671, %select_n3A_604 : vector<16xi1>, vector<16xf32>
      %broadcast_in_dim3A_676 = arith.constant 0.000000e+00 : f32
      %broadcast_in_dim3A_677 = vector.broadcast %broadcast_in_dim3A_676 : f32 to vector<16xf32>
      %scan3A_678 = arith.constant 0 : i32
      %scan3A_679 = arith.constant 26 : i32
      %scan3A_680 = arith.addi %scan3A_678, %scan3A_679 : i32
      %scan3A_681 = arith.constant 1 : i32
      %scan3A_682:4 = scf.for %scan3A_2456 = %scan3A_678 to %scan3A_680 step %scan3A_681 iter_args(%scan3A_2457 = %broadcast_in_dim3A_677, %scan3A_2458 = %broadcast_in_dim3A_677, %scan3A_2459 = %broadcast_in_dim3A_677, %scan3A_2460 = %broadcast_in_dim3A_677) -> (vector<16xf32>, vector<16xf32>, vector<16xf32>, vector<16xf32>)  : i32 {
        %add3A_2461 = arith.constant 208 : i32
        %add3A_2462 = arith.addi %add3A_2461, %scan3A_2456 : i32
        %get3A = arith.index_cast %add3A_2462 : i32 to index
        %get3A_2463 = arith.constant 0 : index
        %get3A_2464 = tpu.vector_load %arg7[%get3A, %get3A_2463] {strides = array<i32>} : memref<416x64xf32, #tpu.memory_space<vmem>>, vector<1x16xf32>,
        %get3A_2465 = vector.shape_cast %get3A_2464 : vector<1x16xf32> to vector<16xf32>
        %get3A_2466 = arith.index_cast %scan3A_2456 : i32 to index
        %get3A_2467 = arith.constant 0 : index
        %get3A_2468 = tpu.vector_load %arg9[%get3A_2466, %get3A_2467] {strides = array<i32>} : memref<26x64xf32, #tpu.memory_space<vmem>>, vector<1x16xf32>,
        %get3A_2469 = vector.shape_cast %get3A_2468 : vector<1x16xf32> to vector<16xf32>
        %mul3A_2470 = arith.mulf %get3A_2465, %get3A_2469 : vector<16xf32>
        %add3A_2471 = arith.addf %scan3A_2457, %mul3A_2470 : vector<16xf32>
        %get3A_2472 = arith.index_cast %add3A_2462 : i32 to index
        %get3A_2473 = arith.constant 16 : index
        %get3A_2474 = tpu.vector_load %arg7[%get3A_2472, %get3A_2473] {strides = array<i32>} : memref<416x64xf32, #tpu.memory_space<vmem>>, vector<1x16xf32>,
        %get3A_2475 = vector.shape_cast %get3A_2474 : vector<1x16xf32> to vector<16xf32>
        %get3A_2476 = arith.index_cast %scan3A_2456 : i32 to index
        %get3A_2477 = arith.constant 16 : index
        %get3A_2478 = tpu.vector_load %arg9[%get3A_2476, %get3A_2477] {strides = array<i32>} : memref<26x64xf32, #tpu.memory_space<vmem>>, vector<1x16xf32>,
        %get3A_2479 = vector.shape_cast %get3A_2478 : vector<1x16xf32> to vector<16xf32>
        %mul3A_2480 = arith.mulf %get3A_2475, %get3A_2479 : vector<16xf32>
        %add3A_2481 = arith.addf %scan3A_2458, %mul3A_2480 : vector<16xf32>
        %get3A_2482 = arith.index_cast %add3A_2462 : i32 to index
        %get3A_2483 = arith.constant 32 : index
        %get3A_2484 = tpu.vector_load %arg7[%get3A_2482, %get3A_2483] {strides = array<i32>} : memref<416x64xf32, #tpu.memory_space<vmem>>, vector<1x16xf32>,
        %get3A_2485 = vector.shape_cast %get3A_2484 : vector<1x16xf32> to vector<16xf32>
        %get3A_2486 = arith.index_cast %scan3A_2456 : i32 to index
        %get3A_2487 = arith.constant 32 : index
        %get3A_2488 = tpu.vector_load %arg9[%get3A_2486, %get3A_2487] {strides = array<i32>} : memref<26x64xf32, #tpu.memory_space<vmem>>, vector<1x16xf32>,
        %get3A_2489 = vector.shape_cast %get3A_2488 : vector<1x16xf32> to vector<16xf32>
        %mul3A_2490 = arith.mulf %get3A_2485, %get3A_2489 : vector<16xf32>
        %add3A_2491 = arith.addf %scan3A_2459, %mul3A_2490 : vector<16xf32>
        %get3A_2492 = arith.index_cast %add3A_2462 : i32 to index
        %get3A_2493 = arith.constant 48 : index
        %get3A_2494 = tpu.vector_load %arg7[%get3A_2492, %get3A_2493] {strides = array<i32>} : memref<416x64xf32, #tpu.memory_space<vmem>>, vector<1x16xf32>,
        %get3A_2495 = vector.shape_cast %get3A_2494 : vector<1x16xf32> to vector<16xf32>
        %get3A_2496 = arith.index_cast %scan3A_2456 : i32 to index
        %get3A_2497 = arith.constant 48 : index
        %get3A_2498 = tpu.vector_load %arg9[%get3A_2496, %get3A_2497] {strides = array<i32>} : memref<26x64xf32, #tpu.memory_space<vmem>>, vector<1x16xf32>,
        %get3A_2499 = vector.shape_cast %get3A_2498 : vector<1x16xf32> to vector<16xf32>
        %mul3A_2500 = arith.mulf %get3A_2495, %get3A_2499 : vector<16xf32>
        %add3A_2501 = arith.addf %scan3A_2460, %mul3A_2500 : vector<16xf32>
        scf.yield %add3A_2471, %add3A_2481, %add3A_2491, %add3A_2501 : vector<16xf32>, vector<16xf32>, vector<16xf32>, vector<16xf32>
      }
      %scan3A_683 = arith.constant 26 : i32
      %add3A_684 = arith.addf %scan3A_682#0, %scan3A_682#1 : vector<16xf32>
      %add3A_685 = arith.addf %add3A_684, %scan3A_682#2 : vector<16xf32>
      %add3A_686 = arith.addf %add3A_685, %scan3A_682#3 : vector<16xf32>
      %xor3A_687 = arith.constant 8 : i32
      %xor3A_688 = vector.broadcast %xor3A_687 : i32 to vector<16xi32>
      %xor3A_689 = arith.xori %iota3A, %xor3A_688 : vector<16xi32>
      %lt3A_690 = arith.constant 0 : i32
      %lt3A_691 = vector.broadcast %lt3A_690 : i32 to vector<16xi32>
      %lt3A_692 = arith.cmpi slt, %xor3A_689, %lt3A_691 : vector<16xi32>
      %add3A_693 = arith.constant 16 : i32
      %add3A_694 = vector.broadcast %add3A_693 : i32 to vector<16xi32>
      %add3A_695 = arith.addi %xor3A_689, %add3A_694 : vector<16xi32>
      %select_n3A_696 = arith.select %lt3A_692, %add3A_695, %xor3A_689 : vector<16xi1>, vector<16xi32>
      %broadcast_in_dim3A_697 = vector.shape_cast %select_n3A_696 : vector<16xi32> to vector<16x1xi32>
      %gather3A_698 = vector.shape_cast %broadcast_in_dim3A_697 : vector<16x1xi32> to vector<16xi32>
      %gather3A_699 = tpu.dynamic_gather %add3A_686[%gather3A_698] in [0] : vector<16xf32>, vector<16xi32> -> vector<16xf32>
      %add3A_700 = arith.addf %add3A_686, %gather3A_699 : vector<16xf32>
      %xor3A_701 = arith.constant 4 : i32
      %xor3A_702 = vector.broadcast %xor3A_701 : i32 to vector<16xi32>
      %xor3A_703 = arith.xori %iota3A, %xor3A_702 : vector<16xi32>
      %lt3A_704 = arith.constant 0 : i32
      %lt3A_705 = vector.broadcast %lt3A_704 : i32 to vector<16xi32>
      %lt3A_706 = arith.cmpi slt, %xor3A_703, %lt3A_705 : vector<16xi32>
      %add3A_707 = arith.constant 16 : i32
      %add3A_708 = vector.broadcast %add3A_707 : i32 to vector<16xi32>
      %add3A_709 = arith.addi %xor3A_703, %add3A_708 : vector<16xi32>
      %select_n3A_710 = arith.select %lt3A_706, %add3A_709, %xor3A_703 : vector<16xi1>, vector<16xi32>
      %broadcast_in_dim3A_711 = vector.shape_cast %select_n3A_710 : vector<16xi32> to vector<16x1xi32>
      %gather3A_712 = vector.shape_cast %broadcast_in_dim3A_711 : vector<16x1xi32> to vector<16xi32>
      %gather3A_713 = tpu.dynamic_gather %add3A_700[%gather3A_712] in [0] : vector<16xf32>, vector<16xi32> -> vector<16xf32>
      %add3A_714 = arith.addf %add3A_700, %gather3A_713 : vector<16xf32>
      %xor3A_715 = arith.constant 2 : i32
      %xor3A_716 = vector.broadcast %xor3A_715 : i32 to vector<16xi32>
      %xor3A_717 = arith.xori %iota3A, %xor3A_716 : vector<16xi32>
      %lt3A_718 = arith.constant 0 : i32
      %lt3A_719 = vector.broadcast %lt3A_718 : i32 to vector<16xi32>
      %lt3A_720 = arith.cmpi slt, %xor3A_717, %lt3A_719 : vector<16xi32>
      %add3A_721 = arith.constant 16 : i32
      %add3A_722 = vector.broadcast %add3A_721 : i32 to vector<16xi32>
      %add3A_723 = arith.addi %xor3A_717, %add3A_722 : vector<16xi32>
      %select_n3A_724 = arith.select %lt3A_720, %add3A_723, %xor3A_717 : vector<16xi1>, vector<16xi32>
      %broadcast_in_dim3A_725 = vector.shape_cast %select_n3A_724 : vector<16xi32> to vector<16x1xi32>
      %gather3A_726 = vector.shape_cast %broadcast_in_dim3A_725 : vector<16x1xi32> to vector<16xi32>
      %gather3A_727 = tpu.dynamic_gather %add3A_714[%gather3A_726] in [0] : vector<16xf32>, vector<16xi32> -> vector<16xf32>
      %add3A_728 = arith.addf %add3A_714, %gather3A_727 : vector<16xf32>
      %xor3A_729 = arith.constant 1 : i32
      %xor3A_730 = vector.broadcast %xor3A_729 : i32 to vector<16xi32>
      %xor3A_731 = arith.xori %iota3A, %xor3A_730 : vector<16xi32>
      %lt3A_732 = arith.constant 0 : i32
      %lt3A_733 = vector.broadcast %lt3A_732 : i32 to vector<16xi32>
      %lt3A_734 = arith.cmpi slt, %xor3A_731, %lt3A_733 : vector<16xi32>
      %add3A_735 = arith.constant 16 : i32
      %add3A_736 = vector.broadcast %add3A_735 : i32 to vector<16xi32>
      %add3A_737 = arith.addi %xor3A_731, %add3A_736 : vector<16xi32>
      %select_n3A_738 = arith.select %lt3A_734, %add3A_737, %xor3A_731 : vector<16xi1>, vector<16xi32>
      %broadcast_in_dim3A_739 = vector.shape_cast %select_n3A_738 : vector<16xi32> to vector<16x1xi32>
      %gather3A_740 = vector.shape_cast %broadcast_in_dim3A_739 : vector<16x1xi32> to vector<16xi32>
      %gather3A_741 = tpu.dynamic_gather %add3A_728[%gather3A_740] in [0] : vector<16xf32>, vector<16xi32> -> vector<16xf32>
      %add3A_742 = arith.addf %add3A_728, %gather3A_741 : vector<16xf32>
      %eq3A_743 = arith.constant 8 : i32
      %eq3A_744 = vector.broadcast %eq3A_743 : i32 to vector<16xi32>
      %eq3A_745 = arith.cmpi eq, %iota3A, %eq3A_744 : vector<16xi32>
      %select_n3A_746 = arith.select %eq3A_745, %add3A_742, %select_n3A_675 : vector<16xi1>, vector<16xf32>
      %broadcast_in_dim3A_747 = arith.constant 0.000000e+00 : f32
      %broadcast_in_dim3A_748 = vector.broadcast %broadcast_in_dim3A_747 : f32 to vector<16xf32>
      %scan3A_749 = arith.constant 0 : i32
      %scan3A_750 = arith.constant 26 : i32
      %scan3A_751 = arith.addi %scan3A_749, %scan3A_750 : i32
      %scan3A_752 = arith.constant 1 : i32
      %scan3A_753:4 = scf.for %scan3A_2456 = %scan3A_749 to %scan3A_751 step %scan3A_752 iter_args(%scan3A_2457 = %broadcast_in_dim3A_748, %scan3A_2458 = %broadcast_in_dim3A_748, %scan3A_2459 = %broadcast_in_dim3A_748, %scan3A_2460 = %broadcast_in_dim3A_748) -> (vector<16xf32>, vector<16xf32>, vector<16xf32>, vector<16xf32>)  : i32 {
        %add3A_2461 = arith.constant 234 : i32
        %add3A_2462 = arith.addi %add3A_2461, %scan3A_2456 : i32
        %get3A = arith.index_cast %add3A_2462 : i32 to index
        %get3A_2463 = arith.constant 0 : index
        %get3A_2464 = tpu.vector_load %arg7[%get3A, %get3A_2463] {strides = array<i32>} : memref<416x64xf32, #tpu.memory_space<vmem>>, vector<1x16xf32>,
        %get3A_2465 = vector.shape_cast %get3A_2464 : vector<1x16xf32> to vector<16xf32>
        %get3A_2466 = arith.index_cast %scan3A_2456 : i32 to index
        %get3A_2467 = arith.constant 0 : index
        %get3A_2468 = tpu.vector_load %arg9[%get3A_2466, %get3A_2467] {strides = array<i32>} : memref<26x64xf32, #tpu.memory_space<vmem>>, vector<1x16xf32>,
        %get3A_2469 = vector.shape_cast %get3A_2468 : vector<1x16xf32> to vector<16xf32>
        %mul3A_2470 = arith.mulf %get3A_2465, %get3A_2469 : vector<16xf32>
        %add3A_2471 = arith.addf %scan3A_2457, %mul3A_2470 : vector<16xf32>
        %get3A_2472 = arith.index_cast %add3A_2462 : i32 to index
        %get3A_2473 = arith.constant 16 : index
        %get3A_2474 = tpu.vector_load %arg7[%get3A_2472, %get3A_2473] {strides = array<i32>} : memref<416x64xf32, #tpu.memory_space<vmem>>, vector<1x16xf32>,
        %get3A_2475 = vector.shape_cast %get3A_2474 : vector<1x16xf32> to vector<16xf32>
        %get3A_2476 = arith.index_cast %scan3A_2456 : i32 to index
        %get3A_2477 = arith.constant 16 : index
        %get3A_2478 = tpu.vector_load %arg9[%get3A_2476, %get3A_2477] {strides = array<i32>} : memref<26x64xf32, #tpu.memory_space<vmem>>, vector<1x16xf32>,
        %get3A_2479 = vector.shape_cast %get3A_2478 : vector<1x16xf32> to vector<16xf32>
        %mul3A_2480 = arith.mulf %get3A_2475, %get3A_2479 : vector<16xf32>
        %add3A_2481 = arith.addf %scan3A_2458, %mul3A_2480 : vector<16xf32>
        %get3A_2482 = arith.index_cast %add3A_2462 : i32 to index
        %get3A_2483 = arith.constant 32 : index
        %get3A_2484 = tpu.vector_load %arg7[%get3A_2482, %get3A_2483] {strides = array<i32>} : memref<416x64xf32, #tpu.memory_space<vmem>>, vector<1x16xf32>,
        %get3A_2485 = vector.shape_cast %get3A_2484 : vector<1x16xf32> to vector<16xf32>
        %get3A_2486 = arith.index_cast %scan3A_2456 : i32 to index
        %get3A_2487 = arith.constant 32 : index
        %get3A_2488 = tpu.vector_load %arg9[%get3A_2486, %get3A_2487] {strides = array<i32>} : memref<26x64xf32, #tpu.memory_space<vmem>>, vector<1x16xf32>,
        %get3A_2489 = vector.shape_cast %get3A_2488 : vector<1x16xf32> to vector<16xf32>
        %mul3A_2490 = arith.mulf %get3A_2485, %get3A_2489 : vector<16xf32>
        %add3A_2491 = arith.addf %scan3A_2459, %mul3A_2490 : vector<16xf32>
        %get3A_2492 = arith.index_cast %add3A_2462 : i32 to index
        %get3A_2493 = arith.constant 48 : index
        %get3A_2494 = tpu.vector_load %arg7[%get3A_2492, %get3A_2493] {strides = array<i32>} : memref<416x64xf32, #tpu.memory_space<vmem>>, vector<1x16xf32>,
        %get3A_2495 = vector.shape_cast %get3A_2494 : vector<1x16xf32> to vector<16xf32>
        %get3A_2496 = arith.index_cast %scan3A_2456 : i32 to index
        %get3A_2497 = arith.constant 48 : index
        %get3A_2498 = tpu.vector_load %arg9[%get3A_2496, %get3A_2497] {strides = array<i32>} : memref<26x64xf32, #tpu.memory_space<vmem>>, vector<1x16xf32>,
        %get3A_2499 = vector.shape_cast %get3A_2498 : vector<1x16xf32> to vector<16xf32>
        %mul3A_2500 = arith.mulf %get3A_2495, %get3A_2499 : vector<16xf32>
        %add3A_2501 = arith.addf %scan3A_2460, %mul3A_2500 : vector<16xf32>
        scf.yield %add3A_2471, %add3A_2481, %add3A_2491, %add3A_2501 : vector<16xf32>, vector<16xf32>, vector<16xf32>, vector<16xf32>
      }
      %scan3A_754 = arith.constant 26 : i32
      %add3A_755 = arith.addf %scan3A_753#0, %scan3A_753#1 : vector<16xf32>
      %add3A_756 = arith.addf %add3A_755, %scan3A_753#2 : vector<16xf32>
      %add3A_757 = arith.addf %add3A_756, %scan3A_753#3 : vector<16xf32>
      %xor3A_758 = arith.constant 8 : i32
      %xor3A_759 = vector.broadcast %xor3A_758 : i32 to vector<16xi32>
      %xor3A_760 = arith.xori %iota3A, %xor3A_759 : vector<16xi32>
      %lt3A_761 = arith.constant 0 : i32
      %lt3A_762 = vector.broadcast %lt3A_761 : i32 to vector<16xi32>
      %lt3A_763 = arith.cmpi slt, %xor3A_760, %lt3A_762 : vector<16xi32>
      %add3A_764 = arith.constant 16 : i32
      %add3A_765 = vector.broadcast %add3A_764 : i32 to vector<16xi32>
      %add3A_766 = arith.addi %xor3A_760, %add3A_765 : vector<16xi32>
      %select_n3A_767 = arith.select %lt3A_763, %add3A_766, %xor3A_760 : vector<16xi1>, vector<16xi32>
      %broadcast_in_dim3A_768 = vector.shape_cast %select_n3A_767 : vector<16xi32> to vector<16x1xi32>
      %gather3A_769 = vector.shape_cast %broadcast_in_dim3A_768 : vector<16x1xi32> to vector<16xi32>
      %gather3A_770 = tpu.dynamic_gather %add3A_757[%gather3A_769] in [0] : vector<16xf32>, vector<16xi32> -> vector<16xf32>
      %add3A_771 = arith.addf %add3A_757, %gather3A_770 : vector<16xf32>
      %xor3A_772 = arith.constant 4 : i32
      %xor3A_773 = vector.broadcast %xor3A_772 : i32 to vector<16xi32>
      %xor3A_774 = arith.xori %iota3A, %xor3A_773 : vector<16xi32>
      %lt3A_775 = arith.constant 0 : i32
      %lt3A_776 = vector.broadcast %lt3A_775 : i32 to vector<16xi32>
      %lt3A_777 = arith.cmpi slt, %xor3A_774, %lt3A_776 : vector<16xi32>
      %add3A_778 = arith.constant 16 : i32
      %add3A_779 = vector.broadcast %add3A_778 : i32 to vector<16xi32>
      %add3A_780 = arith.addi %xor3A_774, %add3A_779 : vector<16xi32>
      %select_n3A_781 = arith.select %lt3A_777, %add3A_780, %xor3A_774 : vector<16xi1>, vector<16xi32>
      %broadcast_in_dim3A_782 = vector.shape_cast %select_n3A_781 : vector<16xi32> to vector<16x1xi32>
      %gather3A_783 = vector.shape_cast %broadcast_in_dim3A_782 : vector<16x1xi32> to vector<16xi32>
      %gather3A_784 = tpu.dynamic_gather %add3A_771[%gather3A_783] in [0] : vector<16xf32>, vector<16xi32> -> vector<16xf32>
      %add3A_785 = arith.addf %add3A_771, %gather3A_784 : vector<16xf32>
      %xor3A_786 = arith.constant 2 : i32
      %xor3A_787 = vector.broadcast %xor3A_786 : i32 to vector<16xi32>
      %xor3A_788 = arith.xori %iota3A, %xor3A_787 : vector<16xi32>
      %lt3A_789 = arith.constant 0 : i32
      %lt3A_790 = vector.broadcast %lt3A_789 : i32 to vector<16xi32>
      %lt3A_791 = arith.cmpi slt, %xor3A_788, %lt3A_790 : vector<16xi32>
      %add3A_792 = arith.constant 16 : i32
      %add3A_793 = vector.broadcast %add3A_792 : i32 to vector<16xi32>
      %add3A_794 = arith.addi %xor3A_788, %add3A_793 : vector<16xi32>
      %select_n3A_795 = arith.select %lt3A_791, %add3A_794, %xor3A_788 : vector<16xi1>, vector<16xi32>
      %broadcast_in_dim3A_796 = vector.shape_cast %select_n3A_795 : vector<16xi32> to vector<16x1xi32>
      %gather3A_797 = vector.shape_cast %broadcast_in_dim3A_796 : vector<16x1xi32> to vector<16xi32>
      %gather3A_798 = tpu.dynamic_gather %add3A_785[%gather3A_797] in [0] : vector<16xf32>, vector<16xi32> -> vector<16xf32>
      %add3A_799 = arith.addf %add3A_785, %gather3A_798 : vector<16xf32>
      %xor3A_800 = arith.constant 1 : i32
      %xor3A_801 = vector.broadcast %xor3A_800 : i32 to vector<16xi32>
      %xor3A_802 = arith.xori %iota3A, %xor3A_801 : vector<16xi32>
      %lt3A_803 = arith.constant 0 : i32
      %lt3A_804 = vector.broadcast %lt3A_803 : i32 to vector<16xi32>
      %lt3A_805 = arith.cmpi slt, %xor3A_802, %lt3A_804 : vector<16xi32>
      %add3A_806 = arith.constant 16 : i32
      %add3A_807 = vector.broadcast %add3A_806 : i32 to vector<16xi32>
      %add3A_808 = arith.addi %xor3A_802, %add3A_807 : vector<16xi32>
      %select_n3A_809 = arith.select %lt3A_805, %add3A_808, %xor3A_802 : vector<16xi1>, vector<16xi32>
      %broadcast_in_dim3A_810 = vector.shape_cast %select_n3A_809 : vector<16xi32> to vector<16x1xi32>
      %gather3A_811 = vector.shape_cast %broadcast_in_dim3A_810 : vector<16x1xi32> to vector<16xi32>
      %gather3A_812 = tpu.dynamic_gather %add3A_799[%gather3A_811] in [0] : vector<16xf32>, vector<16xi32> -> vector<16xf32>
      %add3A_813 = arith.addf %add3A_799, %gather3A_812 : vector<16xf32>
      %eq3A_814 = arith.constant 9 : i32
      %eq3A_815 = vector.broadcast %eq3A_814 : i32 to vector<16xi32>
      %eq3A_816 = arith.cmpi eq, %iota3A, %eq3A_815 : vector<16xi32>
      %select_n3A_817 = arith.select %eq3A_816, %add3A_813, %select_n3A_746 : vector<16xi1>, vector<16xf32>
      %broadcast_in_dim3A_818 = arith.constant 0.000000e+00 : f32
      %broadcast_in_dim3A_819 = vector.broadcast %broadcast_in_dim3A_818 : f32 to vector<16xf32>
      %scan3A_820 = arith.constant 0 : i32
      %scan3A_821 = arith.constant 26 : i32
      %scan3A_822 = arith.addi %scan3A_820, %scan3A_821 : i32
      %scan3A_823 = arith.constant 1 : i32
      %scan3A_824:4 = scf.for %scan3A_2456 = %scan3A_820 to %scan3A_822 step %scan3A_823 iter_args(%scan3A_2457 = %broadcast_in_dim3A_819, %scan3A_2458 = %broadcast_in_dim3A_819, %scan3A_2459 = %broadcast_in_dim3A_819, %scan3A_2460 = %broadcast_in_dim3A_819) -> (vector<16xf32>, vector<16xf32>, vector<16xf32>, vector<16xf32>)  : i32 {
        %add3A_2461 = arith.constant 260 : i32
        %add3A_2462 = arith.addi %add3A_2461, %scan3A_2456 : i32
        %get3A = arith.index_cast %add3A_2462 : i32 to index
        %get3A_2463 = arith.constant 0 : index
        %get3A_2464 = tpu.vector_load %arg7[%get3A, %get3A_2463] {strides = array<i32>} : memref<416x64xf32, #tpu.memory_space<vmem>>, vector<1x16xf32>,
        %get3A_2465 = vector.shape_cast %get3A_2464 : vector<1x16xf32> to vector<16xf32>
        %get3A_2466 = arith.index_cast %scan3A_2456 : i32 to index
        %get3A_2467 = arith.constant 0 : index
        %get3A_2468 = tpu.vector_load %arg9[%get3A_2466, %get3A_2467] {strides = array<i32>} : memref<26x64xf32, #tpu.memory_space<vmem>>, vector<1x16xf32>,
        %get3A_2469 = vector.shape_cast %get3A_2468 : vector<1x16xf32> to vector<16xf32>
        %mul3A_2470 = arith.mulf %get3A_2465, %get3A_2469 : vector<16xf32>
        %add3A_2471 = arith.addf %scan3A_2457, %mul3A_2470 : vector<16xf32>
        %get3A_2472 = arith.index_cast %add3A_2462 : i32 to index
        %get3A_2473 = arith.constant 16 : index
        %get3A_2474 = tpu.vector_load %arg7[%get3A_2472, %get3A_2473] {strides = array<i32>} : memref<416x64xf32, #tpu.memory_space<vmem>>, vector<1x16xf32>,
        %get3A_2475 = vector.shape_cast %get3A_2474 : vector<1x16xf32> to vector<16xf32>
        %get3A_2476 = arith.index_cast %scan3A_2456 : i32 to index
        %get3A_2477 = arith.constant 16 : index
        %get3A_2478 = tpu.vector_load %arg9[%get3A_2476, %get3A_2477] {strides = array<i32>} : memref<26x64xf32, #tpu.memory_space<vmem>>, vector<1x16xf32>,
        %get3A_2479 = vector.shape_cast %get3A_2478 : vector<1x16xf32> to vector<16xf32>
        %mul3A_2480 = arith.mulf %get3A_2475, %get3A_2479 : vector<16xf32>
        %add3A_2481 = arith.addf %scan3A_2458, %mul3A_2480 : vector<16xf32>
        %get3A_2482 = arith.index_cast %add3A_2462 : i32 to index
        %get3A_2483 = arith.constant 32 : index
        %get3A_2484 = tpu.vector_load %arg7[%get3A_2482, %get3A_2483] {strides = array<i32>} : memref<416x64xf32, #tpu.memory_space<vmem>>, vector<1x16xf32>,
        %get3A_2485 = vector.shape_cast %get3A_2484 : vector<1x16xf32> to vector<16xf32>
        %get3A_2486 = arith.index_cast %scan3A_2456 : i32 to index
        %get3A_2487 = arith.constant 32 : index
        %get3A_2488 = tpu.vector_load %arg9[%get3A_2486, %get3A_2487] {strides = array<i32>} : memref<26x64xf32, #tpu.memory_space<vmem>>, vector<1x16xf32>,
        %get3A_2489 = vector.shape_cast %get3A_2488 : vector<1x16xf32> to vector<16xf32>
        %mul3A_2490 = arith.mulf %get3A_2485, %get3A_2489 : vector<16xf32>
        %add3A_2491 = arith.addf %scan3A_2459, %mul3A_2490 : vector<16xf32>
        %get3A_2492 = arith.index_cast %add3A_2462 : i32 to index
        %get3A_2493 = arith.constant 48 : index
        %get3A_2494 = tpu.vector_load %arg7[%get3A_2492, %get3A_2493] {strides = array<i32>} : memref<416x64xf32, #tpu.memory_space<vmem>>, vector<1x16xf32>,
        %get3A_2495 = vector.shape_cast %get3A_2494 : vector<1x16xf32> to vector<16xf32>
        %get3A_2496 = arith.index_cast %scan3A_2456 : i32 to index
        %get3A_2497 = arith.constant 48 : index
        %get3A_2498 = tpu.vector_load %arg9[%get3A_2496, %get3A_2497] {strides = array<i32>} : memref<26x64xf32, #tpu.memory_space<vmem>>, vector<1x16xf32>,
        %get3A_2499 = vector.shape_cast %get3A_2498 : vector<1x16xf32> to vector<16xf32>
        %mul3A_2500 = arith.mulf %get3A_2495, %get3A_2499 : vector<16xf32>
        %add3A_2501 = arith.addf %scan3A_2460, %mul3A_2500 : vector<16xf32>
        scf.yield %add3A_2471, %add3A_2481, %add3A_2491, %add3A_2501 : vector<16xf32>, vector<16xf32>, vector<16xf32>, vector<16xf32>
      }
      %scan3A_825 = arith.constant 26 : i32
      %add3A_826 = arith.addf %scan3A_824#0, %scan3A_824#1 : vector<16xf32>
      %add3A_827 = arith.addf %add3A_826, %scan3A_824#2 : vector<16xf32>
      %add3A_828 = arith.addf %add3A_827, %scan3A_824#3 : vector<16xf32>
      %xor3A_829 = arith.constant 8 : i32
      %xor3A_830 = vector.broadcast %xor3A_829 : i32 to vector<16xi32>
      %xor3A_831 = arith.xori %iota3A, %xor3A_830 : vector<16xi32>
      %lt3A_832 = arith.constant 0 : i32
      %lt3A_833 = vector.broadcast %lt3A_832 : i32 to vector<16xi32>
      %lt3A_834 = arith.cmpi slt, %xor3A_831, %lt3A_833 : vector<16xi32>
      %add3A_835 = arith.constant 16 : i32
      %add3A_836 = vector.broadcast %add3A_835 : i32 to vector<16xi32>
      %add3A_837 = arith.addi %xor3A_831, %add3A_836 : vector<16xi32>
      %select_n3A_838 = arith.select %lt3A_834, %add3A_837, %xor3A_831 : vector<16xi1>, vector<16xi32>
      %broadcast_in_dim3A_839 = vector.shape_cast %select_n3A_838 : vector<16xi32> to vector<16x1xi32>
      %gather3A_840 = vector.shape_cast %broadcast_in_dim3A_839 : vector<16x1xi32> to vector<16xi32>
      %gather3A_841 = tpu.dynamic_gather %add3A_828[%gather3A_840] in [0] : vector<16xf32>, vector<16xi32> -> vector<16xf32>
      %add3A_842 = arith.addf %add3A_828, %gather3A_841 : vector<16xf32>
      %xor3A_843 = arith.constant 4 : i32
      %xor3A_844 = vector.broadcast %xor3A_843 : i32 to vector<16xi32>
      %xor3A_845 = arith.xori %iota3A, %xor3A_844 : vector<16xi32>
      %lt3A_846 = arith.constant 0 : i32
      %lt3A_847 = vector.broadcast %lt3A_846 : i32 to vector<16xi32>
      %lt3A_848 = arith.cmpi slt, %xor3A_845, %lt3A_847 : vector<16xi32>
      %add3A_849 = arith.constant 16 : i32
      %add3A_850 = vector.broadcast %add3A_849 : i32 to vector<16xi32>
      %add3A_851 = arith.addi %xor3A_845, %add3A_850 : vector<16xi32>
      %select_n3A_852 = arith.select %lt3A_848, %add3A_851, %xor3A_845 : vector<16xi1>, vector<16xi32>
      %broadcast_in_dim3A_853 = vector.shape_cast %select_n3A_852 : vector<16xi32> to vector<16x1xi32>
      %gather3A_854 = vector.shape_cast %broadcast_in_dim3A_853 : vector<16x1xi32> to vector<16xi32>
      %gather3A_855 = tpu.dynamic_gather %add3A_842[%gather3A_854] in [0] : vector<16xf32>, vector<16xi32> -> vector<16xf32>
      %add3A_856 = arith.addf %add3A_842, %gather3A_855 : vector<16xf32>
      %xor3A_857 = arith.constant 2 : i32
      %xor3A_858 = vector.broadcast %xor3A_857 : i32 to vector<16xi32>
      %xor3A_859 = arith.xori %iota3A, %xor3A_858 : vector<16xi32>
      %lt3A_860 = arith.constant 0 : i32
      %lt3A_861 = vector.broadcast %lt3A_860 : i32 to vector<16xi32>
      %lt3A_862 = arith.cmpi slt, %xor3A_859, %lt3A_861 : vector<16xi32>
      %add3A_863 = arith.constant 16 : i32
      %add3A_864 = vector.broadcast %add3A_863 : i32 to vector<16xi32>
      %add3A_865 = arith.addi %xor3A_859, %add3A_864 : vector<16xi32>
      %select_n3A_866 = arith.select %lt3A_862, %add3A_865, %xor3A_859 : vector<16xi1>, vector<16xi32>
      %broadcast_in_dim3A_867 = vector.shape_cast %select_n3A_866 : vector<16xi32> to vector<16x1xi32>
      %gather3A_868 = vector.shape_cast %broadcast_in_dim3A_867 : vector<16x1xi32> to vector<16xi32>
      %gather3A_869 = tpu.dynamic_gather %add3A_856[%gather3A_868] in [0] : vector<16xf32>, vector<16xi32> -> vector<16xf32>
      %add3A_870 = arith.addf %add3A_856, %gather3A_869 : vector<16xf32>
      %xor3A_871 = arith.constant 1 : i32
      %xor3A_872 = vector.broadcast %xor3A_871 : i32 to vector<16xi32>
      %xor3A_873 = arith.xori %iota3A, %xor3A_872 : vector<16xi32>
      %lt3A_874 = arith.constant 0 : i32
      %lt3A_875 = vector.broadcast %lt3A_874 : i32 to vector<16xi32>
      %lt3A_876 = arith.cmpi slt, %xor3A_873, %lt3A_875 : vector<16xi32>
      %add3A_877 = arith.constant 16 : i32
      %add3A_878 = vector.broadcast %add3A_877 : i32 to vector<16xi32>
      %add3A_879 = arith.addi %xor3A_873, %add3A_878 : vector<16xi32>
      %select_n3A_880 = arith.select %lt3A_876, %add3A_879, %xor3A_873 : vector<16xi1>, vector<16xi32>
      %broadcast_in_dim3A_881 = vector.shape_cast %select_n3A_880 : vector<16xi32> to vector<16x1xi32>
      %gather3A_882 = vector.shape_cast %broadcast_in_dim3A_881 : vector<16x1xi32> to vector<16xi32>
      %gather3A_883 = tpu.dynamic_gather %add3A_870[%gather3A_882] in [0] : vector<16xf32>, vector<16xi32> -> vector<16xf32>
      %add3A_884 = arith.addf %add3A_870, %gather3A_883 : vector<16xf32>
      %eq3A_885 = arith.constant 10 : i32
      %eq3A_886 = vector.broadcast %eq3A_885 : i32 to vector<16xi32>
      %eq3A_887 = arith.cmpi eq, %iota3A, %eq3A_886 : vector<16xi32>
      %select_n3A_888 = arith.select %eq3A_887, %add3A_884, %select_n3A_817 : vector<16xi1>, vector<16xf32>
      %broadcast_in_dim3A_889 = arith.constant 0.000000e+00 : f32
      %broadcast_in_dim3A_890 = vector.broadcast %broadcast_in_dim3A_889 : f32 to vector<16xf32>
      %scan3A_891 = arith.constant 0 : i32
      %scan3A_892 = arith.constant 26 : i32
      %scan3A_893 = arith.addi %scan3A_891, %scan3A_892 : i32
      %scan3A_894 = arith.constant 1 : i32
      %scan3A_895:4 = scf.for %scan3A_2456 = %scan3A_891 to %scan3A_893 step %scan3A_894 iter_args(%scan3A_2457 = %broadcast_in_dim3A_890, %scan3A_2458 = %broadcast_in_dim3A_890, %scan3A_2459 = %broadcast_in_dim3A_890, %scan3A_2460 = %broadcast_in_dim3A_890) -> (vector<16xf32>, vector<16xf32>, vector<16xf32>, vector<16xf32>)  : i32 {
        %add3A_2461 = arith.constant 286 : i32
        %add3A_2462 = arith.addi %add3A_2461, %scan3A_2456 : i32
        %get3A = arith.index_cast %add3A_2462 : i32 to index
        %get3A_2463 = arith.constant 0 : index
        %get3A_2464 = tpu.vector_load %arg7[%get3A, %get3A_2463] {strides = array<i32>} : memref<416x64xf32, #tpu.memory_space<vmem>>, vector<1x16xf32>,
        %get3A_2465 = vector.shape_cast %get3A_2464 : vector<1x16xf32> to vector<16xf32>
        %get3A_2466 = arith.index_cast %scan3A_2456 : i32 to index
        %get3A_2467 = arith.constant 0 : index
        %get3A_2468 = tpu.vector_load %arg9[%get3A_2466, %get3A_2467] {strides = array<i32>} : memref<26x64xf32, #tpu.memory_space<vmem>>, vector<1x16xf32>,
        %get3A_2469 = vector.shape_cast %get3A_2468 : vector<1x16xf32> to vector<16xf32>
        %mul3A_2470 = arith.mulf %get3A_2465, %get3A_2469 : vector<16xf32>
        %add3A_2471 = arith.addf %scan3A_2457, %mul3A_2470 : vector<16xf32>
        %get3A_2472 = arith.index_cast %add3A_2462 : i32 to index
        %get3A_2473 = arith.constant 16 : index
        %get3A_2474 = tpu.vector_load %arg7[%get3A_2472, %get3A_2473] {strides = array<i32>} : memref<416x64xf32, #tpu.memory_space<vmem>>, vector<1x16xf32>,
        %get3A_2475 = vector.shape_cast %get3A_2474 : vector<1x16xf32> to vector<16xf32>
        %get3A_2476 = arith.index_cast %scan3A_2456 : i32 to index
        %get3A_2477 = arith.constant 16 : index
        %get3A_2478 = tpu.vector_load %arg9[%get3A_2476, %get3A_2477] {strides = array<i32>} : memref<26x64xf32, #tpu.memory_space<vmem>>, vector<1x16xf32>,
        %get3A_2479 = vector.shape_cast %get3A_2478 : vector<1x16xf32> to vector<16xf32>
        %mul3A_2480 = arith.mulf %get3A_2475, %get3A_2479 : vector<16xf32>
        %add3A_2481 = arith.addf %scan3A_2458, %mul3A_2480 : vector<16xf32>
        %get3A_2482 = arith.index_cast %add3A_2462 : i32 to index
        %get3A_2483 = arith.constant 32 : index
        %get3A_2484 = tpu.vector_load %arg7[%get3A_2482, %get3A_2483] {strides = array<i32>} : memref<416x64xf32, #tpu.memory_space<vmem>>, vector<1x16xf32>,
        %get3A_2485 = vector.shape_cast %get3A_2484 : vector<1x16xf32> to vector<16xf32>
        %get3A_2486 = arith.index_cast %scan3A_2456 : i32 to index
        %get3A_2487 = arith.constant 32 : index
        %get3A_2488 = tpu.vector_load %arg9[%get3A_2486, %get3A_2487] {strides = array<i32>} : memref<26x64xf32, #tpu.memory_space<vmem>>, vector<1x16xf32>,
        %get3A_2489 = vector.shape_cast %get3A_2488 : vector<1x16xf32> to vector<16xf32>
        %mul3A_2490 = arith.mulf %get3A_2485, %get3A_2489 : vector<16xf32>
        %add3A_2491 = arith.addf %scan3A_2459, %mul3A_2490 : vector<16xf32>
        %get3A_2492 = arith.index_cast %add3A_2462 : i32 to index
        %get3A_2493 = arith.constant 48 : index
        %get3A_2494 = tpu.vector_load %arg7[%get3A_2492, %get3A_2493] {strides = array<i32>} : memref<416x64xf32, #tpu.memory_space<vmem>>, vector<1x16xf32>,
        %get3A_2495 = vector.shape_cast %get3A_2494 : vector<1x16xf32> to vector<16xf32>
        %get3A_2496 = arith.index_cast %scan3A_2456 : i32 to index
        %get3A_2497 = arith.constant 48 : index
        %get3A_2498 = tpu.vector_load %arg9[%get3A_2496, %get3A_2497] {strides = array<i32>} : memref<26x64xf32, #tpu.memory_space<vmem>>, vector<1x16xf32>,
        %get3A_2499 = vector.shape_cast %get3A_2498 : vector<1x16xf32> to vector<16xf32>
        %mul3A_2500 = arith.mulf %get3A_2495, %get3A_2499 : vector<16xf32>
        %add3A_2501 = arith.addf %scan3A_2460, %mul3A_2500 : vector<16xf32>
        scf.yield %add3A_2471, %add3A_2481, %add3A_2491, %add3A_2501 : vector<16xf32>, vector<16xf32>, vector<16xf32>, vector<16xf32>
      }
      %scan3A_896 = arith.constant 26 : i32
      %add3A_897 = arith.addf %scan3A_895#0, %scan3A_895#1 : vector<16xf32>
      %add3A_898 = arith.addf %add3A_897, %scan3A_895#2 : vector<16xf32>
      %add3A_899 = arith.addf %add3A_898, %scan3A_895#3 : vector<16xf32>
      %xor3A_900 = arith.constant 8 : i32
      %xor3A_901 = vector.broadcast %xor3A_900 : i32 to vector<16xi32>
      %xor3A_902 = arith.xori %iota3A, %xor3A_901 : vector<16xi32>
      %lt3A_903 = arith.constant 0 : i32
      %lt3A_904 = vector.broadcast %lt3A_903 : i32 to vector<16xi32>
      %lt3A_905 = arith.cmpi slt, %xor3A_902, %lt3A_904 : vector<16xi32>
      %add3A_906 = arith.constant 16 : i32
      %add3A_907 = vector.broadcast %add3A_906 : i32 to vector<16xi32>
      %add3A_908 = arith.addi %xor3A_902, %add3A_907 : vector<16xi32>
      %select_n3A_909 = arith.select %lt3A_905, %add3A_908, %xor3A_902 : vector<16xi1>, vector<16xi32>
      %broadcast_in_dim3A_910 = vector.shape_cast %select_n3A_909 : vector<16xi32> to vector<16x1xi32>
      %gather3A_911 = vector.shape_cast %broadcast_in_dim3A_910 : vector<16x1xi32> to vector<16xi32>
      %gather3A_912 = tpu.dynamic_gather %add3A_899[%gather3A_911] in [0] : vector<16xf32>, vector<16xi32> -> vector<16xf32>
      %add3A_913 = arith.addf %add3A_899, %gather3A_912 : vector<16xf32>
      %xor3A_914 = arith.constant 4 : i32
      %xor3A_915 = vector.broadcast %xor3A_914 : i32 to vector<16xi32>
      %xor3A_916 = arith.xori %iota3A, %xor3A_915 : vector<16xi32>
      %lt3A_917 = arith.constant 0 : i32
      %lt3A_918 = vector.broadcast %lt3A_917 : i32 to vector<16xi32>
      %lt3A_919 = arith.cmpi slt, %xor3A_916, %lt3A_918 : vector<16xi32>
      %add3A_920 = arith.constant 16 : i32
      %add3A_921 = vector.broadcast %add3A_920 : i32 to vector<16xi32>
      %add3A_922 = arith.addi %xor3A_916, %add3A_921 : vector<16xi32>
      %select_n3A_923 = arith.select %lt3A_919, %add3A_922, %xor3A_916 : vector<16xi1>, vector<16xi32>
      %broadcast_in_dim3A_924 = vector.shape_cast %select_n3A_923 : vector<16xi32> to vector<16x1xi32>
      %gather3A_925 = vector.shape_cast %broadcast_in_dim3A_924 : vector<16x1xi32> to vector<16xi32>
      %gather3A_926 = tpu.dynamic_gather %add3A_913[%gather3A_925] in [0] : vector<16xf32>, vector<16xi32> -> vector<16xf32>
      %add3A_927 = arith.addf %add3A_913, %gather3A_926 : vector<16xf32>
      %xor3A_928 = arith.constant 2 : i32
      %xor3A_929 = vector.broadcast %xor3A_928 : i32 to vector<16xi32>
      %xor3A_930 = arith.xori %iota3A, %xor3A_929 : vector<16xi32>
      %lt3A_931 = arith.constant 0 : i32
      %lt3A_932 = vector.broadcast %lt3A_931 : i32 to vector<16xi32>
      %lt3A_933 = arith.cmpi slt, %xor3A_930, %lt3A_932 : vector<16xi32>
      %add3A_934 = arith.constant 16 : i32
      %add3A_935 = vector.broadcast %add3A_934 : i32 to vector<16xi32>
      %add3A_936 = arith.addi %xor3A_930, %add3A_935 : vector<16xi32>
      %select_n3A_937 = arith.select %lt3A_933, %add3A_936, %xor3A_930 : vector<16xi1>, vector<16xi32>
      %broadcast_in_dim3A_938 = vector.shape_cast %select_n3A_937 : vector<16xi32> to vector<16x1xi32>
      %gather3A_939 = vector.shape_cast %broadcast_in_dim3A_938 : vector<16x1xi32> to vector<16xi32>
      %gather3A_940 = tpu.dynamic_gather %add3A_927[%gather3A_939] in [0] : vector<16xf32>, vector<16xi32> -> vector<16xf32>
      %add3A_941 = arith.addf %add3A_927, %gather3A_940 : vector<16xf32>
      %xor3A_942 = arith.constant 1 : i32
      %xor3A_943 = vector.broadcast %xor3A_942 : i32 to vector<16xi32>
      %xor3A_944 = arith.xori %iota3A, %xor3A_943 : vector<16xi32>
      %lt3A_945 = arith.constant 0 : i32
      %lt3A_946 = vector.broadcast %lt3A_945 : i32 to vector<16xi32>
      %lt3A_947 = arith.cmpi slt, %xor3A_944, %lt3A_946 : vector<16xi32>
      %add3A_948 = arith.constant 16 : i32
      %add3A_949 = vector.broadcast %add3A_948 : i32 to vector<16xi32>
      %add3A_950 = arith.addi %xor3A_944, %add3A_949 : vector<16xi32>
      %select_n3A_951 = arith.select %lt3A_947, %add3A_950, %xor3A_944 : vector<16xi1>, vector<16xi32>
      %broadcast_in_dim3A_952 = vector.shape_cast %select_n3A_951 : vector<16xi32> to vector<16x1xi32>
      %gather3A_953 = vector.shape_cast %broadcast_in_dim3A_952 : vector<16x1xi32> to vector<16xi32>
      %gather3A_954 = tpu.dynamic_gather %add3A_941[%gather3A_953] in [0] : vector<16xf32>, vector<16xi32> -> vector<16xf32>
      %add3A_955 = arith.addf %add3A_941, %gather3A_954 : vector<16xf32>
      %eq3A_956 = arith.constant 11 : i32
      %eq3A_957 = vector.broadcast %eq3A_956 : i32 to vector<16xi32>
      %eq3A_958 = arith.cmpi eq, %iota3A, %eq3A_957 : vector<16xi32>
      %select_n3A_959 = arith.select %eq3A_958, %add3A_955, %select_n3A_888 : vector<16xi1>, vector<16xf32>
      %broadcast_in_dim3A_960 = arith.constant 0.000000e+00 : f32
      %broadcast_in_dim3A_961 = vector.broadcast %broadcast_in_dim3A_960 : f32 to vector<16xf32>
      %scan3A_962 = arith.constant 0 : i32
      %scan3A_963 = arith.constant 26 : i32
      %scan3A_964 = arith.addi %scan3A_962, %scan3A_963 : i32
      %scan3A_965 = arith.constant 1 : i32
      %scan3A_966:4 = scf.for %scan3A_2456 = %scan3A_962 to %scan3A_964 step %scan3A_965 iter_args(%scan3A_2457 = %broadcast_in_dim3A_961, %scan3A_2458 = %broadcast_in_dim3A_961, %scan3A_2459 = %broadcast_in_dim3A_961, %scan3A_2460 = %broadcast_in_dim3A_961) -> (vector<16xf32>, vector<16xf32>, vector<16xf32>, vector<16xf32>)  : i32 {
        %add3A_2461 = arith.constant 312 : i32
        %add3A_2462 = arith.addi %add3A_2461, %scan3A_2456 : i32
        %get3A = arith.index_cast %add3A_2462 : i32 to index
        %get3A_2463 = arith.constant 0 : index
        %get3A_2464 = tpu.vector_load %arg7[%get3A, %get3A_2463] {strides = array<i32>} : memref<416x64xf32, #tpu.memory_space<vmem>>, vector<1x16xf32>,
        %get3A_2465 = vector.shape_cast %get3A_2464 : vector<1x16xf32> to vector<16xf32>
        %get3A_2466 = arith.index_cast %scan3A_2456 : i32 to index
        %get3A_2467 = arith.constant 0 : index
        %get3A_2468 = tpu.vector_load %arg9[%get3A_2466, %get3A_2467] {strides = array<i32>} : memref<26x64xf32, #tpu.memory_space<vmem>>, vector<1x16xf32>,
        %get3A_2469 = vector.shape_cast %get3A_2468 : vector<1x16xf32> to vector<16xf32>
        %mul3A_2470 = arith.mulf %get3A_2465, %get3A_2469 : vector<16xf32>
        %add3A_2471 = arith.addf %scan3A_2457, %mul3A_2470 : vector<16xf32>
        %get3A_2472 = arith.index_cast %add3A_2462 : i32 to index
        %get3A_2473 = arith.constant 16 : index
        %get3A_2474 = tpu.vector_load %arg7[%get3A_2472, %get3A_2473] {strides = array<i32>} : memref<416x64xf32, #tpu.memory_space<vmem>>, vector<1x16xf32>,
        %get3A_2475 = vector.shape_cast %get3A_2474 : vector<1x16xf32> to vector<16xf32>
        %get3A_2476 = arith.index_cast %scan3A_2456 : i32 to index
        %get3A_2477 = arith.constant 16 : index
        %get3A_2478 = tpu.vector_load %arg9[%get3A_2476, %get3A_2477] {strides = array<i32>} : memref<26x64xf32, #tpu.memory_space<vmem>>, vector<1x16xf32>,
        %get3A_2479 = vector.shape_cast %get3A_2478 : vector<1x16xf32> to vector<16xf32>
        %mul3A_2480 = arith.mulf %get3A_2475, %get3A_2479 : vector<16xf32>
        %add3A_2481 = arith.addf %scan3A_2458, %mul3A_2480 : vector<16xf32>
        %get3A_2482 = arith.index_cast %add3A_2462 : i32 to index
        %get3A_2483 = arith.constant 32 : index
        %get3A_2484 = tpu.vector_load %arg7[%get3A_2482, %get3A_2483] {strides = array<i32>} : memref<416x64xf32, #tpu.memory_space<vmem>>, vector<1x16xf32>,
        %get3A_2485 = vector.shape_cast %get3A_2484 : vector<1x16xf32> to vector<16xf32>
        %get3A_2486 = arith.index_cast %scan3A_2456 : i32 to index
        %get3A_2487 = arith.constant 32 : index
        %get3A_2488 = tpu.vector_load %arg9[%get3A_2486, %get3A_2487] {strides = array<i32>} : memref<26x64xf32, #tpu.memory_space<vmem>>, vector<1x16xf32>,
        %get3A_2489 = vector.shape_cast %get3A_2488 : vector<1x16xf32> to vector<16xf32>
        %mul3A_2490 = arith.mulf %get3A_2485, %get3A_2489 : vector<16xf32>
        %add3A_2491 = arith.addf %scan3A_2459, %mul3A_2490 : vector<16xf32>
        %get3A_2492 = arith.index_cast %add3A_2462 : i32 to index
        %get3A_2493 = arith.constant 48 : index
        %get3A_2494 = tpu.vector_load %arg7[%get3A_2492, %get3A_2493] {strides = array<i32>} : memref<416x64xf32, #tpu.memory_space<vmem>>, vector<1x16xf32>,
        %get3A_2495 = vector.shape_cast %get3A_2494 : vector<1x16xf32> to vector<16xf32>
        %get3A_2496 = arith.index_cast %scan3A_2456 : i32 to index
        %get3A_2497 = arith.constant 48 : index
        %get3A_2498 = tpu.vector_load %arg9[%get3A_2496, %get3A_2497] {strides = array<i32>} : memref<26x64xf32, #tpu.memory_space<vmem>>, vector<1x16xf32>,
        %get3A_2499 = vector.shape_cast %get3A_2498 : vector<1x16xf32> to vector<16xf32>
        %mul3A_2500 = arith.mulf %get3A_2495, %get3A_2499 : vector<16xf32>
        %add3A_2501 = arith.addf %scan3A_2460, %mul3A_2500 : vector<16xf32>
        scf.yield %add3A_2471, %add3A_2481, %add3A_2491, %add3A_2501 : vector<16xf32>, vector<16xf32>, vector<16xf32>, vector<16xf32>
      }
      %scan3A_967 = arith.constant 26 : i32
      %add3A_968 = arith.addf %scan3A_966#0, %scan3A_966#1 : vector<16xf32>
      %add3A_969 = arith.addf %add3A_968, %scan3A_966#2 : vector<16xf32>
      %add3A_970 = arith.addf %add3A_969, %scan3A_966#3 : vector<16xf32>
      %xor3A_971 = arith.constant 8 : i32
      %xor3A_972 = vector.broadcast %xor3A_971 : i32 to vector<16xi32>
      %xor3A_973 = arith.xori %iota3A, %xor3A_972 : vector<16xi32>
      %lt3A_974 = arith.constant 0 : i32
      %lt3A_975 = vector.broadcast %lt3A_974 : i32 to vector<16xi32>
      %lt3A_976 = arith.cmpi slt, %xor3A_973, %lt3A_975 : vector<16xi32>
      %add3A_977 = arith.constant 16 : i32
      %add3A_978 = vector.broadcast %add3A_977 : i32 to vector<16xi32>
      %add3A_979 = arith.addi %xor3A_973, %add3A_978 : vector<16xi32>
      %select_n3A_980 = arith.select %lt3A_976, %add3A_979, %xor3A_973 : vector<16xi1>, vector<16xi32>
      %broadcast_in_dim3A_981 = vector.shape_cast %select_n3A_980 : vector<16xi32> to vector<16x1xi32>
      %gather3A_982 = vector.shape_cast %broadcast_in_dim3A_981 : vector<16x1xi32> to vector<16xi32>
      %gather3A_983 = tpu.dynamic_gather %add3A_970[%gather3A_982] in [0] : vector<16xf32>, vector<16xi32> -> vector<16xf32>
      %add3A_984 = arith.addf %add3A_970, %gather3A_983 : vector<16xf32>
      %xor3A_985 = arith.constant 4 : i32
      %xor3A_986 = vector.broadcast %xor3A_985 : i32 to vector<16xi32>
      %xor3A_987 = arith.xori %iota3A, %xor3A_986 : vector<16xi32>
      %lt3A_988 = arith.constant 0 : i32
      %lt3A_989 = vector.broadcast %lt3A_988 : i32 to vector<16xi32>
      %lt3A_990 = arith.cmpi slt, %xor3A_987, %lt3A_989 : vector<16xi32>
      %add3A_991 = arith.constant 16 : i32
      %add3A_992 = vector.broadcast %add3A_991 : i32 to vector<16xi32>
      %add3A_993 = arith.addi %xor3A_987, %add3A_992 : vector<16xi32>
      %select_n3A_994 = arith.select %lt3A_990, %add3A_993, %xor3A_987 : vector<16xi1>, vector<16xi32>
      %broadcast_in_dim3A_995 = vector.shape_cast %select_n3A_994 : vector<16xi32> to vector<16x1xi32>
      %gather3A_996 = vector.shape_cast %broadcast_in_dim3A_995 : vector<16x1xi32> to vector<16xi32>
      %gather3A_997 = tpu.dynamic_gather %add3A_984[%gather3A_996] in [0] : vector<16xf32>, vector<16xi32> -> vector<16xf32>
      %add3A_998 = arith.addf %add3A_984, %gather3A_997 : vector<16xf32>
      %xor3A_999 = arith.constant 2 : i32
      %xor3A_1000 = vector.broadcast %xor3A_999 : i32 to vector<16xi32>
      %xor3A_1001 = arith.xori %iota3A, %xor3A_1000 : vector<16xi32>
      %lt3A_1002 = arith.constant 0 : i32
      %lt3A_1003 = vector.broadcast %lt3A_1002 : i32 to vector<16xi32>
      %lt3A_1004 = arith.cmpi slt, %xor3A_1001, %lt3A_1003 : vector<16xi32>
      %add3A_1005 = arith.constant 16 : i32
      %add3A_1006 = vector.broadcast %add3A_1005 : i32 to vector<16xi32>
      %add3A_1007 = arith.addi %xor3A_1001, %add3A_1006 : vector<16xi32>
      %select_n3A_1008 = arith.select %lt3A_1004, %add3A_1007, %xor3A_1001 : vector<16xi1>, vector<16xi32>
      %broadcast_in_dim3A_1009 = vector.shape_cast %select_n3A_1008 : vector<16xi32> to vector<16x1xi32>
      %gather3A_1010 = vector.shape_cast %broadcast_in_dim3A_1009 : vector<16x1xi32> to vector<16xi32>
      %gather3A_1011 = tpu.dynamic_gather %add3A_998[%gather3A_1010] in [0] : vector<16xf32>, vector<16xi32> -> vector<16xf32>
      %add3A_1012 = arith.addf %add3A_998, %gather3A_1011 : vector<16xf32>
      %xor3A_1013 = arith.constant 1 : i32
      %xor3A_1014 = vector.broadcast %xor3A_1013 : i32 to vector<16xi32>
      %xor3A_1015 = arith.xori %iota3A, %xor3A_1014 : vector<16xi32>
      %lt3A_1016 = arith.constant 0 : i32
      %lt3A_1017 = vector.broadcast %lt3A_1016 : i32 to vector<16xi32>
      %lt3A_1018 = arith.cmpi slt, %xor3A_1015, %lt3A_1017 : vector<16xi32>
      %add3A_1019 = arith.constant 16 : i32
      %add3A_1020 = vector.broadcast %add3A_1019 : i32 to vector<16xi32>
      %add3A_1021 = arith.addi %xor3A_1015, %add3A_1020 : vector<16xi32>
      %select_n3A_1022 = arith.select %lt3A_1018, %add3A_1021, %xor3A_1015 : vector<16xi1>, vector<16xi32>
      %broadcast_in_dim3A_1023 = vector.shape_cast %select_n3A_1022 : vector<16xi32> to vector<16x1xi32>
      %gather3A_1024 = vector.shape_cast %broadcast_in_dim3A_1023 : vector<16x1xi32> to vector<16xi32>
      %gather3A_1025 = tpu.dynamic_gather %add3A_1012[%gather3A_1024] in [0] : vector<16xf32>, vector<16xi32> -> vector<16xf32>
      %add3A_1026 = arith.addf %add3A_1012, %gather3A_1025 : vector<16xf32>
      %eq3A_1027 = arith.constant 12 : i32
      %eq3A_1028 = vector.broadcast %eq3A_1027 : i32 to vector<16xi32>
      %eq3A_1029 = arith.cmpi eq, %iota3A, %eq3A_1028 : vector<16xi32>
      %select_n3A_1030 = arith.select %eq3A_1029, %add3A_1026, %select_n3A_959 : vector<16xi1>, vector<16xf32>
      %broadcast_in_dim3A_1031 = arith.constant 0.000000e+00 : f32
      %broadcast_in_dim3A_1032 = vector.broadcast %broadcast_in_dim3A_1031 : f32 to vector<16xf32>
      %scan3A_1033 = arith.constant 0 : i32
      %scan3A_1034 = arith.constant 26 : i32
      %scan3A_1035 = arith.addi %scan3A_1033, %scan3A_1034 : i32
      %scan3A_1036 = arith.constant 1 : i32
      %scan3A_1037:4 = scf.for %scan3A_2456 = %scan3A_1033 to %scan3A_1035 step %scan3A_1036 iter_args(%scan3A_2457 = %broadcast_in_dim3A_1032, %scan3A_2458 = %broadcast_in_dim3A_1032, %scan3A_2459 = %broadcast_in_dim3A_1032, %scan3A_2460 = %broadcast_in_dim3A_1032) -> (vector<16xf32>, vector<16xf32>, vector<16xf32>, vector<16xf32>)  : i32 {
        %add3A_2461 = arith.constant 338 : i32
        %add3A_2462 = arith.addi %add3A_2461, %scan3A_2456 : i32
        %get3A = arith.index_cast %add3A_2462 : i32 to index
        %get3A_2463 = arith.constant 0 : index
        %get3A_2464 = tpu.vector_load %arg7[%get3A, %get3A_2463] {strides = array<i32>} : memref<416x64xf32, #tpu.memory_space<vmem>>, vector<1x16xf32>,
        %get3A_2465 = vector.shape_cast %get3A_2464 : vector<1x16xf32> to vector<16xf32>
        %get3A_2466 = arith.index_cast %scan3A_2456 : i32 to index
        %get3A_2467 = arith.constant 0 : index
        %get3A_2468 = tpu.vector_load %arg9[%get3A_2466, %get3A_2467] {strides = array<i32>} : memref<26x64xf32, #tpu.memory_space<vmem>>, vector<1x16xf32>,
        %get3A_2469 = vector.shape_cast %get3A_2468 : vector<1x16xf32> to vector<16xf32>
        %mul3A_2470 = arith.mulf %get3A_2465, %get3A_2469 : vector<16xf32>
        %add3A_2471 = arith.addf %scan3A_2457, %mul3A_2470 : vector<16xf32>
        %get3A_2472 = arith.index_cast %add3A_2462 : i32 to index
        %get3A_2473 = arith.constant 16 : index
        %get3A_2474 = tpu.vector_load %arg7[%get3A_2472, %get3A_2473] {strides = array<i32>} : memref<416x64xf32, #tpu.memory_space<vmem>>, vector<1x16xf32>,
        %get3A_2475 = vector.shape_cast %get3A_2474 : vector<1x16xf32> to vector<16xf32>
        %get3A_2476 = arith.index_cast %scan3A_2456 : i32 to index
        %get3A_2477 = arith.constant 16 : index
        %get3A_2478 = tpu.vector_load %arg9[%get3A_2476, %get3A_2477] {strides = array<i32>} : memref<26x64xf32, #tpu.memory_space<vmem>>, vector<1x16xf32>,
        %get3A_2479 = vector.shape_cast %get3A_2478 : vector<1x16xf32> to vector<16xf32>
        %mul3A_2480 = arith.mulf %get3A_2475, %get3A_2479 : vector<16xf32>
        %add3A_2481 = arith.addf %scan3A_2458, %mul3A_2480 : vector<16xf32>
        %get3A_2482 = arith.index_cast %add3A_2462 : i32 to index
        %get3A_2483 = arith.constant 32 : index
        %get3A_2484 = tpu.vector_load %arg7[%get3A_2482, %get3A_2483] {strides = array<i32>} : memref<416x64xf32, #tpu.memory_space<vmem>>, vector<1x16xf32>,
        %get3A_2485 = vector.shape_cast %get3A_2484 : vector<1x16xf32> to vector<16xf32>
        %get3A_2486 = arith.index_cast %scan3A_2456 : i32 to index
        %get3A_2487 = arith.constant 32 : index
        %get3A_2488 = tpu.vector_load %arg9[%get3A_2486, %get3A_2487] {strides = array<i32>} : memref<26x64xf32, #tpu.memory_space<vmem>>, vector<1x16xf32>,
        %get3A_2489 = vector.shape_cast %get3A_2488 : vector<1x16xf32> to vector<16xf32>
        %mul3A_2490 = arith.mulf %get3A_2485, %get3A_2489 : vector<16xf32>
        %add3A_2491 = arith.addf %scan3A_2459, %mul3A_2490 : vector<16xf32>
        %get3A_2492 = arith.index_cast %add3A_2462 : i32 to index
        %get3A_2493 = arith.constant 48 : index
        %get3A_2494 = tpu.vector_load %arg7[%get3A_2492, %get3A_2493] {strides = array<i32>} : memref<416x64xf32, #tpu.memory_space<vmem>>, vector<1x16xf32>,
        %get3A_2495 = vector.shape_cast %get3A_2494 : vector<1x16xf32> to vector<16xf32>
        %get3A_2496 = arith.index_cast %scan3A_2456 : i32 to index
        %get3A_2497 = arith.constant 48 : index
        %get3A_2498 = tpu.vector_load %arg9[%get3A_2496, %get3A_2497] {strides = array<i32>} : memref<26x64xf32, #tpu.memory_space<vmem>>, vector<1x16xf32>,
        %get3A_2499 = vector.shape_cast %get3A_2498 : vector<1x16xf32> to vector<16xf32>
        %mul3A_2500 = arith.mulf %get3A_2495, %get3A_2499 : vector<16xf32>
        %add3A_2501 = arith.addf %scan3A_2460, %mul3A_2500 : vector<16xf32>
        scf.yield %add3A_2471, %add3A_2481, %add3A_2491, %add3A_2501 : vector<16xf32>, vector<16xf32>, vector<16xf32>, vector<16xf32>
      }
      %scan3A_1038 = arith.constant 26 : i32
      %add3A_1039 = arith.addf %scan3A_1037#0, %scan3A_1037#1 : vector<16xf32>
      %add3A_1040 = arith.addf %add3A_1039, %scan3A_1037#2 : vector<16xf32>
      %add3A_1041 = arith.addf %add3A_1040, %scan3A_1037#3 : vector<16xf32>
      %xor3A_1042 = arith.constant 8 : i32
      %xor3A_1043 = vector.broadcast %xor3A_1042 : i32 to vector<16xi32>
      %xor3A_1044 = arith.xori %iota3A, %xor3A_1043 : vector<16xi32>
      %lt3A_1045 = arith.constant 0 : i32
      %lt3A_1046 = vector.broadcast %lt3A_1045 : i32 to vector<16xi32>
      %lt3A_1047 = arith.cmpi slt, %xor3A_1044, %lt3A_1046 : vector<16xi32>
      %add3A_1048 = arith.constant 16 : i32
      %add3A_1049 = vector.broadcast %add3A_1048 : i32 to vector<16xi32>
      %add3A_1050 = arith.addi %xor3A_1044, %add3A_1049 : vector<16xi32>
      %select_n3A_1051 = arith.select %lt3A_1047, %add3A_1050, %xor3A_1044 : vector<16xi1>, vector<16xi32>
      %broadcast_in_dim3A_1052 = vector.shape_cast %select_n3A_1051 : vector<16xi32> to vector<16x1xi32>
      %gather3A_1053 = vector.shape_cast %broadcast_in_dim3A_1052 : vector<16x1xi32> to vector<16xi32>
      %gather3A_1054 = tpu.dynamic_gather %add3A_1041[%gather3A_1053] in [0] : vector<16xf32>, vector<16xi32> -> vector<16xf32>
      %add3A_1055 = arith.addf %add3A_1041, %gather3A_1054 : vector<16xf32>
      %xor3A_1056 = arith.constant 4 : i32
      %xor3A_1057 = vector.broadcast %xor3A_1056 : i32 to vector<16xi32>
      %xor3A_1058 = arith.xori %iota3A, %xor3A_1057 : vector<16xi32>
      %lt3A_1059 = arith.constant 0 : i32
      %lt3A_1060 = vector.broadcast %lt3A_1059 : i32 to vector<16xi32>
      %lt3A_1061 = arith.cmpi slt, %xor3A_1058, %lt3A_1060 : vector<16xi32>
      %add3A_1062 = arith.constant 16 : i32
      %add3A_1063 = vector.broadcast %add3A_1062 : i32 to vector<16xi32>
      %add3A_1064 = arith.addi %xor3A_1058, %add3A_1063 : vector<16xi32>
      %select_n3A_1065 = arith.select %lt3A_1061, %add3A_1064, %xor3A_1058 : vector<16xi1>, vector<16xi32>
      %broadcast_in_dim3A_1066 = vector.shape_cast %select_n3A_1065 : vector<16xi32> to vector<16x1xi32>
      %gather3A_1067 = vector.shape_cast %broadcast_in_dim3A_1066 : vector<16x1xi32> to vector<16xi32>
      %gather3A_1068 = tpu.dynamic_gather %add3A_1055[%gather3A_1067] in [0] : vector<16xf32>, vector<16xi32> -> vector<16xf32>
      %add3A_1069 = arith.addf %add3A_1055, %gather3A_1068 : vector<16xf32>
      %xor3A_1070 = arith.constant 2 : i32
      %xor3A_1071 = vector.broadcast %xor3A_1070 : i32 to vector<16xi32>
      %xor3A_1072 = arith.xori %iota3A, %xor3A_1071 : vector<16xi32>
      %lt3A_1073 = arith.constant 0 : i32
      %lt3A_1074 = vector.broadcast %lt3A_1073 : i32 to vector<16xi32>
      %lt3A_1075 = arith.cmpi slt, %xor3A_1072, %lt3A_1074 : vector<16xi32>
      %add3A_1076 = arith.constant 16 : i32
      %add3A_1077 = vector.broadcast %add3A_1076 : i32 to vector<16xi32>
      %add3A_1078 = arith.addi %xor3A_1072, %add3A_1077 : vector<16xi32>
      %select_n3A_1079 = arith.select %lt3A_1075, %add3A_1078, %xor3A_1072 : vector<16xi1>, vector<16xi32>
      %broadcast_in_dim3A_1080 = vector.shape_cast %select_n3A_1079 : vector<16xi32> to vector<16x1xi32>
      %gather3A_1081 = vector.shape_cast %broadcast_in_dim3A_1080 : vector<16x1xi32> to vector<16xi32>
      %gather3A_1082 = tpu.dynamic_gather %add3A_1069[%gather3A_1081] in [0] : vector<16xf32>, vector<16xi32> -> vector<16xf32>
      %add3A_1083 = arith.addf %add3A_1069, %gather3A_1082 : vector<16xf32>
      %xor3A_1084 = arith.constant 1 : i32
      %xor3A_1085 = vector.broadcast %xor3A_1084 : i32 to vector<16xi32>
      %xor3A_1086 = arith.xori %iota3A, %xor3A_1085 : vector<16xi32>
      %lt3A_1087 = arith.constant 0 : i32
      %lt3A_1088 = vector.broadcast %lt3A_1087 : i32 to vector<16xi32>
      %lt3A_1089 = arith.cmpi slt, %xor3A_1086, %lt3A_1088 : vector<16xi32>
      %add3A_1090 = arith.constant 16 : i32
      %add3A_1091 = vector.broadcast %add3A_1090 : i32 to vector<16xi32>
      %add3A_1092 = arith.addi %xor3A_1086, %add3A_1091 : vector<16xi32>
      %select_n3A_1093 = arith.select %lt3A_1089, %add3A_1092, %xor3A_1086 : vector<16xi1>, vector<16xi32>
      %broadcast_in_dim3A_1094 = vector.shape_cast %select_n3A_1093 : vector<16xi32> to vector<16x1xi32>
      %gather3A_1095 = vector.shape_cast %broadcast_in_dim3A_1094 : vector<16x1xi32> to vector<16xi32>
      %gather3A_1096 = tpu.dynamic_gather %add3A_1083[%gather3A_1095] in [0] : vector<16xf32>, vector<16xi32> -> vector<16xf32>
      %add3A_1097 = arith.addf %add3A_1083, %gather3A_1096 : vector<16xf32>
      %eq3A_1098 = arith.constant 13 : i32
      %eq3A_1099 = vector.broadcast %eq3A_1098 : i32 to vector<16xi32>
      %eq3A_1100 = arith.cmpi eq, %iota3A, %eq3A_1099 : vector<16xi32>
      %select_n3A_1101 = arith.select %eq3A_1100, %add3A_1097, %select_n3A_1030 : vector<16xi1>, vector<16xf32>
      %broadcast_in_dim3A_1102 = arith.constant 0.000000e+00 : f32
      %broadcast_in_dim3A_1103 = vector.broadcast %broadcast_in_dim3A_1102 : f32 to vector<16xf32>
      %scan3A_1104 = arith.constant 0 : i32
      %scan3A_1105 = arith.constant 26 : i32
      %scan3A_1106 = arith.addi %scan3A_1104, %scan3A_1105 : i32
      %scan3A_1107 = arith.constant 1 : i32
      %scan3A_1108:4 = scf.for %scan3A_2456 = %scan3A_1104 to %scan3A_1106 step %scan3A_1107 iter_args(%scan3A_2457 = %broadcast_in_dim3A_1103, %scan3A_2458 = %broadcast_in_dim3A_1103, %scan3A_2459 = %broadcast_in_dim3A_1103, %scan3A_2460 = %broadcast_in_dim3A_1103) -> (vector<16xf32>, vector<16xf32>, vector<16xf32>, vector<16xf32>)  : i32 {
        %add3A_2461 = arith.constant 364 : i32
        %add3A_2462 = arith.addi %add3A_2461, %scan3A_2456 : i32
        %get3A = arith.index_cast %add3A_2462 : i32 to index
        %get3A_2463 = arith.constant 0 : index
        %get3A_2464 = tpu.vector_load %arg7[%get3A, %get3A_2463] {strides = array<i32>} : memref<416x64xf32, #tpu.memory_space<vmem>>, vector<1x16xf32>,
        %get3A_2465 = vector.shape_cast %get3A_2464 : vector<1x16xf32> to vector<16xf32>
        %get3A_2466 = arith.index_cast %scan3A_2456 : i32 to index
        %get3A_2467 = arith.constant 0 : index
        %get3A_2468 = tpu.vector_load %arg9[%get3A_2466, %get3A_2467] {strides = array<i32>} : memref<26x64xf32, #tpu.memory_space<vmem>>, vector<1x16xf32>,
        %get3A_2469 = vector.shape_cast %get3A_2468 : vector<1x16xf32> to vector<16xf32>
        %mul3A_2470 = arith.mulf %get3A_2465, %get3A_2469 : vector<16xf32>
        %add3A_2471 = arith.addf %scan3A_2457, %mul3A_2470 : vector<16xf32>
        %get3A_2472 = arith.index_cast %add3A_2462 : i32 to index
        %get3A_2473 = arith.constant 16 : index
        %get3A_2474 = tpu.vector_load %arg7[%get3A_2472, %get3A_2473] {strides = array<i32>} : memref<416x64xf32, #tpu.memory_space<vmem>>, vector<1x16xf32>,
        %get3A_2475 = vector.shape_cast %get3A_2474 : vector<1x16xf32> to vector<16xf32>
        %get3A_2476 = arith.index_cast %scan3A_2456 : i32 to index
        %get3A_2477 = arith.constant 16 : index
        %get3A_2478 = tpu.vector_load %arg9[%get3A_2476, %get3A_2477] {strides = array<i32>} : memref<26x64xf32, #tpu.memory_space<vmem>>, vector<1x16xf32>,
        %get3A_2479 = vector.shape_cast %get3A_2478 : vector<1x16xf32> to vector<16xf32>
        %mul3A_2480 = arith.mulf %get3A_2475, %get3A_2479 : vector<16xf32>
        %add3A_2481 = arith.addf %scan3A_2458, %mul3A_2480 : vector<16xf32>
        %get3A_2482 = arith.index_cast %add3A_2462 : i32 to index
        %get3A_2483 = arith.constant 32 : index
        %get3A_2484 = tpu.vector_load %arg7[%get3A_2482, %get3A_2483] {strides = array<i32>} : memref<416x64xf32, #tpu.memory_space<vmem>>, vector<1x16xf32>,
        %get3A_2485 = vector.shape_cast %get3A_2484 : vector<1x16xf32> to vector<16xf32>
        %get3A_2486 = arith.index_cast %scan3A_2456 : i32 to index
        %get3A_2487 = arith.constant 32 : index
        %get3A_2488 = tpu.vector_load %arg9[%get3A_2486, %get3A_2487] {strides = array<i32>} : memref<26x64xf32, #tpu.memory_space<vmem>>, vector<1x16xf32>,
        %get3A_2489 = vector.shape_cast %get3A_2488 : vector<1x16xf32> to vector<16xf32>
        %mul3A_2490 = arith.mulf %get3A_2485, %get3A_2489 : vector<16xf32>
        %add3A_2491 = arith.addf %scan3A_2459, %mul3A_2490 : vector<16xf32>
        %get3A_2492 = arith.index_cast %add3A_2462 : i32 to index
        %get3A_2493 = arith.constant 48 : index
        %get3A_2494 = tpu.vector_load %arg7[%get3A_2492, %get3A_2493] {strides = array<i32>} : memref<416x64xf32, #tpu.memory_space<vmem>>, vector<1x16xf32>,
        %get3A_2495 = vector.shape_cast %get3A_2494 : vector<1x16xf32> to vector<16xf32>
        %get3A_2496 = arith.index_cast %scan3A_2456 : i32 to index
        %get3A_2497 = arith.constant 48 : index
        %get3A_2498 = tpu.vector_load %arg9[%get3A_2496, %get3A_2497] {strides = array<i32>} : memref<26x64xf32, #tpu.memory_space<vmem>>, vector<1x16xf32>,
        %get3A_2499 = vector.shape_cast %get3A_2498 : vector<1x16xf32> to vector<16xf32>
        %mul3A_2500 = arith.mulf %get3A_2495, %get3A_2499 : vector<16xf32>
        %add3A_2501 = arith.addf %scan3A_2460, %mul3A_2500 : vector<16xf32>
        scf.yield %add3A_2471, %add3A_2481, %add3A_2491, %add3A_2501 : vector<16xf32>, vector<16xf32>, vector<16xf32>, vector<16xf32>
      }
      %scan3A_1109 = arith.constant 26 : i32
      %add3A_1110 = arith.addf %scan3A_1108#0, %scan3A_1108#1 : vector<16xf32>
      %add3A_1111 = arith.addf %add3A_1110, %scan3A_1108#2 : vector<16xf32>
      %add3A_1112 = arith.addf %add3A_1111, %scan3A_1108#3 : vector<16xf32>
      %xor3A_1113 = arith.constant 8 : i32
      %xor3A_1114 = vector.broadcast %xor3A_1113 : i32 to vector<16xi32>
      %xor3A_1115 = arith.xori %iota3A, %xor3A_1114 : vector<16xi32>
      %lt3A_1116 = arith.constant 0 : i32
      %lt3A_1117 = vector.broadcast %lt3A_1116 : i32 to vector<16xi32>
      %lt3A_1118 = arith.cmpi slt, %xor3A_1115, %lt3A_1117 : vector<16xi32>
      %add3A_1119 = arith.constant 16 : i32
      %add3A_1120 = vector.broadcast %add3A_1119 : i32 to vector<16xi32>
      %add3A_1121 = arith.addi %xor3A_1115, %add3A_1120 : vector<16xi32>
      %select_n3A_1122 = arith.select %lt3A_1118, %add3A_1121, %xor3A_1115 : vector<16xi1>, vector<16xi32>
      %broadcast_in_dim3A_1123 = vector.shape_cast %select_n3A_1122 : vector<16xi32> to vector<16x1xi32>
      %gather3A_1124 = vector.shape_cast %broadcast_in_dim3A_1123 : vector<16x1xi32> to vector<16xi32>
      %gather3A_1125 = tpu.dynamic_gather %add3A_1112[%gather3A_1124] in [0] : vector<16xf32>, vector<16xi32> -> vector<16xf32>
      %add3A_1126 = arith.addf %add3A_1112, %gather3A_1125 : vector<16xf32>
      %xor3A_1127 = arith.constant 4 : i32
      %xor3A_1128 = vector.broadcast %xor3A_1127 : i32 to vector<16xi32>
      %xor3A_1129 = arith.xori %iota3A, %xor3A_1128 : vector<16xi32>
      %lt3A_1130 = arith.constant 0 : i32
      %lt3A_1131 = vector.broadcast %lt3A_1130 : i32 to vector<16xi32>
      %lt3A_1132 = arith.cmpi slt, %xor3A_1129, %lt3A_1131 : vector<16xi32>
      %add3A_1133 = arith.constant 16 : i32
      %add3A_1134 = vector.broadcast %add3A_1133 : i32 to vector<16xi32>
      %add3A_1135 = arith.addi %xor3A_1129, %add3A_1134 : vector<16xi32>
      %select_n3A_1136 = arith.select %lt3A_1132, %add3A_1135, %xor3A_1129 : vector<16xi1>, vector<16xi32>
      %broadcast_in_dim3A_1137 = vector.shape_cast %select_n3A_1136 : vector<16xi32> to vector<16x1xi32>
      %gather3A_1138 = vector.shape_cast %broadcast_in_dim3A_1137 : vector<16x1xi32> to vector<16xi32>
      %gather3A_1139 = tpu.dynamic_gather %add3A_1126[%gather3A_1138] in [0] : vector<16xf32>, vector<16xi32> -> vector<16xf32>
      %add3A_1140 = arith.addf %add3A_1126, %gather3A_1139 : vector<16xf32>
      %xor3A_1141 = arith.constant 2 : i32
      %xor3A_1142 = vector.broadcast %xor3A_1141 : i32 to vector<16xi32>
      %xor3A_1143 = arith.xori %iota3A, %xor3A_1142 : vector<16xi32>
      %lt3A_1144 = arith.constant 0 : i32
      %lt3A_1145 = vector.broadcast %lt3A_1144 : i32 to vector<16xi32>
      %lt3A_1146 = arith.cmpi slt, %xor3A_1143, %lt3A_1145 : vector<16xi32>
      %add3A_1147 = arith.constant 16 : i32
      %add3A_1148 = vector.broadcast %add3A_1147 : i32 to vector<16xi32>
      %add3A_1149 = arith.addi %xor3A_1143, %add3A_1148 : vector<16xi32>
      %select_n3A_1150 = arith.select %lt3A_1146, %add3A_1149, %xor3A_1143 : vector<16xi1>, vector<16xi32>
      %broadcast_in_dim3A_1151 = vector.shape_cast %select_n3A_1150 : vector<16xi32> to vector<16x1xi32>
      %gather3A_1152 = vector.shape_cast %broadcast_in_dim3A_1151 : vector<16x1xi32> to vector<16xi32>
      %gather3A_1153 = tpu.dynamic_gather %add3A_1140[%gather3A_1152] in [0] : vector<16xf32>, vector<16xi32> -> vector<16xf32>
      %add3A_1154 = arith.addf %add3A_1140, %gather3A_1153 : vector<16xf32>
      %xor3A_1155 = arith.constant 1 : i32
      %xor3A_1156 = vector.broadcast %xor3A_1155 : i32 to vector<16xi32>
      %xor3A_1157 = arith.xori %iota3A, %xor3A_1156 : vector<16xi32>
      %lt3A_1158 = arith.constant 0 : i32
      %lt3A_1159 = vector.broadcast %lt3A_1158 : i32 to vector<16xi32>
      %lt3A_1160 = arith.cmpi slt, %xor3A_1157, %lt3A_1159 : vector<16xi32>
      %add3A_1161 = arith.constant 16 : i32
      %add3A_1162 = vector.broadcast %add3A_1161 : i32 to vector<16xi32>
      %add3A_1163 = arith.addi %xor3A_1157, %add3A_1162 : vector<16xi32>
      %select_n3A_1164 = arith.select %lt3A_1160, %add3A_1163, %xor3A_1157 : vector<16xi1>, vector<16xi32>
      %broadcast_in_dim3A_1165 = vector.shape_cast %select_n3A_1164 : vector<16xi32> to vector<16x1xi32>
      %gather3A_1166 = vector.shape_cast %broadcast_in_dim3A_1165 : vector<16x1xi32> to vector<16xi32>
      %gather3A_1167 = tpu.dynamic_gather %add3A_1154[%gather3A_1166] in [0] : vector<16xf32>, vector<16xi32> -> vector<16xf32>
      %add3A_1168 = arith.addf %add3A_1154, %gather3A_1167 : vector<16xf32>
      %eq3A_1169 = arith.constant 14 : i32
      %eq3A_1170 = vector.broadcast %eq3A_1169 : i32 to vector<16xi32>
      %eq3A_1171 = arith.cmpi eq, %iota3A, %eq3A_1170 : vector<16xi32>
      %select_n3A_1172 = arith.select %eq3A_1171, %add3A_1168, %select_n3A_1101 : vector<16xi1>, vector<16xf32>
      %broadcast_in_dim3A_1173 = arith.constant 0.000000e+00 : f32
      %broadcast_in_dim3A_1174 = vector.broadcast %broadcast_in_dim3A_1173 : f32 to vector<16xf32>
      %scan3A_1175 = arith.constant 0 : i32
      %scan3A_1176 = arith.constant 26 : i32
      %scan3A_1177 = arith.addi %scan3A_1175, %scan3A_1176 : i32
      %scan3A_1178 = arith.constant 1 : i32
      %scan3A_1179:4 = scf.for %scan3A_2456 = %scan3A_1175 to %scan3A_1177 step %scan3A_1178 iter_args(%scan3A_2457 = %broadcast_in_dim3A_1174, %scan3A_2458 = %broadcast_in_dim3A_1174, %scan3A_2459 = %broadcast_in_dim3A_1174, %scan3A_2460 = %broadcast_in_dim3A_1174) -> (vector<16xf32>, vector<16xf32>, vector<16xf32>, vector<16xf32>)  : i32 {
        %add3A_2461 = arith.constant 390 : i32
        %add3A_2462 = arith.addi %add3A_2461, %scan3A_2456 : i32
        %get3A = arith.index_cast %add3A_2462 : i32 to index
        %get3A_2463 = arith.constant 0 : index
        %get3A_2464 = tpu.vector_load %arg7[%get3A, %get3A_2463] {strides = array<i32>} : memref<416x64xf32, #tpu.memory_space<vmem>>, vector<1x16xf32>,
        %get3A_2465 = vector.shape_cast %get3A_2464 : vector<1x16xf32> to vector<16xf32>
        %get3A_2466 = arith.index_cast %scan3A_2456 : i32 to index
        %get3A_2467 = arith.constant 0 : index
        %get3A_2468 = tpu.vector_load %arg9[%get3A_2466, %get3A_2467] {strides = array<i32>} : memref<26x64xf32, #tpu.memory_space<vmem>>, vector<1x16xf32>,
        %get3A_2469 = vector.shape_cast %get3A_2468 : vector<1x16xf32> to vector<16xf32>
        %mul3A_2470 = arith.mulf %get3A_2465, %get3A_2469 : vector<16xf32>
        %add3A_2471 = arith.addf %scan3A_2457, %mul3A_2470 : vector<16xf32>
        %get3A_2472 = arith.index_cast %add3A_2462 : i32 to index
        %get3A_2473 = arith.constant 16 : index
        %get3A_2474 = tpu.vector_load %arg7[%get3A_2472, %get3A_2473] {strides = array<i32>} : memref<416x64xf32, #tpu.memory_space<vmem>>, vector<1x16xf32>,
        %get3A_2475 = vector.shape_cast %get3A_2474 : vector<1x16xf32> to vector<16xf32>
        %get3A_2476 = arith.index_cast %scan3A_2456 : i32 to index
        %get3A_2477 = arith.constant 16 : index
        %get3A_2478 = tpu.vector_load %arg9[%get3A_2476, %get3A_2477] {strides = array<i32>} : memref<26x64xf32, #tpu.memory_space<vmem>>, vector<1x16xf32>,
        %get3A_2479 = vector.shape_cast %get3A_2478 : vector<1x16xf32> to vector<16xf32>
        %mul3A_2480 = arith.mulf %get3A_2475, %get3A_2479 : vector<16xf32>
        %add3A_2481 = arith.addf %scan3A_2458, %mul3A_2480 : vector<16xf32>
        %get3A_2482 = arith.index_cast %add3A_2462 : i32 to index
        %get3A_2483 = arith.constant 32 : index
        %get3A_2484 = tpu.vector_load %arg7[%get3A_2482, %get3A_2483] {strides = array<i32>} : memref<416x64xf32, #tpu.memory_space<vmem>>, vector<1x16xf32>,
        %get3A_2485 = vector.shape_cast %get3A_2484 : vector<1x16xf32> to vector<16xf32>
        %get3A_2486 = arith.index_cast %scan3A_2456 : i32 to index
        %get3A_2487 = arith.constant 32 : index
        %get3A_2488 = tpu.vector_load %arg9[%get3A_2486, %get3A_2487] {strides = array<i32>} : memref<26x64xf32, #tpu.memory_space<vmem>>, vector<1x16xf32>,
        %get3A_2489 = vector.shape_cast %get3A_2488 : vector<1x16xf32> to vector<16xf32>
        %mul3A_2490 = arith.mulf %get3A_2485, %get3A_2489 : vector<16xf32>
        %add3A_2491 = arith.addf %scan3A_2459, %mul3A_2490 : vector<16xf32>
        %get3A_2492 = arith.index_cast %add3A_2462 : i32 to index
        %get3A_2493 = arith.constant 48 : index
        %get3A_2494 = tpu.vector_load %arg7[%get3A_2492, %get3A_2493] {strides = array<i32>} : memref<416x64xf32, #tpu.memory_space<vmem>>, vector<1x16xf32>,
        %get3A_2495 = vector.shape_cast %get3A_2494 : vector<1x16xf32> to vector<16xf32>
        %get3A_2496 = arith.index_cast %scan3A_2456 : i32 to index
        %get3A_2497 = arith.constant 48 : index
        %get3A_2498 = tpu.vector_load %arg9[%get3A_2496, %get3A_2497] {strides = array<i32>} : memref<26x64xf32, #tpu.memory_space<vmem>>, vector<1x16xf32>,
        %get3A_2499 = vector.shape_cast %get3A_2498 : vector<1x16xf32> to vector<16xf32>
        %mul3A_2500 = arith.mulf %get3A_2495, %get3A_2499 : vector<16xf32>
        %add3A_2501 = arith.addf %scan3A_2460, %mul3A_2500 : vector<16xf32>
        scf.yield %add3A_2471, %add3A_2481, %add3A_2491, %add3A_2501 : vector<16xf32>, vector<16xf32>, vector<16xf32>, vector<16xf32>
      }
      %scan3A_1180 = arith.constant 26 : i32
      %add3A_1181 = arith.addf %scan3A_1179#0, %scan3A_1179#1 : vector<16xf32>
      %add3A_1182 = arith.addf %add3A_1181, %scan3A_1179#2 : vector<16xf32>
      %add3A_1183 = arith.addf %add3A_1182, %scan3A_1179#3 : vector<16xf32>
      %xor3A_1184 = arith.constant 8 : i32
      %xor3A_1185 = vector.broadcast %xor3A_1184 : i32 to vector<16xi32>
      %xor3A_1186 = arith.xori %iota3A, %xor3A_1185 : vector<16xi32>
      %lt3A_1187 = arith.constant 0 : i32
      %lt3A_1188 = vector.broadcast %lt3A_1187 : i32 to vector<16xi32>
      %lt3A_1189 = arith.cmpi slt, %xor3A_1186, %lt3A_1188 : vector<16xi32>
      %add3A_1190 = arith.constant 16 : i32
      %add3A_1191 = vector.broadcast %add3A_1190 : i32 to vector<16xi32>
      %add3A_1192 = arith.addi %xor3A_1186, %add3A_1191 : vector<16xi32>
      %select_n3A_1193 = arith.select %lt3A_1189, %add3A_1192, %xor3A_1186 : vector<16xi1>, vector<16xi32>
      %broadcast_in_dim3A_1194 = vector.shape_cast %select_n3A_1193 : vector<16xi32> to vector<16x1xi32>
      %gather3A_1195 = vector.shape_cast %broadcast_in_dim3A_1194 : vector<16x1xi32> to vector<16xi32>
      %gather3A_1196 = tpu.dynamic_gather %add3A_1183[%gather3A_1195] in [0] : vector<16xf32>, vector<16xi32> -> vector<16xf32>
      %add3A_1197 = arith.addf %add3A_1183, %gather3A_1196 : vector<16xf32>
      %xor3A_1198 = arith.constant 4 : i32
      %xor3A_1199 = vector.broadcast %xor3A_1198 : i32 to vector<16xi32>
      %xor3A_1200 = arith.xori %iota3A, %xor3A_1199 : vector<16xi32>
      %lt3A_1201 = arith.constant 0 : i32
      %lt3A_1202 = vector.broadcast %lt3A_1201 : i32 to vector<16xi32>
      %lt3A_1203 = arith.cmpi slt, %xor3A_1200, %lt3A_1202 : vector<16xi32>
      %add3A_1204 = arith.constant 16 : i32
      %add3A_1205 = vector.broadcast %add3A_1204 : i32 to vector<16xi32>
      %add3A_1206 = arith.addi %xor3A_1200, %add3A_1205 : vector<16xi32>
      %select_n3A_1207 = arith.select %lt3A_1203, %add3A_1206, %xor3A_1200 : vector<16xi1>, vector<16xi32>
      %broadcast_in_dim3A_1208 = vector.shape_cast %select_n3A_1207 : vector<16xi32> to vector<16x1xi32>
      %gather3A_1209 = vector.shape_cast %broadcast_in_dim3A_1208 : vector<16x1xi32> to vector<16xi32>
      %gather3A_1210 = tpu.dynamic_gather %add3A_1197[%gather3A_1209] in [0] : vector<16xf32>, vector<16xi32> -> vector<16xf32>
      %add3A_1211 = arith.addf %add3A_1197, %gather3A_1210 : vector<16xf32>
      %xor3A_1212 = arith.constant 2 : i32
      %xor3A_1213 = vector.broadcast %xor3A_1212 : i32 to vector<16xi32>
      %xor3A_1214 = arith.xori %iota3A, %xor3A_1213 : vector<16xi32>
      %lt3A_1215 = arith.constant 0 : i32
      %lt3A_1216 = vector.broadcast %lt3A_1215 : i32 to vector<16xi32>
      %lt3A_1217 = arith.cmpi slt, %xor3A_1214, %lt3A_1216 : vector<16xi32>
      %add3A_1218 = arith.constant 16 : i32
      %add3A_1219 = vector.broadcast %add3A_1218 : i32 to vector<16xi32>
      %add3A_1220 = arith.addi %xor3A_1214, %add3A_1219 : vector<16xi32>
      %select_n3A_1221 = arith.select %lt3A_1217, %add3A_1220, %xor3A_1214 : vector<16xi1>, vector<16xi32>
      %broadcast_in_dim3A_1222 = vector.shape_cast %select_n3A_1221 : vector<16xi32> to vector<16x1xi32>
      %gather3A_1223 = vector.shape_cast %broadcast_in_dim3A_1222 : vector<16x1xi32> to vector<16xi32>
      %gather3A_1224 = tpu.dynamic_gather %add3A_1211[%gather3A_1223] in [0] : vector<16xf32>, vector<16xi32> -> vector<16xf32>
      %add3A_1225 = arith.addf %add3A_1211, %gather3A_1224 : vector<16xf32>
      %xor3A_1226 = arith.constant 1 : i32
      %xor3A_1227 = vector.broadcast %xor3A_1226 : i32 to vector<16xi32>
      %xor3A_1228 = arith.xori %iota3A, %xor3A_1227 : vector<16xi32>
      %lt3A_1229 = arith.constant 0 : i32
      %lt3A_1230 = vector.broadcast %lt3A_1229 : i32 to vector<16xi32>
      %lt3A_1231 = arith.cmpi slt, %xor3A_1228, %lt3A_1230 : vector<16xi32>
      %add3A_1232 = arith.constant 16 : i32
      %add3A_1233 = vector.broadcast %add3A_1232 : i32 to vector<16xi32>
      %add3A_1234 = arith.addi %xor3A_1228, %add3A_1233 : vector<16xi32>
      %select_n3A_1235 = arith.select %lt3A_1231, %add3A_1234, %xor3A_1228 : vector<16xi1>, vector<16xi32>
      %broadcast_in_dim3A_1236 = vector.shape_cast %select_n3A_1235 : vector<16xi32> to vector<16x1xi32>
      %gather3A_1237 = vector.shape_cast %broadcast_in_dim3A_1236 : vector<16x1xi32> to vector<16xi32>
      %gather3A_1238 = tpu.dynamic_gather %add3A_1225[%gather3A_1237] in [0] : vector<16xf32>, vector<16xi32> -> vector<16xf32>
      %add3A_1239 = arith.addf %add3A_1225, %gather3A_1238 : vector<16xf32>
      %eq3A_1240 = arith.constant 15 : i32
      %eq3A_1241 = vector.broadcast %eq3A_1240 : i32 to vector<16xi32>
      %eq3A_1242 = arith.cmpi eq, %iota3A, %eq3A_1241 : vector<16xi32>
      %select_n3A_1243 = arith.select %eq3A_1242, %add3A_1239, %select_n3A_1172 : vector<16xi1>, vector<16xf32>
      %mul3A_1244 = arith.constant 16 : i32
      %mul3A_1245 = arith.muli %add3A_55, %mul3A_1244 : i32
      %swap3A = arith.index_cast %mul3A_1245 : i32 to index
      %swap3A_1246 = tpu.vector_load %arg10[%swap3A] {strides = array<i32>} : memref<512xf32, #tpu.memory_space<vmem>>, vector<16xf32>,
      %swap3A_1247 = vector.shape_cast %swap3A_1246 : vector<16xf32> to vector<16xf32>
      %swap3A_1248 = vector.shape_cast %select_n3A_1243 : vector<16xf32> to vector<16xf32>
      tpu.vector_store %arg10[%swap3A], %swap3A_1248 {strides = array<i32>} : memref<512xf32, #tpu.memory_space<vmem>>, vector<16xf32>,
      %mul3A_1249 = arith.constant 2 : i32
      %mul3A_1250 = arith.muli %scan3A_51, %mul3A_1249 : i32
      %add3A_1251 = arith.constant 1 : i32
      %add3A_1252 = arith.addi %mul3A_1250, %add3A_1251 : i32
      %add3A_1253 = arith.constant 1 : i32
      %add3A_1254 = arith.addi %add3A_1252, %add3A_1253 : i32
      %lt3A_1255 = arith.constant 32 : i32
      %lt3A_1256 = arith.cmpi slt, %add3A_1254, %lt3A_1255 : i32
      %convert_element_type3A_1257 = arith.extui %lt3A_1256 : i1 to i32
      %cond3A_1258 = arith.constant 0 : i32
      %cond3A_1259 = arith.cmpi ne, %convert_element_type3A_1257, %cond3A_1258 : i32
      scf.if %cond3A_1259 {
        %mul3A_2456 = arith.constant 4 : i32
        %mul3A_2457 = arith.muli %add3A_1254, %mul3A_2456 : i32
        %add3A_2458 = arith.constant 0 : i32
        %add3A_2459 = arith.addi %mul3A_2457, %add3A_2458 : i32
        %dma_start3A_2460 = arith.constant 0 : i32
        %dma_start3A_2461 = arith.constant 0 : i32
        %dma_start3A_2462 = tpu.memref_slice %arg7[%dma_start3A_2460, %dma_start3A_2461] : memref<416x64xf32, #tpu.memory_space<vmem>> -> memref<104x64xf32, #tpu.memory_space<vmem>>
        %dma_start3A_2463 = arith.constant 0 : i32
        %dma_start3A_2464 = tpu.memref_slice %arg6[%add3A_2459, %dma_start3A_2463] : memref<128x104xi32, #tpu.memory_space<vmem>> -> memref<1x104xi32, #tpu.memory_space<vmem>>
        %dma_start3A_2465 = tpu.memref_squeeze %dma_start3A_2464 : memref<1x104xi32, #tpu.memory_space<vmem>> -> memref<104xi32, #tpu.memory_space<vmem>>
        %dma_start3A_2466 = arith.constant 0 : i32
        %dma_start3A_2467 = arith.constant 0 : i32
        %dma_start3A_2468 = tpu.memref_slice %arg3[%dma_start3A_2466, %dma_start3A_2467] : memref<1000000x64xf32, #tpu.memory_space<hbm>> -> memref<1000000x64xf32, #tpu.memory_space<hbm>>
        tpu.enqueue_indirect_dma source(%dma_start3A_2468 : memref<1000000x64xf32, #tpu.memory_space<hbm>>) target(%dma_start3A_2462 : memref<104x64xf32, #tpu.memory_space<vmem>>) offsets(%dma_start3A_2465 : memref<104xi32, #tpu.memory_space<vmem>>) semaphore(%arg11 : memref<!tpu.dma_semaphore, #tpu.memory_space<semaphore_mem>>)
        %mul3A_2469 = arith.constant 4 : i32
        %mul3A_2470 = arith.muli %add3A_1254, %mul3A_2469 : i32
        %add3A_2471 = arith.constant 1 : i32
        %add3A_2472 = arith.addi %mul3A_2470, %add3A_2471 : i32
        %dma_start3A_2473 = arith.constant 104 : i32
        %dma_start3A_2474 = arith.constant 0 : i32
        %dma_start3A_2475 = tpu.memref_slice %arg7[%dma_start3A_2473, %dma_start3A_2474] : memref<416x64xf32, #tpu.memory_space<vmem>> -> memref<104x64xf32, #tpu.memory_space<vmem>>
        %dma_start3A_2476 = arith.constant 0 : i32
        %dma_start3A_2477 = tpu.memref_slice %arg6[%add3A_2472, %dma_start3A_2476] : memref<128x104xi32, #tpu.memory_space<vmem>> -> memref<1x104xi32, #tpu.memory_space<vmem>>
        %dma_start3A_2478 = tpu.memref_squeeze %dma_start3A_2477 : memref<1x104xi32, #tpu.memory_space<vmem>> -> memref<104xi32, #tpu.memory_space<vmem>>
        %dma_start3A_2479 = arith.constant 0 : i32
        %dma_start3A_2480 = arith.constant 0 : i32
        %dma_start3A_2481 = tpu.memref_slice %arg3[%dma_start3A_2479, %dma_start3A_2480] : memref<1000000x64xf32, #tpu.memory_space<hbm>> -> memref<1000000x64xf32, #tpu.memory_space<hbm>>
        tpu.enqueue_indirect_dma source(%dma_start3A_2481 : memref<1000000x64xf32, #tpu.memory_space<hbm>>) target(%dma_start3A_2475 : memref<104x64xf32, #tpu.memory_space<vmem>>) offsets(%dma_start3A_2478 : memref<104xi32, #tpu.memory_space<vmem>>) semaphore(%arg11 : memref<!tpu.dma_semaphore, #tpu.memory_space<semaphore_mem>>)
        %mul3A_2482 = arith.constant 4 : i32
        %mul3A_2483 = arith.muli %add3A_1254, %mul3A_2482 : i32
        %add3A_2484 = arith.constant 2 : i32
        %add3A_2485 = arith.addi %mul3A_2483, %add3A_2484 : i32
        %dma_start3A_2486 = arith.constant 208 : i32
        %dma_start3A_2487 = arith.constant 0 : i32
        %dma_start3A_2488 = tpu.memref_slice %arg7[%dma_start3A_2486, %dma_start3A_2487] : memref<416x64xf32, #tpu.memory_space<vmem>> -> memref<104x64xf32, #tpu.memory_space<vmem>>
        %dma_start3A_2489 = arith.constant 0 : i32
        %dma_start3A_2490 = tpu.memref_slice %arg6[%add3A_2485, %dma_start3A_2489] : memref<128x104xi32, #tpu.memory_space<vmem>> -> memref<1x104xi32, #tpu.memory_space<vmem>>
        %dma_start3A_2491 = tpu.memref_squeeze %dma_start3A_2490 : memref<1x104xi32, #tpu.memory_space<vmem>> -> memref<104xi32, #tpu.memory_space<vmem>>
        %dma_start3A_2492 = arith.constant 0 : i32
        %dma_start3A_2493 = arith.constant 0 : i32
        %dma_start3A_2494 = tpu.memref_slice %arg3[%dma_start3A_2492, %dma_start3A_2493] : memref<1000000x64xf32, #tpu.memory_space<hbm>> -> memref<1000000x64xf32, #tpu.memory_space<hbm>>
        tpu.enqueue_indirect_dma source(%dma_start3A_2494 : memref<1000000x64xf32, #tpu.memory_space<hbm>>) target(%dma_start3A_2488 : memref<104x64xf32, #tpu.memory_space<vmem>>) offsets(%dma_start3A_2491 : memref<104xi32, #tpu.memory_space<vmem>>) semaphore(%arg11 : memref<!tpu.dma_semaphore, #tpu.memory_space<semaphore_mem>>)
        %mul3A_2495 = arith.constant 4 : i32
        %mul3A_2496 = arith.muli %add3A_1254, %mul3A_2495 : i32
        %add3A_2497 = arith.constant 3 : i32
        %add3A_2498 = arith.addi %mul3A_2496, %add3A_2497 : i32
        %dma_start3A_2499 = arith.constant 312 : i32
        %dma_start3A_2500 = arith.constant 0 : i32
        %dma_start3A_2501 = tpu.memref_slice %arg7[%dma_start3A_2499, %dma_start3A_2500] : memref<416x64xf32, #tpu.memory_space<vmem>> -> memref<104x64xf32, #tpu.memory_space<vmem>>
        %dma_start3A_2502 = arith.constant 0 : i32
        %dma_start3A_2503 = tpu.memref_slice %arg6[%add3A_2498, %dma_start3A_2502] : memref<128x104xi32, #tpu.memory_space<vmem>> -> memref<1x104xi32, #tpu.memory_space<vmem>>
        %dma_start3A_2504 = tpu.memref_squeeze %dma_start3A_2503 : memref<1x104xi32, #tpu.memory_space<vmem>> -> memref<104xi32, #tpu.memory_space<vmem>>
        %dma_start3A_2505 = arith.constant 0 : i32
        %dma_start3A_2506 = arith.constant 0 : i32
        %dma_start3A_2507 = tpu.memref_slice %arg3[%dma_start3A_2505, %dma_start3A_2506] : memref<1000000x64xf32, #tpu.memory_space<hbm>> -> memref<1000000x64xf32, #tpu.memory_space<hbm>>
        tpu.enqueue_indirect_dma source(%dma_start3A_2507 : memref<1000000x64xf32, #tpu.memory_space<hbm>>) target(%dma_start3A_2501 : memref<104x64xf32, #tpu.memory_space<vmem>>) offsets(%dma_start3A_2504 : memref<104xi32, #tpu.memory_space<vmem>>) semaphore(%arg11 : memref<!tpu.dma_semaphore, #tpu.memory_space<semaphore_mem>>)
      } else {
      }
      %mul3A_1260 = arith.constant 4 : i32
      %mul3A_1261 = arith.muli %add3A_1252, %mul3A_1260 : i32
      %add3A_1262 = arith.constant 0 : i32
      %add3A_1263 = arith.addi %mul3A_1261, %add3A_1262 : i32
      %dma_wait3A_1264 = arith.constant 0 : i32
      %dma_wait3A_1265 = arith.constant 0 : i32
      %dma_wait3A_1266 = tpu.memref_slice %arg8[%dma_wait3A_1264, %dma_wait3A_1265] : memref<416x64xf32, #tpu.memory_space<vmem>> -> memref<104x64xf32, #tpu.memory_space<vmem>>
      %dma_wait3A_1267 = arith.constant 0 : i32
      %dma_wait3A_1268 = tpu.memref_slice %arg6[%add3A_1263, %dma_wait3A_1267] : memref<128x104xi32, #tpu.memory_space<vmem>> -> memref<1x104xi32, #tpu.memory_space<vmem>>
      %dma_wait3A_1269 = tpu.memref_squeeze %dma_wait3A_1268 : memref<1x104xi32, #tpu.memory_space<vmem>> -> memref<104xi32, #tpu.memory_space<vmem>>
      %dma_wait3A_1270 = arith.constant 0 : i32
      %dma_wait3A_1271 = arith.constant 0 : i32
      %dma_wait3A_1272 = tpu.memref_slice %arg3[%dma_wait3A_1270, %dma_wait3A_1271] : memref<1000000x64xf32, #tpu.memory_space<hbm>> -> memref<1000000x64xf32, #tpu.memory_space<hbm>>
      tpu.wait_indirect_dma semaphore(%arg12 : memref<!tpu.dma_semaphore, #tpu.memory_space<semaphore_mem>>) src(%dma_wait3A_1272 : memref<1000000x64xf32, #tpu.memory_space<hbm>>) dst(%dma_wait3A_1266 : memref<104x64xf32, #tpu.memory_space<vmem>>)
      %mul3A_1273 = arith.constant 4 : i32
      %mul3A_1274 = arith.muli %add3A_1252, %mul3A_1273 : i32
      %add3A_1275 = arith.constant 1 : i32
      %add3A_1276 = arith.addi %mul3A_1274, %add3A_1275 : i32
      %dma_wait3A_1277 = arith.constant 104 : i32
      %dma_wait3A_1278 = arith.constant 0 : i32
      %dma_wait3A_1279 = tpu.memref_slice %arg8[%dma_wait3A_1277, %dma_wait3A_1278] : memref<416x64xf32, #tpu.memory_space<vmem>> -> memref<104x64xf32, #tpu.memory_space<vmem>>
      %dma_wait3A_1280 = arith.constant 0 : i32
      %dma_wait3A_1281 = tpu.memref_slice %arg6[%add3A_1276, %dma_wait3A_1280] : memref<128x104xi32, #tpu.memory_space<vmem>> -> memref<1x104xi32, #tpu.memory_space<vmem>>
      %dma_wait3A_1282 = tpu.memref_squeeze %dma_wait3A_1281 : memref<1x104xi32, #tpu.memory_space<vmem>> -> memref<104xi32, #tpu.memory_space<vmem>>
      %dma_wait3A_1283 = arith.constant 0 : i32
      %dma_wait3A_1284 = arith.constant 0 : i32
      %dma_wait3A_1285 = tpu.memref_slice %arg3[%dma_wait3A_1283, %dma_wait3A_1284] : memref<1000000x64xf32, #tpu.memory_space<hbm>> -> memref<1000000x64xf32, #tpu.memory_space<hbm>>
      tpu.wait_indirect_dma semaphore(%arg12 : memref<!tpu.dma_semaphore, #tpu.memory_space<semaphore_mem>>) src(%dma_wait3A_1285 : memref<1000000x64xf32, #tpu.memory_space<hbm>>) dst(%dma_wait3A_1279 : memref<104x64xf32, #tpu.memory_space<vmem>>)
      %mul3A_1286 = arith.constant 4 : i32
      %mul3A_1287 = arith.muli %add3A_1252, %mul3A_1286 : i32
      %add3A_1288 = arith.constant 2 : i32
      %add3A_1289 = arith.addi %mul3A_1287, %add3A_1288 : i32
      %dma_wait3A_1290 = arith.constant 208 : i32
      %dma_wait3A_1291 = arith.constant 0 : i32
      %dma_wait3A_1292 = tpu.memref_slice %arg8[%dma_wait3A_1290, %dma_wait3A_1291] : memref<416x64xf32, #tpu.memory_space<vmem>> -> memref<104x64xf32, #tpu.memory_space<vmem>>
      %dma_wait3A_1293 = arith.constant 0 : i32
      %dma_wait3A_1294 = tpu.memref_slice %arg6[%add3A_1289, %dma_wait3A_1293] : memref<128x104xi32, #tpu.memory_space<vmem>> -> memref<1x104xi32, #tpu.memory_space<vmem>>
      %dma_wait3A_1295 = tpu.memref_squeeze %dma_wait3A_1294 : memref<1x104xi32, #tpu.memory_space<vmem>> -> memref<104xi32, #tpu.memory_space<vmem>>
      %dma_wait3A_1296 = arith.constant 0 : i32
      %dma_wait3A_1297 = arith.constant 0 : i32
      %dma_wait3A_1298 = tpu.memref_slice %arg3[%dma_wait3A_1296, %dma_wait3A_1297] : memref<1000000x64xf32, #tpu.memory_space<hbm>> -> memref<1000000x64xf32, #tpu.memory_space<hbm>>
      tpu.wait_indirect_dma semaphore(%arg12 : memref<!tpu.dma_semaphore, #tpu.memory_space<semaphore_mem>>) src(%dma_wait3A_1298 : memref<1000000x64xf32, #tpu.memory_space<hbm>>) dst(%dma_wait3A_1292 : memref<104x64xf32, #tpu.memory_space<vmem>>)
      %mul3A_1299 = arith.constant 4 : i32
      %mul3A_1300 = arith.muli %add3A_1252, %mul3A_1299 : i32
      %add3A_1301 = arith.constant 3 : i32
      %add3A_1302 = arith.addi %mul3A_1300, %add3A_1301 : i32
      %dma_wait3A_1303 = arith.constant 312 : i32
      %dma_wait3A_1304 = arith.constant 0 : i32
      %dma_wait3A_1305 = tpu.memref_slice %arg8[%dma_wait3A_1303, %dma_wait3A_1304] : memref<416x64xf32, #tpu.memory_space<vmem>> -> memref<104x64xf32, #tpu.memory_space<vmem>>
      %dma_wait3A_1306 = arith.constant 0 : i32
      %dma_wait3A_1307 = tpu.memref_slice %arg6[%add3A_1302, %dma_wait3A_1306] : memref<128x104xi32, #tpu.memory_space<vmem>> -> memref<1x104xi32, #tpu.memory_space<vmem>>
      %dma_wait3A_1308 = tpu.memref_squeeze %dma_wait3A_1307 : memref<1x104xi32, #tpu.memory_space<vmem>> -> memref<104xi32, #tpu.memory_space<vmem>>
      %dma_wait3A_1309 = arith.constant 0 : i32
      %dma_wait3A_1310 = arith.constant 0 : i32
      %dma_wait3A_1311 = tpu.memref_slice %arg3[%dma_wait3A_1309, %dma_wait3A_1310] : memref<1000000x64xf32, #tpu.memory_space<hbm>> -> memref<1000000x64xf32, #tpu.memory_space<hbm>>
      tpu.wait_indirect_dma semaphore(%arg12 : memref<!tpu.dma_semaphore, #tpu.memory_space<semaphore_mem>>) src(%dma_wait3A_1311 : memref<1000000x64xf32, #tpu.memory_space<hbm>>) dst(%dma_wait3A_1305 : memref<104x64xf32, #tpu.memory_space<vmem>>)
      %broadcast_in_dim3A_1312 = arith.constant 0.000000e+00 : f32
      %broadcast_in_dim3A_1313 = vector.broadcast %broadcast_in_dim3A_1312 : f32 to vector<16xf32>
      %broadcast_in_dim3A_1314 = arith.constant 0.000000e+00 : f32
      %broadcast_in_dim3A_1315 = vector.broadcast %broadcast_in_dim3A_1314 : f32 to vector<16xf32>
      %scan3A_1316 = arith.constant 0 : i32
      %scan3A_1317 = arith.constant 26 : i32
      %scan3A_1318 = arith.addi %scan3A_1316, %scan3A_1317 : i32
      %scan3A_1319 = arith.constant 1 : i32
      %scan3A_1320:4 = scf.for %scan3A_2456 = %scan3A_1316 to %scan3A_1318 step %scan3A_1319 iter_args(%scan3A_2457 = %broadcast_in_dim3A_1315, %scan3A_2458 = %broadcast_in_dim3A_1315, %scan3A_2459 = %broadcast_in_dim3A_1315, %scan3A_2460 = %broadcast_in_dim3A_1315) -> (vector<16xf32>, vector<16xf32>, vector<16xf32>, vector<16xf32>)  : i32 {
        %add3A_2461 = arith.constant 0 : i32
        %add3A_2462 = arith.addi %add3A_2461, %scan3A_2456 : i32
        %get3A = arith.index_cast %add3A_2462 : i32 to index
        %get3A_2463 = arith.constant 0 : index
        %get3A_2464 = tpu.vector_load %arg8[%get3A, %get3A_2463] {strides = array<i32>} : memref<416x64xf32, #tpu.memory_space<vmem>>, vector<1x16xf32>,
        %get3A_2465 = vector.shape_cast %get3A_2464 : vector<1x16xf32> to vector<16xf32>
        %get3A_2466 = arith.index_cast %scan3A_2456 : i32 to index
        %get3A_2467 = arith.constant 0 : index
        %get3A_2468 = tpu.vector_load %arg9[%get3A_2466, %get3A_2467] {strides = array<i32>} : memref<26x64xf32, #tpu.memory_space<vmem>>, vector<1x16xf32>,
        %get3A_2469 = vector.shape_cast %get3A_2468 : vector<1x16xf32> to vector<16xf32>
        %mul3A_2470 = arith.mulf %get3A_2465, %get3A_2469 : vector<16xf32>
        %add3A_2471 = arith.addf %scan3A_2457, %mul3A_2470 : vector<16xf32>
        %get3A_2472 = arith.index_cast %add3A_2462 : i32 to index
        %get3A_2473 = arith.constant 16 : index
        %get3A_2474 = tpu.vector_load %arg8[%get3A_2472, %get3A_2473] {strides = array<i32>} : memref<416x64xf32, #tpu.memory_space<vmem>>, vector<1x16xf32>,
        %get3A_2475 = vector.shape_cast %get3A_2474 : vector<1x16xf32> to vector<16xf32>
        %get3A_2476 = arith.index_cast %scan3A_2456 : i32 to index
        %get3A_2477 = arith.constant 16 : index
        %get3A_2478 = tpu.vector_load %arg9[%get3A_2476, %get3A_2477] {strides = array<i32>} : memref<26x64xf32, #tpu.memory_space<vmem>>, vector<1x16xf32>,
        %get3A_2479 = vector.shape_cast %get3A_2478 : vector<1x16xf32> to vector<16xf32>
        %mul3A_2480 = arith.mulf %get3A_2475, %get3A_2479 : vector<16xf32>
        %add3A_2481 = arith.addf %scan3A_2458, %mul3A_2480 : vector<16xf32>
        %get3A_2482 = arith.index_cast %add3A_2462 : i32 to index
        %get3A_2483 = arith.constant 32 : index
        %get3A_2484 = tpu.vector_load %arg8[%get3A_2482, %get3A_2483] {strides = array<i32>} : memref<416x64xf32, #tpu.memory_space<vmem>>, vector<1x16xf32>,
        %get3A_2485 = vector.shape_cast %get3A_2484 : vector<1x16xf32> to vector<16xf32>
        %get3A_2486 = arith.index_cast %scan3A_2456 : i32 to index
        %get3A_2487 = arith.constant 32 : index
        %get3A_2488 = tpu.vector_load %arg9[%get3A_2486, %get3A_2487] {strides = array<i32>} : memref<26x64xf32, #tpu.memory_space<vmem>>, vector<1x16xf32>,
        %get3A_2489 = vector.shape_cast %get3A_2488 : vector<1x16xf32> to vector<16xf32>
        %mul3A_2490 = arith.mulf %get3A_2485, %get3A_2489 : vector<16xf32>
        %add3A_2491 = arith.addf %scan3A_2459, %mul3A_2490 : vector<16xf32>
        %get3A_2492 = arith.index_cast %add3A_2462 : i32 to index
        %get3A_2493 = arith.constant 48 : index
        %get3A_2494 = tpu.vector_load %arg8[%get3A_2492, %get3A_2493] {strides = array<i32>} : memref<416x64xf32, #tpu.memory_space<vmem>>, vector<1x16xf32>,
        %get3A_2495 = vector.shape_cast %get3A_2494 : vector<1x16xf32> to vector<16xf32>
        %get3A_2496 = arith.index_cast %scan3A_2456 : i32 to index
        %get3A_2497 = arith.constant 48 : index
        %get3A_2498 = tpu.vector_load %arg9[%get3A_2496, %get3A_2497] {strides = array<i32>} : memref<26x64xf32, #tpu.memory_space<vmem>>, vector<1x16xf32>,
        %get3A_2499 = vector.shape_cast %get3A_2498 : vector<1x16xf32> to vector<16xf32>
        %mul3A_2500 = arith.mulf %get3A_2495, %get3A_2499 : vector<16xf32>
        %add3A_2501 = arith.addf %scan3A_2460, %mul3A_2500 : vector<16xf32>
        scf.yield %add3A_2471, %add3A_2481, %add3A_2491, %add3A_2501 : vector<16xf32>, vector<16xf32>, vector<16xf32>, vector<16xf32>
      }
      %scan3A_1321 = arith.constant 26 : i32
      %add3A_1322 = arith.addf %scan3A_1320#0, %scan3A_1320#1 : vector<16xf32>
      %add3A_1323 = arith.addf %add3A_1322, %scan3A_1320#2 : vector<16xf32>
      %add3A_1324 = arith.addf %add3A_1323, %scan3A_1320#3 : vector<16xf32>
      %xor3A_1325 = arith.constant 8 : i32
      %xor3A_1326 = vector.broadcast %xor3A_1325 : i32 to vector<16xi32>
      %xor3A_1327 = arith.xori %iota3A, %xor3A_1326 : vector<16xi32>
      %lt3A_1328 = arith.constant 0 : i32
      %lt3A_1329 = vector.broadcast %lt3A_1328 : i32 to vector<16xi32>
      %lt3A_1330 = arith.cmpi slt, %xor3A_1327, %lt3A_1329 : vector<16xi32>
      %add3A_1331 = arith.constant 16 : i32
      %add3A_1332 = vector.broadcast %add3A_1331 : i32 to vector<16xi32>
      %add3A_1333 = arith.addi %xor3A_1327, %add3A_1332 : vector<16xi32>
      %select_n3A_1334 = arith.select %lt3A_1330, %add3A_1333, %xor3A_1327 : vector<16xi1>, vector<16xi32>
      %broadcast_in_dim3A_1335 = vector.shape_cast %select_n3A_1334 : vector<16xi32> to vector<16x1xi32>
      %gather3A_1336 = vector.shape_cast %broadcast_in_dim3A_1335 : vector<16x1xi32> to vector<16xi32>
      %gather3A_1337 = tpu.dynamic_gather %add3A_1324[%gather3A_1336] in [0] : vector<16xf32>, vector<16xi32> -> vector<16xf32>
      %add3A_1338 = arith.addf %add3A_1324, %gather3A_1337 : vector<16xf32>
      %xor3A_1339 = arith.constant 4 : i32
      %xor3A_1340 = vector.broadcast %xor3A_1339 : i32 to vector<16xi32>
      %xor3A_1341 = arith.xori %iota3A, %xor3A_1340 : vector<16xi32>
      %lt3A_1342 = arith.constant 0 : i32
      %lt3A_1343 = vector.broadcast %lt3A_1342 : i32 to vector<16xi32>
      %lt3A_1344 = arith.cmpi slt, %xor3A_1341, %lt3A_1343 : vector<16xi32>
      %add3A_1345 = arith.constant 16 : i32
      %add3A_1346 = vector.broadcast %add3A_1345 : i32 to vector<16xi32>
      %add3A_1347 = arith.addi %xor3A_1341, %add3A_1346 : vector<16xi32>
      %select_n3A_1348 = arith.select %lt3A_1344, %add3A_1347, %xor3A_1341 : vector<16xi1>, vector<16xi32>
      %broadcast_in_dim3A_1349 = vector.shape_cast %select_n3A_1348 : vector<16xi32> to vector<16x1xi32>
      %gather3A_1350 = vector.shape_cast %broadcast_in_dim3A_1349 : vector<16x1xi32> to vector<16xi32>
      %gather3A_1351 = tpu.dynamic_gather %add3A_1338[%gather3A_1350] in [0] : vector<16xf32>, vector<16xi32> -> vector<16xf32>
      %add3A_1352 = arith.addf %add3A_1338, %gather3A_1351 : vector<16xf32>
      %xor3A_1353 = arith.constant 2 : i32
      %xor3A_1354 = vector.broadcast %xor3A_1353 : i32 to vector<16xi32>
      %xor3A_1355 = arith.xori %iota3A, %xor3A_1354 : vector<16xi32>
      %lt3A_1356 = arith.constant 0 : i32
      %lt3A_1357 = vector.broadcast %lt3A_1356 : i32 to vector<16xi32>
      %lt3A_1358 = arith.cmpi slt, %xor3A_1355, %lt3A_1357 : vector<16xi32>
      %add3A_1359 = arith.constant 16 : i32
      %add3A_1360 = vector.broadcast %add3A_1359 : i32 to vector<16xi32>
      %add3A_1361 = arith.addi %xor3A_1355, %add3A_1360 : vector<16xi32>
      %select_n3A_1362 = arith.select %lt3A_1358, %add3A_1361, %xor3A_1355 : vector<16xi1>, vector<16xi32>
      %broadcast_in_dim3A_1363 = vector.shape_cast %select_n3A_1362 : vector<16xi32> to vector<16x1xi32>
      %gather3A_1364 = vector.shape_cast %broadcast_in_dim3A_1363 : vector<16x1xi32> to vector<16xi32>
      %gather3A_1365 = tpu.dynamic_gather %add3A_1352[%gather3A_1364] in [0] : vector<16xf32>, vector<16xi32> -> vector<16xf32>
      %add3A_1366 = arith.addf %add3A_1352, %gather3A_1365 : vector<16xf32>
      %xor3A_1367 = arith.constant 1 : i32
      %xor3A_1368 = vector.broadcast %xor3A_1367 : i32 to vector<16xi32>
      %xor3A_1369 = arith.xori %iota3A, %xor3A_1368 : vector<16xi32>
      %lt3A_1370 = arith.constant 0 : i32
      %lt3A_1371 = vector.broadcast %lt3A_1370 : i32 to vector<16xi32>
      %lt3A_1372 = arith.cmpi slt, %xor3A_1369, %lt3A_1371 : vector<16xi32>
      %add3A_1373 = arith.constant 16 : i32
      %add3A_1374 = vector.broadcast %add3A_1373 : i32 to vector<16xi32>
      %add3A_1375 = arith.addi %xor3A_1369, %add3A_1374 : vector<16xi32>
      %select_n3A_1376 = arith.select %lt3A_1372, %add3A_1375, %xor3A_1369 : vector<16xi1>, vector<16xi32>
      %broadcast_in_dim3A_1377 = vector.shape_cast %select_n3A_1376 : vector<16xi32> to vector<16x1xi32>
      %gather3A_1378 = vector.shape_cast %broadcast_in_dim3A_1377 : vector<16x1xi32> to vector<16xi32>
      %gather3A_1379 = tpu.dynamic_gather %add3A_1366[%gather3A_1378] in [0] : vector<16xf32>, vector<16xi32> -> vector<16xf32>
      %add3A_1380 = arith.addf %add3A_1366, %gather3A_1379 : vector<16xf32>
      %eq3A_1381 = arith.constant 0 : i32
      %eq3A_1382 = vector.broadcast %eq3A_1381 : i32 to vector<16xi32>
      %eq3A_1383 = arith.cmpi eq, %iota3A, %eq3A_1382 : vector<16xi32>
      %select_n3A_1384 = arith.select %eq3A_1383, %add3A_1380, %broadcast_in_dim3A_1313 : vector<16xi1>, vector<16xf32>
      %broadcast_in_dim3A_1385 = arith.constant 0.000000e+00 : f32
      %broadcast_in_dim3A_1386 = vector.broadcast %broadcast_in_dim3A_1385 : f32 to vector<16xf32>
      %scan3A_1387 = arith.constant 0 : i32
      %scan3A_1388 = arith.constant 26 : i32
      %scan3A_1389 = arith.addi %scan3A_1387, %scan3A_1388 : i32
      %scan3A_1390 = arith.constant 1 : i32
      %scan3A_1391:4 = scf.for %scan3A_2456 = %scan3A_1387 to %scan3A_1389 step %scan3A_1390 iter_args(%scan3A_2457 = %broadcast_in_dim3A_1386, %scan3A_2458 = %broadcast_in_dim3A_1386, %scan3A_2459 = %broadcast_in_dim3A_1386, %scan3A_2460 = %broadcast_in_dim3A_1386) -> (vector<16xf32>, vector<16xf32>, vector<16xf32>, vector<16xf32>)  : i32 {
        %add3A_2461 = arith.constant 26 : i32
        %add3A_2462 = arith.addi %add3A_2461, %scan3A_2456 : i32
        %get3A = arith.index_cast %add3A_2462 : i32 to index
        %get3A_2463 = arith.constant 0 : index
        %get3A_2464 = tpu.vector_load %arg8[%get3A, %get3A_2463] {strides = array<i32>} : memref<416x64xf32, #tpu.memory_space<vmem>>, vector<1x16xf32>,
        %get3A_2465 = vector.shape_cast %get3A_2464 : vector<1x16xf32> to vector<16xf32>
        %get3A_2466 = arith.index_cast %scan3A_2456 : i32 to index
        %get3A_2467 = arith.constant 0 : index
        %get3A_2468 = tpu.vector_load %arg9[%get3A_2466, %get3A_2467] {strides = array<i32>} : memref<26x64xf32, #tpu.memory_space<vmem>>, vector<1x16xf32>,
        %get3A_2469 = vector.shape_cast %get3A_2468 : vector<1x16xf32> to vector<16xf32>
        %mul3A_2470 = arith.mulf %get3A_2465, %get3A_2469 : vector<16xf32>
        %add3A_2471 = arith.addf %scan3A_2457, %mul3A_2470 : vector<16xf32>
        %get3A_2472 = arith.index_cast %add3A_2462 : i32 to index
        %get3A_2473 = arith.constant 16 : index
        %get3A_2474 = tpu.vector_load %arg8[%get3A_2472, %get3A_2473] {strides = array<i32>} : memref<416x64xf32, #tpu.memory_space<vmem>>, vector<1x16xf32>,
        %get3A_2475 = vector.shape_cast %get3A_2474 : vector<1x16xf32> to vector<16xf32>
        %get3A_2476 = arith.index_cast %scan3A_2456 : i32 to index
        %get3A_2477 = arith.constant 16 : index
        %get3A_2478 = tpu.vector_load %arg9[%get3A_2476, %get3A_2477] {strides = array<i32>} : memref<26x64xf32, #tpu.memory_space<vmem>>, vector<1x16xf32>,
        %get3A_2479 = vector.shape_cast %get3A_2478 : vector<1x16xf32> to vector<16xf32>
        %mul3A_2480 = arith.mulf %get3A_2475, %get3A_2479 : vector<16xf32>
        %add3A_2481 = arith.addf %scan3A_2458, %mul3A_2480 : vector<16xf32>
        %get3A_2482 = arith.index_cast %add3A_2462 : i32 to index
        %get3A_2483 = arith.constant 32 : index
        %get3A_2484 = tpu.vector_load %arg8[%get3A_2482, %get3A_2483] {strides = array<i32>} : memref<416x64xf32, #tpu.memory_space<vmem>>, vector<1x16xf32>,
        %get3A_2485 = vector.shape_cast %get3A_2484 : vector<1x16xf32> to vector<16xf32>
        %get3A_2486 = arith.index_cast %scan3A_2456 : i32 to index
        %get3A_2487 = arith.constant 32 : index
        %get3A_2488 = tpu.vector_load %arg9[%get3A_2486, %get3A_2487] {strides = array<i32>} : memref<26x64xf32, #tpu.memory_space<vmem>>, vector<1x16xf32>,
        %get3A_2489 = vector.shape_cast %get3A_2488 : vector<1x16xf32> to vector<16xf32>
        %mul3A_2490 = arith.mulf %get3A_2485, %get3A_2489 : vector<16xf32>
        %add3A_2491 = arith.addf %scan3A_2459, %mul3A_2490 : vector<16xf32>
        %get3A_2492 = arith.index_cast %add3A_2462 : i32 to index
        %get3A_2493 = arith.constant 48 : index
        %get3A_2494 = tpu.vector_load %arg8[%get3A_2492, %get3A_2493] {strides = array<i32>} : memref<416x64xf32, #tpu.memory_space<vmem>>, vector<1x16xf32>,
        %get3A_2495 = vector.shape_cast %get3A_2494 : vector<1x16xf32> to vector<16xf32>
        %get3A_2496 = arith.index_cast %scan3A_2456 : i32 to index
        %get3A_2497 = arith.constant 48 : index
        %get3A_2498 = tpu.vector_load %arg9[%get3A_2496, %get3A_2497] {strides = array<i32>} : memref<26x64xf32, #tpu.memory_space<vmem>>, vector<1x16xf32>,
        %get3A_2499 = vector.shape_cast %get3A_2498 : vector<1x16xf32> to vector<16xf32>
        %mul3A_2500 = arith.mulf %get3A_2495, %get3A_2499 : vector<16xf32>
        %add3A_2501 = arith.addf %scan3A_2460, %mul3A_2500 : vector<16xf32>
        scf.yield %add3A_2471, %add3A_2481, %add3A_2491, %add3A_2501 : vector<16xf32>, vector<16xf32>, vector<16xf32>, vector<16xf32>
      }
      %scan3A_1392 = arith.constant 26 : i32
      %add3A_1393 = arith.addf %scan3A_1391#0, %scan3A_1391#1 : vector<16xf32>
      %add3A_1394 = arith.addf %add3A_1393, %scan3A_1391#2 : vector<16xf32>
      %add3A_1395 = arith.addf %add3A_1394, %scan3A_1391#3 : vector<16xf32>
      %xor3A_1396 = arith.constant 8 : i32
      %xor3A_1397 = vector.broadcast %xor3A_1396 : i32 to vector<16xi32>
      %xor3A_1398 = arith.xori %iota3A, %xor3A_1397 : vector<16xi32>
      %lt3A_1399 = arith.constant 0 : i32
      %lt3A_1400 = vector.broadcast %lt3A_1399 : i32 to vector<16xi32>
      %lt3A_1401 = arith.cmpi slt, %xor3A_1398, %lt3A_1400 : vector<16xi32>
      %add3A_1402 = arith.constant 16 : i32
      %add3A_1403 = vector.broadcast %add3A_1402 : i32 to vector<16xi32>
      %add3A_1404 = arith.addi %xor3A_1398, %add3A_1403 : vector<16xi32>
      %select_n3A_1405 = arith.select %lt3A_1401, %add3A_1404, %xor3A_1398 : vector<16xi1>, vector<16xi32>
      %broadcast_in_dim3A_1406 = vector.shape_cast %select_n3A_1405 : vector<16xi32> to vector<16x1xi32>
      %gather3A_1407 = vector.shape_cast %broadcast_in_dim3A_1406 : vector<16x1xi32> to vector<16xi32>
      %gather3A_1408 = tpu.dynamic_gather %add3A_1395[%gather3A_1407] in [0] : vector<16xf32>, vector<16xi32> -> vector<16xf32>
      %add3A_1409 = arith.addf %add3A_1395, %gather3A_1408 : vector<16xf32>
      %xor3A_1410 = arith.constant 4 : i32
      %xor3A_1411 = vector.broadcast %xor3A_1410 : i32 to vector<16xi32>
      %xor3A_1412 = arith.xori %iota3A, %xor3A_1411 : vector<16xi32>
      %lt3A_1413 = arith.constant 0 : i32
      %lt3A_1414 = vector.broadcast %lt3A_1413 : i32 to vector<16xi32>
      %lt3A_1415 = arith.cmpi slt, %xor3A_1412, %lt3A_1414 : vector<16xi32>
      %add3A_1416 = arith.constant 16 : i32
      %add3A_1417 = vector.broadcast %add3A_1416 : i32 to vector<16xi32>
      %add3A_1418 = arith.addi %xor3A_1412, %add3A_1417 : vector<16xi32>
      %select_n3A_1419 = arith.select %lt3A_1415, %add3A_1418, %xor3A_1412 : vector<16xi1>, vector<16xi32>
      %broadcast_in_dim3A_1420 = vector.shape_cast %select_n3A_1419 : vector<16xi32> to vector<16x1xi32>
      %gather3A_1421 = vector.shape_cast %broadcast_in_dim3A_1420 : vector<16x1xi32> to vector<16xi32>
      %gather3A_1422 = tpu.dynamic_gather %add3A_1409[%gather3A_1421] in [0] : vector<16xf32>, vector<16xi32> -> vector<16xf32>
      %add3A_1423 = arith.addf %add3A_1409, %gather3A_1422 : vector<16xf32>
      %xor3A_1424 = arith.constant 2 : i32
      %xor3A_1425 = vector.broadcast %xor3A_1424 : i32 to vector<16xi32>
      %xor3A_1426 = arith.xori %iota3A, %xor3A_1425 : vector<16xi32>
      %lt3A_1427 = arith.constant 0 : i32
      %lt3A_1428 = vector.broadcast %lt3A_1427 : i32 to vector<16xi32>
      %lt3A_1429 = arith.cmpi slt, %xor3A_1426, %lt3A_1428 : vector<16xi32>
      %add3A_1430 = arith.constant 16 : i32
      %add3A_1431 = vector.broadcast %add3A_1430 : i32 to vector<16xi32>
      %add3A_1432 = arith.addi %xor3A_1426, %add3A_1431 : vector<16xi32>
      %select_n3A_1433 = arith.select %lt3A_1429, %add3A_1432, %xor3A_1426 : vector<16xi1>, vector<16xi32>
      %broadcast_in_dim3A_1434 = vector.shape_cast %select_n3A_1433 : vector<16xi32> to vector<16x1xi32>
      %gather3A_1435 = vector.shape_cast %broadcast_in_dim3A_1434 : vector<16x1xi32> to vector<16xi32>
      %gather3A_1436 = tpu.dynamic_gather %add3A_1423[%gather3A_1435] in [0] : vector<16xf32>, vector<16xi32> -> vector<16xf32>
      %add3A_1437 = arith.addf %add3A_1423, %gather3A_1436 : vector<16xf32>
      %xor3A_1438 = arith.constant 1 : i32
      %xor3A_1439 = vector.broadcast %xor3A_1438 : i32 to vector<16xi32>
      %xor3A_1440 = arith.xori %iota3A, %xor3A_1439 : vector<16xi32>
      %lt3A_1441 = arith.constant 0 : i32
      %lt3A_1442 = vector.broadcast %lt3A_1441 : i32 to vector<16xi32>
      %lt3A_1443 = arith.cmpi slt, %xor3A_1440, %lt3A_1442 : vector<16xi32>
      %add3A_1444 = arith.constant 16 : i32
      %add3A_1445 = vector.broadcast %add3A_1444 : i32 to vector<16xi32>
      %add3A_1446 = arith.addi %xor3A_1440, %add3A_1445 : vector<16xi32>
      %select_n3A_1447 = arith.select %lt3A_1443, %add3A_1446, %xor3A_1440 : vector<16xi1>, vector<16xi32>
      %broadcast_in_dim3A_1448 = vector.shape_cast %select_n3A_1447 : vector<16xi32> to vector<16x1xi32>
      %gather3A_1449 = vector.shape_cast %broadcast_in_dim3A_1448 : vector<16x1xi32> to vector<16xi32>
      %gather3A_1450 = tpu.dynamic_gather %add3A_1437[%gather3A_1449] in [0] : vector<16xf32>, vector<16xi32> -> vector<16xf32>
      %add3A_1451 = arith.addf %add3A_1437, %gather3A_1450 : vector<16xf32>
      %eq3A_1452 = arith.constant 1 : i32
      %eq3A_1453 = vector.broadcast %eq3A_1452 : i32 to vector<16xi32>
      %eq3A_1454 = arith.cmpi eq, %iota3A, %eq3A_1453 : vector<16xi32>
      %select_n3A_1455 = arith.select %eq3A_1454, %add3A_1451, %select_n3A_1384 : vector<16xi1>, vector<16xf32>
      %broadcast_in_dim3A_1456 = arith.constant 0.000000e+00 : f32
      %broadcast_in_dim3A_1457 = vector.broadcast %broadcast_in_dim3A_1456 : f32 to vector<16xf32>
      %scan3A_1458 = arith.constant 0 : i32
      %scan3A_1459 = arith.constant 26 : i32
      %scan3A_1460 = arith.addi %scan3A_1458, %scan3A_1459 : i32
      %scan3A_1461 = arith.constant 1 : i32
      %scan3A_1462:4 = scf.for %scan3A_2456 = %scan3A_1458 to %scan3A_1460 step %scan3A_1461 iter_args(%scan3A_2457 = %broadcast_in_dim3A_1457, %scan3A_2458 = %broadcast_in_dim3A_1457, %scan3A_2459 = %broadcast_in_dim3A_1457, %scan3A_2460 = %broadcast_in_dim3A_1457) -> (vector<16xf32>, vector<16xf32>, vector<16xf32>, vector<16xf32>)  : i32 {
        %add3A_2461 = arith.constant 52 : i32
        %add3A_2462 = arith.addi %add3A_2461, %scan3A_2456 : i32
        %get3A = arith.index_cast %add3A_2462 : i32 to index
        %get3A_2463 = arith.constant 0 : index
        %get3A_2464 = tpu.vector_load %arg8[%get3A, %get3A_2463] {strides = array<i32>} : memref<416x64xf32, #tpu.memory_space<vmem>>, vector<1x16xf32>,
        %get3A_2465 = vector.shape_cast %get3A_2464 : vector<1x16xf32> to vector<16xf32>
        %get3A_2466 = arith.index_cast %scan3A_2456 : i32 to index
        %get3A_2467 = arith.constant 0 : index
        %get3A_2468 = tpu.vector_load %arg9[%get3A_2466, %get3A_2467] {strides = array<i32>} : memref<26x64xf32, #tpu.memory_space<vmem>>, vector<1x16xf32>,
        %get3A_2469 = vector.shape_cast %get3A_2468 : vector<1x16xf32> to vector<16xf32>
        %mul3A_2470 = arith.mulf %get3A_2465, %get3A_2469 : vector<16xf32>
        %add3A_2471 = arith.addf %scan3A_2457, %mul3A_2470 : vector<16xf32>
        %get3A_2472 = arith.index_cast %add3A_2462 : i32 to index
        %get3A_2473 = arith.constant 16 : index
        %get3A_2474 = tpu.vector_load %arg8[%get3A_2472, %get3A_2473] {strides = array<i32>} : memref<416x64xf32, #tpu.memory_space<vmem>>, vector<1x16xf32>,
        %get3A_2475 = vector.shape_cast %get3A_2474 : vector<1x16xf32> to vector<16xf32>
        %get3A_2476 = arith.index_cast %scan3A_2456 : i32 to index
        %get3A_2477 = arith.constant 16 : index
        %get3A_2478 = tpu.vector_load %arg9[%get3A_2476, %get3A_2477] {strides = array<i32>} : memref<26x64xf32, #tpu.memory_space<vmem>>, vector<1x16xf32>,
        %get3A_2479 = vector.shape_cast %get3A_2478 : vector<1x16xf32> to vector<16xf32>
        %mul3A_2480 = arith.mulf %get3A_2475, %get3A_2479 : vector<16xf32>
        %add3A_2481 = arith.addf %scan3A_2458, %mul3A_2480 : vector<16xf32>
        %get3A_2482 = arith.index_cast %add3A_2462 : i32 to index
        %get3A_2483 = arith.constant 32 : index
        %get3A_2484 = tpu.vector_load %arg8[%get3A_2482, %get3A_2483] {strides = array<i32>} : memref<416x64xf32, #tpu.memory_space<vmem>>, vector<1x16xf32>,
        %get3A_2485 = vector.shape_cast %get3A_2484 : vector<1x16xf32> to vector<16xf32>
        %get3A_2486 = arith.index_cast %scan3A_2456 : i32 to index
        %get3A_2487 = arith.constant 32 : index
        %get3A_2488 = tpu.vector_load %arg9[%get3A_2486, %get3A_2487] {strides = array<i32>} : memref<26x64xf32, #tpu.memory_space<vmem>>, vector<1x16xf32>,
        %get3A_2489 = vector.shape_cast %get3A_2488 : vector<1x16xf32> to vector<16xf32>
        %mul3A_2490 = arith.mulf %get3A_2485, %get3A_2489 : vector<16xf32>
        %add3A_2491 = arith.addf %scan3A_2459, %mul3A_2490 : vector<16xf32>
        %get3A_2492 = arith.index_cast %add3A_2462 : i32 to index
        %get3A_2493 = arith.constant 48 : index
        %get3A_2494 = tpu.vector_load %arg8[%get3A_2492, %get3A_2493] {strides = array<i32>} : memref<416x64xf32, #tpu.memory_space<vmem>>, vector<1x16xf32>,
        %get3A_2495 = vector.shape_cast %get3A_2494 : vector<1x16xf32> to vector<16xf32>
        %get3A_2496 = arith.index_cast %scan3A_2456 : i32 to index
        %get3A_2497 = arith.constant 48 : index
        %get3A_2498 = tpu.vector_load %arg9[%get3A_2496, %get3A_2497] {strides = array<i32>} : memref<26x64xf32, #tpu.memory_space<vmem>>, vector<1x16xf32>,
        %get3A_2499 = vector.shape_cast %get3A_2498 : vector<1x16xf32> to vector<16xf32>
        %mul3A_2500 = arith.mulf %get3A_2495, %get3A_2499 : vector<16xf32>
        %add3A_2501 = arith.addf %scan3A_2460, %mul3A_2500 : vector<16xf32>
        scf.yield %add3A_2471, %add3A_2481, %add3A_2491, %add3A_2501 : vector<16xf32>, vector<16xf32>, vector<16xf32>, vector<16xf32>
      }
      %scan3A_1463 = arith.constant 26 : i32
      %add3A_1464 = arith.addf %scan3A_1462#0, %scan3A_1462#1 : vector<16xf32>
      %add3A_1465 = arith.addf %add3A_1464, %scan3A_1462#2 : vector<16xf32>
      %add3A_1466 = arith.addf %add3A_1465, %scan3A_1462#3 : vector<16xf32>
      %xor3A_1467 = arith.constant 8 : i32
      %xor3A_1468 = vector.broadcast %xor3A_1467 : i32 to vector<16xi32>
      %xor3A_1469 = arith.xori %iota3A, %xor3A_1468 : vector<16xi32>
      %lt3A_1470 = arith.constant 0 : i32
      %lt3A_1471 = vector.broadcast %lt3A_1470 : i32 to vector<16xi32>
      %lt3A_1472 = arith.cmpi slt, %xor3A_1469, %lt3A_1471 : vector<16xi32>
      %add3A_1473 = arith.constant 16 : i32
      %add3A_1474 = vector.broadcast %add3A_1473 : i32 to vector<16xi32>
      %add3A_1475 = arith.addi %xor3A_1469, %add3A_1474 : vector<16xi32>
      %select_n3A_1476 = arith.select %lt3A_1472, %add3A_1475, %xor3A_1469 : vector<16xi1>, vector<16xi32>
      %broadcast_in_dim3A_1477 = vector.shape_cast %select_n3A_1476 : vector<16xi32> to vector<16x1xi32>
      %gather3A_1478 = vector.shape_cast %broadcast_in_dim3A_1477 : vector<16x1xi32> to vector<16xi32>
      %gather3A_1479 = tpu.dynamic_gather %add3A_1466[%gather3A_1478] in [0] : vector<16xf32>, vector<16xi32> -> vector<16xf32>
      %add3A_1480 = arith.addf %add3A_1466, %gather3A_1479 : vector<16xf32>
      %xor3A_1481 = arith.constant 4 : i32
      %xor3A_1482 = vector.broadcast %xor3A_1481 : i32 to vector<16xi32>
      %xor3A_1483 = arith.xori %iota3A, %xor3A_1482 : vector<16xi32>
      %lt3A_1484 = arith.constant 0 : i32
      %lt3A_1485 = vector.broadcast %lt3A_1484 : i32 to vector<16xi32>
      %lt3A_1486 = arith.cmpi slt, %xor3A_1483, %lt3A_1485 : vector<16xi32>
      %add3A_1487 = arith.constant 16 : i32
      %add3A_1488 = vector.broadcast %add3A_1487 : i32 to vector<16xi32>
      %add3A_1489 = arith.addi %xor3A_1483, %add3A_1488 : vector<16xi32>
      %select_n3A_1490 = arith.select %lt3A_1486, %add3A_1489, %xor3A_1483 : vector<16xi1>, vector<16xi32>
      %broadcast_in_dim3A_1491 = vector.shape_cast %select_n3A_1490 : vector<16xi32> to vector<16x1xi32>
      %gather3A_1492 = vector.shape_cast %broadcast_in_dim3A_1491 : vector<16x1xi32> to vector<16xi32>
      %gather3A_1493 = tpu.dynamic_gather %add3A_1480[%gather3A_1492] in [0] : vector<16xf32>, vector<16xi32> -> vector<16xf32>
      %add3A_1494 = arith.addf %add3A_1480, %gather3A_1493 : vector<16xf32>
      %xor3A_1495 = arith.constant 2 : i32
      %xor3A_1496 = vector.broadcast %xor3A_1495 : i32 to vector<16xi32>
      %xor3A_1497 = arith.xori %iota3A, %xor3A_1496 : vector<16xi32>
      %lt3A_1498 = arith.constant 0 : i32
      %lt3A_1499 = vector.broadcast %lt3A_1498 : i32 to vector<16xi32>
      %lt3A_1500 = arith.cmpi slt, %xor3A_1497, %lt3A_1499 : vector<16xi32>
      %add3A_1501 = arith.constant 16 : i32
      %add3A_1502 = vector.broadcast %add3A_1501 : i32 to vector<16xi32>
      %add3A_1503 = arith.addi %xor3A_1497, %add3A_1502 : vector<16xi32>
      %select_n3A_1504 = arith.select %lt3A_1500, %add3A_1503, %xor3A_1497 : vector<16xi1>, vector<16xi32>
      %broadcast_in_dim3A_1505 = vector.shape_cast %select_n3A_1504 : vector<16xi32> to vector<16x1xi32>
      %gather3A_1506 = vector.shape_cast %broadcast_in_dim3A_1505 : vector<16x1xi32> to vector<16xi32>
      %gather3A_1507 = tpu.dynamic_gather %add3A_1494[%gather3A_1506] in [0] : vector<16xf32>, vector<16xi32> -> vector<16xf32>
      %add3A_1508 = arith.addf %add3A_1494, %gather3A_1507 : vector<16xf32>
      %xor3A_1509 = arith.constant 1 : i32
      %xor3A_1510 = vector.broadcast %xor3A_1509 : i32 to vector<16xi32>
      %xor3A_1511 = arith.xori %iota3A, %xor3A_1510 : vector<16xi32>
      %lt3A_1512 = arith.constant 0 : i32
      %lt3A_1513 = vector.broadcast %lt3A_1512 : i32 to vector<16xi32>
      %lt3A_1514 = arith.cmpi slt, %xor3A_1511, %lt3A_1513 : vector<16xi32>
      %add3A_1515 = arith.constant 16 : i32
      %add3A_1516 = vector.broadcast %add3A_1515 : i32 to vector<16xi32>
      %add3A_1517 = arith.addi %xor3A_1511, %add3A_1516 : vector<16xi32>
      %select_n3A_1518 = arith.select %lt3A_1514, %add3A_1517, %xor3A_1511 : vector<16xi1>, vector<16xi32>
      %broadcast_in_dim3A_1519 = vector.shape_cast %select_n3A_1518 : vector<16xi32> to vector<16x1xi32>
      %gather3A_1520 = vector.shape_cast %broadcast_in_dim3A_1519 : vector<16x1xi32> to vector<16xi32>
      %gather3A_1521 = tpu.dynamic_gather %add3A_1508[%gather3A_1520] in [0] : vector<16xf32>, vector<16xi32> -> vector<16xf32>
      %add3A_1522 = arith.addf %add3A_1508, %gather3A_1521 : vector<16xf32>
      %eq3A_1523 = arith.constant 2 : i32
      %eq3A_1524 = vector.broadcast %eq3A_1523 : i32 to vector<16xi32>
      %eq3A_1525 = arith.cmpi eq, %iota3A, %eq3A_1524 : vector<16xi32>
      %select_n3A_1526 = arith.select %eq3A_1525, %add3A_1522, %select_n3A_1455 : vector<16xi1>, vector<16xf32>
      %broadcast_in_dim3A_1527 = arith.constant 0.000000e+00 : f32
      %broadcast_in_dim3A_1528 = vector.broadcast %broadcast_in_dim3A_1527 : f32 to vector<16xf32>
      %scan3A_1529 = arith.constant 0 : i32
      %scan3A_1530 = arith.constant 26 : i32
      %scan3A_1531 = arith.addi %scan3A_1529, %scan3A_1530 : i32
      %scan3A_1532 = arith.constant 1 : i32
      %scan3A_1533:4 = scf.for %scan3A_2456 = %scan3A_1529 to %scan3A_1531 step %scan3A_1532 iter_args(%scan3A_2457 = %broadcast_in_dim3A_1528, %scan3A_2458 = %broadcast_in_dim3A_1528, %scan3A_2459 = %broadcast_in_dim3A_1528, %scan3A_2460 = %broadcast_in_dim3A_1528) -> (vector<16xf32>, vector<16xf32>, vector<16xf32>, vector<16xf32>)  : i32 {
        %add3A_2461 = arith.constant 78 : i32
        %add3A_2462 = arith.addi %add3A_2461, %scan3A_2456 : i32
        %get3A = arith.index_cast %add3A_2462 : i32 to index
        %get3A_2463 = arith.constant 0 : index
        %get3A_2464 = tpu.vector_load %arg8[%get3A, %get3A_2463] {strides = array<i32>} : memref<416x64xf32, #tpu.memory_space<vmem>>, vector<1x16xf32>,
        %get3A_2465 = vector.shape_cast %get3A_2464 : vector<1x16xf32> to vector<16xf32>
        %get3A_2466 = arith.index_cast %scan3A_2456 : i32 to index
        %get3A_2467 = arith.constant 0 : index
        %get3A_2468 = tpu.vector_load %arg9[%get3A_2466, %get3A_2467] {strides = array<i32>} : memref<26x64xf32, #tpu.memory_space<vmem>>, vector<1x16xf32>,
        %get3A_2469 = vector.shape_cast %get3A_2468 : vector<1x16xf32> to vector<16xf32>
        %mul3A_2470 = arith.mulf %get3A_2465, %get3A_2469 : vector<16xf32>
        %add3A_2471 = arith.addf %scan3A_2457, %mul3A_2470 : vector<16xf32>
        %get3A_2472 = arith.index_cast %add3A_2462 : i32 to index
        %get3A_2473 = arith.constant 16 : index
        %get3A_2474 = tpu.vector_load %arg8[%get3A_2472, %get3A_2473] {strides = array<i32>} : memref<416x64xf32, #tpu.memory_space<vmem>>, vector<1x16xf32>,
        %get3A_2475 = vector.shape_cast %get3A_2474 : vector<1x16xf32> to vector<16xf32>
        %get3A_2476 = arith.index_cast %scan3A_2456 : i32 to index
        %get3A_2477 = arith.constant 16 : index
        %get3A_2478 = tpu.vector_load %arg9[%get3A_2476, %get3A_2477] {strides = array<i32>} : memref<26x64xf32, #tpu.memory_space<vmem>>, vector<1x16xf32>,
        %get3A_2479 = vector.shape_cast %get3A_2478 : vector<1x16xf32> to vector<16xf32>
        %mul3A_2480 = arith.mulf %get3A_2475, %get3A_2479 : vector<16xf32>
        %add3A_2481 = arith.addf %scan3A_2458, %mul3A_2480 : vector<16xf32>
        %get3A_2482 = arith.index_cast %add3A_2462 : i32 to index
        %get3A_2483 = arith.constant 32 : index
        %get3A_2484 = tpu.vector_load %arg8[%get3A_2482, %get3A_2483] {strides = array<i32>} : memref<416x64xf32, #tpu.memory_space<vmem>>, vector<1x16xf32>,
        %get3A_2485 = vector.shape_cast %get3A_2484 : vector<1x16xf32> to vector<16xf32>
        %get3A_2486 = arith.index_cast %scan3A_2456 : i32 to index
        %get3A_2487 = arith.constant 32 : index
        %get3A_2488 = tpu.vector_load %arg9[%get3A_2486, %get3A_2487] {strides = array<i32>} : memref<26x64xf32, #tpu.memory_space<vmem>>, vector<1x16xf32>,
        %get3A_2489 = vector.shape_cast %get3A_2488 : vector<1x16xf32> to vector<16xf32>
        %mul3A_2490 = arith.mulf %get3A_2485, %get3A_2489 : vector<16xf32>
        %add3A_2491 = arith.addf %scan3A_2459, %mul3A_2490 : vector<16xf32>
        %get3A_2492 = arith.index_cast %add3A_2462 : i32 to index
        %get3A_2493 = arith.constant 48 : index
        %get3A_2494 = tpu.vector_load %arg8[%get3A_2492, %get3A_2493] {strides = array<i32>} : memref<416x64xf32, #tpu.memory_space<vmem>>, vector<1x16xf32>,
        %get3A_2495 = vector.shape_cast %get3A_2494 : vector<1x16xf32> to vector<16xf32>
        %get3A_2496 = arith.index_cast %scan3A_2456 : i32 to index
        %get3A_2497 = arith.constant 48 : index
        %get3A_2498 = tpu.vector_load %arg9[%get3A_2496, %get3A_2497] {strides = array<i32>} : memref<26x64xf32, #tpu.memory_space<vmem>>, vector<1x16xf32>,
        %get3A_2499 = vector.shape_cast %get3A_2498 : vector<1x16xf32> to vector<16xf32>
        %mul3A_2500 = arith.mulf %get3A_2495, %get3A_2499 : vector<16xf32>
        %add3A_2501 = arith.addf %scan3A_2460, %mul3A_2500 : vector<16xf32>
        scf.yield %add3A_2471, %add3A_2481, %add3A_2491, %add3A_2501 : vector<16xf32>, vector<16xf32>, vector<16xf32>, vector<16xf32>
      }
      %scan3A_1534 = arith.constant 26 : i32
      %add3A_1535 = arith.addf %scan3A_1533#0, %scan3A_1533#1 : vector<16xf32>
      %add3A_1536 = arith.addf %add3A_1535, %scan3A_1533#2 : vector<16xf32>
      %add3A_1537 = arith.addf %add3A_1536, %scan3A_1533#3 : vector<16xf32>
      %xor3A_1538 = arith.constant 8 : i32
      %xor3A_1539 = vector.broadcast %xor3A_1538 : i32 to vector<16xi32>
      %xor3A_1540 = arith.xori %iota3A, %xor3A_1539 : vector<16xi32>
      %lt3A_1541 = arith.constant 0 : i32
      %lt3A_1542 = vector.broadcast %lt3A_1541 : i32 to vector<16xi32>
      %lt3A_1543 = arith.cmpi slt, %xor3A_1540, %lt3A_1542 : vector<16xi32>
      %add3A_1544 = arith.constant 16 : i32
      %add3A_1545 = vector.broadcast %add3A_1544 : i32 to vector<16xi32>
      %add3A_1546 = arith.addi %xor3A_1540, %add3A_1545 : vector<16xi32>
      %select_n3A_1547 = arith.select %lt3A_1543, %add3A_1546, %xor3A_1540 : vector<16xi1>, vector<16xi32>
      %broadcast_in_dim3A_1548 = vector.shape_cast %select_n3A_1547 : vector<16xi32> to vector<16x1xi32>
      %gather3A_1549 = vector.shape_cast %broadcast_in_dim3A_1548 : vector<16x1xi32> to vector<16xi32>
      %gather3A_1550 = tpu.dynamic_gather %add3A_1537[%gather3A_1549] in [0] : vector<16xf32>, vector<16xi32> -> vector<16xf32>
      %add3A_1551 = arith.addf %add3A_1537, %gather3A_1550 : vector<16xf32>
      %xor3A_1552 = arith.constant 4 : i32
      %xor3A_1553 = vector.broadcast %xor3A_1552 : i32 to vector<16xi32>
      %xor3A_1554 = arith.xori %iota3A, %xor3A_1553 : vector<16xi32>
      %lt3A_1555 = arith.constant 0 : i32
      %lt3A_1556 = vector.broadcast %lt3A_1555 : i32 to vector<16xi32>
      %lt3A_1557 = arith.cmpi slt, %xor3A_1554, %lt3A_1556 : vector<16xi32>
      %add3A_1558 = arith.constant 16 : i32
      %add3A_1559 = vector.broadcast %add3A_1558 : i32 to vector<16xi32>
      %add3A_1560 = arith.addi %xor3A_1554, %add3A_1559 : vector<16xi32>
      %select_n3A_1561 = arith.select %lt3A_1557, %add3A_1560, %xor3A_1554 : vector<16xi1>, vector<16xi32>
      %broadcast_in_dim3A_1562 = vector.shape_cast %select_n3A_1561 : vector<16xi32> to vector<16x1xi32>
      %gather3A_1563 = vector.shape_cast %broadcast_in_dim3A_1562 : vector<16x1xi32> to vector<16xi32>
      %gather3A_1564 = tpu.dynamic_gather %add3A_1551[%gather3A_1563] in [0] : vector<16xf32>, vector<16xi32> -> vector<16xf32>
      %add3A_1565 = arith.addf %add3A_1551, %gather3A_1564 : vector<16xf32>
      %xor3A_1566 = arith.constant 2 : i32
      %xor3A_1567 = vector.broadcast %xor3A_1566 : i32 to vector<16xi32>
      %xor3A_1568 = arith.xori %iota3A, %xor3A_1567 : vector<16xi32>
      %lt3A_1569 = arith.constant 0 : i32
      %lt3A_1570 = vector.broadcast %lt3A_1569 : i32 to vector<16xi32>
      %lt3A_1571 = arith.cmpi slt, %xor3A_1568, %lt3A_1570 : vector<16xi32>
      %add3A_1572 = arith.constant 16 : i32
      %add3A_1573 = vector.broadcast %add3A_1572 : i32 to vector<16xi32>
      %add3A_1574 = arith.addi %xor3A_1568, %add3A_1573 : vector<16xi32>
      %select_n3A_1575 = arith.select %lt3A_1571, %add3A_1574, %xor3A_1568 : vector<16xi1>, vector<16xi32>
      %broadcast_in_dim3A_1576 = vector.shape_cast %select_n3A_1575 : vector<16xi32> to vector<16x1xi32>
      %gather3A_1577 = vector.shape_cast %broadcast_in_dim3A_1576 : vector<16x1xi32> to vector<16xi32>
      %gather3A_1578 = tpu.dynamic_gather %add3A_1565[%gather3A_1577] in [0] : vector<16xf32>, vector<16xi32> -> vector<16xf32>
      %add3A_1579 = arith.addf %add3A_1565, %gather3A_1578 : vector<16xf32>
      %xor3A_1580 = arith.constant 1 : i32
      %xor3A_1581 = vector.broadcast %xor3A_1580 : i32 to vector<16xi32>
      %xor3A_1582 = arith.xori %iota3A, %xor3A_1581 : vector<16xi32>
      %lt3A_1583 = arith.constant 0 : i32
      %lt3A_1584 = vector.broadcast %lt3A_1583 : i32 to vector<16xi32>
      %lt3A_1585 = arith.cmpi slt, %xor3A_1582, %lt3A_1584 : vector<16xi32>
      %add3A_1586 = arith.constant 16 : i32
      %add3A_1587 = vector.broadcast %add3A_1586 : i32 to vector<16xi32>
      %add3A_1588 = arith.addi %xor3A_1582, %add3A_1587 : vector<16xi32>
      %select_n3A_1589 = arith.select %lt3A_1585, %add3A_1588, %xor3A_1582 : vector<16xi1>, vector<16xi32>
      %broadcast_in_dim3A_1590 = vector.shape_cast %select_n3A_1589 : vector<16xi32> to vector<16x1xi32>
      %gather3A_1591 = vector.shape_cast %broadcast_in_dim3A_1590 : vector<16x1xi32> to vector<16xi32>
      %gather3A_1592 = tpu.dynamic_gather %add3A_1579[%gather3A_1591] in [0] : vector<16xf32>, vector<16xi32> -> vector<16xf32>
      %add3A_1593 = arith.addf %add3A_1579, %gather3A_1592 : vector<16xf32>
      %eq3A_1594 = arith.constant 3 : i32
      %eq3A_1595 = vector.broadcast %eq3A_1594 : i32 to vector<16xi32>
      %eq3A_1596 = arith.cmpi eq, %iota3A, %eq3A_1595 : vector<16xi32>
      %select_n3A_1597 = arith.select %eq3A_1596, %add3A_1593, %select_n3A_1526 : vector<16xi1>, vector<16xf32>
      %broadcast_in_dim3A_1598 = arith.constant 0.000000e+00 : f32
      %broadcast_in_dim3A_1599 = vector.broadcast %broadcast_in_dim3A_1598 : f32 to vector<16xf32>
      %scan3A_1600 = arith.constant 0 : i32
      %scan3A_1601 = arith.constant 26 : i32
      %scan3A_1602 = arith.addi %scan3A_1600, %scan3A_1601 : i32
      %scan3A_1603 = arith.constant 1 : i32
      %scan3A_1604:4 = scf.for %scan3A_2456 = %scan3A_1600 to %scan3A_1602 step %scan3A_1603 iter_args(%scan3A_2457 = %broadcast_in_dim3A_1599, %scan3A_2458 = %broadcast_in_dim3A_1599, %scan3A_2459 = %broadcast_in_dim3A_1599, %scan3A_2460 = %broadcast_in_dim3A_1599) -> (vector<16xf32>, vector<16xf32>, vector<16xf32>, vector<16xf32>)  : i32 {
        %add3A_2461 = arith.constant 104 : i32
        %add3A_2462 = arith.addi %add3A_2461, %scan3A_2456 : i32
        %get3A = arith.index_cast %add3A_2462 : i32 to index
        %get3A_2463 = arith.constant 0 : index
        %get3A_2464 = tpu.vector_load %arg8[%get3A, %get3A_2463] {strides = array<i32>} : memref<416x64xf32, #tpu.memory_space<vmem>>, vector<1x16xf32>,
        %get3A_2465 = vector.shape_cast %get3A_2464 : vector<1x16xf32> to vector<16xf32>
        %get3A_2466 = arith.index_cast %scan3A_2456 : i32 to index
        %get3A_2467 = arith.constant 0 : index
        %get3A_2468 = tpu.vector_load %arg9[%get3A_2466, %get3A_2467] {strides = array<i32>} : memref<26x64xf32, #tpu.memory_space<vmem>>, vector<1x16xf32>,
        %get3A_2469 = vector.shape_cast %get3A_2468 : vector<1x16xf32> to vector<16xf32>
        %mul3A_2470 = arith.mulf %get3A_2465, %get3A_2469 : vector<16xf32>
        %add3A_2471 = arith.addf %scan3A_2457, %mul3A_2470 : vector<16xf32>
        %get3A_2472 = arith.index_cast %add3A_2462 : i32 to index
        %get3A_2473 = arith.constant 16 : index
        %get3A_2474 = tpu.vector_load %arg8[%get3A_2472, %get3A_2473] {strides = array<i32>} : memref<416x64xf32, #tpu.memory_space<vmem>>, vector<1x16xf32>,
        %get3A_2475 = vector.shape_cast %get3A_2474 : vector<1x16xf32> to vector<16xf32>
        %get3A_2476 = arith.index_cast %scan3A_2456 : i32 to index
        %get3A_2477 = arith.constant 16 : index
        %get3A_2478 = tpu.vector_load %arg9[%get3A_2476, %get3A_2477] {strides = array<i32>} : memref<26x64xf32, #tpu.memory_space<vmem>>, vector<1x16xf32>,
        %get3A_2479 = vector.shape_cast %get3A_2478 : vector<1x16xf32> to vector<16xf32>
        %mul3A_2480 = arith.mulf %get3A_2475, %get3A_2479 : vector<16xf32>
        %add3A_2481 = arith.addf %scan3A_2458, %mul3A_2480 : vector<16xf32>
        %get3A_2482 = arith.index_cast %add3A_2462 : i32 to index
        %get3A_2483 = arith.constant 32 : index
        %get3A_2484 = tpu.vector_load %arg8[%get3A_2482, %get3A_2483] {strides = array<i32>} : memref<416x64xf32, #tpu.memory_space<vmem>>, vector<1x16xf32>,
        %get3A_2485 = vector.shape_cast %get3A_2484 : vector<1x16xf32> to vector<16xf32>
        %get3A_2486 = arith.index_cast %scan3A_2456 : i32 to index
        %get3A_2487 = arith.constant 32 : index
        %get3A_2488 = tpu.vector_load %arg9[%get3A_2486, %get3A_2487] {strides = array<i32>} : memref<26x64xf32, #tpu.memory_space<vmem>>, vector<1x16xf32>,
        %get3A_2489 = vector.shape_cast %get3A_2488 : vector<1x16xf32> to vector<16xf32>
        %mul3A_2490 = arith.mulf %get3A_2485, %get3A_2489 : vector<16xf32>
        %add3A_2491 = arith.addf %scan3A_2459, %mul3A_2490 : vector<16xf32>
        %get3A_2492 = arith.index_cast %add3A_2462 : i32 to index
        %get3A_2493 = arith.constant 48 : index
        %get3A_2494 = tpu.vector_load %arg8[%get3A_2492, %get3A_2493] {strides = array<i32>} : memref<416x64xf32, #tpu.memory_space<vmem>>, vector<1x16xf32>,
        %get3A_2495 = vector.shape_cast %get3A_2494 : vector<1x16xf32> to vector<16xf32>
        %get3A_2496 = arith.index_cast %scan3A_2456 : i32 to index
        %get3A_2497 = arith.constant 48 : index
        %get3A_2498 = tpu.vector_load %arg9[%get3A_2496, %get3A_2497] {strides = array<i32>} : memref<26x64xf32, #tpu.memory_space<vmem>>, vector<1x16xf32>,
        %get3A_2499 = vector.shape_cast %get3A_2498 : vector<1x16xf32> to vector<16xf32>
        %mul3A_2500 = arith.mulf %get3A_2495, %get3A_2499 : vector<16xf32>
        %add3A_2501 = arith.addf %scan3A_2460, %mul3A_2500 : vector<16xf32>
        scf.yield %add3A_2471, %add3A_2481, %add3A_2491, %add3A_2501 : vector<16xf32>, vector<16xf32>, vector<16xf32>, vector<16xf32>
      }
      %scan3A_1605 = arith.constant 26 : i32
      %add3A_1606 = arith.addf %scan3A_1604#0, %scan3A_1604#1 : vector<16xf32>
      %add3A_1607 = arith.addf %add3A_1606, %scan3A_1604#2 : vector<16xf32>
      %add3A_1608 = arith.addf %add3A_1607, %scan3A_1604#3 : vector<16xf32>
      %xor3A_1609 = arith.constant 8 : i32
      %xor3A_1610 = vector.broadcast %xor3A_1609 : i32 to vector<16xi32>
      %xor3A_1611 = arith.xori %iota3A, %xor3A_1610 : vector<16xi32>
      %lt3A_1612 = arith.constant 0 : i32
      %lt3A_1613 = vector.broadcast %lt3A_1612 : i32 to vector<16xi32>
      %lt3A_1614 = arith.cmpi slt, %xor3A_1611, %lt3A_1613 : vector<16xi32>
      %add3A_1615 = arith.constant 16 : i32
      %add3A_1616 = vector.broadcast %add3A_1615 : i32 to vector<16xi32>
      %add3A_1617 = arith.addi %xor3A_1611, %add3A_1616 : vector<16xi32>
      %select_n3A_1618 = arith.select %lt3A_1614, %add3A_1617, %xor3A_1611 : vector<16xi1>, vector<16xi32>
      %broadcast_in_dim3A_1619 = vector.shape_cast %select_n3A_1618 : vector<16xi32> to vector<16x1xi32>
      %gather3A_1620 = vector.shape_cast %broadcast_in_dim3A_1619 : vector<16x1xi32> to vector<16xi32>
      %gather3A_1621 = tpu.dynamic_gather %add3A_1608[%gather3A_1620] in [0] : vector<16xf32>, vector<16xi32> -> vector<16xf32>
      %add3A_1622 = arith.addf %add3A_1608, %gather3A_1621 : vector<16xf32>
      %xor3A_1623 = arith.constant 4 : i32
      %xor3A_1624 = vector.broadcast %xor3A_1623 : i32 to vector<16xi32>
      %xor3A_1625 = arith.xori %iota3A, %xor3A_1624 : vector<16xi32>
      %lt3A_1626 = arith.constant 0 : i32
      %lt3A_1627 = vector.broadcast %lt3A_1626 : i32 to vector<16xi32>
      %lt3A_1628 = arith.cmpi slt, %xor3A_1625, %lt3A_1627 : vector<16xi32>
      %add3A_1629 = arith.constant 16 : i32
      %add3A_1630 = vector.broadcast %add3A_1629 : i32 to vector<16xi32>
      %add3A_1631 = arith.addi %xor3A_1625, %add3A_1630 : vector<16xi32>
      %select_n3A_1632 = arith.select %lt3A_1628, %add3A_1631, %xor3A_1625 : vector<16xi1>, vector<16xi32>
      %broadcast_in_dim3A_1633 = vector.shape_cast %select_n3A_1632 : vector<16xi32> to vector<16x1xi32>
      %gather3A_1634 = vector.shape_cast %broadcast_in_dim3A_1633 : vector<16x1xi32> to vector<16xi32>
      %gather3A_1635 = tpu.dynamic_gather %add3A_1622[%gather3A_1634] in [0] : vector<16xf32>, vector<16xi32> -> vector<16xf32>
      %add3A_1636 = arith.addf %add3A_1622, %gather3A_1635 : vector<16xf32>
      %xor3A_1637 = arith.constant 2 : i32
      %xor3A_1638 = vector.broadcast %xor3A_1637 : i32 to vector<16xi32>
      %xor3A_1639 = arith.xori %iota3A, %xor3A_1638 : vector<16xi32>
      %lt3A_1640 = arith.constant 0 : i32
      %lt3A_1641 = vector.broadcast %lt3A_1640 : i32 to vector<16xi32>
      %lt3A_1642 = arith.cmpi slt, %xor3A_1639, %lt3A_1641 : vector<16xi32>
      %add3A_1643 = arith.constant 16 : i32
      %add3A_1644 = vector.broadcast %add3A_1643 : i32 to vector<16xi32>
      %add3A_1645 = arith.addi %xor3A_1639, %add3A_1644 : vector<16xi32>
      %select_n3A_1646 = arith.select %lt3A_1642, %add3A_1645, %xor3A_1639 : vector<16xi1>, vector<16xi32>
      %broadcast_in_dim3A_1647 = vector.shape_cast %select_n3A_1646 : vector<16xi32> to vector<16x1xi32>
      %gather3A_1648 = vector.shape_cast %broadcast_in_dim3A_1647 : vector<16x1xi32> to vector<16xi32>
      %gather3A_1649 = tpu.dynamic_gather %add3A_1636[%gather3A_1648] in [0] : vector<16xf32>, vector<16xi32> -> vector<16xf32>
      %add3A_1650 = arith.addf %add3A_1636, %gather3A_1649 : vector<16xf32>
      %xor3A_1651 = arith.constant 1 : i32
      %xor3A_1652 = vector.broadcast %xor3A_1651 : i32 to vector<16xi32>
      %xor3A_1653 = arith.xori %iota3A, %xor3A_1652 : vector<16xi32>
      %lt3A_1654 = arith.constant 0 : i32
      %lt3A_1655 = vector.broadcast %lt3A_1654 : i32 to vector<16xi32>
      %lt3A_1656 = arith.cmpi slt, %xor3A_1653, %lt3A_1655 : vector<16xi32>
      %add3A_1657 = arith.constant 16 : i32
      %add3A_1658 = vector.broadcast %add3A_1657 : i32 to vector<16xi32>
      %add3A_1659 = arith.addi %xor3A_1653, %add3A_1658 : vector<16xi32>
      %select_n3A_1660 = arith.select %lt3A_1656, %add3A_1659, %xor3A_1653 : vector<16xi1>, vector<16xi32>
      %broadcast_in_dim3A_1661 = vector.shape_cast %select_n3A_1660 : vector<16xi32> to vector<16x1xi32>
      %gather3A_1662 = vector.shape_cast %broadcast_in_dim3A_1661 : vector<16x1xi32> to vector<16xi32>
      %gather3A_1663 = tpu.dynamic_gather %add3A_1650[%gather3A_1662] in [0] : vector<16xf32>, vector<16xi32> -> vector<16xf32>
      %add3A_1664 = arith.addf %add3A_1650, %gather3A_1663 : vector<16xf32>
      %eq3A_1665 = arith.constant 4 : i32
      %eq3A_1666 = vector.broadcast %eq3A_1665 : i32 to vector<16xi32>
      %eq3A_1667 = arith.cmpi eq, %iota3A, %eq3A_1666 : vector<16xi32>
      %select_n3A_1668 = arith.select %eq3A_1667, %add3A_1664, %select_n3A_1597 : vector<16xi1>, vector<16xf32>
      %broadcast_in_dim3A_1669 = arith.constant 0.000000e+00 : f32
      %broadcast_in_dim3A_1670 = vector.broadcast %broadcast_in_dim3A_1669 : f32 to vector<16xf32>
      %scan3A_1671 = arith.constant 0 : i32
      %scan3A_1672 = arith.constant 26 : i32
      %scan3A_1673 = arith.addi %scan3A_1671, %scan3A_1672 : i32
      %scan3A_1674 = arith.constant 1 : i32
      %scan3A_1675:4 = scf.for %scan3A_2456 = %scan3A_1671 to %scan3A_1673 step %scan3A_1674 iter_args(%scan3A_2457 = %broadcast_in_dim3A_1670, %scan3A_2458 = %broadcast_in_dim3A_1670, %scan3A_2459 = %broadcast_in_dim3A_1670, %scan3A_2460 = %broadcast_in_dim3A_1670) -> (vector<16xf32>, vector<16xf32>, vector<16xf32>, vector<16xf32>)  : i32 {
        %add3A_2461 = arith.constant 130 : i32
        %add3A_2462 = arith.addi %add3A_2461, %scan3A_2456 : i32
        %get3A = arith.index_cast %add3A_2462 : i32 to index
        %get3A_2463 = arith.constant 0 : index
        %get3A_2464 = tpu.vector_load %arg8[%get3A, %get3A_2463] {strides = array<i32>} : memref<416x64xf32, #tpu.memory_space<vmem>>, vector<1x16xf32>,
        %get3A_2465 = vector.shape_cast %get3A_2464 : vector<1x16xf32> to vector<16xf32>
        %get3A_2466 = arith.index_cast %scan3A_2456 : i32 to index
        %get3A_2467 = arith.constant 0 : index
        %get3A_2468 = tpu.vector_load %arg9[%get3A_2466, %get3A_2467] {strides = array<i32>} : memref<26x64xf32, #tpu.memory_space<vmem>>, vector<1x16xf32>,
        %get3A_2469 = vector.shape_cast %get3A_2468 : vector<1x16xf32> to vector<16xf32>
        %mul3A_2470 = arith.mulf %get3A_2465, %get3A_2469 : vector<16xf32>
        %add3A_2471 = arith.addf %scan3A_2457, %mul3A_2470 : vector<16xf32>
        %get3A_2472 = arith.index_cast %add3A_2462 : i32 to index
        %get3A_2473 = arith.constant 16 : index
        %get3A_2474 = tpu.vector_load %arg8[%get3A_2472, %get3A_2473] {strides = array<i32>} : memref<416x64xf32, #tpu.memory_space<vmem>>, vector<1x16xf32>,
        %get3A_2475 = vector.shape_cast %get3A_2474 : vector<1x16xf32> to vector<16xf32>
        %get3A_2476 = arith.index_cast %scan3A_2456 : i32 to index
        %get3A_2477 = arith.constant 16 : index
        %get3A_2478 = tpu.vector_load %arg9[%get3A_2476, %get3A_2477] {strides = array<i32>} : memref<26x64xf32, #tpu.memory_space<vmem>>, vector<1x16xf32>,
        %get3A_2479 = vector.shape_cast %get3A_2478 : vector<1x16xf32> to vector<16xf32>
        %mul3A_2480 = arith.mulf %get3A_2475, %get3A_2479 : vector<16xf32>
        %add3A_2481 = arith.addf %scan3A_2458, %mul3A_2480 : vector<16xf32>
        %get3A_2482 = arith.index_cast %add3A_2462 : i32 to index
        %get3A_2483 = arith.constant 32 : index
        %get3A_2484 = tpu.vector_load %arg8[%get3A_2482, %get3A_2483] {strides = array<i32>} : memref<416x64xf32, #tpu.memory_space<vmem>>, vector<1x16xf32>,
        %get3A_2485 = vector.shape_cast %get3A_2484 : vector<1x16xf32> to vector<16xf32>
        %get3A_2486 = arith.index_cast %scan3A_2456 : i32 to index
        %get3A_2487 = arith.constant 32 : index
        %get3A_2488 = tpu.vector_load %arg9[%get3A_2486, %get3A_2487] {strides = array<i32>} : memref<26x64xf32, #tpu.memory_space<vmem>>, vector<1x16xf32>,
        %get3A_2489 = vector.shape_cast %get3A_2488 : vector<1x16xf32> to vector<16xf32>
        %mul3A_2490 = arith.mulf %get3A_2485, %get3A_2489 : vector<16xf32>
        %add3A_2491 = arith.addf %scan3A_2459, %mul3A_2490 : vector<16xf32>
        %get3A_2492 = arith.index_cast %add3A_2462 : i32 to index
        %get3A_2493 = arith.constant 48 : index
        %get3A_2494 = tpu.vector_load %arg8[%get3A_2492, %get3A_2493] {strides = array<i32>} : memref<416x64xf32, #tpu.memory_space<vmem>>, vector<1x16xf32>,
        %get3A_2495 = vector.shape_cast %get3A_2494 : vector<1x16xf32> to vector<16xf32>
        %get3A_2496 = arith.index_cast %scan3A_2456 : i32 to index
        %get3A_2497 = arith.constant 48 : index
        %get3A_2498 = tpu.vector_load %arg9[%get3A_2496, %get3A_2497] {strides = array<i32>} : memref<26x64xf32, #tpu.memory_space<vmem>>, vector<1x16xf32>,
        %get3A_2499 = vector.shape_cast %get3A_2498 : vector<1x16xf32> to vector<16xf32>
        %mul3A_2500 = arith.mulf %get3A_2495, %get3A_2499 : vector<16xf32>
        %add3A_2501 = arith.addf %scan3A_2460, %mul3A_2500 : vector<16xf32>
        scf.yield %add3A_2471, %add3A_2481, %add3A_2491, %add3A_2501 : vector<16xf32>, vector<16xf32>, vector<16xf32>, vector<16xf32>
      }
      %scan3A_1676 = arith.constant 26 : i32
      %add3A_1677 = arith.addf %scan3A_1675#0, %scan3A_1675#1 : vector<16xf32>
      %add3A_1678 = arith.addf %add3A_1677, %scan3A_1675#2 : vector<16xf32>
      %add3A_1679 = arith.addf %add3A_1678, %scan3A_1675#3 : vector<16xf32>
      %xor3A_1680 = arith.constant 8 : i32
      %xor3A_1681 = vector.broadcast %xor3A_1680 : i32 to vector<16xi32>
      %xor3A_1682 = arith.xori %iota3A, %xor3A_1681 : vector<16xi32>
      %lt3A_1683 = arith.constant 0 : i32
      %lt3A_1684 = vector.broadcast %lt3A_1683 : i32 to vector<16xi32>
      %lt3A_1685 = arith.cmpi slt, %xor3A_1682, %lt3A_1684 : vector<16xi32>
      %add3A_1686 = arith.constant 16 : i32
      %add3A_1687 = vector.broadcast %add3A_1686 : i32 to vector<16xi32>
      %add3A_1688 = arith.addi %xor3A_1682, %add3A_1687 : vector<16xi32>
      %select_n3A_1689 = arith.select %lt3A_1685, %add3A_1688, %xor3A_1682 : vector<16xi1>, vector<16xi32>
      %broadcast_in_dim3A_1690 = vector.shape_cast %select_n3A_1689 : vector<16xi32> to vector<16x1xi32>
      %gather3A_1691 = vector.shape_cast %broadcast_in_dim3A_1690 : vector<16x1xi32> to vector<16xi32>
      %gather3A_1692 = tpu.dynamic_gather %add3A_1679[%gather3A_1691] in [0] : vector<16xf32>, vector<16xi32> -> vector<16xf32>
      %add3A_1693 = arith.addf %add3A_1679, %gather3A_1692 : vector<16xf32>
      %xor3A_1694 = arith.constant 4 : i32
      %xor3A_1695 = vector.broadcast %xor3A_1694 : i32 to vector<16xi32>
      %xor3A_1696 = arith.xori %iota3A, %xor3A_1695 : vector<16xi32>
      %lt3A_1697 = arith.constant 0 : i32
      %lt3A_1698 = vector.broadcast %lt3A_1697 : i32 to vector<16xi32>
      %lt3A_1699 = arith.cmpi slt, %xor3A_1696, %lt3A_1698 : vector<16xi32>
      %add3A_1700 = arith.constant 16 : i32
      %add3A_1701 = vector.broadcast %add3A_1700 : i32 to vector<16xi32>
      %add3A_1702 = arith.addi %xor3A_1696, %add3A_1701 : vector<16xi32>
      %select_n3A_1703 = arith.select %lt3A_1699, %add3A_1702, %xor3A_1696 : vector<16xi1>, vector<16xi32>
      %broadcast_in_dim3A_1704 = vector.shape_cast %select_n3A_1703 : vector<16xi32> to vector<16x1xi32>
      %gather3A_1705 = vector.shape_cast %broadcast_in_dim3A_1704 : vector<16x1xi32> to vector<16xi32>
      %gather3A_1706 = tpu.dynamic_gather %add3A_1693[%gather3A_1705] in [0] : vector<16xf32>, vector<16xi32> -> vector<16xf32>
      %add3A_1707 = arith.addf %add3A_1693, %gather3A_1706 : vector<16xf32>
      %xor3A_1708 = arith.constant 2 : i32
      %xor3A_1709 = vector.broadcast %xor3A_1708 : i32 to vector<16xi32>
      %xor3A_1710 = arith.xori %iota3A, %xor3A_1709 : vector<16xi32>
      %lt3A_1711 = arith.constant 0 : i32
      %lt3A_1712 = vector.broadcast %lt3A_1711 : i32 to vector<16xi32>
      %lt3A_1713 = arith.cmpi slt, %xor3A_1710, %lt3A_1712 : vector<16xi32>
      %add3A_1714 = arith.constant 16 : i32
      %add3A_1715 = vector.broadcast %add3A_1714 : i32 to vector<16xi32>
      %add3A_1716 = arith.addi %xor3A_1710, %add3A_1715 : vector<16xi32>
      %select_n3A_1717 = arith.select %lt3A_1713, %add3A_1716, %xor3A_1710 : vector<16xi1>, vector<16xi32>
      %broadcast_in_dim3A_1718 = vector.shape_cast %select_n3A_1717 : vector<16xi32> to vector<16x1xi32>
      %gather3A_1719 = vector.shape_cast %broadcast_in_dim3A_1718 : vector<16x1xi32> to vector<16xi32>
      %gather3A_1720 = tpu.dynamic_gather %add3A_1707[%gather3A_1719] in [0] : vector<16xf32>, vector<16xi32> -> vector<16xf32>
      %add3A_1721 = arith.addf %add3A_1707, %gather3A_1720 : vector<16xf32>
      %xor3A_1722 = arith.constant 1 : i32
      %xor3A_1723 = vector.broadcast %xor3A_1722 : i32 to vector<16xi32>
      %xor3A_1724 = arith.xori %iota3A, %xor3A_1723 : vector<16xi32>
      %lt3A_1725 = arith.constant 0 : i32
      %lt3A_1726 = vector.broadcast %lt3A_1725 : i32 to vector<16xi32>
      %lt3A_1727 = arith.cmpi slt, %xor3A_1724, %lt3A_1726 : vector<16xi32>
      %add3A_1728 = arith.constant 16 : i32
      %add3A_1729 = vector.broadcast %add3A_1728 : i32 to vector<16xi32>
      %add3A_1730 = arith.addi %xor3A_1724, %add3A_1729 : vector<16xi32>
      %select_n3A_1731 = arith.select %lt3A_1727, %add3A_1730, %xor3A_1724 : vector<16xi1>, vector<16xi32>
      %broadcast_in_dim3A_1732 = vector.shape_cast %select_n3A_1731 : vector<16xi32> to vector<16x1xi32>
      %gather3A_1733 = vector.shape_cast %broadcast_in_dim3A_1732 : vector<16x1xi32> to vector<16xi32>
      %gather3A_1734 = tpu.dynamic_gather %add3A_1721[%gather3A_1733] in [0] : vector<16xf32>, vector<16xi32> -> vector<16xf32>
      %add3A_1735 = arith.addf %add3A_1721, %gather3A_1734 : vector<16xf32>
      %eq3A_1736 = arith.constant 5 : i32
      %eq3A_1737 = vector.broadcast %eq3A_1736 : i32 to vector<16xi32>
      %eq3A_1738 = arith.cmpi eq, %iota3A, %eq3A_1737 : vector<16xi32>
      %select_n3A_1739 = arith.select %eq3A_1738, %add3A_1735, %select_n3A_1668 : vector<16xi1>, vector<16xf32>
      %broadcast_in_dim3A_1740 = arith.constant 0.000000e+00 : f32
      %broadcast_in_dim3A_1741 = vector.broadcast %broadcast_in_dim3A_1740 : f32 to vector<16xf32>
      %scan3A_1742 = arith.constant 0 : i32
      %scan3A_1743 = arith.constant 26 : i32
      %scan3A_1744 = arith.addi %scan3A_1742, %scan3A_1743 : i32
      %scan3A_1745 = arith.constant 1 : i32
      %scan3A_1746:4 = scf.for %scan3A_2456 = %scan3A_1742 to %scan3A_1744 step %scan3A_1745 iter_args(%scan3A_2457 = %broadcast_in_dim3A_1741, %scan3A_2458 = %broadcast_in_dim3A_1741, %scan3A_2459 = %broadcast_in_dim3A_1741, %scan3A_2460 = %broadcast_in_dim3A_1741) -> (vector<16xf32>, vector<16xf32>, vector<16xf32>, vector<16xf32>)  : i32 {
        %add3A_2461 = arith.constant 156 : i32
        %add3A_2462 = arith.addi %add3A_2461, %scan3A_2456 : i32
        %get3A = arith.index_cast %add3A_2462 : i32 to index
        %get3A_2463 = arith.constant 0 : index
        %get3A_2464 = tpu.vector_load %arg8[%get3A, %get3A_2463] {strides = array<i32>} : memref<416x64xf32, #tpu.memory_space<vmem>>, vector<1x16xf32>,
        %get3A_2465 = vector.shape_cast %get3A_2464 : vector<1x16xf32> to vector<16xf32>
        %get3A_2466 = arith.index_cast %scan3A_2456 : i32 to index
        %get3A_2467 = arith.constant 0 : index
        %get3A_2468 = tpu.vector_load %arg9[%get3A_2466, %get3A_2467] {strides = array<i32>} : memref<26x64xf32, #tpu.memory_space<vmem>>, vector<1x16xf32>,
        %get3A_2469 = vector.shape_cast %get3A_2468 : vector<1x16xf32> to vector<16xf32>
        %mul3A_2470 = arith.mulf %get3A_2465, %get3A_2469 : vector<16xf32>
        %add3A_2471 = arith.addf %scan3A_2457, %mul3A_2470 : vector<16xf32>
        %get3A_2472 = arith.index_cast %add3A_2462 : i32 to index
        %get3A_2473 = arith.constant 16 : index
        %get3A_2474 = tpu.vector_load %arg8[%get3A_2472, %get3A_2473] {strides = array<i32>} : memref<416x64xf32, #tpu.memory_space<vmem>>, vector<1x16xf32>,
        %get3A_2475 = vector.shape_cast %get3A_2474 : vector<1x16xf32> to vector<16xf32>
        %get3A_2476 = arith.index_cast %scan3A_2456 : i32 to index
        %get3A_2477 = arith.constant 16 : index
        %get3A_2478 = tpu.vector_load %arg9[%get3A_2476, %get3A_2477] {strides = array<i32>} : memref<26x64xf32, #tpu.memory_space<vmem>>, vector<1x16xf32>,
        %get3A_2479 = vector.shape_cast %get3A_2478 : vector<1x16xf32> to vector<16xf32>
        %mul3A_2480 = arith.mulf %get3A_2475, %get3A_2479 : vector<16xf32>
        %add3A_2481 = arith.addf %scan3A_2458, %mul3A_2480 : vector<16xf32>
        %get3A_2482 = arith.index_cast %add3A_2462 : i32 to index
        %get3A_2483 = arith.constant 32 : index
        %get3A_2484 = tpu.vector_load %arg8[%get3A_2482, %get3A_2483] {strides = array<i32>} : memref<416x64xf32, #tpu.memory_space<vmem>>, vector<1x16xf32>,
        %get3A_2485 = vector.shape_cast %get3A_2484 : vector<1x16xf32> to vector<16xf32>
        %get3A_2486 = arith.index_cast %scan3A_2456 : i32 to index
        %get3A_2487 = arith.constant 32 : index
        %get3A_2488 = tpu.vector_load %arg9[%get3A_2486, %get3A_2487] {strides = array<i32>} : memref<26x64xf32, #tpu.memory_space<vmem>>, vector<1x16xf32>,
        %get3A_2489 = vector.shape_cast %get3A_2488 : vector<1x16xf32> to vector<16xf32>
        %mul3A_2490 = arith.mulf %get3A_2485, %get3A_2489 : vector<16xf32>
        %add3A_2491 = arith.addf %scan3A_2459, %mul3A_2490 : vector<16xf32>
        %get3A_2492 = arith.index_cast %add3A_2462 : i32 to index
        %get3A_2493 = arith.constant 48 : index
        %get3A_2494 = tpu.vector_load %arg8[%get3A_2492, %get3A_2493] {strides = array<i32>} : memref<416x64xf32, #tpu.memory_space<vmem>>, vector<1x16xf32>,
        %get3A_2495 = vector.shape_cast %get3A_2494 : vector<1x16xf32> to vector<16xf32>
        %get3A_2496 = arith.index_cast %scan3A_2456 : i32 to index
        %get3A_2497 = arith.constant 48 : index
        %get3A_2498 = tpu.vector_load %arg9[%get3A_2496, %get3A_2497] {strides = array<i32>} : memref<26x64xf32, #tpu.memory_space<vmem>>, vector<1x16xf32>,
        %get3A_2499 = vector.shape_cast %get3A_2498 : vector<1x16xf32> to vector<16xf32>
        %mul3A_2500 = arith.mulf %get3A_2495, %get3A_2499 : vector<16xf32>
        %add3A_2501 = arith.addf %scan3A_2460, %mul3A_2500 : vector<16xf32>
        scf.yield %add3A_2471, %add3A_2481, %add3A_2491, %add3A_2501 : vector<16xf32>, vector<16xf32>, vector<16xf32>, vector<16xf32>
      }
      %scan3A_1747 = arith.constant 26 : i32
      %add3A_1748 = arith.addf %scan3A_1746#0, %scan3A_1746#1 : vector<16xf32>
      %add3A_1749 = arith.addf %add3A_1748, %scan3A_1746#2 : vector<16xf32>
      %add3A_1750 = arith.addf %add3A_1749, %scan3A_1746#3 : vector<16xf32>
      %xor3A_1751 = arith.constant 8 : i32
      %xor3A_1752 = vector.broadcast %xor3A_1751 : i32 to vector<16xi32>
      %xor3A_1753 = arith.xori %iota3A, %xor3A_1752 : vector<16xi32>
      %lt3A_1754 = arith.constant 0 : i32
      %lt3A_1755 = vector.broadcast %lt3A_1754 : i32 to vector<16xi32>
      %lt3A_1756 = arith.cmpi slt, %xor3A_1753, %lt3A_1755 : vector<16xi32>
      %add3A_1757 = arith.constant 16 : i32
      %add3A_1758 = vector.broadcast %add3A_1757 : i32 to vector<16xi32>
      %add3A_1759 = arith.addi %xor3A_1753, %add3A_1758 : vector<16xi32>
      %select_n3A_1760 = arith.select %lt3A_1756, %add3A_1759, %xor3A_1753 : vector<16xi1>, vector<16xi32>
      %broadcast_in_dim3A_1761 = vector.shape_cast %select_n3A_1760 : vector<16xi32> to vector<16x1xi32>
      %gather3A_1762 = vector.shape_cast %broadcast_in_dim3A_1761 : vector<16x1xi32> to vector<16xi32>
      %gather3A_1763 = tpu.dynamic_gather %add3A_1750[%gather3A_1762] in [0] : vector<16xf32>, vector<16xi32> -> vector<16xf32>
      %add3A_1764 = arith.addf %add3A_1750, %gather3A_1763 : vector<16xf32>
      %xor3A_1765 = arith.constant 4 : i32
      %xor3A_1766 = vector.broadcast %xor3A_1765 : i32 to vector<16xi32>
      %xor3A_1767 = arith.xori %iota3A, %xor3A_1766 : vector<16xi32>
      %lt3A_1768 = arith.constant 0 : i32
      %lt3A_1769 = vector.broadcast %lt3A_1768 : i32 to vector<16xi32>
      %lt3A_1770 = arith.cmpi slt, %xor3A_1767, %lt3A_1769 : vector<16xi32>
      %add3A_1771 = arith.constant 16 : i32
      %add3A_1772 = vector.broadcast %add3A_1771 : i32 to vector<16xi32>
      %add3A_1773 = arith.addi %xor3A_1767, %add3A_1772 : vector<16xi32>
      %select_n3A_1774 = arith.select %lt3A_1770, %add3A_1773, %xor3A_1767 : vector<16xi1>, vector<16xi32>
      %broadcast_in_dim3A_1775 = vector.shape_cast %select_n3A_1774 : vector<16xi32> to vector<16x1xi32>
      %gather3A_1776 = vector.shape_cast %broadcast_in_dim3A_1775 : vector<16x1xi32> to vector<16xi32>
      %gather3A_1777 = tpu.dynamic_gather %add3A_1764[%gather3A_1776] in [0] : vector<16xf32>, vector<16xi32> -> vector<16xf32>
      %add3A_1778 = arith.addf %add3A_1764, %gather3A_1777 : vector<16xf32>
      %xor3A_1779 = arith.constant 2 : i32
      %xor3A_1780 = vector.broadcast %xor3A_1779 : i32 to vector<16xi32>
      %xor3A_1781 = arith.xori %iota3A, %xor3A_1780 : vector<16xi32>
      %lt3A_1782 = arith.constant 0 : i32
      %lt3A_1783 = vector.broadcast %lt3A_1782 : i32 to vector<16xi32>
      %lt3A_1784 = arith.cmpi slt, %xor3A_1781, %lt3A_1783 : vector<16xi32>
      %add3A_1785 = arith.constant 16 : i32
      %add3A_1786 = vector.broadcast %add3A_1785 : i32 to vector<16xi32>
      %add3A_1787 = arith.addi %xor3A_1781, %add3A_1786 : vector<16xi32>
      %select_n3A_1788 = arith.select %lt3A_1784, %add3A_1787, %xor3A_1781 : vector<16xi1>, vector<16xi32>
      %broadcast_in_dim3A_1789 = vector.shape_cast %select_n3A_1788 : vector<16xi32> to vector<16x1xi32>
      %gather3A_1790 = vector.shape_cast %broadcast_in_dim3A_1789 : vector<16x1xi32> to vector<16xi32>
      %gather3A_1791 = tpu.dynamic_gather %add3A_1778[%gather3A_1790] in [0] : vector<16xf32>, vector<16xi32> -> vector<16xf32>
      %add3A_1792 = arith.addf %add3A_1778, %gather3A_1791 : vector<16xf32>
      %xor3A_1793 = arith.constant 1 : i32
      %xor3A_1794 = vector.broadcast %xor3A_1793 : i32 to vector<16xi32>
      %xor3A_1795 = arith.xori %iota3A, %xor3A_1794 : vector<16xi32>
      %lt3A_1796 = arith.constant 0 : i32
      %lt3A_1797 = vector.broadcast %lt3A_1796 : i32 to vector<16xi32>
      %lt3A_1798 = arith.cmpi slt, %xor3A_1795, %lt3A_1797 : vector<16xi32>
      %add3A_1799 = arith.constant 16 : i32
      %add3A_1800 = vector.broadcast %add3A_1799 : i32 to vector<16xi32>
      %add3A_1801 = arith.addi %xor3A_1795, %add3A_1800 : vector<16xi32>
      %select_n3A_1802 = arith.select %lt3A_1798, %add3A_1801, %xor3A_1795 : vector<16xi1>, vector<16xi32>
      %broadcast_in_dim3A_1803 = vector.shape_cast %select_n3A_1802 : vector<16xi32> to vector<16x1xi32>
      %gather3A_1804 = vector.shape_cast %broadcast_in_dim3A_1803 : vector<16x1xi32> to vector<16xi32>
      %gather3A_1805 = tpu.dynamic_gather %add3A_1792[%gather3A_1804] in [0] : vector<16xf32>, vector<16xi32> -> vector<16xf32>
      %add3A_1806 = arith.addf %add3A_1792, %gather3A_1805 : vector<16xf32>
      %eq3A_1807 = arith.constant 6 : i32
      %eq3A_1808 = vector.broadcast %eq3A_1807 : i32 to vector<16xi32>
      %eq3A_1809 = arith.cmpi eq, %iota3A, %eq3A_1808 : vector<16xi32>
      %select_n3A_1810 = arith.select %eq3A_1809, %add3A_1806, %select_n3A_1739 : vector<16xi1>, vector<16xf32>
      %broadcast_in_dim3A_1811 = arith.constant 0.000000e+00 : f32
      %broadcast_in_dim3A_1812 = vector.broadcast %broadcast_in_dim3A_1811 : f32 to vector<16xf32>
      %scan3A_1813 = arith.constant 0 : i32
      %scan3A_1814 = arith.constant 26 : i32
      %scan3A_1815 = arith.addi %scan3A_1813, %scan3A_1814 : i32
      %scan3A_1816 = arith.constant 1 : i32
      %scan3A_1817:4 = scf.for %scan3A_2456 = %scan3A_1813 to %scan3A_1815 step %scan3A_1816 iter_args(%scan3A_2457 = %broadcast_in_dim3A_1812, %scan3A_2458 = %broadcast_in_dim3A_1812, %scan3A_2459 = %broadcast_in_dim3A_1812, %scan3A_2460 = %broadcast_in_dim3A_1812) -> (vector<16xf32>, vector<16xf32>, vector<16xf32>, vector<16xf32>)  : i32 {
        %add3A_2461 = arith.constant 182 : i32
        %add3A_2462 = arith.addi %add3A_2461, %scan3A_2456 : i32
        %get3A = arith.index_cast %add3A_2462 : i32 to index
        %get3A_2463 = arith.constant 0 : index
        %get3A_2464 = tpu.vector_load %arg8[%get3A, %get3A_2463] {strides = array<i32>} : memref<416x64xf32, #tpu.memory_space<vmem>>, vector<1x16xf32>,
        %get3A_2465 = vector.shape_cast %get3A_2464 : vector<1x16xf32> to vector<16xf32>
        %get3A_2466 = arith.index_cast %scan3A_2456 : i32 to index
        %get3A_2467 = arith.constant 0 : index
        %get3A_2468 = tpu.vector_load %arg9[%get3A_2466, %get3A_2467] {strides = array<i32>} : memref<26x64xf32, #tpu.memory_space<vmem>>, vector<1x16xf32>,
        %get3A_2469 = vector.shape_cast %get3A_2468 : vector<1x16xf32> to vector<16xf32>
        %mul3A_2470 = arith.mulf %get3A_2465, %get3A_2469 : vector<16xf32>
        %add3A_2471 = arith.addf %scan3A_2457, %mul3A_2470 : vector<16xf32>
        %get3A_2472 = arith.index_cast %add3A_2462 : i32 to index
        %get3A_2473 = arith.constant 16 : index
        %get3A_2474 = tpu.vector_load %arg8[%get3A_2472, %get3A_2473] {strides = array<i32>} : memref<416x64xf32, #tpu.memory_space<vmem>>, vector<1x16xf32>,
        %get3A_2475 = vector.shape_cast %get3A_2474 : vector<1x16xf32> to vector<16xf32>
        %get3A_2476 = arith.index_cast %scan3A_2456 : i32 to index
        %get3A_2477 = arith.constant 16 : index
        %get3A_2478 = tpu.vector_load %arg9[%get3A_2476, %get3A_2477] {strides = array<i32>} : memref<26x64xf32, #tpu.memory_space<vmem>>, vector<1x16xf32>,
        %get3A_2479 = vector.shape_cast %get3A_2478 : vector<1x16xf32> to vector<16xf32>
        %mul3A_2480 = arith.mulf %get3A_2475, %get3A_2479 : vector<16xf32>
        %add3A_2481 = arith.addf %scan3A_2458, %mul3A_2480 : vector<16xf32>
        %get3A_2482 = arith.index_cast %add3A_2462 : i32 to index
        %get3A_2483 = arith.constant 32 : index
        %get3A_2484 = tpu.vector_load %arg8[%get3A_2482, %get3A_2483] {strides = array<i32>} : memref<416x64xf32, #tpu.memory_space<vmem>>, vector<1x16xf32>,
        %get3A_2485 = vector.shape_cast %get3A_2484 : vector<1x16xf32> to vector<16xf32>
        %get3A_2486 = arith.index_cast %scan3A_2456 : i32 to index
        %get3A_2487 = arith.constant 32 : index
        %get3A_2488 = tpu.vector_load %arg9[%get3A_2486, %get3A_2487] {strides = array<i32>} : memref<26x64xf32, #tpu.memory_space<vmem>>, vector<1x16xf32>,
        %get3A_2489 = vector.shape_cast %get3A_2488 : vector<1x16xf32> to vector<16xf32>
        %mul3A_2490 = arith.mulf %get3A_2485, %get3A_2489 : vector<16xf32>
        %add3A_2491 = arith.addf %scan3A_2459, %mul3A_2490 : vector<16xf32>
        %get3A_2492 = arith.index_cast %add3A_2462 : i32 to index
        %get3A_2493 = arith.constant 48 : index
        %get3A_2494 = tpu.vector_load %arg8[%get3A_2492, %get3A_2493] {strides = array<i32>} : memref<416x64xf32, #tpu.memory_space<vmem>>, vector<1x16xf32>,
        %get3A_2495 = vector.shape_cast %get3A_2494 : vector<1x16xf32> to vector<16xf32>
        %get3A_2496 = arith.index_cast %scan3A_2456 : i32 to index
        %get3A_2497 = arith.constant 48 : index
        %get3A_2498 = tpu.vector_load %arg9[%get3A_2496, %get3A_2497] {strides = array<i32>} : memref<26x64xf32, #tpu.memory_space<vmem>>, vector<1x16xf32>,
        %get3A_2499 = vector.shape_cast %get3A_2498 : vector<1x16xf32> to vector<16xf32>
        %mul3A_2500 = arith.mulf %get3A_2495, %get3A_2499 : vector<16xf32>
        %add3A_2501 = arith.addf %scan3A_2460, %mul3A_2500 : vector<16xf32>
        scf.yield %add3A_2471, %add3A_2481, %add3A_2491, %add3A_2501 : vector<16xf32>, vector<16xf32>, vector<16xf32>, vector<16xf32>
      }
      %scan3A_1818 = arith.constant 26 : i32
      %add3A_1819 = arith.addf %scan3A_1817#0, %scan3A_1817#1 : vector<16xf32>
      %add3A_1820 = arith.addf %add3A_1819, %scan3A_1817#2 : vector<16xf32>
      %add3A_1821 = arith.addf %add3A_1820, %scan3A_1817#3 : vector<16xf32>
      %xor3A_1822 = arith.constant 8 : i32
      %xor3A_1823 = vector.broadcast %xor3A_1822 : i32 to vector<16xi32>
      %xor3A_1824 = arith.xori %iota3A, %xor3A_1823 : vector<16xi32>
      %lt3A_1825 = arith.constant 0 : i32
      %lt3A_1826 = vector.broadcast %lt3A_1825 : i32 to vector<16xi32>
      %lt3A_1827 = arith.cmpi slt, %xor3A_1824, %lt3A_1826 : vector<16xi32>
      %add3A_1828 = arith.constant 16 : i32
      %add3A_1829 = vector.broadcast %add3A_1828 : i32 to vector<16xi32>
      %add3A_1830 = arith.addi %xor3A_1824, %add3A_1829 : vector<16xi32>
      %select_n3A_1831 = arith.select %lt3A_1827, %add3A_1830, %xor3A_1824 : vector<16xi1>, vector<16xi32>
      %broadcast_in_dim3A_1832 = vector.shape_cast %select_n3A_1831 : vector<16xi32> to vector<16x1xi32>
      %gather3A_1833 = vector.shape_cast %broadcast_in_dim3A_1832 : vector<16x1xi32> to vector<16xi32>
      %gather3A_1834 = tpu.dynamic_gather %add3A_1821[%gather3A_1833] in [0] : vector<16xf32>, vector<16xi32> -> vector<16xf32>
      %add3A_1835 = arith.addf %add3A_1821, %gather3A_1834 : vector<16xf32>
      %xor3A_1836 = arith.constant 4 : i32
      %xor3A_1837 = vector.broadcast %xor3A_1836 : i32 to vector<16xi32>
      %xor3A_1838 = arith.xori %iota3A, %xor3A_1837 : vector<16xi32>
      %lt3A_1839 = arith.constant 0 : i32
      %lt3A_1840 = vector.broadcast %lt3A_1839 : i32 to vector<16xi32>
      %lt3A_1841 = arith.cmpi slt, %xor3A_1838, %lt3A_1840 : vector<16xi32>
      %add3A_1842 = arith.constant 16 : i32
      %add3A_1843 = vector.broadcast %add3A_1842 : i32 to vector<16xi32>
      %add3A_1844 = arith.addi %xor3A_1838, %add3A_1843 : vector<16xi32>
      %select_n3A_1845 = arith.select %lt3A_1841, %add3A_1844, %xor3A_1838 : vector<16xi1>, vector<16xi32>
      %broadcast_in_dim3A_1846 = vector.shape_cast %select_n3A_1845 : vector<16xi32> to vector<16x1xi32>
      %gather3A_1847 = vector.shape_cast %broadcast_in_dim3A_1846 : vector<16x1xi32> to vector<16xi32>
      %gather3A_1848 = tpu.dynamic_gather %add3A_1835[%gather3A_1847] in [0] : vector<16xf32>, vector<16xi32> -> vector<16xf32>
      %add3A_1849 = arith.addf %add3A_1835, %gather3A_1848 : vector<16xf32>
      %xor3A_1850 = arith.constant 2 : i32
      %xor3A_1851 = vector.broadcast %xor3A_1850 : i32 to vector<16xi32>
      %xor3A_1852 = arith.xori %iota3A, %xor3A_1851 : vector<16xi32>
      %lt3A_1853 = arith.constant 0 : i32
      %lt3A_1854 = vector.broadcast %lt3A_1853 : i32 to vector<16xi32>
      %lt3A_1855 = arith.cmpi slt, %xor3A_1852, %lt3A_1854 : vector<16xi32>
      %add3A_1856 = arith.constant 16 : i32
      %add3A_1857 = vector.broadcast %add3A_1856 : i32 to vector<16xi32>
      %add3A_1858 = arith.addi %xor3A_1852, %add3A_1857 : vector<16xi32>
      %select_n3A_1859 = arith.select %lt3A_1855, %add3A_1858, %xor3A_1852 : vector<16xi1>, vector<16xi32>
      %broadcast_in_dim3A_1860 = vector.shape_cast %select_n3A_1859 : vector<16xi32> to vector<16x1xi32>
      %gather3A_1861 = vector.shape_cast %broadcast_in_dim3A_1860 : vector<16x1xi32> to vector<16xi32>
      %gather3A_1862 = tpu.dynamic_gather %add3A_1849[%gather3A_1861] in [0] : vector<16xf32>, vector<16xi32> -> vector<16xf32>
      %add3A_1863 = arith.addf %add3A_1849, %gather3A_1862 : vector<16xf32>
      %xor3A_1864 = arith.constant 1 : i32
      %xor3A_1865 = vector.broadcast %xor3A_1864 : i32 to vector<16xi32>
      %xor3A_1866 = arith.xori %iota3A, %xor3A_1865 : vector<16xi32>
      %lt3A_1867 = arith.constant 0 : i32
      %lt3A_1868 = vector.broadcast %lt3A_1867 : i32 to vector<16xi32>
      %lt3A_1869 = arith.cmpi slt, %xor3A_1866, %lt3A_1868 : vector<16xi32>
      %add3A_1870 = arith.constant 16 : i32
      %add3A_1871 = vector.broadcast %add3A_1870 : i32 to vector<16xi32>
      %add3A_1872 = arith.addi %xor3A_1866, %add3A_1871 : vector<16xi32>
      %select_n3A_1873 = arith.select %lt3A_1869, %add3A_1872, %xor3A_1866 : vector<16xi1>, vector<16xi32>
      %broadcast_in_dim3A_1874 = vector.shape_cast %select_n3A_1873 : vector<16xi32> to vector<16x1xi32>
      %gather3A_1875 = vector.shape_cast %broadcast_in_dim3A_1874 : vector<16x1xi32> to vector<16xi32>
      %gather3A_1876 = tpu.dynamic_gather %add3A_1863[%gather3A_1875] in [0] : vector<16xf32>, vector<16xi32> -> vector<16xf32>
      %add3A_1877 = arith.addf %add3A_1863, %gather3A_1876 : vector<16xf32>
      %eq3A_1878 = arith.constant 7 : i32
      %eq3A_1879 = vector.broadcast %eq3A_1878 : i32 to vector<16xi32>
      %eq3A_1880 = arith.cmpi eq, %iota3A, %eq3A_1879 : vector<16xi32>
      %select_n3A_1881 = arith.select %eq3A_1880, %add3A_1877, %select_n3A_1810 : vector<16xi1>, vector<16xf32>
      %broadcast_in_dim3A_1882 = arith.constant 0.000000e+00 : f32
      %broadcast_in_dim3A_1883 = vector.broadcast %broadcast_in_dim3A_1882 : f32 to vector<16xf32>
      %scan3A_1884 = arith.constant 0 : i32
      %scan3A_1885 = arith.constant 26 : i32
      %scan3A_1886 = arith.addi %scan3A_1884, %scan3A_1885 : i32
      %scan3A_1887 = arith.constant 1 : i32
      %scan3A_1888:4 = scf.for %scan3A_2456 = %scan3A_1884 to %scan3A_1886 step %scan3A_1887 iter_args(%scan3A_2457 = %broadcast_in_dim3A_1883, %scan3A_2458 = %broadcast_in_dim3A_1883, %scan3A_2459 = %broadcast_in_dim3A_1883, %scan3A_2460 = %broadcast_in_dim3A_1883) -> (vector<16xf32>, vector<16xf32>, vector<16xf32>, vector<16xf32>)  : i32 {
        %add3A_2461 = arith.constant 208 : i32
        %add3A_2462 = arith.addi %add3A_2461, %scan3A_2456 : i32
        %get3A = arith.index_cast %add3A_2462 : i32 to index
        %get3A_2463 = arith.constant 0 : index
        %get3A_2464 = tpu.vector_load %arg8[%get3A, %get3A_2463] {strides = array<i32>} : memref<416x64xf32, #tpu.memory_space<vmem>>, vector<1x16xf32>,
        %get3A_2465 = vector.shape_cast %get3A_2464 : vector<1x16xf32> to vector<16xf32>
        %get3A_2466 = arith.index_cast %scan3A_2456 : i32 to index
        %get3A_2467 = arith.constant 0 : index
        %get3A_2468 = tpu.vector_load %arg9[%get3A_2466, %get3A_2467] {strides = array<i32>} : memref<26x64xf32, #tpu.memory_space<vmem>>, vector<1x16xf32>,
        %get3A_2469 = vector.shape_cast %get3A_2468 : vector<1x16xf32> to vector<16xf32>
        %mul3A_2470 = arith.mulf %get3A_2465, %get3A_2469 : vector<16xf32>
        %add3A_2471 = arith.addf %scan3A_2457, %mul3A_2470 : vector<16xf32>
        %get3A_2472 = arith.index_cast %add3A_2462 : i32 to index
        %get3A_2473 = arith.constant 16 : index
        %get3A_2474 = tpu.vector_load %arg8[%get3A_2472, %get3A_2473] {strides = array<i32>} : memref<416x64xf32, #tpu.memory_space<vmem>>, vector<1x16xf32>,
        %get3A_2475 = vector.shape_cast %get3A_2474 : vector<1x16xf32> to vector<16xf32>
        %get3A_2476 = arith.index_cast %scan3A_2456 : i32 to index
        %get3A_2477 = arith.constant 16 : index
        %get3A_2478 = tpu.vector_load %arg9[%get3A_2476, %get3A_2477] {strides = array<i32>} : memref<26x64xf32, #tpu.memory_space<vmem>>, vector<1x16xf32>,
        %get3A_2479 = vector.shape_cast %get3A_2478 : vector<1x16xf32> to vector<16xf32>
        %mul3A_2480 = arith.mulf %get3A_2475, %get3A_2479 : vector<16xf32>
        %add3A_2481 = arith.addf %scan3A_2458, %mul3A_2480 : vector<16xf32>
        %get3A_2482 = arith.index_cast %add3A_2462 : i32 to index
        %get3A_2483 = arith.constant 32 : index
        %get3A_2484 = tpu.vector_load %arg8[%get3A_2482, %get3A_2483] {strides = array<i32>} : memref<416x64xf32, #tpu.memory_space<vmem>>, vector<1x16xf32>,
        %get3A_2485 = vector.shape_cast %get3A_2484 : vector<1x16xf32> to vector<16xf32>
        %get3A_2486 = arith.index_cast %scan3A_2456 : i32 to index
        %get3A_2487 = arith.constant 32 : index
        %get3A_2488 = tpu.vector_load %arg9[%get3A_2486, %get3A_2487] {strides = array<i32>} : memref<26x64xf32, #tpu.memory_space<vmem>>, vector<1x16xf32>,
        %get3A_2489 = vector.shape_cast %get3A_2488 : vector<1x16xf32> to vector<16xf32>
        %mul3A_2490 = arith.mulf %get3A_2485, %get3A_2489 : vector<16xf32>
        %add3A_2491 = arith.addf %scan3A_2459, %mul3A_2490 : vector<16xf32>
        %get3A_2492 = arith.index_cast %add3A_2462 : i32 to index
        %get3A_2493 = arith.constant 48 : index
        %get3A_2494 = tpu.vector_load %arg8[%get3A_2492, %get3A_2493] {strides = array<i32>} : memref<416x64xf32, #tpu.memory_space<vmem>>, vector<1x16xf32>,
        %get3A_2495 = vector.shape_cast %get3A_2494 : vector<1x16xf32> to vector<16xf32>
        %get3A_2496 = arith.index_cast %scan3A_2456 : i32 to index
        %get3A_2497 = arith.constant 48 : index
        %get3A_2498 = tpu.vector_load %arg9[%get3A_2496, %get3A_2497] {strides = array<i32>} : memref<26x64xf32, #tpu.memory_space<vmem>>, vector<1x16xf32>,
        %get3A_2499 = vector.shape_cast %get3A_2498 : vector<1x16xf32> to vector<16xf32>
        %mul3A_2500 = arith.mulf %get3A_2495, %get3A_2499 : vector<16xf32>
        %add3A_2501 = arith.addf %scan3A_2460, %mul3A_2500 : vector<16xf32>
        scf.yield %add3A_2471, %add3A_2481, %add3A_2491, %add3A_2501 : vector<16xf32>, vector<16xf32>, vector<16xf32>, vector<16xf32>
      }
      %scan3A_1889 = arith.constant 26 : i32
      %add3A_1890 = arith.addf %scan3A_1888#0, %scan3A_1888#1 : vector<16xf32>
      %add3A_1891 = arith.addf %add3A_1890, %scan3A_1888#2 : vector<16xf32>
      %add3A_1892 = arith.addf %add3A_1891, %scan3A_1888#3 : vector<16xf32>
      %xor3A_1893 = arith.constant 8 : i32
      %xor3A_1894 = vector.broadcast %xor3A_1893 : i32 to vector<16xi32>
      %xor3A_1895 = arith.xori %iota3A, %xor3A_1894 : vector<16xi32>
      %lt3A_1896 = arith.constant 0 : i32
      %lt3A_1897 = vector.broadcast %lt3A_1896 : i32 to vector<16xi32>
      %lt3A_1898 = arith.cmpi slt, %xor3A_1895, %lt3A_1897 : vector<16xi32>
      %add3A_1899 = arith.constant 16 : i32
      %add3A_1900 = vector.broadcast %add3A_1899 : i32 to vector<16xi32>
      %add3A_1901 = arith.addi %xor3A_1895, %add3A_1900 : vector<16xi32>
      %select_n3A_1902 = arith.select %lt3A_1898, %add3A_1901, %xor3A_1895 : vector<16xi1>, vector<16xi32>
      %broadcast_in_dim3A_1903 = vector.shape_cast %select_n3A_1902 : vector<16xi32> to vector<16x1xi32>
      %gather3A_1904 = vector.shape_cast %broadcast_in_dim3A_1903 : vector<16x1xi32> to vector<16xi32>
      %gather3A_1905 = tpu.dynamic_gather %add3A_1892[%gather3A_1904] in [0] : vector<16xf32>, vector<16xi32> -> vector<16xf32>
      %add3A_1906 = arith.addf %add3A_1892, %gather3A_1905 : vector<16xf32>
      %xor3A_1907 = arith.constant 4 : i32
      %xor3A_1908 = vector.broadcast %xor3A_1907 : i32 to vector<16xi32>
      %xor3A_1909 = arith.xori %iota3A, %xor3A_1908 : vector<16xi32>
      %lt3A_1910 = arith.constant 0 : i32
      %lt3A_1911 = vector.broadcast %lt3A_1910 : i32 to vector<16xi32>
      %lt3A_1912 = arith.cmpi slt, %xor3A_1909, %lt3A_1911 : vector<16xi32>
      %add3A_1913 = arith.constant 16 : i32
      %add3A_1914 = vector.broadcast %add3A_1913 : i32 to vector<16xi32>
      %add3A_1915 = arith.addi %xor3A_1909, %add3A_1914 : vector<16xi32>
      %select_n3A_1916 = arith.select %lt3A_1912, %add3A_1915, %xor3A_1909 : vector<16xi1>, vector<16xi32>
      %broadcast_in_dim3A_1917 = vector.shape_cast %select_n3A_1916 : vector<16xi32> to vector<16x1xi32>
      %gather3A_1918 = vector.shape_cast %broadcast_in_dim3A_1917 : vector<16x1xi32> to vector<16xi32>
      %gather3A_1919 = tpu.dynamic_gather %add3A_1906[%gather3A_1918] in [0] : vector<16xf32>, vector<16xi32> -> vector<16xf32>
      %add3A_1920 = arith.addf %add3A_1906, %gather3A_1919 : vector<16xf32>
      %xor3A_1921 = arith.constant 2 : i32
      %xor3A_1922 = vector.broadcast %xor3A_1921 : i32 to vector<16xi32>
      %xor3A_1923 = arith.xori %iota3A, %xor3A_1922 : vector<16xi32>
      %lt3A_1924 = arith.constant 0 : i32
      %lt3A_1925 = vector.broadcast %lt3A_1924 : i32 to vector<16xi32>
      %lt3A_1926 = arith.cmpi slt, %xor3A_1923, %lt3A_1925 : vector<16xi32>
      %add3A_1927 = arith.constant 16 : i32
      %add3A_1928 = vector.broadcast %add3A_1927 : i32 to vector<16xi32>
      %add3A_1929 = arith.addi %xor3A_1923, %add3A_1928 : vector<16xi32>
      %select_n3A_1930 = arith.select %lt3A_1926, %add3A_1929, %xor3A_1923 : vector<16xi1>, vector<16xi32>
      %broadcast_in_dim3A_1931 = vector.shape_cast %select_n3A_1930 : vector<16xi32> to vector<16x1xi32>
      %gather3A_1932 = vector.shape_cast %broadcast_in_dim3A_1931 : vector<16x1xi32> to vector<16xi32>
      %gather3A_1933 = tpu.dynamic_gather %add3A_1920[%gather3A_1932] in [0] : vector<16xf32>, vector<16xi32> -> vector<16xf32>
      %add3A_1934 = arith.addf %add3A_1920, %gather3A_1933 : vector<16xf32>
      %xor3A_1935 = arith.constant 1 : i32
      %xor3A_1936 = vector.broadcast %xor3A_1935 : i32 to vector<16xi32>
      %xor3A_1937 = arith.xori %iota3A, %xor3A_1936 : vector<16xi32>
      %lt3A_1938 = arith.constant 0 : i32
      %lt3A_1939 = vector.broadcast %lt3A_1938 : i32 to vector<16xi32>
      %lt3A_1940 = arith.cmpi slt, %xor3A_1937, %lt3A_1939 : vector<16xi32>
      %add3A_1941 = arith.constant 16 : i32
      %add3A_1942 = vector.broadcast %add3A_1941 : i32 to vector<16xi32>
      %add3A_1943 = arith.addi %xor3A_1937, %add3A_1942 : vector<16xi32>
      %select_n3A_1944 = arith.select %lt3A_1940, %add3A_1943, %xor3A_1937 : vector<16xi1>, vector<16xi32>
      %broadcast_in_dim3A_1945 = vector.shape_cast %select_n3A_1944 : vector<16xi32> to vector<16x1xi32>
      %gather3A_1946 = vector.shape_cast %broadcast_in_dim3A_1945 : vector<16x1xi32> to vector<16xi32>
      %gather3A_1947 = tpu.dynamic_gather %add3A_1934[%gather3A_1946] in [0] : vector<16xf32>, vector<16xi32> -> vector<16xf32>
      %add3A_1948 = arith.addf %add3A_1934, %gather3A_1947 : vector<16xf32>
      %eq3A_1949 = arith.constant 8 : i32
      %eq3A_1950 = vector.broadcast %eq3A_1949 : i32 to vector<16xi32>
      %eq3A_1951 = arith.cmpi eq, %iota3A, %eq3A_1950 : vector<16xi32>
      %select_n3A_1952 = arith.select %eq3A_1951, %add3A_1948, %select_n3A_1881 : vector<16xi1>, vector<16xf32>
      %broadcast_in_dim3A_1953 = arith.constant 0.000000e+00 : f32
      %broadcast_in_dim3A_1954 = vector.broadcast %broadcast_in_dim3A_1953 : f32 to vector<16xf32>
      %scan3A_1955 = arith.constant 0 : i32
      %scan3A_1956 = arith.constant 26 : i32
      %scan3A_1957 = arith.addi %scan3A_1955, %scan3A_1956 : i32
      %scan3A_1958 = arith.constant 1 : i32
      %scan3A_1959:4 = scf.for %scan3A_2456 = %scan3A_1955 to %scan3A_1957 step %scan3A_1958 iter_args(%scan3A_2457 = %broadcast_in_dim3A_1954, %scan3A_2458 = %broadcast_in_dim3A_1954, %scan3A_2459 = %broadcast_in_dim3A_1954, %scan3A_2460 = %broadcast_in_dim3A_1954) -> (vector<16xf32>, vector<16xf32>, vector<16xf32>, vector<16xf32>)  : i32 {
        %add3A_2461 = arith.constant 234 : i32
        %add3A_2462 = arith.addi %add3A_2461, %scan3A_2456 : i32
        %get3A = arith.index_cast %add3A_2462 : i32 to index
        %get3A_2463 = arith.constant 0 : index
        %get3A_2464 = tpu.vector_load %arg8[%get3A, %get3A_2463] {strides = array<i32>} : memref<416x64xf32, #tpu.memory_space<vmem>>, vector<1x16xf32>,
        %get3A_2465 = vector.shape_cast %get3A_2464 : vector<1x16xf32> to vector<16xf32>
        %get3A_2466 = arith.index_cast %scan3A_2456 : i32 to index
        %get3A_2467 = arith.constant 0 : index
        %get3A_2468 = tpu.vector_load %arg9[%get3A_2466, %get3A_2467] {strides = array<i32>} : memref<26x64xf32, #tpu.memory_space<vmem>>, vector<1x16xf32>,
        %get3A_2469 = vector.shape_cast %get3A_2468 : vector<1x16xf32> to vector<16xf32>
        %mul3A_2470 = arith.mulf %get3A_2465, %get3A_2469 : vector<16xf32>
        %add3A_2471 = arith.addf %scan3A_2457, %mul3A_2470 : vector<16xf32>
        %get3A_2472 = arith.index_cast %add3A_2462 : i32 to index
        %get3A_2473 = arith.constant 16 : index
        %get3A_2474 = tpu.vector_load %arg8[%get3A_2472, %get3A_2473] {strides = array<i32>} : memref<416x64xf32, #tpu.memory_space<vmem>>, vector<1x16xf32>,
        %get3A_2475 = vector.shape_cast %get3A_2474 : vector<1x16xf32> to vector<16xf32>
        %get3A_2476 = arith.index_cast %scan3A_2456 : i32 to index
        %get3A_2477 = arith.constant 16 : index
        %get3A_2478 = tpu.vector_load %arg9[%get3A_2476, %get3A_2477] {strides = array<i32>} : memref<26x64xf32, #tpu.memory_space<vmem>>, vector<1x16xf32>,
        %get3A_2479 = vector.shape_cast %get3A_2478 : vector<1x16xf32> to vector<16xf32>
        %mul3A_2480 = arith.mulf %get3A_2475, %get3A_2479 : vector<16xf32>
        %add3A_2481 = arith.addf %scan3A_2458, %mul3A_2480 : vector<16xf32>
        %get3A_2482 = arith.index_cast %add3A_2462 : i32 to index
        %get3A_2483 = arith.constant 32 : index
        %get3A_2484 = tpu.vector_load %arg8[%get3A_2482, %get3A_2483] {strides = array<i32>} : memref<416x64xf32, #tpu.memory_space<vmem>>, vector<1x16xf32>,
        %get3A_2485 = vector.shape_cast %get3A_2484 : vector<1x16xf32> to vector<16xf32>
        %get3A_2486 = arith.index_cast %scan3A_2456 : i32 to index
        %get3A_2487 = arith.constant 32 : index
        %get3A_2488 = tpu.vector_load %arg9[%get3A_2486, %get3A_2487] {strides = array<i32>} : memref<26x64xf32, #tpu.memory_space<vmem>>, vector<1x16xf32>,
        %get3A_2489 = vector.shape_cast %get3A_2488 : vector<1x16xf32> to vector<16xf32>
        %mul3A_2490 = arith.mulf %get3A_2485, %get3A_2489 : vector<16xf32>
        %add3A_2491 = arith.addf %scan3A_2459, %mul3A_2490 : vector<16xf32>
        %get3A_2492 = arith.index_cast %add3A_2462 : i32 to index
        %get3A_2493 = arith.constant 48 : index
        %get3A_2494 = tpu.vector_load %arg8[%get3A_2492, %get3A_2493] {strides = array<i32>} : memref<416x64xf32, #tpu.memory_space<vmem>>, vector<1x16xf32>,
        %get3A_2495 = vector.shape_cast %get3A_2494 : vector<1x16xf32> to vector<16xf32>
        %get3A_2496 = arith.index_cast %scan3A_2456 : i32 to index
        %get3A_2497 = arith.constant 48 : index
        %get3A_2498 = tpu.vector_load %arg9[%get3A_2496, %get3A_2497] {strides = array<i32>} : memref<26x64xf32, #tpu.memory_space<vmem>>, vector<1x16xf32>,
        %get3A_2499 = vector.shape_cast %get3A_2498 : vector<1x16xf32> to vector<16xf32>
        %mul3A_2500 = arith.mulf %get3A_2495, %get3A_2499 : vector<16xf32>
        %add3A_2501 = arith.addf %scan3A_2460, %mul3A_2500 : vector<16xf32>
        scf.yield %add3A_2471, %add3A_2481, %add3A_2491, %add3A_2501 : vector<16xf32>, vector<16xf32>, vector<16xf32>, vector<16xf32>
      }
      %scan3A_1960 = arith.constant 26 : i32
      %add3A_1961 = arith.addf %scan3A_1959#0, %scan3A_1959#1 : vector<16xf32>
      %add3A_1962 = arith.addf %add3A_1961, %scan3A_1959#2 : vector<16xf32>
      %add3A_1963 = arith.addf %add3A_1962, %scan3A_1959#3 : vector<16xf32>
      %xor3A_1964 = arith.constant 8 : i32
      %xor3A_1965 = vector.broadcast %xor3A_1964 : i32 to vector<16xi32>
      %xor3A_1966 = arith.xori %iota3A, %xor3A_1965 : vector<16xi32>
      %lt3A_1967 = arith.constant 0 : i32
      %lt3A_1968 = vector.broadcast %lt3A_1967 : i32 to vector<16xi32>
      %lt3A_1969 = arith.cmpi slt, %xor3A_1966, %lt3A_1968 : vector<16xi32>
      %add3A_1970 = arith.constant 16 : i32
      %add3A_1971 = vector.broadcast %add3A_1970 : i32 to vector<16xi32>
      %add3A_1972 = arith.addi %xor3A_1966, %add3A_1971 : vector<16xi32>
      %select_n3A_1973 = arith.select %lt3A_1969, %add3A_1972, %xor3A_1966 : vector<16xi1>, vector<16xi32>
      %broadcast_in_dim3A_1974 = vector.shape_cast %select_n3A_1973 : vector<16xi32> to vector<16x1xi32>
      %gather3A_1975 = vector.shape_cast %broadcast_in_dim3A_1974 : vector<16x1xi32> to vector<16xi32>
      %gather3A_1976 = tpu.dynamic_gather %add3A_1963[%gather3A_1975] in [0] : vector<16xf32>, vector<16xi32> -> vector<16xf32>
      %add3A_1977 = arith.addf %add3A_1963, %gather3A_1976 : vector<16xf32>
      %xor3A_1978 = arith.constant 4 : i32
      %xor3A_1979 = vector.broadcast %xor3A_1978 : i32 to vector<16xi32>
      %xor3A_1980 = arith.xori %iota3A, %xor3A_1979 : vector<16xi32>
      %lt3A_1981 = arith.constant 0 : i32
      %lt3A_1982 = vector.broadcast %lt3A_1981 : i32 to vector<16xi32>
      %lt3A_1983 = arith.cmpi slt, %xor3A_1980, %lt3A_1982 : vector<16xi32>
      %add3A_1984 = arith.constant 16 : i32
      %add3A_1985 = vector.broadcast %add3A_1984 : i32 to vector<16xi32>
      %add3A_1986 = arith.addi %xor3A_1980, %add3A_1985 : vector<16xi32>
      %select_n3A_1987 = arith.select %lt3A_1983, %add3A_1986, %xor3A_1980 : vector<16xi1>, vector<16xi32>
      %broadcast_in_dim3A_1988 = vector.shape_cast %select_n3A_1987 : vector<16xi32> to vector<16x1xi32>
      %gather3A_1989 = vector.shape_cast %broadcast_in_dim3A_1988 : vector<16x1xi32> to vector<16xi32>
      %gather3A_1990 = tpu.dynamic_gather %add3A_1977[%gather3A_1989] in [0] : vector<16xf32>, vector<16xi32> -> vector<16xf32>
      %add3A_1991 = arith.addf %add3A_1977, %gather3A_1990 : vector<16xf32>
      %xor3A_1992 = arith.constant 2 : i32
      %xor3A_1993 = vector.broadcast %xor3A_1992 : i32 to vector<16xi32>
      %xor3A_1994 = arith.xori %iota3A, %xor3A_1993 : vector<16xi32>
      %lt3A_1995 = arith.constant 0 : i32
      %lt3A_1996 = vector.broadcast %lt3A_1995 : i32 to vector<16xi32>
      %lt3A_1997 = arith.cmpi slt, %xor3A_1994, %lt3A_1996 : vector<16xi32>
      %add3A_1998 = arith.constant 16 : i32
      %add3A_1999 = vector.broadcast %add3A_1998 : i32 to vector<16xi32>
      %add3A_2000 = arith.addi %xor3A_1994, %add3A_1999 : vector<16xi32>
      %select_n3A_2001 = arith.select %lt3A_1997, %add3A_2000, %xor3A_1994 : vector<16xi1>, vector<16xi32>
      %broadcast_in_dim3A_2002 = vector.shape_cast %select_n3A_2001 : vector<16xi32> to vector<16x1xi32>
      %gather3A_2003 = vector.shape_cast %broadcast_in_dim3A_2002 : vector<16x1xi32> to vector<16xi32>
      %gather3A_2004 = tpu.dynamic_gather %add3A_1991[%gather3A_2003] in [0] : vector<16xf32>, vector<16xi32> -> vector<16xf32>
      %add3A_2005 = arith.addf %add3A_1991, %gather3A_2004 : vector<16xf32>
      %xor3A_2006 = arith.constant 1 : i32
      %xor3A_2007 = vector.broadcast %xor3A_2006 : i32 to vector<16xi32>
      %xor3A_2008 = arith.xori %iota3A, %xor3A_2007 : vector<16xi32>
      %lt3A_2009 = arith.constant 0 : i32
      %lt3A_2010 = vector.broadcast %lt3A_2009 : i32 to vector<16xi32>
      %lt3A_2011 = arith.cmpi slt, %xor3A_2008, %lt3A_2010 : vector<16xi32>
      %add3A_2012 = arith.constant 16 : i32
      %add3A_2013 = vector.broadcast %add3A_2012 : i32 to vector<16xi32>
      %add3A_2014 = arith.addi %xor3A_2008, %add3A_2013 : vector<16xi32>
      %select_n3A_2015 = arith.select %lt3A_2011, %add3A_2014, %xor3A_2008 : vector<16xi1>, vector<16xi32>
      %broadcast_in_dim3A_2016 = vector.shape_cast %select_n3A_2015 : vector<16xi32> to vector<16x1xi32>
      %gather3A_2017 = vector.shape_cast %broadcast_in_dim3A_2016 : vector<16x1xi32> to vector<16xi32>
      %gather3A_2018 = tpu.dynamic_gather %add3A_2005[%gather3A_2017] in [0] : vector<16xf32>, vector<16xi32> -> vector<16xf32>
      %add3A_2019 = arith.addf %add3A_2005, %gather3A_2018 : vector<16xf32>
      %eq3A_2020 = arith.constant 9 : i32
      %eq3A_2021 = vector.broadcast %eq3A_2020 : i32 to vector<16xi32>
      %eq3A_2022 = arith.cmpi eq, %iota3A, %eq3A_2021 : vector<16xi32>
      %select_n3A_2023 = arith.select %eq3A_2022, %add3A_2019, %select_n3A_1952 : vector<16xi1>, vector<16xf32>
      %broadcast_in_dim3A_2024 = arith.constant 0.000000e+00 : f32
      %broadcast_in_dim3A_2025 = vector.broadcast %broadcast_in_dim3A_2024 : f32 to vector<16xf32>
      %scan3A_2026 = arith.constant 0 : i32
      %scan3A_2027 = arith.constant 26 : i32
      %scan3A_2028 = arith.addi %scan3A_2026, %scan3A_2027 : i32
      %scan3A_2029 = arith.constant 1 : i32
      %scan3A_2030:4 = scf.for %scan3A_2456 = %scan3A_2026 to %scan3A_2028 step %scan3A_2029 iter_args(%scan3A_2457 = %broadcast_in_dim3A_2025, %scan3A_2458 = %broadcast_in_dim3A_2025, %scan3A_2459 = %broadcast_in_dim3A_2025, %scan3A_2460 = %broadcast_in_dim3A_2025) -> (vector<16xf32>, vector<16xf32>, vector<16xf32>, vector<16xf32>)  : i32 {
        %add3A_2461 = arith.constant 260 : i32
        %add3A_2462 = arith.addi %add3A_2461, %scan3A_2456 : i32
        %get3A = arith.index_cast %add3A_2462 : i32 to index
        %get3A_2463 = arith.constant 0 : index
        %get3A_2464 = tpu.vector_load %arg8[%get3A, %get3A_2463] {strides = array<i32>} : memref<416x64xf32, #tpu.memory_space<vmem>>, vector<1x16xf32>,
        %get3A_2465 = vector.shape_cast %get3A_2464 : vector<1x16xf32> to vector<16xf32>
        %get3A_2466 = arith.index_cast %scan3A_2456 : i32 to index
        %get3A_2467 = arith.constant 0 : index
        %get3A_2468 = tpu.vector_load %arg9[%get3A_2466, %get3A_2467] {strides = array<i32>} : memref<26x64xf32, #tpu.memory_space<vmem>>, vector<1x16xf32>,
        %get3A_2469 = vector.shape_cast %get3A_2468 : vector<1x16xf32> to vector<16xf32>
        %mul3A_2470 = arith.mulf %get3A_2465, %get3A_2469 : vector<16xf32>
        %add3A_2471 = arith.addf %scan3A_2457, %mul3A_2470 : vector<16xf32>
        %get3A_2472 = arith.index_cast %add3A_2462 : i32 to index
        %get3A_2473 = arith.constant 16 : index
        %get3A_2474 = tpu.vector_load %arg8[%get3A_2472, %get3A_2473] {strides = array<i32>} : memref<416x64xf32, #tpu.memory_space<vmem>>, vector<1x16xf32>,
        %get3A_2475 = vector.shape_cast %get3A_2474 : vector<1x16xf32> to vector<16xf32>
        %get3A_2476 = arith.index_cast %scan3A_2456 : i32 to index
        %get3A_2477 = arith.constant 16 : index
        %get3A_2478 = tpu.vector_load %arg9[%get3A_2476, %get3A_2477] {strides = array<i32>} : memref<26x64xf32, #tpu.memory_space<vmem>>, vector<1x16xf32>,
        %get3A_2479 = vector.shape_cast %get3A_2478 : vector<1x16xf32> to vector<16xf32>
        %mul3A_2480 = arith.mulf %get3A_2475, %get3A_2479 : vector<16xf32>
        %add3A_2481 = arith.addf %scan3A_2458, %mul3A_2480 : vector<16xf32>
        %get3A_2482 = arith.index_cast %add3A_2462 : i32 to index
        %get3A_2483 = arith.constant 32 : index
        %get3A_2484 = tpu.vector_load %arg8[%get3A_2482, %get3A_2483] {strides = array<i32>} : memref<416x64xf32, #tpu.memory_space<vmem>>, vector<1x16xf32>,
        %get3A_2485 = vector.shape_cast %get3A_2484 : vector<1x16xf32> to vector<16xf32>
        %get3A_2486 = arith.index_cast %scan3A_2456 : i32 to index
        %get3A_2487 = arith.constant 32 : index
        %get3A_2488 = tpu.vector_load %arg9[%get3A_2486, %get3A_2487] {strides = array<i32>} : memref<26x64xf32, #tpu.memory_space<vmem>>, vector<1x16xf32>,
        %get3A_2489 = vector.shape_cast %get3A_2488 : vector<1x16xf32> to vector<16xf32>
        %mul3A_2490 = arith.mulf %get3A_2485, %get3A_2489 : vector<16xf32>
        %add3A_2491 = arith.addf %scan3A_2459, %mul3A_2490 : vector<16xf32>
        %get3A_2492 = arith.index_cast %add3A_2462 : i32 to index
        %get3A_2493 = arith.constant 48 : index
        %get3A_2494 = tpu.vector_load %arg8[%get3A_2492, %get3A_2493] {strides = array<i32>} : memref<416x64xf32, #tpu.memory_space<vmem>>, vector<1x16xf32>,
        %get3A_2495 = vector.shape_cast %get3A_2494 : vector<1x16xf32> to vector<16xf32>
        %get3A_2496 = arith.index_cast %scan3A_2456 : i32 to index
        %get3A_2497 = arith.constant 48 : index
        %get3A_2498 = tpu.vector_load %arg9[%get3A_2496, %get3A_2497] {strides = array<i32>} : memref<26x64xf32, #tpu.memory_space<vmem>>, vector<1x16xf32>,
        %get3A_2499 = vector.shape_cast %get3A_2498 : vector<1x16xf32> to vector<16xf32>
        %mul3A_2500 = arith.mulf %get3A_2495, %get3A_2499 : vector<16xf32>
        %add3A_2501 = arith.addf %scan3A_2460, %mul3A_2500 : vector<16xf32>
        scf.yield %add3A_2471, %add3A_2481, %add3A_2491, %add3A_2501 : vector<16xf32>, vector<16xf32>, vector<16xf32>, vector<16xf32>
      }
      %scan3A_2031 = arith.constant 26 : i32
      %add3A_2032 = arith.addf %scan3A_2030#0, %scan3A_2030#1 : vector<16xf32>
      %add3A_2033 = arith.addf %add3A_2032, %scan3A_2030#2 : vector<16xf32>
      %add3A_2034 = arith.addf %add3A_2033, %scan3A_2030#3 : vector<16xf32>
      %xor3A_2035 = arith.constant 8 : i32
      %xor3A_2036 = vector.broadcast %xor3A_2035 : i32 to vector<16xi32>
      %xor3A_2037 = arith.xori %iota3A, %xor3A_2036 : vector<16xi32>
      %lt3A_2038 = arith.constant 0 : i32
      %lt3A_2039 = vector.broadcast %lt3A_2038 : i32 to vector<16xi32>
      %lt3A_2040 = arith.cmpi slt, %xor3A_2037, %lt3A_2039 : vector<16xi32>
      %add3A_2041 = arith.constant 16 : i32
      %add3A_2042 = vector.broadcast %add3A_2041 : i32 to vector<16xi32>
      %add3A_2043 = arith.addi %xor3A_2037, %add3A_2042 : vector<16xi32>
      %select_n3A_2044 = arith.select %lt3A_2040, %add3A_2043, %xor3A_2037 : vector<16xi1>, vector<16xi32>
      %broadcast_in_dim3A_2045 = vector.shape_cast %select_n3A_2044 : vector<16xi32> to vector<16x1xi32>
      %gather3A_2046 = vector.shape_cast %broadcast_in_dim3A_2045 : vector<16x1xi32> to vector<16xi32>
      %gather3A_2047 = tpu.dynamic_gather %add3A_2034[%gather3A_2046] in [0] : vector<16xf32>, vector<16xi32> -> vector<16xf32>
      %add3A_2048 = arith.addf %add3A_2034, %gather3A_2047 : vector<16xf32>
      %xor3A_2049 = arith.constant 4 : i32
      %xor3A_2050 = vector.broadcast %xor3A_2049 : i32 to vector<16xi32>
      %xor3A_2051 = arith.xori %iota3A, %xor3A_2050 : vector<16xi32>
      %lt3A_2052 = arith.constant 0 : i32
      %lt3A_2053 = vector.broadcast %lt3A_2052 : i32 to vector<16xi32>
      %lt3A_2054 = arith.cmpi slt, %xor3A_2051, %lt3A_2053 : vector<16xi32>
      %add3A_2055 = arith.constant 16 : i32
      %add3A_2056 = vector.broadcast %add3A_2055 : i32 to vector<16xi32>
      %add3A_2057 = arith.addi %xor3A_2051, %add3A_2056 : vector<16xi32>
      %select_n3A_2058 = arith.select %lt3A_2054, %add3A_2057, %xor3A_2051 : vector<16xi1>, vector<16xi32>
      %broadcast_in_dim3A_2059 = vector.shape_cast %select_n3A_2058 : vector<16xi32> to vector<16x1xi32>
      %gather3A_2060 = vector.shape_cast %broadcast_in_dim3A_2059 : vector<16x1xi32> to vector<16xi32>
      %gather3A_2061 = tpu.dynamic_gather %add3A_2048[%gather3A_2060] in [0] : vector<16xf32>, vector<16xi32> -> vector<16xf32>
      %add3A_2062 = arith.addf %add3A_2048, %gather3A_2061 : vector<16xf32>
      %xor3A_2063 = arith.constant 2 : i32
      %xor3A_2064 = vector.broadcast %xor3A_2063 : i32 to vector<16xi32>
      %xor3A_2065 = arith.xori %iota3A, %xor3A_2064 : vector<16xi32>
      %lt3A_2066 = arith.constant 0 : i32
      %lt3A_2067 = vector.broadcast %lt3A_2066 : i32 to vector<16xi32>
      %lt3A_2068 = arith.cmpi slt, %xor3A_2065, %lt3A_2067 : vector<16xi32>
      %add3A_2069 = arith.constant 16 : i32
      %add3A_2070 = vector.broadcast %add3A_2069 : i32 to vector<16xi32>
      %add3A_2071 = arith.addi %xor3A_2065, %add3A_2070 : vector<16xi32>
      %select_n3A_2072 = arith.select %lt3A_2068, %add3A_2071, %xor3A_2065 : vector<16xi1>, vector<16xi32>
      %broadcast_in_dim3A_2073 = vector.shape_cast %select_n3A_2072 : vector<16xi32> to vector<16x1xi32>
      %gather3A_2074 = vector.shape_cast %broadcast_in_dim3A_2073 : vector<16x1xi32> to vector<16xi32>
      %gather3A_2075 = tpu.dynamic_gather %add3A_2062[%gather3A_2074] in [0] : vector<16xf32>, vector<16xi32> -> vector<16xf32>
      %add3A_2076 = arith.addf %add3A_2062, %gather3A_2075 : vector<16xf32>
      %xor3A_2077 = arith.constant 1 : i32
      %xor3A_2078 = vector.broadcast %xor3A_2077 : i32 to vector<16xi32>
      %xor3A_2079 = arith.xori %iota3A, %xor3A_2078 : vector<16xi32>
      %lt3A_2080 = arith.constant 0 : i32
      %lt3A_2081 = vector.broadcast %lt3A_2080 : i32 to vector<16xi32>
      %lt3A_2082 = arith.cmpi slt, %xor3A_2079, %lt3A_2081 : vector<16xi32>
      %add3A_2083 = arith.constant 16 : i32
      %add3A_2084 = vector.broadcast %add3A_2083 : i32 to vector<16xi32>
      %add3A_2085 = arith.addi %xor3A_2079, %add3A_2084 : vector<16xi32>
      %select_n3A_2086 = arith.select %lt3A_2082, %add3A_2085, %xor3A_2079 : vector<16xi1>, vector<16xi32>
      %broadcast_in_dim3A_2087 = vector.shape_cast %select_n3A_2086 : vector<16xi32> to vector<16x1xi32>
      %gather3A_2088 = vector.shape_cast %broadcast_in_dim3A_2087 : vector<16x1xi32> to vector<16xi32>
      %gather3A_2089 = tpu.dynamic_gather %add3A_2076[%gather3A_2088] in [0] : vector<16xf32>, vector<16xi32> -> vector<16xf32>
      %add3A_2090 = arith.addf %add3A_2076, %gather3A_2089 : vector<16xf32>
      %eq3A_2091 = arith.constant 10 : i32
      %eq3A_2092 = vector.broadcast %eq3A_2091 : i32 to vector<16xi32>
      %eq3A_2093 = arith.cmpi eq, %iota3A, %eq3A_2092 : vector<16xi32>
      %select_n3A_2094 = arith.select %eq3A_2093, %add3A_2090, %select_n3A_2023 : vector<16xi1>, vector<16xf32>
      %broadcast_in_dim3A_2095 = arith.constant 0.000000e+00 : f32
      %broadcast_in_dim3A_2096 = vector.broadcast %broadcast_in_dim3A_2095 : f32 to vector<16xf32>
      %scan3A_2097 = arith.constant 0 : i32
      %scan3A_2098 = arith.constant 26 : i32
      %scan3A_2099 = arith.addi %scan3A_2097, %scan3A_2098 : i32
      %scan3A_2100 = arith.constant 1 : i32
      %scan3A_2101:4 = scf.for %scan3A_2456 = %scan3A_2097 to %scan3A_2099 step %scan3A_2100 iter_args(%scan3A_2457 = %broadcast_in_dim3A_2096, %scan3A_2458 = %broadcast_in_dim3A_2096, %scan3A_2459 = %broadcast_in_dim3A_2096, %scan3A_2460 = %broadcast_in_dim3A_2096) -> (vector<16xf32>, vector<16xf32>, vector<16xf32>, vector<16xf32>)  : i32 {
        %add3A_2461 = arith.constant 286 : i32
        %add3A_2462 = arith.addi %add3A_2461, %scan3A_2456 : i32
        %get3A = arith.index_cast %add3A_2462 : i32 to index
        %get3A_2463 = arith.constant 0 : index
        %get3A_2464 = tpu.vector_load %arg8[%get3A, %get3A_2463] {strides = array<i32>} : memref<416x64xf32, #tpu.memory_space<vmem>>, vector<1x16xf32>,
        %get3A_2465 = vector.shape_cast %get3A_2464 : vector<1x16xf32> to vector<16xf32>
        %get3A_2466 = arith.index_cast %scan3A_2456 : i32 to index
        %get3A_2467 = arith.constant 0 : index
        %get3A_2468 = tpu.vector_load %arg9[%get3A_2466, %get3A_2467] {strides = array<i32>} : memref<26x64xf32, #tpu.memory_space<vmem>>, vector<1x16xf32>,
        %get3A_2469 = vector.shape_cast %get3A_2468 : vector<1x16xf32> to vector<16xf32>
        %mul3A_2470 = arith.mulf %get3A_2465, %get3A_2469 : vector<16xf32>
        %add3A_2471 = arith.addf %scan3A_2457, %mul3A_2470 : vector<16xf32>
        %get3A_2472 = arith.index_cast %add3A_2462 : i32 to index
        %get3A_2473 = arith.constant 16 : index
        %get3A_2474 = tpu.vector_load %arg8[%get3A_2472, %get3A_2473] {strides = array<i32>} : memref<416x64xf32, #tpu.memory_space<vmem>>, vector<1x16xf32>,
        %get3A_2475 = vector.shape_cast %get3A_2474 : vector<1x16xf32> to vector<16xf32>
        %get3A_2476 = arith.index_cast %scan3A_2456 : i32 to index
        %get3A_2477 = arith.constant 16 : index
        %get3A_2478 = tpu.vector_load %arg9[%get3A_2476, %get3A_2477] {strides = array<i32>} : memref<26x64xf32, #tpu.memory_space<vmem>>, vector<1x16xf32>,
        %get3A_2479 = vector.shape_cast %get3A_2478 : vector<1x16xf32> to vector<16xf32>
        %mul3A_2480 = arith.mulf %get3A_2475, %get3A_2479 : vector<16xf32>
        %add3A_2481 = arith.addf %scan3A_2458, %mul3A_2480 : vector<16xf32>
        %get3A_2482 = arith.index_cast %add3A_2462 : i32 to index
        %get3A_2483 = arith.constant 32 : index
        %get3A_2484 = tpu.vector_load %arg8[%get3A_2482, %get3A_2483] {strides = array<i32>} : memref<416x64xf32, #tpu.memory_space<vmem>>, vector<1x16xf32>,
        %get3A_2485 = vector.shape_cast %get3A_2484 : vector<1x16xf32> to vector<16xf32>
        %get3A_2486 = arith.index_cast %scan3A_2456 : i32 to index
        %get3A_2487 = arith.constant 32 : index
        %get3A_2488 = tpu.vector_load %arg9[%get3A_2486, %get3A_2487] {strides = array<i32>} : memref<26x64xf32, #tpu.memory_space<vmem>>, vector<1x16xf32>,
        %get3A_2489 = vector.shape_cast %get3A_2488 : vector<1x16xf32> to vector<16xf32>
        %mul3A_2490 = arith.mulf %get3A_2485, %get3A_2489 : vector<16xf32>
        %add3A_2491 = arith.addf %scan3A_2459, %mul3A_2490 : vector<16xf32>
        %get3A_2492 = arith.index_cast %add3A_2462 : i32 to index
        %get3A_2493 = arith.constant 48 : index
        %get3A_2494 = tpu.vector_load %arg8[%get3A_2492, %get3A_2493] {strides = array<i32>} : memref<416x64xf32, #tpu.memory_space<vmem>>, vector<1x16xf32>,
        %get3A_2495 = vector.shape_cast %get3A_2494 : vector<1x16xf32> to vector<16xf32>
        %get3A_2496 = arith.index_cast %scan3A_2456 : i32 to index
        %get3A_2497 = arith.constant 48 : index
        %get3A_2498 = tpu.vector_load %arg9[%get3A_2496, %get3A_2497] {strides = array<i32>} : memref<26x64xf32, #tpu.memory_space<vmem>>, vector<1x16xf32>,
        %get3A_2499 = vector.shape_cast %get3A_2498 : vector<1x16xf32> to vector<16xf32>
        %mul3A_2500 = arith.mulf %get3A_2495, %get3A_2499 : vector<16xf32>
        %add3A_2501 = arith.addf %scan3A_2460, %mul3A_2500 : vector<16xf32>
        scf.yield %add3A_2471, %add3A_2481, %add3A_2491, %add3A_2501 : vector<16xf32>, vector<16xf32>, vector<16xf32>, vector<16xf32>
      }
      %scan3A_2102 = arith.constant 26 : i32
      %add3A_2103 = arith.addf %scan3A_2101#0, %scan3A_2101#1 : vector<16xf32>
      %add3A_2104 = arith.addf %add3A_2103, %scan3A_2101#2 : vector<16xf32>
      %add3A_2105 = arith.addf %add3A_2104, %scan3A_2101#3 : vector<16xf32>
      %xor3A_2106 = arith.constant 8 : i32
      %xor3A_2107 = vector.broadcast %xor3A_2106 : i32 to vector<16xi32>
      %xor3A_2108 = arith.xori %iota3A, %xor3A_2107 : vector<16xi32>
      %lt3A_2109 = arith.constant 0 : i32
      %lt3A_2110 = vector.broadcast %lt3A_2109 : i32 to vector<16xi32>
      %lt3A_2111 = arith.cmpi slt, %xor3A_2108, %lt3A_2110 : vector<16xi32>
      %add3A_2112 = arith.constant 16 : i32
      %add3A_2113 = vector.broadcast %add3A_2112 : i32 to vector<16xi32>
      %add3A_2114 = arith.addi %xor3A_2108, %add3A_2113 : vector<16xi32>
      %select_n3A_2115 = arith.select %lt3A_2111, %add3A_2114, %xor3A_2108 : vector<16xi1>, vector<16xi32>
      %broadcast_in_dim3A_2116 = vector.shape_cast %select_n3A_2115 : vector<16xi32> to vector<16x1xi32>
      %gather3A_2117 = vector.shape_cast %broadcast_in_dim3A_2116 : vector<16x1xi32> to vector<16xi32>
      %gather3A_2118 = tpu.dynamic_gather %add3A_2105[%gather3A_2117] in [0] : vector<16xf32>, vector<16xi32> -> vector<16xf32>
      %add3A_2119 = arith.addf %add3A_2105, %gather3A_2118 : vector<16xf32>
      %xor3A_2120 = arith.constant 4 : i32
      %xor3A_2121 = vector.broadcast %xor3A_2120 : i32 to vector<16xi32>
      %xor3A_2122 = arith.xori %iota3A, %xor3A_2121 : vector<16xi32>
      %lt3A_2123 = arith.constant 0 : i32
      %lt3A_2124 = vector.broadcast %lt3A_2123 : i32 to vector<16xi32>
      %lt3A_2125 = arith.cmpi slt, %xor3A_2122, %lt3A_2124 : vector<16xi32>
      %add3A_2126 = arith.constant 16 : i32
      %add3A_2127 = vector.broadcast %add3A_2126 : i32 to vector<16xi32>
      %add3A_2128 = arith.addi %xor3A_2122, %add3A_2127 : vector<16xi32>
      %select_n3A_2129 = arith.select %lt3A_2125, %add3A_2128, %xor3A_2122 : vector<16xi1>, vector<16xi32>
      %broadcast_in_dim3A_2130 = vector.shape_cast %select_n3A_2129 : vector<16xi32> to vector<16x1xi32>
      %gather3A_2131 = vector.shape_cast %broadcast_in_dim3A_2130 : vector<16x1xi32> to vector<16xi32>
      %gather3A_2132 = tpu.dynamic_gather %add3A_2119[%gather3A_2131] in [0] : vector<16xf32>, vector<16xi32> -> vector<16xf32>
      %add3A_2133 = arith.addf %add3A_2119, %gather3A_2132 : vector<16xf32>
      %xor3A_2134 = arith.constant 2 : i32
      %xor3A_2135 = vector.broadcast %xor3A_2134 : i32 to vector<16xi32>
      %xor3A_2136 = arith.xori %iota3A, %xor3A_2135 : vector<16xi32>
      %lt3A_2137 = arith.constant 0 : i32
      %lt3A_2138 = vector.broadcast %lt3A_2137 : i32 to vector<16xi32>
      %lt3A_2139 = arith.cmpi slt, %xor3A_2136, %lt3A_2138 : vector<16xi32>
      %add3A_2140 = arith.constant 16 : i32
      %add3A_2141 = vector.broadcast %add3A_2140 : i32 to vector<16xi32>
      %add3A_2142 = arith.addi %xor3A_2136, %add3A_2141 : vector<16xi32>
      %select_n3A_2143 = arith.select %lt3A_2139, %add3A_2142, %xor3A_2136 : vector<16xi1>, vector<16xi32>
      %broadcast_in_dim3A_2144 = vector.shape_cast %select_n3A_2143 : vector<16xi32> to vector<16x1xi32>
      %gather3A_2145 = vector.shape_cast %broadcast_in_dim3A_2144 : vector<16x1xi32> to vector<16xi32>
      %gather3A_2146 = tpu.dynamic_gather %add3A_2133[%gather3A_2145] in [0] : vector<16xf32>, vector<16xi32> -> vector<16xf32>
      %add3A_2147 = arith.addf %add3A_2133, %gather3A_2146 : vector<16xf32>
      %xor3A_2148 = arith.constant 1 : i32
      %xor3A_2149 = vector.broadcast %xor3A_2148 : i32 to vector<16xi32>
      %xor3A_2150 = arith.xori %iota3A, %xor3A_2149 : vector<16xi32>
      %lt3A_2151 = arith.constant 0 : i32
      %lt3A_2152 = vector.broadcast %lt3A_2151 : i32 to vector<16xi32>
      %lt3A_2153 = arith.cmpi slt, %xor3A_2150, %lt3A_2152 : vector<16xi32>
      %add3A_2154 = arith.constant 16 : i32
      %add3A_2155 = vector.broadcast %add3A_2154 : i32 to vector<16xi32>
      %add3A_2156 = arith.addi %xor3A_2150, %add3A_2155 : vector<16xi32>
      %select_n3A_2157 = arith.select %lt3A_2153, %add3A_2156, %xor3A_2150 : vector<16xi1>, vector<16xi32>
      %broadcast_in_dim3A_2158 = vector.shape_cast %select_n3A_2157 : vector<16xi32> to vector<16x1xi32>
      %gather3A_2159 = vector.shape_cast %broadcast_in_dim3A_2158 : vector<16x1xi32> to vector<16xi32>
      %gather3A_2160 = tpu.dynamic_gather %add3A_2147[%gather3A_2159] in [0] : vector<16xf32>, vector<16xi32> -> vector<16xf32>
      %add3A_2161 = arith.addf %add3A_2147, %gather3A_2160 : vector<16xf32>
      %eq3A_2162 = arith.constant 11 : i32
      %eq3A_2163 = vector.broadcast %eq3A_2162 : i32 to vector<16xi32>
      %eq3A_2164 = arith.cmpi eq, %iota3A, %eq3A_2163 : vector<16xi32>
      %select_n3A_2165 = arith.select %eq3A_2164, %add3A_2161, %select_n3A_2094 : vector<16xi1>, vector<16xf32>
      %broadcast_in_dim3A_2166 = arith.constant 0.000000e+00 : f32
      %broadcast_in_dim3A_2167 = vector.broadcast %broadcast_in_dim3A_2166 : f32 to vector<16xf32>
      %scan3A_2168 = arith.constant 0 : i32
      %scan3A_2169 = arith.constant 26 : i32
      %scan3A_2170 = arith.addi %scan3A_2168, %scan3A_2169 : i32
      %scan3A_2171 = arith.constant 1 : i32
      %scan3A_2172:4 = scf.for %scan3A_2456 = %scan3A_2168 to %scan3A_2170 step %scan3A_2171 iter_args(%scan3A_2457 = %broadcast_in_dim3A_2167, %scan3A_2458 = %broadcast_in_dim3A_2167, %scan3A_2459 = %broadcast_in_dim3A_2167, %scan3A_2460 = %broadcast_in_dim3A_2167) -> (vector<16xf32>, vector<16xf32>, vector<16xf32>, vector<16xf32>)  : i32 {
        %add3A_2461 = arith.constant 312 : i32
        %add3A_2462 = arith.addi %add3A_2461, %scan3A_2456 : i32
        %get3A = arith.index_cast %add3A_2462 : i32 to index
        %get3A_2463 = arith.constant 0 : index
        %get3A_2464 = tpu.vector_load %arg8[%get3A, %get3A_2463] {strides = array<i32>} : memref<416x64xf32, #tpu.memory_space<vmem>>, vector<1x16xf32>,
        %get3A_2465 = vector.shape_cast %get3A_2464 : vector<1x16xf32> to vector<16xf32>
        %get3A_2466 = arith.index_cast %scan3A_2456 : i32 to index
        %get3A_2467 = arith.constant 0 : index
        %get3A_2468 = tpu.vector_load %arg9[%get3A_2466, %get3A_2467] {strides = array<i32>} : memref<26x64xf32, #tpu.memory_space<vmem>>, vector<1x16xf32>,
        %get3A_2469 = vector.shape_cast %get3A_2468 : vector<1x16xf32> to vector<16xf32>
        %mul3A_2470 = arith.mulf %get3A_2465, %get3A_2469 : vector<16xf32>
        %add3A_2471 = arith.addf %scan3A_2457, %mul3A_2470 : vector<16xf32>
        %get3A_2472 = arith.index_cast %add3A_2462 : i32 to index
        %get3A_2473 = arith.constant 16 : index
        %get3A_2474 = tpu.vector_load %arg8[%get3A_2472, %get3A_2473] {strides = array<i32>} : memref<416x64xf32, #tpu.memory_space<vmem>>, vector<1x16xf32>,
        %get3A_2475 = vector.shape_cast %get3A_2474 : vector<1x16xf32> to vector<16xf32>
        %get3A_2476 = arith.index_cast %scan3A_2456 : i32 to index
        %get3A_2477 = arith.constant 16 : index
        %get3A_2478 = tpu.vector_load %arg9[%get3A_2476, %get3A_2477] {strides = array<i32>} : memref<26x64xf32, #tpu.memory_space<vmem>>, vector<1x16xf32>,
        %get3A_2479 = vector.shape_cast %get3A_2478 : vector<1x16xf32> to vector<16xf32>
        %mul3A_2480 = arith.mulf %get3A_2475, %get3A_2479 : vector<16xf32>
        %add3A_2481 = arith.addf %scan3A_2458, %mul3A_2480 : vector<16xf32>
        %get3A_2482 = arith.index_cast %add3A_2462 : i32 to index
        %get3A_2483 = arith.constant 32 : index
        %get3A_2484 = tpu.vector_load %arg8[%get3A_2482, %get3A_2483] {strides = array<i32>} : memref<416x64xf32, #tpu.memory_space<vmem>>, vector<1x16xf32>,
        %get3A_2485 = vector.shape_cast %get3A_2484 : vector<1x16xf32> to vector<16xf32>
        %get3A_2486 = arith.index_cast %scan3A_2456 : i32 to index
        %get3A_2487 = arith.constant 32 : index
        %get3A_2488 = tpu.vector_load %arg9[%get3A_2486, %get3A_2487] {strides = array<i32>} : memref<26x64xf32, #tpu.memory_space<vmem>>, vector<1x16xf32>,
        %get3A_2489 = vector.shape_cast %get3A_2488 : vector<1x16xf32> to vector<16xf32>
        %mul3A_2490 = arith.mulf %get3A_2485, %get3A_2489 : vector<16xf32>
        %add3A_2491 = arith.addf %scan3A_2459, %mul3A_2490 : vector<16xf32>
        %get3A_2492 = arith.index_cast %add3A_2462 : i32 to index
        %get3A_2493 = arith.constant 48 : index
        %get3A_2494 = tpu.vector_load %arg8[%get3A_2492, %get3A_2493] {strides = array<i32>} : memref<416x64xf32, #tpu.memory_space<vmem>>, vector<1x16xf32>,
        %get3A_2495 = vector.shape_cast %get3A_2494 : vector<1x16xf32> to vector<16xf32>
        %get3A_2496 = arith.index_cast %scan3A_2456 : i32 to index
        %get3A_2497 = arith.constant 48 : index
        %get3A_2498 = tpu.vector_load %arg9[%get3A_2496, %get3A_2497] {strides = array<i32>} : memref<26x64xf32, #tpu.memory_space<vmem>>, vector<1x16xf32>,
        %get3A_2499 = vector.shape_cast %get3A_2498 : vector<1x16xf32> to vector<16xf32>
        %mul3A_2500 = arith.mulf %get3A_2495, %get3A_2499 : vector<16xf32>
        %add3A_2501 = arith.addf %scan3A_2460, %mul3A_2500 : vector<16xf32>
        scf.yield %add3A_2471, %add3A_2481, %add3A_2491, %add3A_2501 : vector<16xf32>, vector<16xf32>, vector<16xf32>, vector<16xf32>
      }
      %scan3A_2173 = arith.constant 26 : i32
      %add3A_2174 = arith.addf %scan3A_2172#0, %scan3A_2172#1 : vector<16xf32>
      %add3A_2175 = arith.addf %add3A_2174, %scan3A_2172#2 : vector<16xf32>
      %add3A_2176 = arith.addf %add3A_2175, %scan3A_2172#3 : vector<16xf32>
      %xor3A_2177 = arith.constant 8 : i32
      %xor3A_2178 = vector.broadcast %xor3A_2177 : i32 to vector<16xi32>
      %xor3A_2179 = arith.xori %iota3A, %xor3A_2178 : vector<16xi32>
      %lt3A_2180 = arith.constant 0 : i32
      %lt3A_2181 = vector.broadcast %lt3A_2180 : i32 to vector<16xi32>
      %lt3A_2182 = arith.cmpi slt, %xor3A_2179, %lt3A_2181 : vector<16xi32>
      %add3A_2183 = arith.constant 16 : i32
      %add3A_2184 = vector.broadcast %add3A_2183 : i32 to vector<16xi32>
      %add3A_2185 = arith.addi %xor3A_2179, %add3A_2184 : vector<16xi32>
      %select_n3A_2186 = arith.select %lt3A_2182, %add3A_2185, %xor3A_2179 : vector<16xi1>, vector<16xi32>
      %broadcast_in_dim3A_2187 = vector.shape_cast %select_n3A_2186 : vector<16xi32> to vector<16x1xi32>
      %gather3A_2188 = vector.shape_cast %broadcast_in_dim3A_2187 : vector<16x1xi32> to vector<16xi32>
      %gather3A_2189 = tpu.dynamic_gather %add3A_2176[%gather3A_2188] in [0] : vector<16xf32>, vector<16xi32> -> vector<16xf32>
      %add3A_2190 = arith.addf %add3A_2176, %gather3A_2189 : vector<16xf32>
      %xor3A_2191 = arith.constant 4 : i32
      %xor3A_2192 = vector.broadcast %xor3A_2191 : i32 to vector<16xi32>
      %xor3A_2193 = arith.xori %iota3A, %xor3A_2192 : vector<16xi32>
      %lt3A_2194 = arith.constant 0 : i32
      %lt3A_2195 = vector.broadcast %lt3A_2194 : i32 to vector<16xi32>
      %lt3A_2196 = arith.cmpi slt, %xor3A_2193, %lt3A_2195 : vector<16xi32>
      %add3A_2197 = arith.constant 16 : i32
      %add3A_2198 = vector.broadcast %add3A_2197 : i32 to vector<16xi32>
      %add3A_2199 = arith.addi %xor3A_2193, %add3A_2198 : vector<16xi32>
      %select_n3A_2200 = arith.select %lt3A_2196, %add3A_2199, %xor3A_2193 : vector<16xi1>, vector<16xi32>
      %broadcast_in_dim3A_2201 = vector.shape_cast %select_n3A_2200 : vector<16xi32> to vector<16x1xi32>
      %gather3A_2202 = vector.shape_cast %broadcast_in_dim3A_2201 : vector<16x1xi32> to vector<16xi32>
      %gather3A_2203 = tpu.dynamic_gather %add3A_2190[%gather3A_2202] in [0] : vector<16xf32>, vector<16xi32> -> vector<16xf32>
      %add3A_2204 = arith.addf %add3A_2190, %gather3A_2203 : vector<16xf32>
      %xor3A_2205 = arith.constant 2 : i32
      %xor3A_2206 = vector.broadcast %xor3A_2205 : i32 to vector<16xi32>
      %xor3A_2207 = arith.xori %iota3A, %xor3A_2206 : vector<16xi32>
      %lt3A_2208 = arith.constant 0 : i32
      %lt3A_2209 = vector.broadcast %lt3A_2208 : i32 to vector<16xi32>
      %lt3A_2210 = arith.cmpi slt, %xor3A_2207, %lt3A_2209 : vector<16xi32>
      %add3A_2211 = arith.constant 16 : i32
      %add3A_2212 = vector.broadcast %add3A_2211 : i32 to vector<16xi32>
      %add3A_2213 = arith.addi %xor3A_2207, %add3A_2212 : vector<16xi32>
      %select_n3A_2214 = arith.select %lt3A_2210, %add3A_2213, %xor3A_2207 : vector<16xi1>, vector<16xi32>
      %broadcast_in_dim3A_2215 = vector.shape_cast %select_n3A_2214 : vector<16xi32> to vector<16x1xi32>
      %gather3A_2216 = vector.shape_cast %broadcast_in_dim3A_2215 : vector<16x1xi32> to vector<16xi32>
      %gather3A_2217 = tpu.dynamic_gather %add3A_2204[%gather3A_2216] in [0] : vector<16xf32>, vector<16xi32> -> vector<16xf32>
      %add3A_2218 = arith.addf %add3A_2204, %gather3A_2217 : vector<16xf32>
      %xor3A_2219 = arith.constant 1 : i32
      %xor3A_2220 = vector.broadcast %xor3A_2219 : i32 to vector<16xi32>
      %xor3A_2221 = arith.xori %iota3A, %xor3A_2220 : vector<16xi32>
      %lt3A_2222 = arith.constant 0 : i32
      %lt3A_2223 = vector.broadcast %lt3A_2222 : i32 to vector<16xi32>
      %lt3A_2224 = arith.cmpi slt, %xor3A_2221, %lt3A_2223 : vector<16xi32>
      %add3A_2225 = arith.constant 16 : i32
      %add3A_2226 = vector.broadcast %add3A_2225 : i32 to vector<16xi32>
      %add3A_2227 = arith.addi %xor3A_2221, %add3A_2226 : vector<16xi32>
      %select_n3A_2228 = arith.select %lt3A_2224, %add3A_2227, %xor3A_2221 : vector<16xi1>, vector<16xi32>
      %broadcast_in_dim3A_2229 = vector.shape_cast %select_n3A_2228 : vector<16xi32> to vector<16x1xi32>
      %gather3A_2230 = vector.shape_cast %broadcast_in_dim3A_2229 : vector<16x1xi32> to vector<16xi32>
      %gather3A_2231 = tpu.dynamic_gather %add3A_2218[%gather3A_2230] in [0] : vector<16xf32>, vector<16xi32> -> vector<16xf32>
      %add3A_2232 = arith.addf %add3A_2218, %gather3A_2231 : vector<16xf32>
      %eq3A_2233 = arith.constant 12 : i32
      %eq3A_2234 = vector.broadcast %eq3A_2233 : i32 to vector<16xi32>
      %eq3A_2235 = arith.cmpi eq, %iota3A, %eq3A_2234 : vector<16xi32>
      %select_n3A_2236 = arith.select %eq3A_2235, %add3A_2232, %select_n3A_2165 : vector<16xi1>, vector<16xf32>
      %broadcast_in_dim3A_2237 = arith.constant 0.000000e+00 : f32
      %broadcast_in_dim3A_2238 = vector.broadcast %broadcast_in_dim3A_2237 : f32 to vector<16xf32>
      %scan3A_2239 = arith.constant 0 : i32
      %scan3A_2240 = arith.constant 26 : i32
      %scan3A_2241 = arith.addi %scan3A_2239, %scan3A_2240 : i32
      %scan3A_2242 = arith.constant 1 : i32
      %scan3A_2243:4 = scf.for %scan3A_2456 = %scan3A_2239 to %scan3A_2241 step %scan3A_2242 iter_args(%scan3A_2457 = %broadcast_in_dim3A_2238, %scan3A_2458 = %broadcast_in_dim3A_2238, %scan3A_2459 = %broadcast_in_dim3A_2238, %scan3A_2460 = %broadcast_in_dim3A_2238) -> (vector<16xf32>, vector<16xf32>, vector<16xf32>, vector<16xf32>)  : i32 {
        %add3A_2461 = arith.constant 338 : i32
        %add3A_2462 = arith.addi %add3A_2461, %scan3A_2456 : i32
        %get3A = arith.index_cast %add3A_2462 : i32 to index
        %get3A_2463 = arith.constant 0 : index
        %get3A_2464 = tpu.vector_load %arg8[%get3A, %get3A_2463] {strides = array<i32>} : memref<416x64xf32, #tpu.memory_space<vmem>>, vector<1x16xf32>,
        %get3A_2465 = vector.shape_cast %get3A_2464 : vector<1x16xf32> to vector<16xf32>
        %get3A_2466 = arith.index_cast %scan3A_2456 : i32 to index
        %get3A_2467 = arith.constant 0 : index
        %get3A_2468 = tpu.vector_load %arg9[%get3A_2466, %get3A_2467] {strides = array<i32>} : memref<26x64xf32, #tpu.memory_space<vmem>>, vector<1x16xf32>,
        %get3A_2469 = vector.shape_cast %get3A_2468 : vector<1x16xf32> to vector<16xf32>
        %mul3A_2470 = arith.mulf %get3A_2465, %get3A_2469 : vector<16xf32>
        %add3A_2471 = arith.addf %scan3A_2457, %mul3A_2470 : vector<16xf32>
        %get3A_2472 = arith.index_cast %add3A_2462 : i32 to index
        %get3A_2473 = arith.constant 16 : index
        %get3A_2474 = tpu.vector_load %arg8[%get3A_2472, %get3A_2473] {strides = array<i32>} : memref<416x64xf32, #tpu.memory_space<vmem>>, vector<1x16xf32>,
        %get3A_2475 = vector.shape_cast %get3A_2474 : vector<1x16xf32> to vector<16xf32>
        %get3A_2476 = arith.index_cast %scan3A_2456 : i32 to index
        %get3A_2477 = arith.constant 16 : index
        %get3A_2478 = tpu.vector_load %arg9[%get3A_2476, %get3A_2477] {strides = array<i32>} : memref<26x64xf32, #tpu.memory_space<vmem>>, vector<1x16xf32>,
        %get3A_2479 = vector.shape_cast %get3A_2478 : vector<1x16xf32> to vector<16xf32>
        %mul3A_2480 = arith.mulf %get3A_2475, %get3A_2479 : vector<16xf32>
        %add3A_2481 = arith.addf %scan3A_2458, %mul3A_2480 : vector<16xf32>
        %get3A_2482 = arith.index_cast %add3A_2462 : i32 to index
        %get3A_2483 = arith.constant 32 : index
        %get3A_2484 = tpu.vector_load %arg8[%get3A_2482, %get3A_2483] {strides = array<i32>} : memref<416x64xf32, #tpu.memory_space<vmem>>, vector<1x16xf32>,
        %get3A_2485 = vector.shape_cast %get3A_2484 : vector<1x16xf32> to vector<16xf32>
        %get3A_2486 = arith.index_cast %scan3A_2456 : i32 to index
        %get3A_2487 = arith.constant 32 : index
        %get3A_2488 = tpu.vector_load %arg9[%get3A_2486, %get3A_2487] {strides = array<i32>} : memref<26x64xf32, #tpu.memory_space<vmem>>, vector<1x16xf32>,
        %get3A_2489 = vector.shape_cast %get3A_2488 : vector<1x16xf32> to vector<16xf32>
        %mul3A_2490 = arith.mulf %get3A_2485, %get3A_2489 : vector<16xf32>
        %add3A_2491 = arith.addf %scan3A_2459, %mul3A_2490 : vector<16xf32>
        %get3A_2492 = arith.index_cast %add3A_2462 : i32 to index
        %get3A_2493 = arith.constant 48 : index
        %get3A_2494 = tpu.vector_load %arg8[%get3A_2492, %get3A_2493] {strides = array<i32>} : memref<416x64xf32, #tpu.memory_space<vmem>>, vector<1x16xf32>,
        %get3A_2495 = vector.shape_cast %get3A_2494 : vector<1x16xf32> to vector<16xf32>
        %get3A_2496 = arith.index_cast %scan3A_2456 : i32 to index
        %get3A_2497 = arith.constant 48 : index
        %get3A_2498 = tpu.vector_load %arg9[%get3A_2496, %get3A_2497] {strides = array<i32>} : memref<26x64xf32, #tpu.memory_space<vmem>>, vector<1x16xf32>,
        %get3A_2499 = vector.shape_cast %get3A_2498 : vector<1x16xf32> to vector<16xf32>
        %mul3A_2500 = arith.mulf %get3A_2495, %get3A_2499 : vector<16xf32>
        %add3A_2501 = arith.addf %scan3A_2460, %mul3A_2500 : vector<16xf32>
        scf.yield %add3A_2471, %add3A_2481, %add3A_2491, %add3A_2501 : vector<16xf32>, vector<16xf32>, vector<16xf32>, vector<16xf32>
      }
      %scan3A_2244 = arith.constant 26 : i32
      %add3A_2245 = arith.addf %scan3A_2243#0, %scan3A_2243#1 : vector<16xf32>
      %add3A_2246 = arith.addf %add3A_2245, %scan3A_2243#2 : vector<16xf32>
      %add3A_2247 = arith.addf %add3A_2246, %scan3A_2243#3 : vector<16xf32>
      %xor3A_2248 = arith.constant 8 : i32
      %xor3A_2249 = vector.broadcast %xor3A_2248 : i32 to vector<16xi32>
      %xor3A_2250 = arith.xori %iota3A, %xor3A_2249 : vector<16xi32>
      %lt3A_2251 = arith.constant 0 : i32
      %lt3A_2252 = vector.broadcast %lt3A_2251 : i32 to vector<16xi32>
      %lt3A_2253 = arith.cmpi slt, %xor3A_2250, %lt3A_2252 : vector<16xi32>
      %add3A_2254 = arith.constant 16 : i32
      %add3A_2255 = vector.broadcast %add3A_2254 : i32 to vector<16xi32>
      %add3A_2256 = arith.addi %xor3A_2250, %add3A_2255 : vector<16xi32>
      %select_n3A_2257 = arith.select %lt3A_2253, %add3A_2256, %xor3A_2250 : vector<16xi1>, vector<16xi32>
      %broadcast_in_dim3A_2258 = vector.shape_cast %select_n3A_2257 : vector<16xi32> to vector<16x1xi32>
      %gather3A_2259 = vector.shape_cast %broadcast_in_dim3A_2258 : vector<16x1xi32> to vector<16xi32>
      %gather3A_2260 = tpu.dynamic_gather %add3A_2247[%gather3A_2259] in [0] : vector<16xf32>, vector<16xi32> -> vector<16xf32>
      %add3A_2261 = arith.addf %add3A_2247, %gather3A_2260 : vector<16xf32>
      %xor3A_2262 = arith.constant 4 : i32
      %xor3A_2263 = vector.broadcast %xor3A_2262 : i32 to vector<16xi32>
      %xor3A_2264 = arith.xori %iota3A, %xor3A_2263 : vector<16xi32>
      %lt3A_2265 = arith.constant 0 : i32
      %lt3A_2266 = vector.broadcast %lt3A_2265 : i32 to vector<16xi32>
      %lt3A_2267 = arith.cmpi slt, %xor3A_2264, %lt3A_2266 : vector<16xi32>
      %add3A_2268 = arith.constant 16 : i32
      %add3A_2269 = vector.broadcast %add3A_2268 : i32 to vector<16xi32>
      %add3A_2270 = arith.addi %xor3A_2264, %add3A_2269 : vector<16xi32>
      %select_n3A_2271 = arith.select %lt3A_2267, %add3A_2270, %xor3A_2264 : vector<16xi1>, vector<16xi32>
      %broadcast_in_dim3A_2272 = vector.shape_cast %select_n3A_2271 : vector<16xi32> to vector<16x1xi32>
      %gather3A_2273 = vector.shape_cast %broadcast_in_dim3A_2272 : vector<16x1xi32> to vector<16xi32>
      %gather3A_2274 = tpu.dynamic_gather %add3A_2261[%gather3A_2273] in [0] : vector<16xf32>, vector<16xi32> -> vector<16xf32>
      %add3A_2275 = arith.addf %add3A_2261, %gather3A_2274 : vector<16xf32>
      %xor3A_2276 = arith.constant 2 : i32
      %xor3A_2277 = vector.broadcast %xor3A_2276 : i32 to vector<16xi32>
      %xor3A_2278 = arith.xori %iota3A, %xor3A_2277 : vector<16xi32>
      %lt3A_2279 = arith.constant 0 : i32
      %lt3A_2280 = vector.broadcast %lt3A_2279 : i32 to vector<16xi32>
      %lt3A_2281 = arith.cmpi slt, %xor3A_2278, %lt3A_2280 : vector<16xi32>
      %add3A_2282 = arith.constant 16 : i32
      %add3A_2283 = vector.broadcast %add3A_2282 : i32 to vector<16xi32>
      %add3A_2284 = arith.addi %xor3A_2278, %add3A_2283 : vector<16xi32>
      %select_n3A_2285 = arith.select %lt3A_2281, %add3A_2284, %xor3A_2278 : vector<16xi1>, vector<16xi32>
      %broadcast_in_dim3A_2286 = vector.shape_cast %select_n3A_2285 : vector<16xi32> to vector<16x1xi32>
      %gather3A_2287 = vector.shape_cast %broadcast_in_dim3A_2286 : vector<16x1xi32> to vector<16xi32>
      %gather3A_2288 = tpu.dynamic_gather %add3A_2275[%gather3A_2287] in [0] : vector<16xf32>, vector<16xi32> -> vector<16xf32>
      %add3A_2289 = arith.addf %add3A_2275, %gather3A_2288 : vector<16xf32>
      %xor3A_2290 = arith.constant 1 : i32
      %xor3A_2291 = vector.broadcast %xor3A_2290 : i32 to vector<16xi32>
      %xor3A_2292 = arith.xori %iota3A, %xor3A_2291 : vector<16xi32>
      %lt3A_2293 = arith.constant 0 : i32
      %lt3A_2294 = vector.broadcast %lt3A_2293 : i32 to vector<16xi32>
      %lt3A_2295 = arith.cmpi slt, %xor3A_2292, %lt3A_2294 : vector<16xi32>
      %add3A_2296 = arith.constant 16 : i32
      %add3A_2297 = vector.broadcast %add3A_2296 : i32 to vector<16xi32>
      %add3A_2298 = arith.addi %xor3A_2292, %add3A_2297 : vector<16xi32>
      %select_n3A_2299 = arith.select %lt3A_2295, %add3A_2298, %xor3A_2292 : vector<16xi1>, vector<16xi32>
      %broadcast_in_dim3A_2300 = vector.shape_cast %select_n3A_2299 : vector<16xi32> to vector<16x1xi32>
      %gather3A_2301 = vector.shape_cast %broadcast_in_dim3A_2300 : vector<16x1xi32> to vector<16xi32>
      %gather3A_2302 = tpu.dynamic_gather %add3A_2289[%gather3A_2301] in [0] : vector<16xf32>, vector<16xi32> -> vector<16xf32>
      %add3A_2303 = arith.addf %add3A_2289, %gather3A_2302 : vector<16xf32>
      %eq3A_2304 = arith.constant 13 : i32
      %eq3A_2305 = vector.broadcast %eq3A_2304 : i32 to vector<16xi32>
      %eq3A_2306 = arith.cmpi eq, %iota3A, %eq3A_2305 : vector<16xi32>
      %select_n3A_2307 = arith.select %eq3A_2306, %add3A_2303, %select_n3A_2236 : vector<16xi1>, vector<16xf32>
      %broadcast_in_dim3A_2308 = arith.constant 0.000000e+00 : f32
      %broadcast_in_dim3A_2309 = vector.broadcast %broadcast_in_dim3A_2308 : f32 to vector<16xf32>
      %scan3A_2310 = arith.constant 0 : i32
      %scan3A_2311 = arith.constant 26 : i32
      %scan3A_2312 = arith.addi %scan3A_2310, %scan3A_2311 : i32
      %scan3A_2313 = arith.constant 1 : i32
      %scan3A_2314:4 = scf.for %scan3A_2456 = %scan3A_2310 to %scan3A_2312 step %scan3A_2313 iter_args(%scan3A_2457 = %broadcast_in_dim3A_2309, %scan3A_2458 = %broadcast_in_dim3A_2309, %scan3A_2459 = %broadcast_in_dim3A_2309, %scan3A_2460 = %broadcast_in_dim3A_2309) -> (vector<16xf32>, vector<16xf32>, vector<16xf32>, vector<16xf32>)  : i32 {
        %add3A_2461 = arith.constant 364 : i32
        %add3A_2462 = arith.addi %add3A_2461, %scan3A_2456 : i32
        %get3A = arith.index_cast %add3A_2462 : i32 to index
        %get3A_2463 = arith.constant 0 : index
        %get3A_2464 = tpu.vector_load %arg8[%get3A, %get3A_2463] {strides = array<i32>} : memref<416x64xf32, #tpu.memory_space<vmem>>, vector<1x16xf32>,
        %get3A_2465 = vector.shape_cast %get3A_2464 : vector<1x16xf32> to vector<16xf32>
        %get3A_2466 = arith.index_cast %scan3A_2456 : i32 to index
        %get3A_2467 = arith.constant 0 : index
        %get3A_2468 = tpu.vector_load %arg9[%get3A_2466, %get3A_2467] {strides = array<i32>} : memref<26x64xf32, #tpu.memory_space<vmem>>, vector<1x16xf32>,
        %get3A_2469 = vector.shape_cast %get3A_2468 : vector<1x16xf32> to vector<16xf32>
        %mul3A_2470 = arith.mulf %get3A_2465, %get3A_2469 : vector<16xf32>
        %add3A_2471 = arith.addf %scan3A_2457, %mul3A_2470 : vector<16xf32>
        %get3A_2472 = arith.index_cast %add3A_2462 : i32 to index
        %get3A_2473 = arith.constant 16 : index
        %get3A_2474 = tpu.vector_load %arg8[%get3A_2472, %get3A_2473] {strides = array<i32>} : memref<416x64xf32, #tpu.memory_space<vmem>>, vector<1x16xf32>,
        %get3A_2475 = vector.shape_cast %get3A_2474 : vector<1x16xf32> to vector<16xf32>
        %get3A_2476 = arith.index_cast %scan3A_2456 : i32 to index
        %get3A_2477 = arith.constant 16 : index
        %get3A_2478 = tpu.vector_load %arg9[%get3A_2476, %get3A_2477] {strides = array<i32>} : memref<26x64xf32, #tpu.memory_space<vmem>>, vector<1x16xf32>,
        %get3A_2479 = vector.shape_cast %get3A_2478 : vector<1x16xf32> to vector<16xf32>
        %mul3A_2480 = arith.mulf %get3A_2475, %get3A_2479 : vector<16xf32>
        %add3A_2481 = arith.addf %scan3A_2458, %mul3A_2480 : vector<16xf32>
        %get3A_2482 = arith.index_cast %add3A_2462 : i32 to index
        %get3A_2483 = arith.constant 32 : index
        %get3A_2484 = tpu.vector_load %arg8[%get3A_2482, %get3A_2483] {strides = array<i32>} : memref<416x64xf32, #tpu.memory_space<vmem>>, vector<1x16xf32>,
        %get3A_2485 = vector.shape_cast %get3A_2484 : vector<1x16xf32> to vector<16xf32>
        %get3A_2486 = arith.index_cast %scan3A_2456 : i32 to index
        %get3A_2487 = arith.constant 32 : index
        %get3A_2488 = tpu.vector_load %arg9[%get3A_2486, %get3A_2487] {strides = array<i32>} : memref<26x64xf32, #tpu.memory_space<vmem>>, vector<1x16xf32>,
        %get3A_2489 = vector.shape_cast %get3A_2488 : vector<1x16xf32> to vector<16xf32>
        %mul3A_2490 = arith.mulf %get3A_2485, %get3A_2489 : vector<16xf32>
        %add3A_2491 = arith.addf %scan3A_2459, %mul3A_2490 : vector<16xf32>
        %get3A_2492 = arith.index_cast %add3A_2462 : i32 to index
        %get3A_2493 = arith.constant 48 : index
        %get3A_2494 = tpu.vector_load %arg8[%get3A_2492, %get3A_2493] {strides = array<i32>} : memref<416x64xf32, #tpu.memory_space<vmem>>, vector<1x16xf32>,
        %get3A_2495 = vector.shape_cast %get3A_2494 : vector<1x16xf32> to vector<16xf32>
        %get3A_2496 = arith.index_cast %scan3A_2456 : i32 to index
        %get3A_2497 = arith.constant 48 : index
        %get3A_2498 = tpu.vector_load %arg9[%get3A_2496, %get3A_2497] {strides = array<i32>} : memref<26x64xf32, #tpu.memory_space<vmem>>, vector<1x16xf32>,
        %get3A_2499 = vector.shape_cast %get3A_2498 : vector<1x16xf32> to vector<16xf32>
        %mul3A_2500 = arith.mulf %get3A_2495, %get3A_2499 : vector<16xf32>
        %add3A_2501 = arith.addf %scan3A_2460, %mul3A_2500 : vector<16xf32>
        scf.yield %add3A_2471, %add3A_2481, %add3A_2491, %add3A_2501 : vector<16xf32>, vector<16xf32>, vector<16xf32>, vector<16xf32>
      }
      %scan3A_2315 = arith.constant 26 : i32
      %add3A_2316 = arith.addf %scan3A_2314#0, %scan3A_2314#1 : vector<16xf32>
      %add3A_2317 = arith.addf %add3A_2316, %scan3A_2314#2 : vector<16xf32>
      %add3A_2318 = arith.addf %add3A_2317, %scan3A_2314#3 : vector<16xf32>
      %xor3A_2319 = arith.constant 8 : i32
      %xor3A_2320 = vector.broadcast %xor3A_2319 : i32 to vector<16xi32>
      %xor3A_2321 = arith.xori %iota3A, %xor3A_2320 : vector<16xi32>
      %lt3A_2322 = arith.constant 0 : i32
      %lt3A_2323 = vector.broadcast %lt3A_2322 : i32 to vector<16xi32>
      %lt3A_2324 = arith.cmpi slt, %xor3A_2321, %lt3A_2323 : vector<16xi32>
      %add3A_2325 = arith.constant 16 : i32
      %add3A_2326 = vector.broadcast %add3A_2325 : i32 to vector<16xi32>
      %add3A_2327 = arith.addi %xor3A_2321, %add3A_2326 : vector<16xi32>
      %select_n3A_2328 = arith.select %lt3A_2324, %add3A_2327, %xor3A_2321 : vector<16xi1>, vector<16xi32>
      %broadcast_in_dim3A_2329 = vector.shape_cast %select_n3A_2328 : vector<16xi32> to vector<16x1xi32>
      %gather3A_2330 = vector.shape_cast %broadcast_in_dim3A_2329 : vector<16x1xi32> to vector<16xi32>
      %gather3A_2331 = tpu.dynamic_gather %add3A_2318[%gather3A_2330] in [0] : vector<16xf32>, vector<16xi32> -> vector<16xf32>
      %add3A_2332 = arith.addf %add3A_2318, %gather3A_2331 : vector<16xf32>
      %xor3A_2333 = arith.constant 4 : i32
      %xor3A_2334 = vector.broadcast %xor3A_2333 : i32 to vector<16xi32>
      %xor3A_2335 = arith.xori %iota3A, %xor3A_2334 : vector<16xi32>
      %lt3A_2336 = arith.constant 0 : i32
      %lt3A_2337 = vector.broadcast %lt3A_2336 : i32 to vector<16xi32>
      %lt3A_2338 = arith.cmpi slt, %xor3A_2335, %lt3A_2337 : vector<16xi32>
      %add3A_2339 = arith.constant 16 : i32
      %add3A_2340 = vector.broadcast %add3A_2339 : i32 to vector<16xi32>
      %add3A_2341 = arith.addi %xor3A_2335, %add3A_2340 : vector<16xi32>
      %select_n3A_2342 = arith.select %lt3A_2338, %add3A_2341, %xor3A_2335 : vector<16xi1>, vector<16xi32>
      %broadcast_in_dim3A_2343 = vector.shape_cast %select_n3A_2342 : vector<16xi32> to vector<16x1xi32>
      %gather3A_2344 = vector.shape_cast %broadcast_in_dim3A_2343 : vector<16x1xi32> to vector<16xi32>
      %gather3A_2345 = tpu.dynamic_gather %add3A_2332[%gather3A_2344] in [0] : vector<16xf32>, vector<16xi32> -> vector<16xf32>
      %add3A_2346 = arith.addf %add3A_2332, %gather3A_2345 : vector<16xf32>
      %xor3A_2347 = arith.constant 2 : i32
      %xor3A_2348 = vector.broadcast %xor3A_2347 : i32 to vector<16xi32>
      %xor3A_2349 = arith.xori %iota3A, %xor3A_2348 : vector<16xi32>
      %lt3A_2350 = arith.constant 0 : i32
      %lt3A_2351 = vector.broadcast %lt3A_2350 : i32 to vector<16xi32>
      %lt3A_2352 = arith.cmpi slt, %xor3A_2349, %lt3A_2351 : vector<16xi32>
      %add3A_2353 = arith.constant 16 : i32
      %add3A_2354 = vector.broadcast %add3A_2353 : i32 to vector<16xi32>
      %add3A_2355 = arith.addi %xor3A_2349, %add3A_2354 : vector<16xi32>
      %select_n3A_2356 = arith.select %lt3A_2352, %add3A_2355, %xor3A_2349 : vector<16xi1>, vector<16xi32>
      %broadcast_in_dim3A_2357 = vector.shape_cast %select_n3A_2356 : vector<16xi32> to vector<16x1xi32>
      %gather3A_2358 = vector.shape_cast %broadcast_in_dim3A_2357 : vector<16x1xi32> to vector<16xi32>
      %gather3A_2359 = tpu.dynamic_gather %add3A_2346[%gather3A_2358] in [0] : vector<16xf32>, vector<16xi32> -> vector<16xf32>
      %add3A_2360 = arith.addf %add3A_2346, %gather3A_2359 : vector<16xf32>
      %xor3A_2361 = arith.constant 1 : i32
      %xor3A_2362 = vector.broadcast %xor3A_2361 : i32 to vector<16xi32>
      %xor3A_2363 = arith.xori %iota3A, %xor3A_2362 : vector<16xi32>
      %lt3A_2364 = arith.constant 0 : i32
      %lt3A_2365 = vector.broadcast %lt3A_2364 : i32 to vector<16xi32>
      %lt3A_2366 = arith.cmpi slt, %xor3A_2363, %lt3A_2365 : vector<16xi32>
      %add3A_2367 = arith.constant 16 : i32
      %add3A_2368 = vector.broadcast %add3A_2367 : i32 to vector<16xi32>
      %add3A_2369 = arith.addi %xor3A_2363, %add3A_2368 : vector<16xi32>
      %select_n3A_2370 = arith.select %lt3A_2366, %add3A_2369, %xor3A_2363 : vector<16xi1>, vector<16xi32>
      %broadcast_in_dim3A_2371 = vector.shape_cast %select_n3A_2370 : vector<16xi32> to vector<16x1xi32>
      %gather3A_2372 = vector.shape_cast %broadcast_in_dim3A_2371 : vector<16x1xi32> to vector<16xi32>
      %gather3A_2373 = tpu.dynamic_gather %add3A_2360[%gather3A_2372] in [0] : vector<16xf32>, vector<16xi32> -> vector<16xf32>
      %add3A_2374 = arith.addf %add3A_2360, %gather3A_2373 : vector<16xf32>
      %eq3A_2375 = arith.constant 14 : i32
      %eq3A_2376 = vector.broadcast %eq3A_2375 : i32 to vector<16xi32>
      %eq3A_2377 = arith.cmpi eq, %iota3A, %eq3A_2376 : vector<16xi32>
      %select_n3A_2378 = arith.select %eq3A_2377, %add3A_2374, %select_n3A_2307 : vector<16xi1>, vector<16xf32>
      %broadcast_in_dim3A_2379 = arith.constant 0.000000e+00 : f32
      %broadcast_in_dim3A_2380 = vector.broadcast %broadcast_in_dim3A_2379 : f32 to vector<16xf32>
      %scan3A_2381 = arith.constant 0 : i32
      %scan3A_2382 = arith.constant 26 : i32
      %scan3A_2383 = arith.addi %scan3A_2381, %scan3A_2382 : i32
      %scan3A_2384 = arith.constant 1 : i32
      %scan3A_2385:4 = scf.for %scan3A_2456 = %scan3A_2381 to %scan3A_2383 step %scan3A_2384 iter_args(%scan3A_2457 = %broadcast_in_dim3A_2380, %scan3A_2458 = %broadcast_in_dim3A_2380, %scan3A_2459 = %broadcast_in_dim3A_2380, %scan3A_2460 = %broadcast_in_dim3A_2380) -> (vector<16xf32>, vector<16xf32>, vector<16xf32>, vector<16xf32>)  : i32 {
        %add3A_2461 = arith.constant 390 : i32
        %add3A_2462 = arith.addi %add3A_2461, %scan3A_2456 : i32
        %get3A = arith.index_cast %add3A_2462 : i32 to index
        %get3A_2463 = arith.constant 0 : index
        %get3A_2464 = tpu.vector_load %arg8[%get3A, %get3A_2463] {strides = array<i32>} : memref<416x64xf32, #tpu.memory_space<vmem>>, vector<1x16xf32>,
        %get3A_2465 = vector.shape_cast %get3A_2464 : vector<1x16xf32> to vector<16xf32>
        %get3A_2466 = arith.index_cast %scan3A_2456 : i32 to index
        %get3A_2467 = arith.constant 0 : index
        %get3A_2468 = tpu.vector_load %arg9[%get3A_2466, %get3A_2467] {strides = array<i32>} : memref<26x64xf32, #tpu.memory_space<vmem>>, vector<1x16xf32>,
        %get3A_2469 = vector.shape_cast %get3A_2468 : vector<1x16xf32> to vector<16xf32>
        %mul3A_2470 = arith.mulf %get3A_2465, %get3A_2469 : vector<16xf32>
        %add3A_2471 = arith.addf %scan3A_2457, %mul3A_2470 : vector<16xf32>
        %get3A_2472 = arith.index_cast %add3A_2462 : i32 to index
        %get3A_2473 = arith.constant 16 : index
        %get3A_2474 = tpu.vector_load %arg8[%get3A_2472, %get3A_2473] {strides = array<i32>} : memref<416x64xf32, #tpu.memory_space<vmem>>, vector<1x16xf32>,
        %get3A_2475 = vector.shape_cast %get3A_2474 : vector<1x16xf32> to vector<16xf32>
        %get3A_2476 = arith.index_cast %scan3A_2456 : i32 to index
        %get3A_2477 = arith.constant 16 : index
        %get3A_2478 = tpu.vector_load %arg9[%get3A_2476, %get3A_2477] {strides = array<i32>} : memref<26x64xf32, #tpu.memory_space<vmem>>, vector<1x16xf32>,
        %get3A_2479 = vector.shape_cast %get3A_2478 : vector<1x16xf32> to vector<16xf32>
        %mul3A_2480 = arith.mulf %get3A_2475, %get3A_2479 : vector<16xf32>
        %add3A_2481 = arith.addf %scan3A_2458, %mul3A_2480 : vector<16xf32>
        %get3A_2482 = arith.index_cast %add3A_2462 : i32 to index
        %get3A_2483 = arith.constant 32 : index
        %get3A_2484 = tpu.vector_load %arg8[%get3A_2482, %get3A_2483] {strides = array<i32>} : memref<416x64xf32, #tpu.memory_space<vmem>>, vector<1x16xf32>,
        %get3A_2485 = vector.shape_cast %get3A_2484 : vector<1x16xf32> to vector<16xf32>
        %get3A_2486 = arith.index_cast %scan3A_2456 : i32 to index
        %get3A_2487 = arith.constant 32 : index
        %get3A_2488 = tpu.vector_load %arg9[%get3A_2486, %get3A_2487] {strides = array<i32>} : memref<26x64xf32, #tpu.memory_space<vmem>>, vector<1x16xf32>,
        %get3A_2489 = vector.shape_cast %get3A_2488 : vector<1x16xf32> to vector<16xf32>
        %mul3A_2490 = arith.mulf %get3A_2485, %get3A_2489 : vector<16xf32>
        %add3A_2491 = arith.addf %scan3A_2459, %mul3A_2490 : vector<16xf32>
        %get3A_2492 = arith.index_cast %add3A_2462 : i32 to index
        %get3A_2493 = arith.constant 48 : index
        %get3A_2494 = tpu.vector_load %arg8[%get3A_2492, %get3A_2493] {strides = array<i32>} : memref<416x64xf32, #tpu.memory_space<vmem>>, vector<1x16xf32>,
        %get3A_2495 = vector.shape_cast %get3A_2494 : vector<1x16xf32> to vector<16xf32>
        %get3A_2496 = arith.index_cast %scan3A_2456 : i32 to index
        %get3A_2497 = arith.constant 48 : index
        %get3A_2498 = tpu.vector_load %arg9[%get3A_2496, %get3A_2497] {strides = array<i32>} : memref<26x64xf32, #tpu.memory_space<vmem>>, vector<1x16xf32>,
        %get3A_2499 = vector.shape_cast %get3A_2498 : vector<1x16xf32> to vector<16xf32>
        %mul3A_2500 = arith.mulf %get3A_2495, %get3A_2499 : vector<16xf32>
        %add3A_2501 = arith.addf %scan3A_2460, %mul3A_2500 : vector<16xf32>
        scf.yield %add3A_2471, %add3A_2481, %add3A_2491, %add3A_2501 : vector<16xf32>, vector<16xf32>, vector<16xf32>, vector<16xf32>
      }
      %scan3A_2386 = arith.constant 26 : i32
      %add3A_2387 = arith.addf %scan3A_2385#0, %scan3A_2385#1 : vector<16xf32>
      %add3A_2388 = arith.addf %add3A_2387, %scan3A_2385#2 : vector<16xf32>
      %add3A_2389 = arith.addf %add3A_2388, %scan3A_2385#3 : vector<16xf32>
      %xor3A_2390 = arith.constant 8 : i32
      %xor3A_2391 = vector.broadcast %xor3A_2390 : i32 to vector<16xi32>
      %xor3A_2392 = arith.xori %iota3A, %xor3A_2391 : vector<16xi32>
      %lt3A_2393 = arith.constant 0 : i32
      %lt3A_2394 = vector.broadcast %lt3A_2393 : i32 to vector<16xi32>
      %lt3A_2395 = arith.cmpi slt, %xor3A_2392, %lt3A_2394 : vector<16xi32>
      %add3A_2396 = arith.constant 16 : i32
      %add3A_2397 = vector.broadcast %add3A_2396 : i32 to vector<16xi32>
      %add3A_2398 = arith.addi %xor3A_2392, %add3A_2397 : vector<16xi32>
      %select_n3A_2399 = arith.select %lt3A_2395, %add3A_2398, %xor3A_2392 : vector<16xi1>, vector<16xi32>
      %broadcast_in_dim3A_2400 = vector.shape_cast %select_n3A_2399 : vector<16xi32> to vector<16x1xi32>
      %gather3A_2401 = vector.shape_cast %broadcast_in_dim3A_2400 : vector<16x1xi32> to vector<16xi32>
      %gather3A_2402 = tpu.dynamic_gather %add3A_2389[%gather3A_2401] in [0] : vector<16xf32>, vector<16xi32> -> vector<16xf32>
      %add3A_2403 = arith.addf %add3A_2389, %gather3A_2402 : vector<16xf32>
      %xor3A_2404 = arith.constant 4 : i32
      %xor3A_2405 = vector.broadcast %xor3A_2404 : i32 to vector<16xi32>
      %xor3A_2406 = arith.xori %iota3A, %xor3A_2405 : vector<16xi32>
      %lt3A_2407 = arith.constant 0 : i32
      %lt3A_2408 = vector.broadcast %lt3A_2407 : i32 to vector<16xi32>
      %lt3A_2409 = arith.cmpi slt, %xor3A_2406, %lt3A_2408 : vector<16xi32>
      %add3A_2410 = arith.constant 16 : i32
      %add3A_2411 = vector.broadcast %add3A_2410 : i32 to vector<16xi32>
      %add3A_2412 = arith.addi %xor3A_2406, %add3A_2411 : vector<16xi32>
      %select_n3A_2413 = arith.select %lt3A_2409, %add3A_2412, %xor3A_2406 : vector<16xi1>, vector<16xi32>
      %broadcast_in_dim3A_2414 = vector.shape_cast %select_n3A_2413 : vector<16xi32> to vector<16x1xi32>
      %gather3A_2415 = vector.shape_cast %broadcast_in_dim3A_2414 : vector<16x1xi32> to vector<16xi32>
      %gather3A_2416 = tpu.dynamic_gather %add3A_2403[%gather3A_2415] in [0] : vector<16xf32>, vector<16xi32> -> vector<16xf32>
      %add3A_2417 = arith.addf %add3A_2403, %gather3A_2416 : vector<16xf32>
      %xor3A_2418 = arith.constant 2 : i32
      %xor3A_2419 = vector.broadcast %xor3A_2418 : i32 to vector<16xi32>
      %xor3A_2420 = arith.xori %iota3A, %xor3A_2419 : vector<16xi32>
      %lt3A_2421 = arith.constant 0 : i32
      %lt3A_2422 = vector.broadcast %lt3A_2421 : i32 to vector<16xi32>
      %lt3A_2423 = arith.cmpi slt, %xor3A_2420, %lt3A_2422 : vector<16xi32>
      %add3A_2424 = arith.constant 16 : i32
      %add3A_2425 = vector.broadcast %add3A_2424 : i32 to vector<16xi32>
      %add3A_2426 = arith.addi %xor3A_2420, %add3A_2425 : vector<16xi32>
      %select_n3A_2427 = arith.select %lt3A_2423, %add3A_2426, %xor3A_2420 : vector<16xi1>, vector<16xi32>
      %broadcast_in_dim3A_2428 = vector.shape_cast %select_n3A_2427 : vector<16xi32> to vector<16x1xi32>
      %gather3A_2429 = vector.shape_cast %broadcast_in_dim3A_2428 : vector<16x1xi32> to vector<16xi32>
      %gather3A_2430 = tpu.dynamic_gather %add3A_2417[%gather3A_2429] in [0] : vector<16xf32>, vector<16xi32> -> vector<16xf32>
      %add3A_2431 = arith.addf %add3A_2417, %gather3A_2430 : vector<16xf32>
      %xor3A_2432 = arith.constant 1 : i32
      %xor3A_2433 = vector.broadcast %xor3A_2432 : i32 to vector<16xi32>
      %xor3A_2434 = arith.xori %iota3A, %xor3A_2433 : vector<16xi32>
      %lt3A_2435 = arith.constant 0 : i32
      %lt3A_2436 = vector.broadcast %lt3A_2435 : i32 to vector<16xi32>
      %lt3A_2437 = arith.cmpi slt, %xor3A_2434, %lt3A_2436 : vector<16xi32>
      %add3A_2438 = arith.constant 16 : i32
      %add3A_2439 = vector.broadcast %add3A_2438 : i32 to vector<16xi32>
      %add3A_2440 = arith.addi %xor3A_2434, %add3A_2439 : vector<16xi32>
      %select_n3A_2441 = arith.select %lt3A_2437, %add3A_2440, %xor3A_2434 : vector<16xi1>, vector<16xi32>
      %broadcast_in_dim3A_2442 = vector.shape_cast %select_n3A_2441 : vector<16xi32> to vector<16x1xi32>
      %gather3A_2443 = vector.shape_cast %broadcast_in_dim3A_2442 : vector<16x1xi32> to vector<16xi32>
      %gather3A_2444 = tpu.dynamic_gather %add3A_2431[%gather3A_2443] in [0] : vector<16xf32>, vector<16xi32> -> vector<16xf32>
      %add3A_2445 = arith.addf %add3A_2431, %gather3A_2444 : vector<16xf32>
      %eq3A_2446 = arith.constant 15 : i32
      %eq3A_2447 = vector.broadcast %eq3A_2446 : i32 to vector<16xi32>
      %eq3A_2448 = arith.cmpi eq, %iota3A, %eq3A_2447 : vector<16xi32>
      %select_n3A_2449 = arith.select %eq3A_2448, %add3A_2445, %select_n3A_2378 : vector<16xi1>, vector<16xf32>
      %mul3A_2450 = arith.constant 16 : i32
      %mul3A_2451 = arith.muli %add3A_1252, %mul3A_2450 : i32
      %swap3A_2452 = arith.index_cast %mul3A_2451 : i32 to index
      %swap3A_2453 = tpu.vector_load %arg10[%swap3A_2452] {strides = array<i32>} : memref<512xf32, #tpu.memory_space<vmem>>, vector<16xf32>,
      %swap3A_2454 = vector.shape_cast %swap3A_2453 : vector<16xf32> to vector<16xf32>
      %swap3A_2455 = vector.shape_cast %select_n3A_2449 : vector<16xf32> to vector<16xf32>
      tpu.vector_store %arg10[%swap3A_2452], %swap3A_2455 {strides = array<i32>} : memref<512xf32, #tpu.memory_space<vmem>>, vector<16xf32>,
    }
    %scan3A_48 = arith.constant 16 : i32
    %mul3A_49 = arith.constant 512 : i32
    %mul3A_50 = arith.muli %add3A, %mul3A_49 : i32
    "tpu.region"() ({
      %run_scoped3A = tpu.sem_alloc : memref<!tpu.dma_semaphore, #tpu.memory_space<semaphore_mem>>
      %dma_start3A_51 = tpu.memref_slice %arg5[%mul3A_50] : memref<16384xf32, #tpu.memory_space<hbm>> -> memref<512xf32, #tpu.memory_space<hbm>>
      %dma_start3A_52 = tpu.memref_slice %arg5[%mul3A_50] : memref<16384xf32, #tpu.memory_space<hbm>> -> memref<512xf32, #tpu.memory_space<hbm>>
      tpu.enqueue_dma source(%arg10 : memref<512xf32, #tpu.memory_space<vmem>>) target(%dma_start3A_52 : memref<512xf32, #tpu.memory_space<hbm>>) target_semaphore(%run_scoped3A : memref<!tpu.dma_semaphore, #tpu.memory_space<semaphore_mem>>)
      %dma_wait3A = tpu.memref_slice %arg5[%mul3A_50] : memref<16384xf32, #tpu.memory_space<hbm>> -> memref<512xf32, #tpu.memory_space<hbm>>
      %dma_wait3A_53 = tpu.memref_slice %arg5[%mul3A_50] : memref<16384xf32, #tpu.memory_space<hbm>> -> memref<512xf32, #tpu.memory_space<hbm>>
      tpu.wait_dma2 semaphore(%run_scoped3A : memref<!tpu.dma_semaphore, #tpu.memory_space<semaphore_mem>>) src(%arg10 : memref<512xf32, #tpu.memory_space<vmem>>) dst(%dma_wait3A_53 : memref<512xf32, #tpu.memory_space<hbm>>)
      tpu.yield
    }) : () -> ()
    return
  }
}

module attributes {stable_mosaic.version = 14 : i64} {
  func.func @_mlp_body(%arg0: i32, %arg1: memref<2048x16xf32, #tpu.memory_space<vmem>>, %arg2: memref<16x256xf32, #tpu.memory_space<vmem>>, %arg3: memref<1x256xf32, #tpu.memory_space<vmem>>, %arg4: memref<256x256xf32, #tpu.memory_space<vmem>>, %arg5: memref<1x256xf32, #tpu.memory_space<vmem>>, %arg6: memref<256x256xf32, #tpu.memory_space<vmem>>, %arg7: memref<1x256xf32, #tpu.memory_space<vmem>>, %arg8: memref<256x1xf32, #tpu.memory_space<vmem>>, %arg9: memref<1x1xf32, #tpu.memory_space<vmem>>, %arg10: memref<2048x1xf32, #tpu.memory_space<vmem>>, %arg11: memref<2048x1xf32, #tpu.memory_space<vmem>>) attributes {dimension_semantics = [#tpu.dimension_semantics<arbitrary>], iteration_bounds = array<i64: 8>, scalar_prefetch = 0 : i64, scratch_operands = 0 : i64, tpu.core_type = #tpu.core_type<tc>, window_params = [{transform_indices = @transform_0, window_bounds = array<i64: 2048, 16>}, {pipeline_mode = #tpu.pipeline_mode<synchronous>, transform_indices = @transform_1, window_bounds = array<i64: 16, 256>}, {pipeline_mode = #tpu.pipeline_mode<synchronous>, transform_indices = @transform_2, window_bounds = array<i64: 1, 256>}, {pipeline_mode = #tpu.pipeline_mode<synchronous>, transform_indices = @transform_3, window_bounds = array<i64: 256, 256>}, {pipeline_mode = #tpu.pipeline_mode<synchronous>, transform_indices = @transform_4, window_bounds = array<i64: 1, 256>}, {pipeline_mode = #tpu.pipeline_mode<synchronous>, transform_indices = @transform_5, window_bounds = array<i64: 256, 256>}, {pipeline_mode = #tpu.pipeline_mode<synchronous>, transform_indices = @transform_6, window_bounds = array<i64: 1, 256>}, {pipeline_mode = #tpu.pipeline_mode<synchronous>, transform_indices = @transform_7, window_bounds = array<i64: 256, 1>}, {pipeline_mode = #tpu.pipeline_mode<synchronous>, transform_indices = @transform_8, window_bounds = array<i64: 1, 1>}, {transform_indices = @transform_9, window_bounds = array<i64: 2048, 1>}, {transform_indices = @transform_10, window_bounds = array<i64: 2048, 1>}]} {
    %get3A = arith.constant 0 : index
    %get3A_0 = arith.constant 0 : index
    %get3A_1 = vector.load %arg1[%get3A, %get3A_0] : memref<2048x16xf32, #tpu.memory_space<vmem>>, vector<2048x16xf32>
    %get3A_2 = arith.constant 0 : index
    %get3A_3 = arith.constant 0 : index
    %get3A_4 = vector.load %arg2[%get3A_2, %get3A_3] : memref<16x256xf32, #tpu.memory_space<vmem>>, vector<16x256xf32>
    %dot_general3A = arith.constant dense<0.000000e+00> : vector<2048x256xf32>
    %dot_general3A_5 = tpu.matmul %get3A_1, %get3A_4, %dot_general3A {dimension_numbers = #tpu.dot_dimension_numbers<[1], [0], [0], [1], [0, 0, 1, 1], [], []>, precision = #tpu.contract_precision<fp32>, transpose_lhs_hint = false} : vector<2048x16xf32>, vector<16x256xf32>, vector<2048x256xf32> -> vector<2048x256xf32>
    %get3A_6 = arith.constant 0 : index
    %get3A_7 = arith.constant 0 : index
    %get3A_8 = vector.load %arg3[%get3A_6, %get3A_7] : memref<1x256xf32, #tpu.memory_space<vmem>>, vector<1x256xf32>
    %add3A = vector.broadcast %get3A_8 : vector<1x256xf32> to vector<2048x256xf32>
    %add3A_9 = arith.addf %dot_general3A_5, %add3A : vector<2048x256xf32>
    %max3A = arith.constant 0.000000e+00 : f32
    %max3A_10 = vector.broadcast %max3A : f32 to vector<2048x256xf32>
    %max3A_11 = arith.maximumf %add3A_9, %max3A_10 : vector<2048x256xf32>
    %get3A_12 = arith.constant 0 : index
    %get3A_13 = arith.constant 0 : index
    %get3A_14 = vector.load %arg4[%get3A_12, %get3A_13] : memref<256x256xf32, #tpu.memory_space<vmem>>, vector<256x256xf32>
    %dot_general3A_15 = arith.constant dense<0.000000e+00> : vector<2048x256xf32>
    %dot_general3A_16 = tpu.matmul %max3A_11, %get3A_14, %dot_general3A_15 {dimension_numbers = #tpu.dot_dimension_numbers<[1], [0], [0], [1], [0, 0, 1, 1], [], []>, precision = #tpu.contract_precision<fp32>, transpose_lhs_hint = false} : vector<2048x256xf32>, vector<256x256xf32>, vector<2048x256xf32> -> vector<2048x256xf32>
    %get3A_17 = arith.constant 0 : index
    %get3A_18 = arith.constant 0 : index
    %get3A_19 = vector.load %arg5[%get3A_17, %get3A_18] : memref<1x256xf32, #tpu.memory_space<vmem>>, vector<1x256xf32>
    %add3A_20 = vector.broadcast %get3A_19 : vector<1x256xf32> to vector<2048x256xf32>
    %add3A_21 = arith.addf %dot_general3A_16, %add3A_20 : vector<2048x256xf32>
    %max3A_22 = arith.constant 0.000000e+00 : f32
    %max3A_23 = vector.broadcast %max3A_22 : f32 to vector<2048x256xf32>
    %max3A_24 = arith.maximumf %add3A_21, %max3A_23 : vector<2048x256xf32>
    %get3A_25 = arith.constant 0 : index
    %get3A_26 = arith.constant 0 : index
    %get3A_27 = vector.load %arg6[%get3A_25, %get3A_26] : memref<256x256xf32, #tpu.memory_space<vmem>>, vector<256x256xf32>
    %get3A_28 = arith.constant 0 : index
    %get3A_29 = arith.constant 0 : index
    %get3A_30 = vector.load %arg8[%get3A_28, %get3A_29] : memref<256x1xf32, #tpu.memory_space<vmem>>, vector<256x1xf32>
    %dot_general3A_31 = arith.constant dense<0.000000e+00> : vector<256x1xf32>
    %dot_general3A_32 = tpu.matmul %get3A_27, %get3A_30, %dot_general3A_31 {dimension_numbers = #tpu.dot_dimension_numbers<[1], [0], [0], [1], [0, 0, 1, 1], [], []>, precision = #tpu.contract_precision<fp32>, transpose_lhs_hint = false} : vector<256x256xf32>, vector<256x1xf32>, vector<256x1xf32> -> vector<256x1xf32>
    %get3A_33 = arith.constant 0 : index
    %get3A_34 = arith.constant 0 : index
    %get3A_35 = vector.load %arg7[%get3A_33, %get3A_34] : memref<1x256xf32, #tpu.memory_space<vmem>>, vector<1x256xf32>
    %get3A_36 = arith.constant 0 : index
    %get3A_37 = arith.constant 0 : index
    %get3A_38 = vector.load %arg8[%get3A_36, %get3A_37] : memref<256x1xf32, #tpu.memory_space<vmem>>, vector<256x1xf32>
    %dot_general3A_39 = arith.constant dense<0.000000e+00> : vector<1x1xf32>
    %dot_general3A_40 = tpu.matmul %get3A_35, %get3A_38, %dot_general3A_39 {dimension_numbers = #tpu.dot_dimension_numbers<[1], [0], [0], [1], [0, 0, 1, 1], [], []>, precision = #tpu.contract_precision<fp32>, transpose_lhs_hint = false} : vector<1x256xf32>, vector<256x1xf32>, vector<1x1xf32> -> vector<1x1xf32>
    %dot_general3A_41 = arith.constant dense<0.000000e+00> : vector<2048x1xf32>
    %dot_general3A_42 = tpu.matmul %max3A_24, %dot_general3A_32, %dot_general3A_41 {dimension_numbers = #tpu.dot_dimension_numbers<[1], [0], [0], [1], [0, 0, 1, 1], [], []>, precision = #tpu.contract_precision<fp32>, transpose_lhs_hint = false} : vector<2048x256xf32>, vector<256x1xf32>, vector<2048x1xf32> -> vector<2048x1xf32>
    %add3A_43 = vector.broadcast %dot_general3A_40 : vector<1x1xf32> to vector<2048x1xf32>
    %add3A_44 = arith.addf %dot_general3A_42, %add3A_43 : vector<2048x1xf32>
    %get3A_45 = arith.constant 0 : index
    %get3A_46 = arith.constant 0 : index
    %get3A_47 = vector.load %arg9[%get3A_45, %get3A_46] : memref<1x1xf32, #tpu.memory_space<vmem>>, vector<1x1xf32>
    %add3A_48 = vector.broadcast %get3A_47 : vector<1x1xf32> to vector<2048x1xf32>
    %add3A_49 = arith.addf %add3A_44, %add3A_48 : vector<2048x1xf32>
    %get3A_50 = arith.constant 0 : index
    %get3A_51 = arith.constant 0 : index
    %get3A_52 = vector.load %arg10[%get3A_50, %get3A_51] : memref<2048x1xf32, #tpu.memory_space<vmem>>, vector<2048x1xf32>
    %add3A_53 = arith.addf %add3A_49, %get3A_52 : vector<2048x1xf32>
    %swap3A = arith.constant 0 : index
    %swap3A_54 = arith.constant 0 : index
    %swap3A_55 = vector.load %arg11[%swap3A, %swap3A_54] : memref<2048x1xf32, #tpu.memory_space<vmem>>, vector<2048x1xf32>
    tpu.vector_store %arg11[%swap3A, %swap3A_54], %add3A_53 {strides = array<i32>} : memref<2048x1xf32, #tpu.memory_space<vmem>>, vector<2048x1xf32>,
    return
  }
  func.func @transform_0(%arg0: i32) -> (i32, i32) {
    %c0_i32 = arith.constant 0 : i32
    %c0_i32_0 = arith.constant 0 : i32
    return %arg0, %c0_i32 : i32, i32
  }
  func.func @transform_1(%arg0: i32) -> (i32, i32) {
    %c0_i32 = arith.constant 0 : i32
    %c0_i32_0 = arith.constant 0 : i32
    %c0_i32_1 = arith.constant 0 : i32
    return %c0_i32, %c0_i32_0 : i32, i32
  }
  func.func @transform_2(%arg0: i32) -> (i32, i32) {
    %c0_i32 = arith.constant 0 : i32
    %c0_i32_0 = arith.constant 0 : i32
    %c0_i32_1 = arith.constant 0 : i32
    return %c0_i32, %c0_i32_0 : i32, i32
  }
  func.func @transform_3(%arg0: i32) -> (i32, i32) {
    %c0_i32 = arith.constant 0 : i32
    %c0_i32_0 = arith.constant 0 : i32
    %c0_i32_1 = arith.constant 0 : i32
    return %c0_i32, %c0_i32_0 : i32, i32
  }
  func.func @transform_4(%arg0: i32) -> (i32, i32) {
    %c0_i32 = arith.constant 0 : i32
    %c0_i32_0 = arith.constant 0 : i32
    %c0_i32_1 = arith.constant 0 : i32
    return %c0_i32, %c0_i32_0 : i32, i32
  }
  func.func @transform_5(%arg0: i32) -> (i32, i32) {
    %c0_i32 = arith.constant 0 : i32
    %c0_i32_0 = arith.constant 0 : i32
    %c0_i32_1 = arith.constant 0 : i32
    return %c0_i32, %c0_i32_0 : i32, i32
  }
  func.func @transform_6(%arg0: i32) -> (i32, i32) {
    %c0_i32 = arith.constant 0 : i32
    %c0_i32_0 = arith.constant 0 : i32
    %c0_i32_1 = arith.constant 0 : i32
    return %c0_i32, %c0_i32_0 : i32, i32
  }
  func.func @transform_7(%arg0: i32) -> (i32, i32) {
    %c0_i32 = arith.constant 0 : i32
    %c0_i32_0 = arith.constant 0 : i32
    %c0_i32_1 = arith.constant 0 : i32
    return %c0_i32, %c0_i32_0 : i32, i32
  }
  func.func @transform_8(%arg0: i32) -> (i32, i32) {
    %c0_i32 = arith.constant 0 : i32
    %c0_i32_0 = arith.constant 0 : i32
    %c0_i32_1 = arith.constant 0 : i32
    return %c0_i32, %c0_i32_0 : i32, i32
  }
  func.func @transform_9(%arg0: i32) -> (i32, i32) {
    %c0_i32 = arith.constant 0 : i32
    %c0_i32_0 = arith.constant 0 : i32
    return %arg0, %c0_i32 : i32, i32
  }
  func.func @transform_10(%arg0: i32) -> (i32, i32) {
    %c0_i32 = arith.constant 0 : i32
    %c0_i32_0 = arith.constant 0 : i32
    return %arg0, %c0_i32 : i32, i32
  }
}

</mosaic_0001>

<sc_bundles>
// kernel: kernel.4.cloned.1.call-start
scs
__scs_entry_jumppad:
0x0: {  	(pc) =	sbr.rel $0x88, $3  }
0x1: {  	(tag) =	ssettag $0x0;
	lr =	simm.s32 $0x1  }
0x2: {  	[smem:$0x3F96] =	sst lr;
	_ =	strace $0xD0000000  }
0x3: {  	_ = 	snop  }
0x4: {  	_ = 	snop  }
0x5: {  	_ = 	snop  }
0x6: {  	_ = 	snop  }
0x7: {  	_ = 	snop  }
__scs_overlays_trampoline_lowered:
0x8: {  	[smem:$0x3FA5] =	sst s0  }
0x9: {  	[smem:$0x3FA6] =	sst s1  }
0xa: {  	[smem:$0x3FA7] =	sst s2  }
0xb: {  	[smem:$0x3FA8] =	sst s3  }
0xc: {  	[smem:$0x3FA9] =	sst s4  }
0xd: {  	[smem:$0x3FAA] =	sst s5  }
0xe: {  	[smem:$0x3FAB] =	sst s6  }
0xf: {  	[smem:$0x3FAC] =	sst s7  }
0x10: {  	[smem:$0x3FAD] =	sst s8  }
0x11: {  	[smem:$0x3FAE] =	sst s9;
	s0 =	simm.s32 @!p0 $0x0  }
0x12: {  	s1 =	sld [smem:$0x3F94];
	s0 =	simm.s32 @p0 $0x1  }
0x13: {  	[smem:$0x3FAF] =	sst s0;
	s0 =	simm.s32 @!p1 $0x0  }
0x14: {  	s2 =	sld [smem:$0x3F93];
	s0 =	simm.s32 @p1 $0x1  }
0x15: {  	[smem:$0x3FB0] =	sst s0;
	s0 =	simm.s32 @!p2 $0x0  }
0x16: {  	s3 =	sld [smem:$0x3FDB];
	s0 =	simm.s32 @p2 $0x1  }
0x17: {  	s4 =	simm.s32 $0x1BF5;
	[smem:$0x3FB2] =	sst s0  }
0x18: {  	s0 =	sld [smem:$0x3F95];
	_ =	swait.ge [sflag:s4], $0x0  }
0x19: {  	s7 =	sld [smem:$0x3F96]  }
0x1a: {  	s8 =	sadd.s32 $0xFFFFE003, lr  }
0x1b: {  	s9 =	sadd.s32 $0xFFFFFEF7, lr;
	s5 =	simm.s32 $0xFFFFFFFF;
	p2 =	slt.u32 s8, $0xFFFFF086  }
0x1c: {  	p1 =	slt.u32 s9, $0xF7A;
	s5 =	simm.s32 @!p2 $0x0  }
0x1d: {  	s5 =	simm.s32 @p1 $0x1;
	p0 =	seq.s32 s7, s2  }
0x1e: {  	s7 =	smul.u32 @!p0 $0xF7A, s2;
	p2 =	seq.s32 @!p0 s5, $0x0  }
0x1f: {  	s9 =	smul.u32 $0xF7A, s1;
	s8 =	simm.s32 @!p0 $0x1BF5;
	p2 =	por !p2, p0  }
0x20: {  	[sflag:s8] =	ssyncset.s32 @!p0 $0xFFFFF086;
	s6 =	sadd.s32 @!p0 s3, s7;
	s7 =	simm.s32 @!p0 $0x108  }
0x21: {  	s3 =	sadd.s32 s3, s9;
	s6 =	sadd.s32 @!p0 $0x88, s6;
	s7 =	simm.s32 @p2 $0x1082  }
0x22: {  	[simem:s7], [sflag:s8] =	dma.local @!p0 [hbm:s6], $0xF7A  }
0x23: {  	s9 =	sor.u32 $0xD0000000, s2;
	s6 =	simm.s32 $0x108;
	_ =	swait.ge @!p0 [sflag:s8], $0x0  }
0x24: {  	s3 =	sadd.s32 $0x88, s3;
	s6 =	simm.s32 @!p1 $0x1082;
	[sflag:s4] =	ssyncset.s32 $0xFFFFF086  }
0x25: {  	[simem:s6], [sflag:s4] =	dma.local [hbm:s3], $0xF7A  }
0x26: {  	[smem:$0x3F96] =	sst s1;
	(tag) =	ssettag s2;
	_ =	strace s9  }
0x27: {  	s1 =	sld [smem:$0x3FA6]  }
0x28: {  	s2 =	sld [smem:$0x3FA7]  }
0x29: {  	s4 =	sld [smem:$0x3FA9]  }
0x2a: {  	p0 =	seq.s32 s5, $0x0;
	s5 =	sld [smem:$0x3FAA]  }
0x2b: {  	s6 =	sld [smem:$0x3FAB]  }
0x2c: {  	s7 =	sld [smem:$0x3FAC]  }
0x2d: {  	s3 =	simm.s32 $0x108;
	s8 =	sld [smem:$0x3FAD]  }
0x2e: {  	s3 =	simm.s32 @!p0 $0x1082;
	s9 =	sld [smem:$0x3FAE]  }
0x2f: {  	lr =	sadd.s32 s0, s3;
	s0 =	sld [smem:$0x3FA5]  }
0x30: {  	s3 =	sld [smem:$0x3FA8]  }
0x31: {  	[smem:$0x3FB1] =	sst s10  }
0x32: {  	s10 =	sld [smem:$0x3FAF];
	_ =	sdelay $0x3  }
0x33: {  	p0 =	seq.s32 s10, $0x1;
	s10 =	sld [smem:$0x3FB1];
	_ =	sdelay $0x3  }
0x34: {  	[smem:$0x3FB1] =	sst s10  }
0x35: {  	s10 =	sld [smem:$0x3FB0];
	_ =	sdelay $0x3  }
0x36: {  	p1 =	seq.s32 s10, $0x1;
	s10 =	sld [smem:$0x3FB1];
	_ =	sdelay $0x3  }
0x37: {  	[smem:$0x3FB1] =	sst s10  }
0x38: {  	s10 =	sld [smem:$0x3FB2]  }
0x39: {  	_ = 	snop;
	(pc) =	sbr.ind lr, $3  }
0x3a: {  	_ = 	snop  }
0x3b: {  	_ = 	snop  }
0x3c: {  	p2 =	seq.s32 s10, $0x1;
	s10 =	sld [smem:$0x3FB1]  }
0x3d: {  	_ =	shalt  }
0x3e: {  	_ =	shalt  }
0x3f: {  	_ =	shalt  }
0x40: {  	_ =	shalt  }
0x41: {  	_ =	shalt  }
0x42: {  	_ =	shalt  }
0x43: {  	_ =	shalt  }
0x44: {  	_ =	shalt  }
0x45: {  	_ =	shalt  }
0x46: {  	_ =	shalt  }
0x47: {  	_ =	shalt  }
0x48: {  	_ =	shalt  }
0x49: {  	_ =	shalt  }
0x4a: {  	_ =	shalt  }
0x4b: {  	_ =	shalt  }
0x4c: {  	_ =	shalt  }
0x4d: {  	_ =	shalt  }
0x4e: {  	_ =	shalt  }
0x4f: {  	_ =	shalt  }
0x50: {  	_ =	shalt  }
0x51: {  	_ =	shalt  }
0x52: {  	_ =	shalt  }
0x53: {  	_ =	shalt  }
0x54: {  	_ =	shalt  }
0x55: {  	_ =	shalt  }
0x56: {  	_ =	shalt  }
0x57: {  	_ =	shalt  }
0x58: {  	_ =	shalt  }
0x59: {  	_ =	shalt  }
0x5a: {  	_ =	shalt  }
0x5b: {  	_ =	shalt  }
0x5c: {  	_ =	shalt  }
0x5d: {  	_ =	shalt  }
0x5e: {  	_ =	shalt  }
0x5f: {  	_ =	shalt  }
0x60: {  	_ =	shalt  }
0x61: {  	_ =	shalt  }
0x62: {  	_ =	shalt  }
0x63: {  	_ =	shalt  }
0x64: {  	_ =	shalt  }
0x65: {  	_ =	shalt  }
0x66: {  	_ =	shalt  }
0x67: {  	_ =	shalt  }
0x68: {  	_ =	shalt  }
0x69: {  	_ =	shalt  }
0x6a: {  	_ =	shalt  }
0x6b: {  	_ =	shalt  }
0x6c: {  	_ =	shalt  }
0x6d: {  	_ =	shalt  }
0x6e: {  	_ =	shalt  }
0x6f: {  	_ =	shalt  }
0x70: {  	_ =	shalt  }
0x71: {  	_ =	shalt  }
0x72: {  	_ =	shalt  }
0x73: {  	_ =	shalt  }
0x74: {  	_ =	shalt  }
0x75: {  	_ =	shalt  }
0x76: {  	_ =	shalt  }
0x77: {  	_ =	shalt  }
0x78: {  	_ =	shalt  }
0x79: {  	_ =	shalt  }
0x7a: {  	_ =	shalt  }
0x7b: {  	_ =	shalt  }
0x7c: {  	_ =	shalt  }
0x7d: {  	_ =	shalt  }
0x7e: {  	_ =	shalt  }
0x7f: {  	_ =	shalt  }
0x80: {  	_ =	shalt  }
0x81: {  	_ =	shalt  }
0x82: {  	_ =	shalt  }
0x83: {  	_ =	shalt  }
0x84: {  	_ =	shalt  }
0x85: {  	_ =	shalt  }
0x86: {  	_ =	shalt  }
0x87: {  	_ =	shalt  }
.Lfunc_end0:
.L_simem_size_0:
called_computation_lowered:
.L_overlay_start_0:
0x88: {  	s2 =	sld [smem:$0x3FD9]  }
0x89: {  	s3 =	sld [smem:$0x3FFE];
	_ =	sdelay $0x1  }
0x8a: {  	s1 =	srdreg.scid  }
0x8b: {  	s0 =	sand.u32 $0x1, s1  }
0x8c: {  	s17 =	sshll.u32 s0, $0xA;
	s2 =	sadd.s32 s3, s2  }
0x8d: {  	s2 =	sadd.s32 s2, s17  }
0x8e: {  	[smem:$0x3FBD] =	sst s2  }
0x8f: {  	_ = 	snop  }
0x90: {  	s2 =	sld [smem:$0x3FD0];
	(tm) =	ssettm $0x1  }
0x91: {  	s18 =	sld [smem:$0x3FFB];
	_ =	sdelay $0x3  }
0x92: {  	_ =	strace s18  }
0x93: {  	s3 =	sld [smem:$0x3FFC];
	_ =	sdelay $0x3  }
0x94: {  	_ =	strace s3  }
0x95: {  	s3 =	sld [smem:$0x3FFD];
	_ =	sdelay $0x3  }
0x96: {  	_ =	strace s3  }
0x97: {  	_ =	strace $0x8FFFFFFF  }
0x98: {  	s19 =	sld [smem:$0x3FDB];
	_ =	sdelay $0x1  }
0x99: {  	s4 =	simm.s32 $_scs_section_size  }
0x9a: {  	s5 =	simm.s32 $_size__tile_overlayer_lowered;
	s6 =	simm.s32 $_tile_overlayer_lowered  }
0x9b: {  	s22 =	simm.s32 $0x1BFF;
	s21 =	sshll.u32 s6, $0x1;
	s3 =	sadd.s32 s4, s19  }
0x9c: {  	s7 =	simm.s32 $0x0;
	s20 =	sshll.u32 s5, $0x1;
	s5 =	sadd.s32 s21, s3  }
0x9d: {  	[timem:s7], [sflag:s22] =	dma.local [hbm:s5], s20  }
0x9e: {  	_ =	swait.ge [sflag:s22], s20  }
0x9f: {  	s4 =	ssub.s32 $0x0, s20;
	[sflag:s22] =	ssyncset.done $0x0  }
0xa0: {  	[sflag:s22] =	ssyncadd.s32 s4;
	_ =	sdelay $0x1  }
0xa1: {  	s23 =	simm.s32 $0x1B8B  }
0xa2: {  	_ =	swait.ge [sflag:s23], $0x1  }
0xa3: {  	[sflag:s23] =	ssyncset.done $0x0  }
0xa4: {  	s25 =	simm.s32 $0x1B8E;
	s24 =	sld [smem:$0x3FFE];
	[sflag:s23] =	ssyncadd.s32 $0xFFFFFFFF  }
0xa5: {  	s26 =	simm.s32 $execute0_lowered;
	[smem:$0x3FD2] =	sst s25  }
0xa6: {  	s5 =	sshll.u32 s26, $0x1;
	_ =	strace $0x80000046;
	[dreg:$0x1] =	wrdreg $0xFFFFFFFF  }
0xa7: {  	s28 =	simm.s32 $_size_execute0_lowered;
	s3 =	sadd.s32 s3, s5;
	[dreg:$0x0] =	wrdreg $0x0  }
0xa8: {  	s5 =	sshll.u32 s28, $0x1;
	[dreg:$0x2] =	wrdreg s3  }
0xa9: {  	[dreg:$0x3] =	wrdreg s5  }
0xaa: {  	[dreg:$0x4] =	wrdreg $0xC0  }
0xab: {  	_ =	task [dreg:s7], $0x5FFFF  }
0xac: {  	[dreg:$0x1] =	wrdreg $0xFFFFFFFF  }
0xad: {  	[dreg:$0x0] =	wrdreg $0x60  }
0xae: {  	[dreg:$0x2] =	wrdreg s24  }
0xaf: {  	[dreg:$0x3] =	wrdreg s2  }
0xb0: {  	[dreg:$0x4] =	wrdreg $0x9  }
0xb1: {  	_ =	task.clear_ibuf [dreg:s7], $0x5FFFF;
	_ =	strace $0x90000046  }
0xb2: {  	s29 =	simm.s32 $0x9;
	_ =	strace $0x80000048  }
0xb3: {  	_ =	swait.ge [sflag:s29], $0x1  }
0xb4: {  	[sflag:s29] =	ssyncadd.s32 $0xFFFFFFFF  }
0xb5: {  	_ =	strace $0x90000048  }
0xb6: {  	_ =	sfence  }
0xb7: {  	s30 =	sld [smem:$0x0];
	_ =	sdelay $0x2  }
0xb8: {  	s31 =	sshll.u32 s1, $0xD;
	s1 =	sshrl.u32 s1, $0x2  }
0xb9: {  	s3 =	sand.u32 $0x4000, s31;
	s1 =	sadd.s32 s1, s30  }
0xba: {  	s0 =	sor.u32 s3, s0;
	s1 =	sshll.u32 s1, $0x11  }
0xbb: {  	s0 =	sor.u32 s1, s0  }
0xbc: {  	s0 =	sadd.s32 $0x8F2B, s0  }
0xbd: {  	[sflag:s0] =	ssyncadd.remote.s32 $0x1  }
0xbe: {  	_ =	sfence.sel $0xFFFF  }
0xbf: {  	[dreg:$0x0] =	wrdreg $0xFFFFFFFF;
	(pc) =	sbr.abs _section_cstart, $3  }
0xc0: {  	[dreg:$0x1] =	wrdreg $0xFFFFFFFF  }
0xc1: {  	_ =	task.clear_ibuf [dreg:s7], $0x2FFFF;
	_ =	strace $0x9FFFFFFF  }
0xc2: {  	(tm) =	ssettm $0x7FFFFFFF  }
0xc3: {  	_ =	shalt  }
tec
execute0_lowered:
.L_overlay_start_1:
0x0: {  	(tag) =	ssettag $0x1  }
0x1: {  	s5 =	rddreg [dreg:$0x0];
	v0 =	vimm.s32 $0xFEDCBA98;
	v1 =	vimm.s32 $0x76543210  }
0x2: {  	s7 =	rddreg [dreg:$0x1];
	v2 =	vimm.s32 $0xBA98FEDC;
	v3 =	vimm.s32 $0x32107654;
	v4 =	vimm.s32 $0xDCFE98BA  }
0x3: {  	s0 =	rddreg [dreg:$0x2];
	v5 =	vimm.s32 $0x54761032;
	v6 =	vimm.s32 $0xEFCDAB89;
	v7 =	vimm.s32 $0x67452301  }
0x4: {  	s3 =	srdreg.scid;
	s1 =	stileid.u32;
	s2 =	simm.s32 $0x0;
	vm0 =	vmmov $0x1;
	vm1 =	vmmov $0x3;
	vm2 =	vmmov $0x7  }
0x5: {  	s11 =	simm.s32 $0x3400;
	s12 =	simm.s32 $0x4E00;
	s13 =	simm.s32 $0xD0;
	vm3 =	vmmov $0xf;
	vm4 =	vmmov $0x1f;
	vm5 =	vmmov $0x3f  }
0x6: {  	s14 =	simm.s32 $0x6800;
	s15 =	simm.s32 $0x138;
	s16 =	simm.s32 $0x8200;
	vm6 =	vmmov $0x7f;
	vm7 =	vmmov $0xff;
	vm8 =	vmmov $0x1ff  }
0x7: {  	s17 =	simm.s32 $0x9C00;
	s18 =	simm.s32 $0xB600;
	s19 =	simm.s32 $0xD000;
	vm9 =	vmmov $0x3ff;
	vm10 =	vmmov $0x7ff;
	vm11 =	vmmov $0xfff  }
0x8: {  	s20 =	simm.s32 $0xEA00;
	s21 =	simm.s32 $0x1;
	s22 =	simm.s32 $0x2;
	vm12 =	vmmov $0x1fff;
	v0 =	vunpack.c.l.s4.s8 v0;
	v1 =	vunpack.c.l.s4.s8 v1  }
0x9: {  	s23 =	simm.s32 $0x10A80;
	s3 =	sand.u32 $0x1, s3;
	s4 =	sshll.u32 s1, $0x1;
	v2 =	vunpack.c.l.s4.s8 v2;
	v3 =	vunpack.c.l.s4.s8 v3;
	v4 =	vunpack.c.l.s4.s8 v4  }
0xa: {  	s24 =	simm.s32 $0x0;
	[smem:$0x7FF] =	sst s2;
	v5 =	vunpack.c.l.s4.s8 v5;
	v6 =	vunpack.c.l.s4.s8 v6;
	v7 =	vunpack.c.l.s4.s8 v7;
	s6 =	sor.u32 s3, s4  }
0xb: {  	_ =	strace $0x80000047;
	s9 =	ssub.s32 $0x2, s3;
	s3 =	sadd.s32 $0xF43A00, s5;
	v0 =	vunpack.c.0.s8.s32 v0;
	v1 =	vunpack.c.0.s8.s32 v1;
	v2 =	vunpack.c.0.s8.s32 v2  }
0xc: {  	s4 =	sadd.s32 $0xE600, s5;
	s8 =	smul.u32 $0x680, s6;
	s10 =	sshrl.u32 s9, $0x1;
	v3 =	vunpack.c.0.s8.s32 v3;
	v4 =	vunpack.c.0.s8.s32 v4;
	v5 =	vunpack.c.0.s8.s32 v5  }
0xd: {  	s31 =	sshll.u32 s6, $0x6;
	s6 =	simm.s32 $0x10400;
	v6 =	vunpack.c.0.s8.s32 v6;
	v7 =	vunpack.c.0.s8.s32 v7;
	s30 =	ssub.s32 s9, s10;
	v0 =	vand.u32 $0xF, v0  }
0xe: {  	vm13 =	vmmov $0x3fff;
	s7 =	sadd.s32 s7, s31;
	s9 =	simm.s32 $0x3;
	s5 =	sadd.s32 s8, s5;
	v0 =	vcombine.low v0, v1;
	v1 =	vcombine.low v3, v2  }
0xf: {  	vm14 =	vmmov $0x7fff;
	s10 =	simm.s32 $0x68;
	s8 =	smax.u32 s30, $0x1;
	s5 =	sadd.s32 $0x1600, s5;
	v2 =	vcombine.low v5, v4;
	v3 =	vcombine.low v7, v6  }
.LBB2_1:
0x10: {  	[tilespmem:s2], [sflag:$0x3] =	stream.linear.gather [hbm4b:s5+s2], $0x3400, $0x38;
	[tilespmem:$0x10C80] =	vst v63  }
0x11: {  	_ =	swait.ge [sflag:s9], $0x3400  }
0x12: {  	[sflag:s9] =	ssyncset.done $0x0  }
0x13: {  	[sflag:s9] =	ssyncadd.s32 $0xFFFFCC00  }
0x14: {  	[tilespmem:s6], [sflag:$0x3] =	stream.linear.gather [hbm4b:s4+s2], $0x680, $0x38;
	[tilespmem:$0x10C80] =	vst v63  }
0x15: {  	_ =	swait.ge [sflag:s9], $0x680  }
0x16: {  	[sflag:s9] =	ssyncset.done $0x0  }
0x17: {  	[sflag:s9] =	ssyncadd.s32 $0xFFFFF980  }
0x18: {  	[tilespmem:s11], [sflag:$0x1] =	stream.indirect.gather [hbm4b:s3+s10], $0x40, s2, s10, $0xb8;
	[tilespmem:$0x10C80] =	vst v63  }
0x19: {  	_ = 	snop  }
0x1a: {  	[tilespmem:s12], [sflag:$0x1] =	stream.indirect.gather [hbm4b:s3+s10], $0x40, s10, s10, $0xb8;
	[tilespmem:$0x10C80] =	vst v63  }
0x1b: {  	_ = 	snop  }
0x1c: {  	[tilespmem:s14], [sflag:$0x1] =	stream.indirect.gather [hbm4b:s3+s10], $0x40, s13, s10, $0xb8;
	[tilespmem:$0x10C80] =	vst v63  }
0x1d: {  	s25 =	simm.s32 $0x0  }
0x1e: {  	[tilespmem:s16], [sflag:$0x1] =	stream.indirect.gather [hbm4b:s3+s10], $0x40, s15, s10, $0xb8;
	[tilespmem:$0x10C80] =	vst v63  }
.LBB2_2:
0x1f: {  	s26 =	sshllo.u32 s25, $0x1  }
0x20: {  	s28 =	smul.u32 $0x680, s26;
	_ =	sdelay $0x1  }
0x21: {  	s28 =	sshra.s32 s28, $0x2  }
0x22: {  	[tilespmem:s17], [sflag:$0x2] =	stream.indirect.gather [hbm4b:s3+s10], $0x40, s28, s10, $0xb8;
	[tilespmem:$0x10C80] =	vst v63  }
0x23: {  	s29 =	sadd.s32 $0x68, s28  }
0x24: {  	[tilespmem:s18], [sflag:$0x2] =	stream.indirect.gather [hbm4b:s3+s10], $0x40, s29, s10, $0xb8;
	[tilespmem:$0x10C80] =	vst v63  }
0x25: {  	s29 =	sadd.s32 $0xD0, s28  }
0x26: {  	[tilespmem:s19], [sflag:$0x2] =	stream.indirect.gather [hbm4b:s3+s10], $0x40, s29, s10, $0xb8;
	[tilespmem:$0x10C80] =	vst v63  }
0x27: {  	s28 =	sadd.s32 $0x138, s28  }
0x28: {  	[tilespmem:s20], [sflag:$0x2] =	stream.indirect.gather [hbm4b:s3+s10], $0x40, s28, s10, $0xb8;
	[tilespmem:$0x10C80] =	vst v63  }
0x29: {  	_ =	swait.ge [sflag:s21], $0x1A00  }
0x2a: {  	[sflag:s21] =	ssyncset.done $0x0  }
0x2b: {  	[sflag:s21] =	ssyncadd.s32 $0xFFFFE600  }
0x2c: {  	_ =	swait.ge [sflag:s21], $0x1A00  }
0x2d: {  	[sflag:s21] =	ssyncset.done $0x0  }
0x2e: {  	[sflag:s21] =	ssyncadd.s32 $0xFFFFE600  }
0x2f: {  	_ =	swait.ge [sflag:s21], $0x1A00  }
0x30: {  	[sflag:s21] =	ssyncset.done $0x0  }
0x31: {  	[sflag:s21] =	ssyncadd.s32 $0xFFFFE600  }
0x32: {  	_ =	swait.ge [sflag:s21], $0x1A00  }
0x33: {  	[sflag:s21] =	ssyncset.done $0x0  }
0x34: {  	s29 =	simm.s32 $0x0;
	[sflag:s21] =	ssyncadd.s32 $0xFFFFE600  }
0x35: {  	v4 =	vld [tilespmem:s29+$0x3430]  }
0x36: {  	v5 =	vld [tilespmem:s29+$0x10430]  }
0x37: {  	v6 =	vld [tilespmem:s29+$0x3400]  }
0x38: {  	v9 =	vld [tilespmem:s29+$0x10400]  }
0x39: {  	v7 =	vld [tilespmem:s29+$0x3410]  }
0x3a: {  	v11 =	vld [tilespmem:s29+$0x10410]  }
0x3b: {  	v8 =	vld [tilespmem:s29+$0x3420];
	v4 =	vmul.f32 v5, v4  }
0x3c: {  	v10 =	vimm.f32 $0.0e+00;
	s28 =	simm.s32 $0x40;
	v12 =	vld [tilespmem:s29+$0x10420];
	v5 =	vimm.f32 $0.0e+00  }
0x3d: {  	s29 =	simm.s32 $0x200;
	v13 =	vmul.f32 v9, v6;
	v6 =	vld [tilespmem:s28+$0x3430];
	v9 =	vimm.f32 $0.0e+00;
	v4 =	vadd.f32 v4, v5  }
.LBB2_3:
0x3e: {  	p0 =	sne.s32 s29, $0x1900;
	v14 =	vld [tilespmem:s28+$0x10430]  }
0x3f: {  	v15 =	vld [tilespmem:s28+$0x3400];
	v5 =	vadd.f32 v13, v5;
	v11 =	vmul.f32 v11, v7  }
0x40: {  	v13 =	vld [tilespmem:s28+$0x10400]  }
.Ltmp0:
0x41: {  	v7 =	vld [tilespmem:s28+$0x3410];
	v10 =	vadd.f32 v11, v10;
	v12 =	vmul.f32 v12, v8;
	(pc) =	sbr.rel @p0 .LBB2_3-.Ltmp0, $4  }
0x42: {  	v11 =	vld [tilespmem:s28+$0x10410]  }
0x43: {  	v8 =	vld [tilespmem:s28+$0x3420];
	v14 =	vmul.f32 v14, v6;
	v9 =	vadd.f32 v12, v9  }
0x44: {  	v12 =	vld [tilespmem:s28+$0x10420];
	s28 =	sshra.s32 s29, $0x2  }
0x45: {  	s29 =	sadd.s32 $0x100, s29;
	v6 =	vld [tilespmem:s28+$0x3430];
	v13 =	vmul.f32 v13, v15;
	v4 =	vadd.f32 v14, v4  }
0x46: {  	v14 =	vld [tilespmem:s28+$0x3400]  }
0x47: {  	v15 =	vld [tilespmem:s28+$0x10400]  }
0x48: {  	v16 =	vld [tilespmem:s28+$0x3410]  }
0x49: {  	v17 =	vld [tilespmem:s28+$0x10410]  }
0x4a: {  	v18 =	vld [tilespmem:s28+$0x3420]  }
0x4b: {  	v19 =	vld [tilespmem:s28+$0x10420]  }
0x4c: {  	v7 =	vmul.f32 v11, v7  }
0x4d: {  	v5 =	vadd.f32 v13, v5;
	v11 =	vld [tilespmem:s28+$0x10430];
	v8 =	vmul.f32 v12, v8  }
0x4e: {  	v7 =	vadd.f32 v7, v10;
	v10 =	vmul.f32 v15, v14;
	v12 =	vmul.f32 v17, v16  }
0x4f: {  	v8 =	vadd.f32 v8, v9  }
0x50: {  	v9 =	vmul.f32 v19, v18;
	v5 =	vadd.f32 v10, v5;
	v7 =	vadd.f32 v12, v7;
	_ =	sdelay $0x1  }
0x51: {  	v6 =	vmul.f32 v11, v6;
	v8 =	vadd.f32 v9, v8;
	v5 =	vadd.f32 v7, v5;
	_ =	sdelay $0x1  }
0x52: {  	v4 =	vadd.f32 v6, v4;
	v5 =	vadd.f32 v8, v5;
	_ =	sdelay $0x1  }
0x53: {  	v4 =	vadd.f32 v4, v5;
	_ =	sdelay $0x1  }
0x54: {  	v5 =	vperm.xlane v4, v0;
	_ =	sdelay $0x1  }
0x55: {  	s29 =	simm.s32 $0x0;
	v4 =	vadd.f32 v5, v4  }
0x56: {  	v11 =	vld [tilespmem:s29+$0x10400]  }
0x57: {  	v6 =	vld [tilespmem:s29+$0x3AB0];
	v5 =	vperm.xlane v4, v1  }
0x58: {  	v8 =	vld [tilespmem:s29+$0x10430]  }
0x59: {  	v10 =	vld [tilespmem:s29+$0x3A80];
	v4 =	vadd.f32 v5, v4;
	_ =	sdelay $0x1  }
0x5a: {  	v13 =	vld [tilespmem:s29+$0x10410];
	v5 =	vperm.xlane v4, v2  }
0x5b: {  	v7 =	vld [tilespmem:s29+$0x3A90]  }
0x5c: {  	v14 =	vld [tilespmem:s29+$0x10420];
	v6 =	vmul.f32 v8, v6;
	v4 =	vadd.f32 v5, v4  }
0x5d: {  	s28 =	simm.s32 $0x40;
	v9 =	vld [tilespmem:s29+$0x3AA0];
	v12 =	vimm.f32 $0.0e+00;
	v15 =	vmul.f32 v11, v10;
	v8 =	vimm.f32 $0.0e+00  }
0x5e: {  	s29 =	simm.s32 $0x200;
	v10 =	vld [tilespmem:s28+$0x3AB0];
	v11 =	vimm.f32 $0.0e+00;
	v6 =	vadd.f32 v6, v8;
	v5 =	vperm.xlane v4, v3  }
.LBB2_5:
0x5f: {  	p0 =	sne.s32 s29, $0x1900;
	v16 =	vld [tilespmem:s28+$0x10430]  }
0x60: {  	v17 =	vld [tilespmem:s28+$0x3A80];
	v8 =	vadd.f32 v15, v8;
	v13 =	vmul.f32 v13, v7  }
0x61: {  	v15 =	vld [tilespmem:s28+$0x10400]  }
.Ltmp1:
0x62: {  	v7 =	vld [tilespmem:s28+$0x3A90];
	v12 =	vadd.f32 v13, v12;
	v14 =	vmul.f32 v14, v9;
	(pc) =	sbr.rel @p0 .LBB2_5-.Ltmp1, $4  }
0x63: {  	v13 =	vld [tilespmem:s28+$0x10410]  }
0x64: {  	v9 =	vld [tilespmem:s28+$0x3AA0];
	v16 =	vmul.f32 v16, v10;
	v11 =	vadd.f32 v14, v11  }
0x65: {  	v14 =	vld [tilespmem:s28+$0x10420];
	s28 =	sshra.s32 s29, $0x2  }
0x66: {  	s29 =	sadd.s32 $0x100, s29;
	v10 =	vld [tilespmem:s28+$0x3AB0];
	v15 =	vmul.f32 v15, v17;
	v6 =	vadd.f32 v16, v6  }
0x67: {  	v16 =	vld [tilespmem:s28+$0x3A80]  }
0x68: {  	v17 =	vld [tilespmem:s28+$0x10400]  }
0x69: {  	v18 =	vld [tilespmem:s28+$0x3A90]  }
0x6a: {  	v19 =	vld [tilespmem:s28+$0x10410]  }
0x6b: {  	v20 =	vld [tilespmem:s28+$0x3AA0]  }
0x6c: {  	v21 =	vld [tilespmem:s28+$0x10420]  }
0x6d: {  	v7 =	vmul.f32 v13, v7  }
0x6e: {  	v8 =	vadd.f32 v15, v8;
	v13 =	vld [tilespmem:s28+$0x10430];
	v9 =	vmul.f32 v14, v9  }
0x6f: {  	v7 =	vadd.f32 v7, v12;
	v12 =	vmul.f32 v17, v16;
	v14 =	vmul.f32 v19, v18  }
0x70: {  	v9 =	vadd.f32 v9, v11  }
0x71: {  	v11 =	vmul.f32 v21, v20;
	v8 =	vadd.f32 v12, v8;
	v7 =	vadd.f32 v14, v7;
	_ =	sdelay $0x1  }
0x72: {  	v10 =	vmul.f32 v13, v10;
	v9 =	vadd.f32 v11, v9;
	v7 =	vadd.f32 v7, v8;
	_ =	sdelay $0x1  }
0x73: {  	v6 =	vadd.f32 v10, v6;
	v7 =	vadd.f32 v9, v7;
	_ =	sdelay $0x1  }
0x74: {  	v6 =	vadd.f32 v6, v7;
	_ =	sdelay $0x1  }
0x75: {  	v7 =	vperm.xlane v6, v0;
	_ =	sdelay $0x1  }
0x76: {  	s29 =	simm.s32 $0x0;
	v6 =	vadd.f32 v7, v6  }
0x77: {  	v13 =	vld [tilespmem:s29+$0x10400]  }
0x78: {  	v10 =	vld [tilespmem:s29+$0x10430];
	v7 =	vperm.xlane v6, v1  }
0x79: {  	v8 =	vld [tilespmem:s29+$0x4130]  }
0x7a: {  	v12 =	vld [tilespmem:s29+$0x4100];
	v6 =	vadd.f32 v7, v6;
	_ =	sdelay $0x1  }
0x7b: {  	v15 =	vld [tilespmem:s29+$0x10410];
	v7 =	vperm.xlane v6, v2  }
0x7c: {  	v9 =	vld [tilespmem:s29+$0x4110]  }
0x7d: {  	v16 =	vld [tilespmem:s29+$0x10420];
	v8 =	vmul.f32 v10, v8;
	v6 =	vadd.f32 v7, v6  }
0x7e: {  	s28 =	simm.s32 $0x40;
	v11 =	vld [tilespmem:s29+$0x4120];
	v14 =	vimm.f32 $0.0e+00;
	v17 =	vmul.f32 v13, v12;
	v10 =	vimm.f32 $0.0e+00  }
0x7f: {  	s29 =	simm.s32 $0x200;
	v12 =	vld [tilespmem:s28+$0x4130];
	v13 =	vimm.f32 $0.0e+00;
	v8 =	vadd.f32 v8, v10;
	v7 =	vperm.xlane v6, v3  }
.LBB2_7:
0x80: {  	p0 =	sne.s32 s29, $0x1900;
	v18 =	vld [tilespmem:s28+$0x10430]  }
0x81: {  	v19 =	vld [tilespmem:s28+$0x4100];
	v10 =	vadd.f32 v17, v10;
	v15 =	vmul.f32 v15, v9  }
0x82: {  	v17 =	vld [tilespmem:s28+$0x10400]  }
.Ltmp2:
0x83: {  	v9 =	vld [tilespmem:s28+$0x4110];
	v14 =	vadd.f32 v15, v14;
	v16 =	vmul.f32 v16, v11;
	(pc) =	sbr.rel @p0 .LBB2_7-.Ltmp2, $4  }
0x84: {  	v15 =	vld [tilespmem:s28+$0x10410]  }
0x85: {  	v11 =	vld [tilespmem:s28+$0x4120];
	v18 =	vmul.f32 v18, v12;
	v13 =	vadd.f32 v16, v13  }
0x86: {  	v16 =	vld [tilespmem:s28+$0x10420];
	s28 =	sshra.s32 s29, $0x2  }
0x87: {  	s29 =	sadd.s32 $0x100, s29;
	v12 =	vld [tilespmem:s28+$0x4130];
	v17 =	vmul.f32 v17, v19;
	v8 =	vadd.f32 v18, v8  }
0x88: {  	v18 =	vld [tilespmem:s28+$0x4100]  }
0x89: {  	v19 =	vld [tilespmem:s28+$0x10400]  }
0x8a: {  	v20 =	vld [tilespmem:s28+$0x4110]  }
0x8b: {  	v21 =	vld [tilespmem:s28+$0x10410]  }
0x8c: {  	v22 =	vld [tilespmem:s28+$0x4120]  }
0x8d: {  	v23 =	vld [tilespmem:s28+$0x10420]  }
0x8e: {  	v9 =	vmul.f32 v15, v9  }
0x8f: {  	v10 =	vadd.f32 v17, v10;
	v15 =	vld [tilespmem:s28+$0x10430];
	v11 =	vmul.f32 v16, v11  }
0x90: {  	v9 =	vadd.f32 v9, v14;
	v14 =	vmul.f32 v19, v18;
	v16 =	vmul.f32 v21, v20  }
0x91: {  	v11 =	vadd.f32 v11, v13  }
0x92: {  	v13 =	vmul.f32 v23, v22;
	v10 =	vadd.f32 v14, v10;
	v9 =	vadd.f32 v16, v9;
	_ =	sdelay $0x1  }
0x93: {  	v12 =	vmul.f32 v15, v12;
	v11 =	vadd.f32 v13, v11;
	v9 =	vadd.f32 v9, v10;
	_ =	sdelay $0x1  }
0x94: {  	v8 =	vadd.f32 v12, v8;
	v9 =	vadd.f32 v11, v9;
	_ =	sdelay $0x1  }
0x95: {  	v8 =	vadd.f32 v8, v9;
	_ =	sdelay $0x1  }
0x96: {  	v9 =	vperm.xlane v8, v0;
	_ =	sdelay $0x1  }
0x97: {  	s29 =	simm.s32 $0x0;
	v8 =	vadd.f32 v9, v8  }
0x98: {  	v15 =	vld [tilespmem:s29+$0x10400]  }
0x99: {  	v12 =	vld [tilespmem:s29+$0x10430];
	v9 =	vperm.xlane v8, v1  }
0x9a: {  	v10 =	vld [tilespmem:s29+$0x47B0]  }
0x9b: {  	v14 =	vld [tilespmem:s29+$0x4780];
	v8 =	vadd.f32 v9, v8;
	_ =	sdelay $0x1  }
0x9c: {  	v17 =	vld [tilespmem:s29+$0x10410];
	v9 =	vperm.xlane v8, v2  }
0x9d: {  	v11 =	vld [tilespmem:s29+$0x4790]  }
0x9e: {  	v18 =	vld [tilespmem:s29+$0x10420];
	v10 =	vmul.f32 v12, v10;
	v8 =	vadd.f32 v9, v8  }
0x9f: {  	s28 =	simm.s32 $0x40;
	v13 =	vld [tilespmem:s29+$0x47A0];
	v16 =	vimm.f32 $0.0e+00;
	v19 =	vmul.f32 v15, v14;
	v12 =	vimm.f32 $0.0e+00  }
0xa0: {  	s29 =	simm.s32 $0x200;
	v14 =	vld [tilespmem:s28+$0x47B0];
	v15 =	vimm.f32 $0.0e+00;
	v10 =	vadd.f32 v10, v12;
	v9 =	vperm.xlane v8, v3  }
.LBB2_9:
0xa1: {  	p0 =	sne.s32 s29, $0x1900;
	v20 =	vld [tilespmem:s28+$0x10430]  }
0xa2: {  	v21 =	vld [tilespmem:s28+$0x4780];
	v12 =	vadd.f32 v19, v12;
	v17 =	vmul.f32 v17, v11  }
0xa3: {  	v19 =	vld [tilespmem:s28+$0x10400]  }
.Ltmp3:
0xa4: {  	v11 =	vld [tilespmem:s28+$0x4790];
	v16 =	vadd.f32 v17, v16;
	v18 =	vmul.f32 v18, v13;
	(pc) =	sbr.rel @p0 .LBB2_9-.Ltmp3, $4  }
0xa5: {  	v17 =	vld [tilespmem:s28+$0x10410]  }
0xa6: {  	v13 =	vld [tilespmem:s28+$0x47A0];
	v20 =	vmul.f32 v20, v14;
	v15 =	vadd.f32 v18, v15  }
0xa7: {  	v18 =	vld [tilespmem:s28+$0x10420];
	s28 =	sshra.s32 s29, $0x2  }
0xa8: {  	s29 =	sadd.s32 $0x100, s29;
	v14 =	vld [tilespmem:s28+$0x47B0];
	v19 =	vmul.f32 v19, v21;
	v10 =	vadd.f32 v20, v10  }
0xa9: {  	v20 =	vld [tilespmem:s28+$0x4780]  }
0xaa: {  	v21 =	vld [tilespmem:s28+$0x10400]  }
0xab: {  	v22 =	vld [tilespmem:s28+$0x4790]  }
0xac: {  	v23 =	vld [tilespmem:s28+$0x10410]  }
0xad: {  	v24 =	vld [tilespmem:s28+$0x47A0]  }
0xae: {  	v25 =	vld [tilespmem:s28+$0x10420]  }
0xaf: {  	v11 =	vmul.f32 v17, v11  }
0xb0: {  	v12 =	vadd.f32 v19, v12;
	v17 =	vld [tilespmem:s28+$0x10430];
	v13 =	vmul.f32 v18, v13  }
0xb1: {  	v11 =	vadd.f32 v11, v16;
	v16 =	vmul.f32 v21, v20;
	v18 =	vmul.f32 v23, v22  }
0xb2: {  	v13 =	vadd.f32 v13, v15  }
0xb3: {  	v15 =	vmul.f32 v25, v24;
	v12 =	vadd.f32 v16, v12;
	v11 =	vadd.f32 v18, v11;
	_ =	sdelay $0x1  }
0xb4: {  	v14 =	vmul.f32 v17, v14;
	v13 =	vadd.f32 v15, v13;
	v11 =	vadd.f32 v11, v12;
	_ =	sdelay $0x1  }
0xb5: {  	v10 =	vadd.f32 v14, v10;
	v11 =	vadd.f32 v13, v11;
	_ =	sdelay $0x1  }
0xb6: {  	v10 =	vadd.f32 v10, v11;
	_ =	sdelay $0x1  }
0xb7: {  	v11 =	vperm.xlane v10, v0;
	_ =	sdelay $0x1  }
0xb8: {  	s29 =	simm.s32 $0x0;
	v10 =	vadd.f32 v11, v10  }
0xb9: {  	v17 =	vld [tilespmem:s29+$0x10400]  }
0xba: {  	v14 =	vld [tilespmem:s29+$0x10430];
	v11 =	vperm.xlane v10, v1  }
0xbb: {  	v12 =	vld [tilespmem:s29+$0x4E30]  }
0xbc: {  	v16 =	vld [tilespmem:s29+$0x4E00];
	v10 =	vadd.f32 v11, v10;
	_ =	sdelay $0x1  }
0xbd: {  	v19 =	vld [tilespmem:s29+$0x10410];
	v11 =	vperm.xlane v10, v2  }
0xbe: {  	v13 =	vld [tilespmem:s29+$0x4E10]  }
0xbf: {  	v20 =	vld [tilespmem:s29+$0x10420];
	v12 =	vmul.f32 v14, v12;
	v10 =	vadd.f32 v11, v10  }
0xc0: {  	s28 =	simm.s32 $0x40;
	v15 =	vld [tilespmem:s29+$0x4E20];
	v18 =	vimm.f32 $0.0e+00;
	v21 =	vmul.f32 v17, v16;
	v14 =	vimm.f32 $0.0e+00  }
0xc1: {  	s29 =	simm.s32 $0x200;
	v16 =	vld [tilespmem:s28+$0x4E30];
	v17 =	vimm.f32 $0.0e+00;
	v12 =	vadd.f32 v12, v14;
	v11 =	vperm.xlane v10, v3  }
.LBB2_11:
0xc2: {  	p0 =	sne.s32 s29, $0x1900;
	v22 =	vld [tilespmem:s28+$0x10430]  }
0xc3: {  	v23 =	vld [tilespmem:s28+$0x4E00];
	v14 =	vadd.f32 v21, v14;
	v19 =	vmul.f32 v19, v13  }
0xc4: {  	v21 =	vld [tilespmem:s28+$0x10400]  }
.Ltmp4:
0xc5: {  	v13 =	vld [tilespmem:s28+$0x4E10];
	v18 =	vadd.f32 v19, v18;
	v20 =	vmul.f32 v20, v15;
	(pc) =	sbr.rel @p0 .LBB2_11-.Ltmp4, $4  }
0xc6: {  	v19 =	vld [tilespmem:s28+$0x10410]  }
0xc7: {  	v15 =	vld [tilespmem:s28+$0x4E20];
	v22 =	vmul.f32 v22, v16;
	v17 =	vadd.f32 v20, v17  }
0xc8: {  	v20 =	vld [tilespmem:s28+$0x10420];
	s28 =	sshra.s32 s29, $0x2  }
0xc9: {  	s29 =	sadd.s32 $0x100, s29;
	v16 =	vld [tilespmem:s28+$0x4E30];
	v21 =	vmul.f32 v21, v23;
	v12 =	vadd.f32 v22, v12  }
0xca: {  	v22 =	vld [tilespmem:s28+$0x4E00]  }
0xcb: {  	v23 =	vld [tilespmem:s28+$0x10400]  }
0xcc: {  	v24 =	vld [tilespmem:s28+$0x4E10]  }
0xcd: {  	v25 =	vld [tilespmem:s28+$0x10410]  }
0xce: {  	v26 =	vld [tilespmem:s28+$0x4E20]  }
0xcf: {  	v27 =	vld [tilespmem:s28+$0x10420]  }
0xd0: {  	v13 =	vmul.f32 v19, v13  }
0xd1: {  	v14 =	vadd.f32 v21, v14;
	v19 =	vld [tilespmem:s28+$0x10430];
	v15 =	vmul.f32 v20, v15  }
0xd2: {  	v13 =	vadd.f32 v13, v18;
	v18 =	vmul.f32 v23, v22;
	v20 =	vmul.f32 v25, v24  }
0xd3: {  	v15 =	vadd.f32 v15, v17  }
0xd4: {  	v17 =	vmul.f32 v27, v26;
	v14 =	vadd.f32 v18, v14;
	v13 =	vadd.f32 v20, v13;
	_ =	sdelay $0x1  }
0xd5: {  	v16 =	vmul.f32 v19, v16;
	v15 =	vadd.f32 v17, v15;
	v13 =	vadd.f32 v13, v14;
	_ =	sdelay $0x1  }
0xd6: {  	v12 =	vadd.f32 v16, v12;
	v13 =	vadd.f32 v15, v13;
	_ =	sdelay $0x1  }
0xd7: {  	v12 =	vadd.f32 v12, v13;
	_ =	sdelay $0x1  }
0xd8: {  	v13 =	vperm.xlane v12, v0;
	_ =	sdelay $0x1  }
0xd9: {  	s29 =	simm.s32 $0x0;
	v12 =	vadd.f32 v13, v12  }
0xda: {  	v19 =	vld [tilespmem:s29+$0x10400]  }
0xdb: {  	v16 =	vld [tilespmem:s29+$0x10430];
	v13 =	vperm.xlane v12, v1  }
0xdc: {  	v14 =	vld [tilespmem:s29+$0x54B0]  }
0xdd: {  	v18 =	vld [tilespmem:s29+$0x5480];
	v12 =	vadd.f32 v13, v12;
	_ =	sdelay $0x1  }
0xde: {  	v21 =	vld [tilespmem:s29+$0x10410];
	v13 =	vperm.xlane v12, v2  }
0xdf: {  	v15 =	vld [tilespmem:s29+$0x5490]  }
0xe0: {  	v22 =	vld [tilespmem:s29+$0x10420];
	v14 =	vmul.f32 v16, v14;
	v12 =	vadd.f32 v13, v12  }
0xe1: {  	s28 =	simm.s32 $0x40;
	v17 =	vld [tilespmem:s29+$0x54A0];
	v20 =	vimm.f32 $0.0e+00;
	v23 =	vmul.f32 v19, v18;
	v16 =	vimm.f32 $0.0e+00  }
0xe2: {  	s29 =	simm.s32 $0x200;
	v18 =	vld [tilespmem:s28+$0x54B0];
	v19 =	vimm.f32 $0.0e+00;
	v14 =	vadd.f32 v14, v16;
	v13 =	vperm.xlane v12, v3  }
.LBB2_13:
0xe3: {  	p0 =	sne.s32 s29, $0x1900;
	v24 =	vld [tilespmem:s28+$0x10430]  }
0xe4: {  	v25 =	vld [tilespmem:s28+$0x5480];
	v16 =	vadd.f32 v23, v16;
	v21 =	vmul.f32 v21, v15  }
0xe5: {  	v23 =	vld [tilespmem:s28+$0x10400]  }
.Ltmp5:
0xe6: {  	v15 =	vld [tilespmem:s28+$0x5490];
	v20 =	vadd.f32 v21, v20;
	v22 =	vmul.f32 v22, v17;
	(pc) =	sbr.rel @p0 .LBB2_13-.Ltmp5, $4  }
0xe7: {  	v21 =	vld [tilespmem:s28+$0x10410]  }
0xe8: {  	v17 =	vld [tilespmem:s28+$0x54A0];
	v24 =	vmul.f32 v24, v18;
	v19 =	vadd.f32 v22, v19  }
0xe9: {  	v22 =	vld [tilespmem:s28+$0x10420];
	s28 =	sshra.s32 s29, $0x2  }
0xea: {  	s29 =	sadd.s32 $0x100, s29;
	v18 =	vld [tilespmem:s28+$0x54B0];
	v23 =	vmul.f32 v23, v25;
	v14 =	vadd.f32 v24, v14  }
0xeb: {  	v24 =	vld [tilespmem:s28+$0x5480]  }
0xec: {  	v25 =	vld [tilespmem:s28+$0x10400]  }
0xed: {  	v26 =	vld [tilespmem:s28+$0x5490]  }
0xee: {  	v27 =	vld [tilespmem:s28+$0x10410]  }
0xef: {  	v28 =	vld [tilespmem:s28+$0x54A0]  }
0xf0: {  	v29 =	vld [tilespmem:s28+$0x10420]  }
0xf1: {  	v15 =	vmul.f32 v21, v15  }
0xf2: {  	v16 =	vadd.f32 v23, v16;
	v21 =	vld [tilespmem:s28+$0x10430];
	v17 =	vmul.f32 v22, v17  }
0xf3: {  	v15 =	vadd.f32 v15, v20;
	v20 =	vmul.f32 v25, v24;
	v22 =	vmul.f32 v27, v26  }
0xf4: {  	v17 =	vadd.f32 v17, v19  }
0xf5: {  	v19 =	vmul.f32 v29, v28;
	v16 =	vadd.f32 v20, v16;
	v15 =	vadd.f32 v22, v15;
	_ =	sdelay $0x1  }
0xf6: {  	v18 =	vmul.f32 v21, v18;
	v17 =	vadd.f32 v19, v17;
	v15 =	vadd.f32 v15, v16;
	_ =	sdelay $0x1  }
0xf7: {  	v14 =	vadd.f32 v18, v14;
	v15 =	vadd.f32 v17, v15;
	_ =	sdelay $0x1  }
0xf8: {  	v14 =	vadd.f32 v14, v15;
	_ =	sdelay $0x1  }
0xf9: {  	v15 =	vperm.xlane v14, v0;
	_ =	sdelay $0x1  }
0xfa: {  	s29 =	simm.s32 $0x0;
	v14 =	vadd.f32 v15, v14  }
0xfb: {  	v21 =	vld [tilespmem:s29+$0x10400]  }
0xfc: {  	v18 =	vld [tilespmem:s29+$0x10430];
	v15 =	vperm.xlane v14, v1  }
0xfd: {  	v16 =	vld [tilespmem:s29+$0x5B30]  }
0xfe: {  	v20 =	vld [tilespmem:s29+$0x5B00];
	v14 =	vadd.f32 v15, v14;
	_ =	sdelay $0x1  }
0xff: {  	v23 =	vld [tilespmem:s29+$0x10410];
	v15 =	vperm.xlane v14, v2  }
0x100: {  	v17 =	vld [tilespmem:s29+$0x5B10]  }
0x101: {  	v24 =	vld [tilespmem:s29+$0x10420];
	v16 =	vmul.f32 v18, v16;
	v14 =	vadd.f32 v15, v14  }
0x102: {  	s28 =	simm.s32 $0x40;
	v19 =	vld [tilespmem:s29+$0x5B20];
	v22 =	vimm.f32 $0.0e+00;
	v25 =	vmul.f32 v21, v20;
	v18 =	vimm.f32 $0.0e+00  }
0x103: {  	s29 =	simm.s32 $0x200;
	v20 =	vld [tilespmem:s28+$0x5B30];
	v21 =	vimm.f32 $0.0e+00;
	v16 =	vadd.f32 v16, v18;
	v15 =	vperm.xlane v14, v3  }
.LBB2_15:
0x104: {  	p0 =	sne.s32 s29, $0x1900;
	v26 =	vld [tilespmem:s28+$0x10430]  }
0x105: {  	v27 =	vld [tilespmem:s28+$0x5B00];
	v18 =	vadd.f32 v25, v18;
	v23 =	vmul.f32 v23, v17  }
0x106: {  	v25 =	vld [tilespmem:s28+$0x10400]  }
.Ltmp6:
0x107: {  	v17 =	vld [tilespmem:s28+$0x5B10];
	v22 =	vadd.f32 v23, v22;
	v24 =	vmul.f32 v24, v19;
	(pc) =	sbr.rel @p0 .LBB2_15-.Ltmp6, $4  }
0x108: {  	v23 =	vld [tilespmem:s28+$0x10410]  }
0x109: {  	v19 =	vld [tilespmem:s28+$0x5B20];
	v26 =	vmul.f32 v26, v20;
	v21 =	vadd.f32 v24, v21  }
0x10a: {  	v24 =	vld [tilespmem:s28+$0x10420];
	s28 =	sshra.s32 s29, $0x2  }
0x10b: {  	s29 =	sadd.s32 $0x100, s29;
	v20 =	vld [tilespmem:s28+$0x5B30];
	v25 =	vmul.f32 v25, v27;
	v16 =	vadd.f32 v26, v16  }
0x10c: {  	v26 =	vld [tilespmem:s28+$0x5B00]  }
0x10d: {  	v27 =	vld [tilespmem:s28+$0x10400]  }
0x10e: {  	v28 =	vld [tilespmem:s28+$0x5B10]  }
0x10f: {  	v29 =	vld [tilespmem:s28+$0x10410]  }
0x110: {  	v30 =	vld [tilespmem:s28+$0x5B20]  }
0x111: {  	v31 =	vld [tilespmem:s28+$0x10420]  }
0x112: {  	v17 =	vmul.f32 v23, v17  }
0x113: {  	v18 =	vadd.f32 v25, v18;
	v23 =	vld [tilespmem:s28+$0x10430];
	v19 =	vmul.f32 v24, v19  }
0x114: {  	v17 =	vadd.f32 v17, v22;
	v22 =	vmul.f32 v27, v26;
	v24 =	vmul.f32 v29, v28  }
0x115: {  	v19 =	vadd.f32 v19, v21  }
0x116: {  	v21 =	vmul.f32 v31, v30;
	v18 =	vadd.f32 v22, v18;
	v17 =	vadd.f32 v24, v17;
	_ =	sdelay $0x1  }
0x117: {  	v20 =	vmul.f32 v23, v20;
	v19 =	vadd.f32 v21, v19;
	v17 =	vadd.f32 v17, v18;
	_ =	sdelay $0x1  }
0x118: {  	v16 =	vadd.f32 v20, v16;
	v17 =	vadd.f32 v19, v17;
	_ =	sdelay $0x1  }
0x119: {  	v16 =	vadd.f32 v16, v17;
	_ =	sdelay $0x1  }
0x11a: {  	v17 =	vperm.xlane v16, v0;
	_ =	sdelay $0x1  }
0x11b: {  	s29 =	simm.s32 $0x0;
	v16 =	vadd.f32 v17, v16  }
0x11c: {  	v23 =	vld [tilespmem:s29+$0x10400]  }
0x11d: {  	v20 =	vld [tilespmem:s29+$0x10430];
	v17 =	vperm.xlane v16, v1  }
0x11e: {  	v18 =	vld [tilespmem:s29+$0x61B0]  }
0x11f: {  	v22 =	vld [tilespmem:s29+$0x6180];
	v16 =	vadd.f32 v17, v16;
	_ =	sdelay $0x1  }
0x120: {  	v25 =	vld [tilespmem:s29+$0x10410];
	v17 =	vperm.xlane v16, v2  }
0x121: {  	v19 =	vld [tilespmem:s29+$0x6190]  }
0x122: {  	v26 =	vld [tilespmem:s29+$0x10420];
	v18 =	vmul.f32 v20, v18;
	v16 =	vadd.f32 v17, v16  }
0x123: {  	s28 =	simm.s32 $0x40;
	v21 =	vld [tilespmem:s29+$0x61A0];
	v24 =	vimm.f32 $0.0e+00;
	v27 =	vmul.f32 v23, v22;
	v20 =	vimm.f32 $0.0e+00  }
0x124: {  	s29 =	simm.s32 $0x200;
	v22 =	vld [tilespmem:s28+$0x61B0];
	v23 =	vimm.f32 $0.0e+00;
	v18 =	vadd.f32 v18, v20;
	v17 =	vperm.xlane v16, v3  }
.LBB2_17:
0x125: {  	p0 =	sne.s32 s29, $0x1900;
	v28 =	vld [tilespmem:s28+$0x10430]  }
0x126: {  	v29 =	vld [tilespmem:s28+$0x6180];
	v20 =	vadd.f32 v27, v20;
	v25 =	vmul.f32 v25, v19  }
0x127: {  	v27 =	vld [tilespmem:s28+$0x10400]  }
.Ltmp7:
0x128: {  	v19 =	vld [tilespmem:s28+$0x6190];
	v24 =	vadd.f32 v25, v24;
	v26 =	vmul.f32 v26, v21;
	(pc) =	sbr.rel @p0 .LBB2_17-.Ltmp7, $4  }
0x129: {  	v25 =	vld [tilespmem:s28+$0x10410]  }
0x12a: {  	v21 =	vld [tilespmem:s28+$0x61A0];
	v28 =	vmul.f32 v28, v22;
	v23 =	vadd.f32 v26, v23  }
0x12b: {  	v26 =	vld [tilespmem:s28+$0x10420];
	s28 =	sshra.s32 s29, $0x2  }
0x12c: {  	s29 =	sadd.s32 $0x100, s29;
	v22 =	vld [tilespmem:s28+$0x61B0];
	v27 =	vmul.f32 v27, v29;
	v18 =	vadd.f32 v28, v18  }
0x12d: {  	v28 =	vld [tilespmem:s28+$0x6180]  }
0x12e: {  	v29 =	vld [tilespmem:s28+$0x10400]  }
0x12f: {  	v30 =	vld [tilespmem:s28+$0x6190]  }
0x130: {  	v31 =	vld [tilespmem:s28+$0x10410]  }
0x131: {  	v32 =	vld [tilespmem:s28+$0x61A0]  }
0x132: {  	v33 =	vld [tilespmem:s28+$0x10420]  }
0x133: {  	v19 =	vmul.f32 v25, v19  }
0x134: {  	v20 =	vadd.f32 v27, v20;
	v25 =	vld [tilespmem:s28+$0x10430];
	v21 =	vmul.f32 v26, v21  }
0x135: {  	v19 =	vadd.f32 v19, v24;
	v24 =	vmul.f32 v29, v28;
	v26 =	vmul.f32 v31, v30  }
0x136: {  	v21 =	vadd.f32 v21, v23  }
0x137: {  	v23 =	vmul.f32 v33, v32;
	v20 =	vadd.f32 v24, v20;
	v19 =	vadd.f32 v26, v19;
	_ =	sdelay $0x1  }
0x138: {  	v22 =	vmul.f32 v25, v22;
	v21 =	vadd.f32 v23, v21;
	v19 =	vadd.f32 v19, v20;
	_ =	sdelay $0x1  }
0x139: {  	v18 =	vadd.f32 v22, v18;
	v19 =	vadd.f32 v21, v19;
	_ =	sdelay $0x1  }
0x13a: {  	v18 =	vadd.f32 v18, v19;
	_ =	sdelay $0x1  }
0x13b: {  	v19 =	vperm.xlane v18, v0;
	_ =	sdelay $0x1  }
0x13c: {  	s29 =	simm.s32 $0x0;
	v18 =	vadd.f32 v19, v18  }
0x13d: {  	v25 =	vld [tilespmem:s29+$0x10400]  }
0x13e: {  	v22 =	vld [tilespmem:s29+$0x10430];
	v19 =	vperm.xlane v18, v1  }
0x13f: {  	v20 =	vld [tilespmem:s29+$0x6830]  }
0x140: {  	v24 =	vld [tilespmem:s29+$0x6800];
	v18 =	vadd.f32 v19, v18;
	_ =	sdelay $0x1  }
0x141: {  	v27 =	vld [tilespmem:s29+$0x10410];
	v19 =	vperm.xlane v18, v2  }
0x142: {  	v21 =	vld [tilespmem:s29+$0x6810]  }
0x143: {  	v28 =	vld [tilespmem:s29+$0x10420];
	v20 =	vmul.f32 v22, v20;
	v18 =	vadd.f32 v19, v18  }
0x144: {  	s28 =	simm.s32 $0x40;
	v23 =	vld [tilespmem:s29+$0x6820];
	v26 =	vimm.f32 $0.0e+00;
	v29 =	vmul.f32 v25, v24;
	v22 =	vimm.f32 $0.0e+00  }
0x145: {  	s29 =	simm.s32 $0x200;
	v24 =	vld [tilespmem:s28+$0x6830];
	v25 =	vimm.f32 $0.0e+00;
	v20 =	vadd.f32 v20, v22;
	v19 =	vperm.xlane v18, v3  }
.LBB2_19:
0x146: {  	p0 =	sne.s32 s29, $0x1900;
	v30 =	vld [tilespmem:s28+$0x10430]  }
0x147: {  	v31 =	vld [tilespmem:s28+$0x6800];
	v22 =	vadd.f32 v29, v22;
	v27 =	vmul.f32 v27, v21  }
0x148: {  	v29 =	vld [tilespmem:s28+$0x10400]  }
.Ltmp8:
0x149: {  	v21 =	vld [tilespmem:s28+$0x6810];
	v26 =	vadd.f32 v27, v26;
	v28 =	vmul.f32 v28, v23;
	(pc) =	sbr.rel @p0 .LBB2_19-.Ltmp8, $4  }
0x14a: {  	v27 =	vld [tilespmem:s28+$0x10410]  }
0x14b: {  	v23 =	vld [tilespmem:s28+$0x6820];
	v30 =	vmul.f32 v30, v24;
	v25 =	vadd.f32 v28, v25  }
0x14c: {  	v28 =	vld [tilespmem:s28+$0x10420];
	s28 =	sshra.s32 s29, $0x2  }
0x14d: {  	s29 =	sadd.s32 $0x100, s29;
	v24 =	vld [tilespmem:s28+$0x6830];
	v29 =	vmul.f32 v29, v31;
	v20 =	vadd.f32 v30, v20  }
0x14e: {  	v30 =	vld [tilespmem:s28+$0x6800]  }
0x14f: {  	v31 =	vld [tilespmem:s28+$0x10400]  }
0x150: {  	v32 =	vld [tilespmem:s28+$0x6810]  }
0x151: {  	v33 =	vld [tilespmem:s28+$0x10410]  }
0x152: {  	v34 =	vld [tilespmem:s28+$0x6820]  }
0x153: {  	v35 =	vld [tilespmem:s28+$0x10420]  }
0x154: {  	v21 =	vmul.f32 v27, v21  }
0x155: {  	v22 =	vadd.f32 v29, v22;
	v27 =	vld [tilespmem:s28+$0x10430];
	v23 =	vmul.f32 v28, v23  }
0x156: {  	v21 =	vadd.f32 v21, v26;
	v26 =	vmul.f32 v31, v30;
	v28 =	vmul.f32 v33, v32  }
0x157: {  	v23 =	vadd.f32 v23, v25  }
0x158: {  	v25 =	vmul.f32 v35, v34;
	v22 =	vadd.f32 v26, v22;
	v21 =	vadd.f32 v28, v21;
	_ =	sdelay $0x1  }
0x159: {  	v24 =	vmul.f32 v27, v24;
	v23 =	vadd.f32 v25, v23;
	v21 =	vadd.f32 v21, v22;
	_ =	sdelay $0x1  }
0x15a: {  	v20 =	vadd.f32 v24, v20;
	v21 =	vadd.f32 v23, v21;
	_ =	sdelay $0x1  }
0x15b: {  	v20 =	vadd.f32 v20, v21;
	_ =	sdelay $0x1  }
0x15c: {  	v21 =	vperm.xlane v20, v0;
	_ =	sdelay $0x1  }
0x15d: {  	s29 =	simm.s32 $0x0;
	v20 =	vadd.f32 v21, v20  }
0x15e: {  	v27 =	vld [tilespmem:s29+$0x10400]  }
0x15f: {  	v24 =	vld [tilespmem:s29+$0x10430];
	v21 =	vperm.xlane v20, v1  }
0x160: {  	v22 =	vld [tilespmem:s29+$0x6EB0]  }
0x161: {  	v26 =	vld [tilespmem:s29+$0x6E80];
	v20 =	vadd.f32 v21, v20;
	_ =	sdelay $0x1  }
0x162: {  	v29 =	vld [tilespmem:s29+$0x10410];
	v21 =	vperm.xlane v20, v2  }
0x163: {  	v23 =	vld [tilespmem:s29+$0x6E90]  }
0x164: {  	v30 =	vld [tilespmem:s29+$0x10420];
	v22 =	vmul.f32 v24, v22;
	v20 =	vadd.f32 v21, v20  }
0x165: {  	s28 =	simm.s32 $0x40;
	v25 =	vld [tilespmem:s29+$0x6EA0];
	v28 =	vimm.f32 $0.0e+00;
	v31 =	vmul.f32 v27, v26;
	v24 =	vimm.f32 $0.0e+00  }
0x166: {  	s29 =	simm.s32 $0x200;
	v26 =	vld [tilespmem:s28+$0x6EB0];
	v27 =	vimm.f32 $0.0e+00;
	v22 =	vadd.f32 v22, v24;
	v21 =	vperm.xlane v20, v3  }
.LBB2_21:
0x167: {  	p0 =	sne.s32 s29, $0x1900;
	v32 =	vld [tilespmem:s28+$0x10430]  }
0x168: {  	v33 =	vld [tilespmem:s28+$0x6E80];
	v24 =	vadd.f32 v31, v24;
	v29 =	vmul.f32 v29, v23  }
0x169: {  	v31 =	vld [tilespmem:s28+$0x10400]  }
.Ltmp9:
0x16a: {  	v23 =	vld [tilespmem:s28+$0x6E90];
	v28 =	vadd.f32 v29, v28;
	v30 =	vmul.f32 v30, v25;
	(pc) =	sbr.rel @p0 .LBB2_21-.Ltmp9, $4  }
0x16b: {  	v29 =	vld [tilespmem:s28+$0x10410]  }
0x16c: {  	v25 =	vld [tilespmem:s28+$0x6EA0];
	v32 =	vmul.f32 v32, v26;
	v27 =	vadd.f32 v30, v27  }
0x16d: {  	v30 =	vld [tilespmem:s28+$0x10420];
	s28 =	sshra.s32 s29, $0x2  }
0x16e: {  	s29 =	sadd.s32 $0x100, s29;
	v26 =	vld [tilespmem:s28+$0x6EB0];
	v31 =	vmul.f32 v31, v33;
	v22 =	vadd.f32 v32, v22  }
0x16f: {  	v32 =	vld [tilespmem:s28+$0x6E80]  }
0x170: {  	v33 =	vld [tilespmem:s28+$0x10400]  }
0x171: {  	v34 =	vld [tilespmem:s28+$0x6E90]  }
0x172: {  	v35 =	vld [tilespmem:s28+$0x10410]  }
0x173: {  	v36 =	vld [tilespmem:s28+$0x6EA0]  }
0x174: {  	v37 =	vld [tilespmem:s28+$0x10420]  }
0x175: {  	v23 =	vmul.f32 v29, v23  }
0x176: {  	v24 =	vadd.f32 v31, v24;
	v29 =	vld [tilespmem:s28+$0x10430];
	v25 =	vmul.f32 v30, v25  }
0x177: {  	v23 =	vadd.f32 v23, v28;
	v28 =	vmul.f32 v33, v32;
	v30 =	vmul.f32 v35, v34  }
0x178: {  	v25 =	vadd.f32 v25, v27  }
0x179: {  	v27 =	vmul.f32 v37, v36;
	v24 =	vadd.f32 v28, v24;
	v23 =	vadd.f32 v30, v23;
	_ =	sdelay $0x1  }
0x17a: {  	v26 =	vmul.f32 v29, v26;
	v25 =	vadd.f32 v27, v25;
	v23 =	vadd.f32 v23, v24;
	_ =	sdelay $0x1  }
0x17b: {  	v22 =	vadd.f32 v26, v22;
	v23 =	vadd.f32 v25, v23;
	_ =	sdelay $0x1  }
0x17c: {  	v22 =	vadd.f32 v22, v23;
	_ =	sdelay $0x1  }
0x17d: {  	v23 =	vperm.xlane v22, v0;
	_ =	sdelay $0x1  }
0x17e: {  	s29 =	simm.s32 $0x0;
	v22 =	vadd.f32 v23, v22  }
0x17f: {  	v29 =	vld [tilespmem:s29+$0x10400]  }
0x180: {  	v26 =	vld [tilespmem:s29+$0x10430];
	v23 =	vperm.xlane v22, v1  }
0x181: {  	v24 =	vld [tilespmem:s29+$0x7530]  }
0x182: {  	v28 =	vld [tilespmem:s29+$0x7500];
	v22 =	vadd.f32 v23, v22;
	_ =	sdelay $0x1  }
0x183: {  	v31 =	vld [tilespmem:s29+$0x10410];
	v23 =	vperm.xlane v22, v2  }
0x184: {  	v25 =	vld [tilespmem:s29+$0x7510]  }
0x185: {  	v32 =	vld [tilespmem:s29+$0x10420];
	v24 =	vmul.f32 v26, v24;
	v22 =	vadd.f32 v23, v22  }
0x186: {  	s28 =	simm.s32 $0x40;
	v27 =	vld [tilespmem:s29+$0x7520];
	v30 =	vimm.f32 $0.0e+00;
	v33 =	vmul.f32 v29, v28;
	v26 =	vimm.f32 $0.0e+00  }
0x187: {  	s29 =	simm.s32 $0x200;
	v28 =	vld [tilespmem:s28+$0x7530];
	v29 =	vimm.f32 $0.0e+00;
	v24 =	vadd.f32 v24, v26;
	v23 =	vperm.xlane v22, v3  }
.LBB2_23:
0x188: {  	p0 =	sne.s32 s29, $0x1900;
	v34 =	vld [tilespmem:s28+$0x10430]  }
0x189: {  	v35 =	vld [tilespmem:s28+$0x7500];
	v26 =	vadd.f32 v33, v26;
	v31 =	vmul.f32 v31, v25  }
0x18a: {  	v33 =	vld [tilespmem:s28+$0x10400]  }
.Ltmp10:
0x18b: {  	v25 =	vld [tilespmem:s28+$0x7510];
	v30 =	vadd.f32 v31, v30;
	v32 =	vmul.f32 v32, v27;
	(pc) =	sbr.rel @p0 .LBB2_23-.Ltmp10, $4  }
0x18c: {  	v31 =	vld [tilespmem:s28+$0x10410]  }
0x18d: {  	v27 =	vld [tilespmem:s28+$0x7520];
	v34 =	vmul.f32 v34, v28;
	v29 =	vadd.f32 v32, v29  }
0x18e: {  	v32 =	vld [tilespmem:s28+$0x10420];
	s28 =	sshra.s32 s29, $0x2  }
0x18f: {  	s29 =	sadd.s32 $0x100, s29;
	v28 =	vld [tilespmem:s28+$0x7530];
	v33 =	vmul.f32 v33, v35;
	v24 =	vadd.f32 v34, v24  }
0x190: {  	v34 =	vld [tilespmem:s28+$0x7500]  }
0x191: {  	v35 =	vld [tilespmem:s28+$0x10400]  }
0x192: {  	v36 =	vld [tilespmem:s28+$0x7510]  }
0x193: {  	v37 =	vld [tilespmem:s28+$0x10410]  }
0x194: {  	v38 =	vld [tilespmem:s28+$0x7520]  }
0x195: {  	v39 =	vld [tilespmem:s28+$0x10420]  }
0x196: {  	v25 =	vmul.f32 v31, v25  }
0x197: {  	v26 =	vadd.f32 v33, v26;
	v31 =	vld [tilespmem:s28+$0x10430];
	v27 =	vmul.f32 v32, v27  }
0x198: {  	v25 =	vadd.f32 v25, v30;
	v30 =	vmul.f32 v35, v34;
	v63 =	vmul.f32 v37, v36  }
0x199: {  	v27 =	vadd.f32 v27, v29  }
0x19a: {  	v29 =	vmul.f32 v39, v38;
	v26 =	vadd.f32 v30, v26;
	v25 =	vadd.f32 v63, v25;
	_ =	sdelay $0x1  }
0x19b: {  	v28 =	vmul.f32 v31, v28;
	v27 =	vadd.f32 v29, v27;
	v25 =	vadd.f32 v25, v26;
	_ =	sdelay $0x1  }
0x19c: {  	v24 =	vadd.f32 v28, v24;
	v25 =	vadd.f32 v27, v25;
	_ =	sdelay $0x1  }
0x19d: {  	v24 =	vadd.f32 v24, v25;
	_ =	sdelay $0x1  }
0x19e: {  	v25 =	vperm.xlane v24, v0;
	_ =	sdelay $0x1  }
0x19f: {  	s29 =	simm.s32 $0x0;
	v24 =	vadd.f32 v25, v24  }
0x1a0: {  	v31 =	vld [tilespmem:s29+$0x10400]  }
0x1a1: {  	v28 =	vld [tilespmem:s29+$0x10430];
	v25 =	vperm.xlane v24, v1  }
0x1a2: {  	v26 =	vld [tilespmem:s29+$0x7BB0]  }
0x1a3: {  	v30 =	vld [tilespmem:s29+$0x7B80];
	v24 =	vadd.f32 v25, v24;
	_ =	sdelay $0x1  }
0x1a4: {  	v33 =	vld [tilespmem:s29+$0x10410];
	v25 =	vperm.xlane v24, v2  }
0x1a5: {  	v27 =	vld [tilespmem:s29+$0x7B90]  }
0x1a6: {  	v34 =	vld [tilespmem:s29+$0x10420];
	v26 =	vmul.f32 v28, v26;
	v24 =	vadd.f32 v25, v24  }
0x1a7: {  	s28 =	simm.s32 $0x40;
	v32 =	vimm.f32 $0.0e+00;
	v29 =	vld [tilespmem:s29+$0x7BA0];
	v35 =	vmul.f32 v31, v30;
	v28 =	vimm.f32 $0.0e+00  }
0x1a8: {  	s29 =	simm.s32 $0x200;
	v30 =	vld [tilespmem:s28+$0x7BB0];
	v31 =	vimm.f32 $0.0e+00;
	v26 =	vadd.f32 v26, v28;
	v25 =	vperm.xlane v24, v3  }
.LBB2_25:
0x1a9: {  	p0 =	sne.s32 s29, $0x1900;
	v36 =	vld [tilespmem:s28+$0x10430]  }
0x1aa: {  	v37 =	vld [tilespmem:s28+$0x7B80];
	v28 =	vadd.f32 v35, v28;
	v33 =	vmul.f32 v33, v27  }
0x1ab: {  	v35 =	vld [tilespmem:s28+$0x10400]  }
.Ltmp11:
0x1ac: {  	v27 =	vld [tilespmem:s28+$0x7B90];
	v32 =	vadd.f32 v33, v32;
	v34 =	vmul.f32 v34, v29;
	(pc) =	sbr.rel @p0 .LBB2_25-.Ltmp11, $4  }
0x1ad: {  	v33 =	vld [tilespmem:s28+$0x10410]  }
0x1ae: {  	v29 =	vld [tilespmem:s28+$0x7BA0];
	v36 =	vmul.f32 v36, v30;
	v31 =	vadd.f32 v34, v31  }
0x1af: {  	v34 =	vld [tilespmem:s28+$0x10420];
	s28 =	sshra.s32 s29, $0x2  }
0x1b0: {  	s29 =	sadd.s32 $0x100, s29;
	v30 =	vld [tilespmem:s28+$0x7BB0];
	v35 =	vmul.f32 v35, v37;
	v26 =	vadd.f32 v36, v26  }
0x1b1: {  	v36 =	vld [tilespmem:s28+$0x7B80]  }
0x1b2: {  	v37 =	vld [tilespmem:s28+$0x10400]  }
0x1b3: {  	v38 =	vld [tilespmem:s28+$0x7B90]  }
0x1b4: {  	v39 =	vld [tilespmem:s28+$0x10410]  }
0x1b5: {  	v40 =	vld [tilespmem:s28+$0x7BA0]  }
0x1b6: {  	v41 =	vld [tilespmem:s28+$0x10420]  }
0x1b7: {  	v27 =	vmul.f32 v33, v27  }
0x1b8: {  	v59 =	vld [tilespmem:s28+$0x10430];
	v28 =	vadd.f32 v35, v28;
	v29 =	vmul.f32 v34, v29  }
0x1b9: {  	v27 =	vadd.f32 v27, v32;
	v60 =	vmul.f32 v37, v36;
	v61 =	vmul.f32 v39, v38  }
0x1ba: {  	v29 =	vadd.f32 v29, v31  }
0x1bb: {  	v31 =	vmul.f32 v41, v40;
	v28 =	vadd.f32 v60, v28;
	v27 =	vadd.f32 v61, v27;
	_ =	sdelay $0x1  }
0x1bc: {  	v30 =	vmul.f32 v59, v30;
	v29 =	vadd.f32 v31, v29;
	v27 =	vadd.f32 v27, v28;
	_ =	sdelay $0x1  }
0x1bd: {  	v26 =	vadd.f32 v30, v26;
	v27 =	vadd.f32 v29, v27;
	_ =	sdelay $0x1  }
0x1be: {  	v26 =	vadd.f32 v26, v27;
	_ =	sdelay $0x1  }
0x1bf: {  	v27 =	vperm.xlane v26, v0;
	_ =	sdelay $0x1  }
0x1c0: {  	v26 =	vadd.f32 v27, v26  }
0x1c1: {  	s29 =	simm.s32 $0x0  }
0x1c2: {  	v30 =	vld [tilespmem:s29+$0x10430];
	v27 =	vperm.xlane v26, v1  }
0x1c3: {  	v28 =	vld [tilespmem:s29+$0x8230]  }
0x1c4: {  	v62 =	vld [tilespmem:s29+$0x8200];
	v26 =	vadd.f32 v27, v26  }
0x1c5: {  	v63 =	vld [tilespmem:s29+$0x10400]  }
0x1c6: {  	v35 =	vld [tilespmem:s29+$0x10410];
	v27 =	vperm.xlane v26, v2  }
0x1c7: {  	v29 =	vld [tilespmem:s29+$0x8210]  }
0x1c8: {  	v36 =	vld [tilespmem:s29+$0x10420];
	v28 =	vmul.f32 v30, v28;
	v26 =	vadd.f32 v27, v26  }
0x1c9: {  	s28 =	simm.s32 $0x40;
	v33 =	vimm.f32 $0.0e+00;
	v34 =	vimm.f32 $0.0e+00;
	v31 =	vld [tilespmem:s29+$0x8220];
	v30 =	vimm.f32 $0.0e+00  }
0x1ca: {  	v32 =	vld [tilespmem:s28+$0x8230];
	v37 =	vmul.f32 v63, v62;
	s29 =	simm.s32 $0x200;
	v28 =	vadd.f32 v28, v30;
	v27 =	vperm.xlane v26, v3  }
.LBB2_27:
0x1cb: {  	p0 =	sne.s32 s29, $0x1900;
	v38 =	vld [tilespmem:s28+$0x10430]  }
0x1cc: {  	v39 =	vld [tilespmem:s28+$0x8200];
	v30 =	vadd.f32 v37, v30;
	v35 =	vmul.f32 v35, v29  }
0x1cd: {  	v37 =	vld [tilespmem:s28+$0x10400]  }
.Ltmp12:
0x1ce: {  	v29 =	vld [tilespmem:s28+$0x8210];
	v34 =	vadd.f32 v35, v34;
	v36 =	vmul.f32 v36, v31;
	(pc) =	sbr.rel @p0 .LBB2_27-.Ltmp12, $4  }
0x1cf: {  	v35 =	vld [tilespmem:s28+$0x10410]  }
0x1d0: {  	v31 =	vld [tilespmem:s28+$0x8220];
	v38 =	vmul.f32 v38, v32;
	v33 =	vadd.f32 v36, v33  }
0x1d1: {  	v36 =	vld [tilespmem:s28+$0x10420];
	s28 =	sshra.s32 s29, $0x2  }
0x1d2: {  	s29 =	sadd.s32 $0x100, s29;
	v32 =	vld [tilespmem:s28+$0x8230];
	v37 =	vmul.f32 v37, v39;
	v28 =	vadd.f32 v38, v28  }
0x1d3: {  	v38 =	vld [tilespmem:s28+$0x8200]  }
0x1d4: {  	v39 =	vld [tilespmem:s28+$0x10400]  }
0x1d5: {  	v40 =	vld [tilespmem:s28+$0x8210]  }
0x1d6: {  	v41 =	vld [tilespmem:s28+$0x10410]  }
0x1d7: {  	v42 =	vld [tilespmem:s28+$0x8220]  }
0x1d8: {  	v43 =	vld [tilespmem:s28+$0x10420]  }
0x1d9: {  	v29 =	vmul.f32 v35, v29  }
0x1da: {  	v57 =	vld [tilespmem:s28+$0x10430];
	v30 =	vadd.f32 v37, v30;
	v31 =	vmul.f32 v36, v31  }
0x1db: {  	v29 =	vadd.f32 v29, v34;
	v58 =	vmul.f32 v39, v38;
	v59 =	vmul.f32 v41, v40  }
0x1dc: {  	v31 =	vadd.f32 v31, v33  }
0x1dd: {  	v60 =	vmul.f32 v43, v42;
	v30 =	vadd.f32 v58, v30;
	v29 =	vadd.f32 v59, v29;
	_ =	sdelay $0x1  }
0x1de: {  	v32 =	vmul.f32 v57, v32;
	v31 =	vadd.f32 v60, v31;
	v29 =	vadd.f32 v29, v30;
	_ =	sdelay $0x1  }
0x1df: {  	v28 =	vadd.f32 v32, v28;
	v29 =	vadd.f32 v31, v29;
	_ =	sdelay $0x1  }
0x1e0: {  	v28 =	vadd.f32 v28, v29;
	_ =	sdelay $0x1  }
0x1e1: {  	v29 =	vperm.xlane v28, v0;
	_ =	sdelay $0x1  }
0x1e2: {  	v28 =	vadd.f32 v29, v28  }
0x1e3: {  	s29 =	simm.s32 $0x0  }
0x1e4: {  	v61 =	vld [tilespmem:s29+$0x10430];
	v29 =	vperm.xlane v28, v1  }
0x1e5: {  	v30 =	vld [tilespmem:s29+$0x88B0]  }
0x1e6: {  	v62 =	vld [tilespmem:s29+$0x8880];
	v28 =	vadd.f32 v29, v28  }
0x1e7: {  	v63 =	vld [tilespmem:s29+$0x10400]  }
0x1e8: {  	v37 =	vld [tilespmem:s29+$0x10410];
	v29 =	vperm.xlane v28, v2  }
0x1e9: {  	v31 =	vld [tilespmem:s29+$0x8890]  }
0x1ea: {  	v33 =	vld [tilespmem:s29+$0x88A0];
	v30 =	vmul.f32 v61, v30;
	v28 =	vadd.f32 v29, v28  }
0x1eb: {  	s28 =	simm.s32 $0x40;
	v35 =	vimm.f32 $0.0e+00;
	v36 =	vimm.f32 $0.0e+00;
	v38 =	vld [tilespmem:s29+$0x10420];
	v32 =	vimm.f32 $0.0e+00  }
0x1ec: {  	v34 =	vld [tilespmem:s28+$0x88B0];
	v39 =	vmul.f32 v63, v62;
	s29 =	simm.s32 $0x200;
	v30 =	vadd.f32 v30, v32;
	v29 =	vperm.xlane v28, v3  }
.LBB2_29:
0x1ed: {  	p0 =	sne.s32 s29, $0x1900;
	v40 =	vld [tilespmem:s28+$0x10430]  }
0x1ee: {  	v41 =	vld [tilespmem:s28+$0x8880];
	v32 =	vadd.f32 v39, v32;
	v37 =	vmul.f32 v37, v31  }
0x1ef: {  	v39 =	vld [tilespmem:s28+$0x10400]  }
.Ltmp13:
0x1f0: {  	v31 =	vld [tilespmem:s28+$0x8890];
	v36 =	vadd.f32 v37, v36;
	v38 =	vmul.f32 v38, v33;
	(pc) =	sbr.rel @p0 .LBB2_29-.Ltmp13, $4  }
0x1f1: {  	v37 =	vld [tilespmem:s28+$0x10410]  }
0x1f2: {  	v33 =	vld [tilespmem:s28+$0x88A0];
	v40 =	vmul.f32 v40, v34;
	v35 =	vadd.f32 v38, v35  }
0x1f3: {  	v38 =	vld [tilespmem:s28+$0x10420];
	s28 =	sshra.s32 s29, $0x2  }
0x1f4: {  	s29 =	sadd.s32 $0x100, s29;
	v34 =	vld [tilespmem:s28+$0x88B0];
	v39 =	vmul.f32 v39, v41;
	v30 =	vadd.f32 v40, v30  }
0x1f5: {  	v40 =	vld [tilespmem:s28+$0x8880]  }
0x1f6: {  	v41 =	vld [tilespmem:s28+$0x10400]  }
0x1f7: {  	v42 =	vld [tilespmem:s28+$0x8890]  }
0x1f8: {  	v43 =	vld [tilespmem:s28+$0x10410]  }
0x1f9: {  	v44 =	vld [tilespmem:s28+$0x88A0]  }
0x1fa: {  	v45 =	vld [tilespmem:s28+$0x10420]  }
0x1fb: {  	v31 =	vmul.f32 v37, v31  }
0x1fc: {  	v56 =	vld [tilespmem:s28+$0x10430];
	v32 =	vadd.f32 v39, v32;
	v33 =	vmul.f32 v38, v33  }
0x1fd: {  	v31 =	vadd.f32 v31, v36;
	v57 =	vmul.f32 v41, v40;
	v58 =	vmul.f32 v43, v42  }
0x1fe: {  	v33 =	vadd.f32 v33, v35  }
0x1ff: {  	v59 =	vmul.f32 v45, v44;
	v32 =	vadd.f32 v57, v32;
	v31 =	vadd.f32 v58, v31;
	_ =	sdelay $0x1  }
0x200: {  	v34 =	vmul.f32 v56, v34;
	v33 =	vadd.f32 v59, v33;
	v31 =	vadd.f32 v31, v32;
	_ =	sdelay $0x1  }
0x201: {  	v30 =	vadd.f32 v34, v30;
	v31 =	vadd.f32 v33, v31;
	_ =	sdelay $0x1  }
0x202: {  	v30 =	vadd.f32 v30, v31;
	_ =	sdelay $0x1  }
0x203: {  	v31 =	vperm.xlane v30, v0;
	_ =	sdelay $0x1  }
0x204: {  	v30 =	vadd.f32 v31, v30  }
0x205: {  	s29 =	simm.s32 $0x0  }
0x206: {  	v60 =	vld [tilespmem:s29+$0x8F30];
	v31 =	vperm.xlane v30, v1  }
0x207: {  	v61 =	vld [tilespmem:s29+$0x10430]  }
0x208: {  	v62 =	vld [tilespmem:s29+$0x8F00];
	v30 =	vadd.f32 v31, v30  }
0x209: {  	v63 =	vld [tilespmem:s29+$0x10400]  }
0x20a: {  	v39 =	vld [tilespmem:s29+$0x10410];
	v31 =	vperm.xlane v30, v2  }
0x20b: {  	v33 =	vld [tilespmem:s29+$0x8F10]  }
0x20c: {  	v35 =	vld [tilespmem:s29+$0x8F20];
	v32 =	vmul.f32 v61, v60;
	v30 =	vadd.f32 v31, v30  }
0x20d: {  	s28 =	simm.s32 $0x40;
	v37 =	vimm.f32 $0.0e+00;
	v38 =	vimm.f32 $0.0e+00;
	v40 =	vld [tilespmem:s29+$0x10420];
	v34 =	vimm.f32 $0.0e+00  }
0x20e: {  	v36 =	vld [tilespmem:s28+$0x8F30];
	v41 =	vmul.f32 v63, v62;
	s29 =	simm.s32 $0x200;
	v32 =	vadd.f32 v32, v34;
	v31 =	vperm.xlane v30, v3  }
.LBB2_31:
0x20f: {  	p0 =	sne.s32 s29, $0x1900;
	v42 =	vld [tilespmem:s28+$0x10430]  }
0x210: {  	v43 =	vld [tilespmem:s28+$0x8F00];
	v34 =	vadd.f32 v41, v34;
	v39 =	vmul.f32 v39, v33  }
0x211: {  	v41 =	vld [tilespmem:s28+$0x10400]  }
.Ltmp14:
0x212: {  	v33 =	vld [tilespmem:s28+$0x8F10];
	v38 =	vadd.f32 v39, v38;
	v40 =	vmul.f32 v40, v35;
	(pc) =	sbr.rel @p0 .LBB2_31-.Ltmp14, $4  }
0x213: {  	v39 =	vld [tilespmem:s28+$0x10410]  }
0x214: {  	v35 =	vld [tilespmem:s28+$0x8F20];
	v42 =	vmul.f32 v42, v36;
	v37 =	vadd.f32 v40, v37  }
0x215: {  	v40 =	vld [tilespmem:s28+$0x10420];
	s28 =	sshra.s32 s29, $0x2  }
0x216: {  	s29 =	sadd.s32 $0x100, s29;
	v36 =	vld [tilespmem:s28+$0x8F30];
	v41 =	vmul.f32 v41, v43;
	v32 =	vadd.f32 v42, v32  }
0x217: {  	v42 =	vld [tilespmem:s28+$0x8F00]  }
0x218: {  	v43 =	vld [tilespmem:s28+$0x10400]  }
0x219: {  	v44 =	vld [tilespmem:s28+$0x8F10]  }
0x21a: {  	v45 =	vld [tilespmem:s28+$0x10410]  }
0x21b: {  	v46 =	vld [tilespmem:s28+$0x8F20]  }
0x21c: {  	v47 =	vld [tilespmem:s28+$0x10420]  }
0x21d: {  	v33 =	vmul.f32 v39, v33  }
0x21e: {  	v56 =	vld [tilespmem:s28+$0x10430];
	v34 =	vadd.f32 v41, v34;
	v35 =	vmul.f32 v40, v35  }
0x21f: {  	v33 =	vadd.f32 v33, v38;
	v57 =	vmul.f32 v43, v42;
	v58 =	vmul.f32 v45, v44  }
0x220: {  	v35 =	vadd.f32 v35, v37  }
0x221: {  	v59 =	vmul.f32 v47, v46;
	v34 =	vadd.f32 v57, v34;
	v33 =	vadd.f32 v58, v33;
	_ =	sdelay $0x1  }
0x222: {  	v36 =	vmul.f32 v56, v36;
	v35 =	vadd.f32 v59, v35;
	v33 =	vadd.f32 v33, v34;
	_ =	sdelay $0x1  }
0x223: {  	v32 =	vadd.f32 v36, v32;
	v33 =	vadd.f32 v35, v33;
	_ =	sdelay $0x1  }
0x224: {  	v32 =	vadd.f32 v32, v33;
	_ =	sdelay $0x1  }
0x225: {  	v33 =	vperm.xlane v32, v0;
	_ =	sdelay $0x1  }
0x226: {  	v32 =	vadd.f32 v33, v32  }
0x227: {  	s29 =	simm.s32 $0x0  }
0x228: {  	v60 =	vld [tilespmem:s29+$0x95B0];
	v33 =	vperm.xlane v32, v1  }
0x229: {  	v61 =	vld [tilespmem:s29+$0x10430]  }
0x22a: {  	v62 =	vld [tilespmem:s29+$0x9580];
	v32 =	vadd.f32 v33, v32  }
0x22b: {  	v63 =	vld [tilespmem:s29+$0x10400]  }
0x22c: {  	v41 =	vld [tilespmem:s29+$0x10410];
	v33 =	vperm.xlane v32, v2  }
0x22d: {  	v36 =	vld [tilespmem:s29+$0x9590]  }
0x22e: {  	v37 =	vld [tilespmem:s29+$0x95A0];
	v34 =	vmul.f32 v61, v60;
	v32 =	vadd.f32 v33, v32  }
0x22f: {  	s28 =	simm.s32 $0x40;
	v39 =	vimm.f32 $0.0e+00;
	v40 =	vimm.f32 $0.0e+00;
	v42 =	vld [tilespmem:s29+$0x10420];
	v35 =	vimm.f32 $0.0e+00  }
0x230: {  	v38 =	vld [tilespmem:s28+$0x95B0];
	v43 =	vmul.f32 v63, v62;
	s29 =	simm.s32 $0x200;
	v34 =	vadd.f32 v34, v35;
	v33 =	vperm.xlane v32, v3  }
.LBB2_33:
0x231: {  	p0 =	sne.s32 s29, $0x1900;
	v44 =	vld [tilespmem:s28+$0x10430]  }
0x232: {  	v45 =	vld [tilespmem:s28+$0x9580];
	v35 =	vadd.f32 v43, v35;
	v41 =	vmul.f32 v41, v36  }
0x233: {  	v43 =	vld [tilespmem:s28+$0x10400]  }
.Ltmp15:
0x234: {  	v36 =	vld [tilespmem:s28+$0x9590];
	v40 =	vadd.f32 v41, v40;
	v42 =	vmul.f32 v42, v37;
	(pc) =	sbr.rel @p0 .LBB2_33-.Ltmp15, $4  }
0x235: {  	v41 =	vld [tilespmem:s28+$0x10410]  }
0x236: {  	v37 =	vld [tilespmem:s28+$0x95A0];
	v44 =	vmul.f32 v44, v38;
	v39 =	vadd.f32 v42, v39  }
0x237: {  	v42 =	vld [tilespmem:s28+$0x10420];
	s28 =	sshra.s32 s29, $0x2  }
0x238: {  	s29 =	sadd.s32 $0x100, s29;
	v38 =	vld [tilespmem:s28+$0x95B0];
	v43 =	vmul.f32 v43, v45;
	v34 =	vadd.f32 v44, v34  }
0x239: {  	v44 =	vld [tilespmem:s28+$0x9580]  }
0x23a: {  	v45 =	vld [tilespmem:s28+$0x10400]  }
0x23b: {  	v46 =	vld [tilespmem:s28+$0x9590]  }
0x23c: {  	v47 =	vld [tilespmem:s28+$0x10410]  }
0x23d: {  	v48 =	vld [tilespmem:s28+$0x95A0]  }
0x23e: {  	v49 =	vld [tilespmem:s28+$0x10420]  }
0x23f: {  	v36 =	vmul.f32 v41, v36  }
0x240: {  	v60 =	vld [tilespmem:s28+$0x10430];
	v35 =	vadd.f32 v43, v35;
	v37 =	vmul.f32 v42, v37  }
0x241: {  	v36 =	vadd.f32 v36, v40;
	v61 =	vmul.f32 v45, v44;
	v62 =	vmul.f32 v47, v46  }
0x242: {  	v37 =	vadd.f32 v37, v39  }
0x243: {  	v63 =	vmul.f32 v49, v48;
	v35 =	vadd.f32 v61, v35;
	v36 =	vadd.f32 v62, v36;
	_ =	sdelay $0x1  }
0x244: {  	v38 =	vmul.f32 v60, v38;
	v37 =	vadd.f32 v63, v37;
	v35 =	vadd.f32 v36, v35  }
0x245: {  	v4 =	vadd.f32 v5, v4;
	v5 =	vadd.f32 v7, v6  }
0x246: {  	v34 =	vadd.f32 v38, v34;
	v6 =	vadd.f32 v37, v35;
	_ =	sdelay $0x1  }
0x247: {  	v7 =	vadd.f32 v9, v8;
	v4 =	vsel vm0, v4, v5;
	v5 =	vadd.f32 v34, v6  }
0x248: {  	v6 =	vadd.f32 v11, v10  }
0x249: {  	v4 =	vsel vm1, v4, v7;
	v7 =	vadd.f32 v13, v12;
	v8 =	vperm.xlane v5, v0  }
0x24a: {  	v4 =	vsel vm2, v4, v6;
	v6 =	vadd.f32 v15, v14  }
0x24b: {  	v4 =	vsel vm3, v4, v7;
	v5 =	vadd.f32 v8, v5  }
0x24c: {  	v4 =	vsel vm4, v4, v6;
	v6 =	vadd.f32 v17, v16  }
0x24d: {  	v7 =	vadd.f32 v19, v18;
	v8 =	vperm.xlane v5, v1  }
0x24e: {  	v4 =	vsel vm5, v4, v6;
	v6 =	vadd.f32 v21, v20  }
0x24f: {  	v4 =	vsel vm6, v4, v7;
	v5 =	vadd.f32 v8, v5  }
0x250: {  	v4 =	vsel vm7, v4, v6;
	v6 =	vadd.f32 v23, v22  }
0x251: {  	v7 =	vadd.f32 v25, v24;
	v8 =	vperm.xlane v5, v2  }
0x252: {  	v4 =	vsel vm8, v4, v6;
	v6 =	vadd.f32 v27, v26  }
0x253: {  	v4 =	vsel vm9, v4, v7;
	v5 =	vadd.f32 v8, v5  }
0x254: {  	v4 =	vsel vm10, v4, v6;
	v6 =	vadd.f32 v29, v28  }
0x255: {  	v7 =	vadd.f32 v31, v30;
	v8 =	vperm.xlane v5, v3  }
0x256: {  	p0 =	seq.s32 s25, $0xF;
	v4 =	vsel vm11, v4, v6;
	v6 =	vadd.f32 v33, v32  }
0x257: {  	s28 =	smul.u32 @!p0 $0xD00, s25;
	v4 =	vsel vm12, v4, v7;
	v5 =	vadd.f32 v8, v5  }
0x258: {  	s29 =	sshll.u32 s25, $0x5;
	v4 =	vsel vm13, v4, v6  }
0x259: {  	s29 =	sand.u32 $0x3FFFFFE0, s29;
	s28 =	sshra.s32 @!p0 s28, $0x2;
	v4 =	vsel vm14, v4, v5  }
0x25a: {  	s30 =	simm.s32 @!p0 $0x68;
	s31 =	simm.s32 @!p0 $0x3400;
	[tilespmem:s29+$0x10A80] =	vst v4;
	s29 =	sadd.s32 @!p0 $0x340, s28  }
0x25b: {  	[tilespmem:s31], [sflag:$0x1] =	stream.indirect.gather @!p0 [hbm4b:s3+s30], $0x40, s29, s30, $0xb8;
	[tilespmem:$0x10C80] =	vst v63  }
0x25c: {  	s29 =	sadd.s32 @!p0 $0x3A8, s28;
	s31 =	simm.s32 @!p0 $0x4E00  }
0x25d: {  	[tilespmem:s31], [sflag:$0x1] =	stream.indirect.gather @!p0 [hbm4b:s3+s30], $0x40, s29, s30, $0xb8;
	[tilespmem:$0x10C80] =	vst v63  }
0x25e: {  	s29 =	sadd.s32 @!p0 $0x410, s28;
	s31 =	simm.s32 @!p0 $0x6800  }
0x25f: {  	[tilespmem:s31], [sflag:$0x1] =	stream.indirect.gather @!p0 [hbm4b:s3+s30], $0x40, s29, s30, $0xb8;
	[tilespmem:$0x10C80] =	vst v63  }
0x260: {  	s28 =	sadd.s32 @!p0 $0x478, s28;
	s29 =	simm.s32 @!p0 $0x8200  }
0x261: {  	[tilespmem:s29], [sflag:$0x1] =	stream.indirect.gather @!p0 [hbm4b:s3+s30], $0x40, s28, s30, $0xb8;
	[tilespmem:$0x10C80] =	vst v63  }
0x262: {  	_ =	swait.ge [sflag:s22], $0x1A00  }
0x263: {  	[sflag:s22] =	ssyncset.done $0x0  }
0x264: {  	[sflag:s22] =	ssyncadd.s32 $0xFFFFE600  }
0x265: {  	_ =	swait.ge [sflag:s22], $0x1A00  }
0x266: {  	[sflag:s22] =	ssyncset.done $0x0  }
0x267: {  	[sflag:s22] =	ssyncadd.s32 $0xFFFFE600  }
0x268: {  	_ =	swait.ge [sflag:s22], $0x1A00  }
0x269: {  	[sflag:s22] =	ssyncset.done $0x0  }
0x26a: {  	[sflag:s22] =	ssyncadd.s32 $0xFFFFE600  }
0x26b: {  	_ =	swait.ge [sflag:s22], $0x1A00  }
0x26c: {  	[sflag:s22] =	ssyncset.done $0x0  }
0x26d: {  	s29 =	simm.s32 $0x0;
	[sflag:s22] =	ssyncadd.s32 $0xFFFFE600  }
0x26e: {  	v4 =	vld [tilespmem:s29+$0x9C30]  }
0x26f: {  	v5 =	vld [tilespmem:s29+$0x10430]  }
0x270: {  	v6 =	vld [tilespmem:s29+$0x9C00]  }
0x271: {  	v9 =	vld [tilespmem:s29+$0x10400]  }
0x272: {  	v7 =	vld [tilespmem:s29+$0x9C10]  }
0x273: {  	v11 =	vld [tilespmem:s29+$0x10410]  }
0x274: {  	v8 =	vld [tilespmem:s29+$0x9C20];
	v4 =	vmul.f32 v5, v4  }
0x275: {  	v10 =	vimm.f32 $0.0e+00;
	s28 =	simm.s32 $0x40;
	v12 =	vld [tilespmem:s29+$0x10420];
	v5 =	vimm.f32 $0.0e+00  }
0x276: {  	s29 =	simm.s32 $0x200;
	v13 =	vmul.f32 v9, v6;
	v6 =	vld [tilespmem:s28+$0x9C30];
	v9 =	vimm.f32 $0.0e+00;
	v4 =	vadd.f32 v4, v5  }
.LBB2_35:
0x277: {  	p0 =	sne.s32 s29, $0x1900;
	v14 =	vld [tilespmem:s28+$0x10430]  }
0x278: {  	v15 =	vld [tilespmem:s28+$0x9C00];
	v5 =	vadd.f32 v13, v5;
	v11 =	vmul.f32 v11, v7  }
0x279: {  	v13 =	vld [tilespmem:s28+$0x10400]  }
.Ltmp16:
0x27a: {  	v7 =	vld [tilespmem:s28+$0x9C10];
	v10 =	vadd.f32 v11, v10;
	v12 =	vmul.f32 v12, v8;
	(pc) =	sbr.rel @p0 .LBB2_35-.Ltmp16, $4  }
0x27b: {  	v11 =	vld [tilespmem:s28+$0x10410]  }
0x27c: {  	v8 =	vld [tilespmem:s28+$0x9C20];
	v14 =	vmul.f32 v14, v6;
	v9 =	vadd.f32 v12, v9  }
0x27d: {  	v12 =	vld [tilespmem:s28+$0x10420];
	s28 =	sshra.s32 s29, $0x2  }
0x27e: {  	s29 =	sadd.s32 $0x100, s29;
	v6 =	vld [tilespmem:s28+$0x9C30];
	v13 =	vmul.f32 v13, v15;
	v4 =	vadd.f32 v14, v4  }
0x27f: {  	v14 =	vld [tilespmem:s28+$0x9C00]  }
0x280: {  	v15 =	vld [tilespmem:s28+$0x10400]  }
0x281: {  	v16 =	vld [tilespmem:s28+$0x9C10]  }
0x282: {  	v17 =	vld [tilespmem:s28+$0x10410]  }
0x283: {  	v18 =	vld [tilespmem:s28+$0x9C20]  }
0x284: {  	v19 =	vld [tilespmem:s28+$0x10420]  }
0x285: {  	v7 =	vmul.f32 v11, v7  }
0x286: {  	v5 =	vadd.f32 v13, v5;
	v11 =	vld [tilespmem:s28+$0x10430];
	v8 =	vmul.f32 v12, v8  }
0x287: {  	v7 =	vadd.f32 v7, v10;
	v10 =	vmul.f32 v15, v14;
	v12 =	vmul.f32 v17, v16  }
0x288: {  	v8 =	vadd.f32 v8, v9  }
0x289: {  	v9 =	vmul.f32 v19, v18;
	v5 =	vadd.f32 v10, v5;
	v7 =	vadd.f32 v12, v7;
	_ =	sdelay $0x1  }
0x28a: {  	v6 =	vmul.f32 v11, v6;
	v8 =	vadd.f32 v9, v8;
	v5 =	vadd.f32 v7, v5;
	_ =	sdelay $0x1  }
0x28b: {  	v4 =	vadd.f32 v6, v4;
	v5 =	vadd.f32 v8, v5;
	_ =	sdelay $0x1  }
0x28c: {  	v4 =	vadd.f32 v4, v5;
	_ =	sdelay $0x1  }
0x28d: {  	v5 =	vperm.xlane v4, v0;
	_ =	sdelay $0x1  }
0x28e: {  	s29 =	simm.s32 $0x0;
	v4 =	vadd.f32 v5, v4  }
0x28f: {  	v11 =	vld [tilespmem:s29+$0x10400]  }
0x290: {  	v6 =	vld [tilespmem:s29+$0xA2B0];
	v5 =	vperm.xlane v4, v1  }
0x291: {  	v8 =	vld [tilespmem:s29+$0x10430]  }
0x292: {  	v10 =	vld [tilespmem:s29+$0xA280];
	v4 =	vadd.f32 v5, v4;
	_ =	sdelay $0x1  }
0x293: {  	v13 =	vld [tilespmem:s29+$0x10410];
	v5 =	vperm.xlane v4, v2  }
0x294: {  	v7 =	vld [tilespmem:s29+$0xA290]  }
0x295: {  	v14 =	vld [tilespmem:s29+$0x10420];
	v6 =	vmul.f32 v8, v6;
	v4 =	vadd.f32 v5, v4  }
0x296: {  	s28 =	simm.s32 $0x40;
	v9 =	vld [tilespmem:s29+$0xA2A0];
	v12 =	vimm.f32 $0.0e+00;
	v15 =	vmul.f32 v11, v10;
	v8 =	vimm.f32 $0.0e+00  }
0x297: {  	s29 =	simm.s32 $0x200;
	v10 =	vld [tilespmem:s28+$0xA2B0];
	v11 =	vimm.f32 $0.0e+00;
	v6 =	vadd.f32 v6, v8;
	v5 =	vperm.xlane v4, v3  }
.LBB2_37:
0x298: {  	p0 =	sne.s32 s29, $0x1900;
	v16 =	vld [tilespmem:s28+$0x10430]  }
0x299: {  	v17 =	vld [tilespmem:s28+$0xA280];
	v8 =	vadd.f32 v15, v8;
	v13 =	vmul.f32 v13, v7  }
0x29a: {  	v15 =	vld [tilespmem:s28+$0x10400]  }
.Ltmp17:
0x29b: {  	v7 =	vld [tilespmem:s28+$0xA290];
	v12 =	vadd.f32 v13, v12;
	v14 =	vmul.f32 v14, v9;
	(pc) =	sbr.rel @p0 .LBB2_37-.Ltmp17, $4  }
0x29c: {  	v13 =	vld [tilespmem:s28+$0x10410]  }
0x29d: {  	v9 =	vld [tilespmem:s28+$0xA2A0];
	v16 =	vmul.f32 v16, v10;
	v11 =	vadd.f32 v14, v11  }
0x29e: {  	v14 =	vld [tilespmem:s28+$0x10420];
	s28 =	sshra.s32 s29, $0x2  }
0x29f: {  	s29 =	sadd.s32 $0x100, s29;
	v10 =	vld [tilespmem:s28+$0xA2B0];
	v15 =	vmul.f32 v15, v17;
	v6 =	vadd.f32 v16, v6  }
0x2a0: {  	v16 =	vld [tilespmem:s28+$0xA280]  }
0x2a1: {  	v17 =	vld [tilespmem:s28+$0x10400]  }
0x2a2: {  	v18 =	vld [tilespmem:s28+$0xA290]  }
0x2a3: {  	v19 =	vld [tilespmem:s28+$0x10410]  }
0x2a4: {  	v20 =	vld [tilespmem:s28+$0xA2A0]  }
0x2a5: {  	v21 =	vld [tilespmem:s28+$0x10420]  }
0x2a6: {  	v7 =	vmul.f32 v13, v7  }
0x2a7: {  	v8 =	vadd.f32 v15, v8;
	v13 =	vld [tilespmem:s28+$0x10430];
	v9 =	vmul.f32 v14, v9  }
0x2a8: {  	v7 =	vadd.f32 v7, v12;
	v12 =	vmul.f32 v17, v16;
	v14 =	vmul.f32 v19, v18  }
0x2a9: {  	v9 =	vadd.f32 v9, v11  }
0x2aa: {  	v11 =	vmul.f32 v21, v20;
	v8 =	vadd.f32 v12, v8;
	v7 =	vadd.f32 v14, v7;
	_ =	sdelay $0x1  }
0x2ab: {  	v10 =	vmul.f32 v13, v10;
	v9 =	vadd.f32 v11, v9;
	v7 =	vadd.f32 v7, v8;
	_ =	sdelay $0x1  }
0x2ac: {  	v6 =	vadd.f32 v10, v6;
	v7 =	vadd.f32 v9, v7;
	_ =	sdelay $0x1  }
0x2ad: {  	v6 =	vadd.f32 v6, v7;
	_ =	sdelay $0x1  }
0x2ae: {  	v7 =	vperm.xlane v6, v0;
	_ =	sdelay $0x1  }
0x2af: {  	s29 =	simm.s32 $0x0;
	v6 =	vadd.f32 v7, v6  }
0x2b0: {  	v13 =	vld [tilespmem:s29+$0x10400]  }
0x2b1: {  	v10 =	vld [tilespmem:s29+$0x10430];
	v7 =	vperm.xlane v6, v1  }
0x2b2: {  	v8 =	vld [tilespmem:s29+$0xA930]  }
0x2b3: {  	v12 =	vld [tilespmem:s29+$0xA900];
	v6 =	vadd.f32 v7, v6;
	_ =	sdelay $0x1  }
0x2b4: {  	v15 =	vld [tilespmem:s29+$0x10410];
	v7 =	vperm.xlane v6, v2  }
0x2b5: {  	v9 =	vld [tilespmem:s29+$0xA910]  }
0x2b6: {  	v16 =	vld [tilespmem:s29+$0x10420];
	v8 =	vmul.f32 v10, v8;
	v6 =	vadd.f32 v7, v6  }
0x2b7: {  	s28 =	simm.s32 $0x40;
	v11 =	vld [tilespmem:s29+$0xA920];
	v14 =	vimm.f32 $0.0e+00;
	v17 =	vmul.f32 v13, v12;
	v10 =	vimm.f32 $0.0e+00  }
0x2b8: {  	s29 =	simm.s32 $0x200;
	v12 =	vld [tilespmem:s28+$0xA930];
	v13 =	vimm.f32 $0.0e+00;
	v8 =	vadd.f32 v8, v10;
	v7 =	vperm.xlane v6, v3  }
.LBB2_39:
0x2b9: {  	p0 =	sne.s32 s29, $0x1900;
	v18 =	vld [tilespmem:s28+$0x10430]  }
0x2ba: {  	v19 =	vld [tilespmem:s28+$0xA900];
	v10 =	vadd.f32 v17, v10;
	v15 =	vmul.f32 v15, v9  }
0x2bb: {  	v17 =	vld [tilespmem:s28+$0x10400]  }
.Ltmp18:
0x2bc: {  	v9 =	vld [tilespmem:s28+$0xA910];
	v14 =	vadd.f32 v15, v14;
	v16 =	vmul.f32 v16, v11;
	(pc) =	sbr.rel @p0 .LBB2_39-.Ltmp18, $4  }
0x2bd: {  	v15 =	vld [tilespmem:s28+$0x10410]  }
0x2be: {  	v11 =	vld [tilespmem:s28+$0xA920];
	v18 =	vmul.f32 v18, v12;
	v13 =	vadd.f32 v16, v13  }
0x2bf: {  	v16 =	vld [tilespmem:s28+$0x10420];
	s28 =	sshra.s32 s29, $0x2  }
0x2c0: {  	s29 =	sadd.s32 $0x100, s29;
	v12 =	vld [tilespmem:s28+$0xA930];
	v17 =	vmul.f32 v17, v19;
	v8 =	vadd.f32 v18, v8  }
0x2c1: {  	v18 =	vld [tilespmem:s28+$0xA900]  }
0x2c2: {  	v19 =	vld [tilespmem:s28+$0x10400]  }
0x2c3: {  	v20 =	vld [tilespmem:s28+$0xA910]  }
0x2c4: {  	v21 =	vld [tilespmem:s28+$0x10410]  }
0x2c5: {  	v22 =	vld [tilespmem:s28+$0xA920]  }
0x2c6: {  	v23 =	vld [tilespmem:s28+$0x10420]  }
0x2c7: {  	v9 =	vmul.f32 v15, v9  }
0x2c8: {  	v10 =	vadd.f32 v17, v10;
	v15 =	vld [tilespmem:s28+$0x10430];
	v11 =	vmul.f32 v16, v11  }
0x2c9: {  	v9 =	vadd.f32 v9, v14;
	v14 =	vmul.f32 v19, v18;
	v16 =	vmul.f32 v21, v20  }
0x2ca: {  	v11 =	vadd.f32 v11, v13  }
0x2cb: {  	v13 =	vmul.f32 v23, v22;
	v10 =	vadd.f32 v14, v10;
	v9 =	vadd.f32 v16, v9;
	_ =	sdelay $0x1  }
0x2cc: {  	v12 =	vmul.f32 v15, v12;
	v11 =	vadd.f32 v13, v11;
	v9 =	vadd.f32 v9, v10;
	_ =	sdelay $0x1  }
0x2cd: {  	v8 =	vadd.f32 v12, v8;
	v9 =	vadd.f32 v11, v9;
	_ =	sdelay $0x1  }
0x2ce: {  	v8 =	vadd.f32 v8, v9;
	_ =	sdelay $0x1  }
0x2cf: {  	v9 =	vperm.xlane v8, v0;
	_ =	sdelay $0x1  }
0x2d0: {  	s29 =	simm.s32 $0x0;
	v8 =	vadd.f32 v9, v8  }
0x2d1: {  	v15 =	vld [tilespmem:s29+$0x10400]  }
0x2d2: {  	v12 =	vld [tilespmem:s29+$0x10430];
	v9 =	vperm.xlane v8, v1  }
0x2d3: {  	v10 =	vld [tilespmem:s29+$0xAFB0]  }
0x2d4: {  	v14 =	vld [tilespmem:s29+$0xAF80];
	v8 =	vadd.f32 v9, v8;
	_ =	sdelay $0x1  }
0x2d5: {  	v17 =	vld [tilespmem:s29+$0x10410];
	v9 =	vperm.xlane v8, v2  }
0x2d6: {  	v11 =	vld [tilespmem:s29+$0xAF90]  }
0x2d7: {  	v18 =	vld [tilespmem:s29+$0x10420];
	v10 =	vmul.f32 v12, v10;
	v8 =	vadd.f32 v9, v8  }
0x2d8: {  	s28 =	simm.s32 $0x40;
	v13 =	vld [tilespmem:s29+$0xAFA0];
	v16 =	vimm.f32 $0.0e+00;
	v19 =	vmul.f32 v15, v14;
	v12 =	vimm.f32 $0.0e+00  }
0x2d9: {  	s29 =	simm.s32 $0x200;
	v14 =	vld [tilespmem:s28+$0xAFB0];
	v15 =	vimm.f32 $0.0e+00;
	v10 =	vadd.f32 v10, v12;
	v9 =	vperm.xlane v8, v3  }
.LBB2_41:
0x2da: {  	p0 =	sne.s32 s29, $0x1900;
	v20 =	vld [tilespmem:s28+$0x10430]  }
0x2db: {  	v21 =	vld [tilespmem:s28+$0xAF80];
	v12 =	vadd.f32 v19, v12;
	v17 =	vmul.f32 v17, v11  }
0x2dc: {  	v19 =	vld [tilespmem:s28+$0x10400]  }
.Ltmp19:
0x2dd: {  	v11 =	vld [tilespmem:s28+$0xAF90];
	v16 =	vadd.f32 v17, v16;
	v18 =	vmul.f32 v18, v13;
	(pc) =	sbr.rel @p0 .LBB2_41-.Ltmp19, $4  }
0x2de: {  	v17 =	vld [tilespmem:s28+$0x10410]  }
0x2df: {  	v13 =	vld [tilespmem:s28+$0xAFA0];
	v20 =	vmul.f32 v20, v14;
	v15 =	vadd.f32 v18, v15  }
0x2e0: {  	v18 =	vld [tilespmem:s28+$0x10420];
	s28 =	sshra.s32 s29, $0x2  }
0x2e1: {  	s29 =	sadd.s32 $0x100, s29;
	v14 =	vld [tilespmem:s28+$0xAFB0];
	v19 =	vmul.f32 v19, v21;
	v10 =	vadd.f32 v20, v10  }
0x2e2: {  	v20 =	vld [tilespmem:s28+$0xAF80]  }
0x2e3: {  	v21 =	vld [tilespmem:s28+$0x10400]  }
0x2e4: {  	v22 =	vld [tilespmem:s28+$0xAF90]  }
0x2e5: {  	v23 =	vld [tilespmem:s28+$0x10410]  }
0x2e6: {  	v24 =	vld [tilespmem:s28+$0xAFA0]  }
0x2e7: {  	v25 =	vld [tilespmem:s28+$0x10420]  }
0x2e8: {  	v11 =	vmul.f32 v17, v11  }
0x2e9: {  	v12 =	vadd.f32 v19, v12;
	v17 =	vld [tilespmem:s28+$0x10430];
	v13 =	vmul.f32 v18, v13  }
0x2ea: {  	v11 =	vadd.f32 v11, v16;
	v16 =	vmul.f32 v21, v20;
	v18 =	vmul.f32 v23, v22  }
0x2eb: {  	v13 =	vadd.f32 v13, v15  }
0x2ec: {  	v15 =	vmul.f32 v25, v24;
	v12 =	vadd.f32 v16, v12;
	v11 =	vadd.f32 v18, v11;
	_ =	sdelay $0x1  }
0x2ed: {  	v14 =	vmul.f32 v17, v14;
	v13 =	vadd.f32 v15, v13;
	v11 =	vadd.f32 v11, v12;
	_ =	sdelay $0x1  }
0x2ee: {  	v10 =	vadd.f32 v14, v10;
	v11 =	vadd.f32 v13, v11;
	_ =	sdelay $0x1  }
0x2ef: {  	v10 =	vadd.f32 v10, v11;
	_ =	sdelay $0x1  }
0x2f0: {  	v11 =	vperm.xlane v10, v0;
	_ =	sdelay $0x1  }
0x2f1: {  	s29 =	simm.s32 $0x0;
	v10 =	vadd.f32 v11, v10  }
0x2f2: {  	v17 =	vld [tilespmem:s29+$0x10400]  }
0x2f3: {  	v14 =	vld [tilespmem:s29+$0x10430];
	v11 =	vperm.xlane v10, v1  }
0x2f4: {  	v12 =	vld [tilespmem:s29+$0xB630]  }
0x2f5: {  	v16 =	vld [tilespmem:s29+$0xB600];
	v10 =	vadd.f32 v11, v10;
	_ =	sdelay $0x1  }
0x2f6: {  	v19 =	vld [tilespmem:s29+$0x10410];
	v11 =	vperm.xlane v10, v2  }
0x2f7: {  	v13 =	vld [tilespmem:s29+$0xB610]  }
0x2f8: {  	v20 =	vld [tilespmem:s29+$0x10420];
	v12 =	vmul.f32 v14, v12;
	v10 =	vadd.f32 v11, v10  }
0x2f9: {  	s28 =	simm.s32 $0x40;
	v15 =	vld [tilespmem:s29+$0xB620];
	v18 =	vimm.f32 $0.0e+00;
	v21 =	vmul.f32 v17, v16;
	v14 =	vimm.f32 $0.0e+00  }
0x2fa: {  	s29 =	simm.s32 $0x200;
	v16 =	vld [tilespmem:s28+$0xB630];
	v17 =	vimm.f32 $0.0e+00;
	v12 =	vadd.f32 v12, v14;
	v11 =	vperm.xlane v10, v3  }
.LBB2_43:
0x2fb: {  	p0 =	sne.s32 s29, $0x1900;
	v22 =	vld [tilespmem:s28+$0x10430]  }
0x2fc: {  	v23 =	vld [tilespmem:s28+$0xB600];
	v14 =	vadd.f32 v21, v14;
	v19 =	vmul.f32 v19, v13  }
0x2fd: {  	v21 =	vld [tilespmem:s28+$0x10400]  }
.Ltmp20:
0x2fe: {  	v13 =	vld [tilespmem:s28+$0xB610];
	v18 =	vadd.f32 v19, v18;
	v20 =	vmul.f32 v20, v15;
	(pc) =	sbr.rel @p0 .LBB2_43-.Ltmp20, $4  }
0x2ff: {  	v19 =	vld [tilespmem:s28+$0x10410]  }
0x300: {  	v15 =	vld [tilespmem:s28+$0xB620];
	v22 =	vmul.f32 v22, v16;
	v17 =	vadd.f32 v20, v17  }
0x301: {  	v20 =	vld [tilespmem:s28+$0x10420];
	s28 =	sshra.s32 s29, $0x2  }
0x302: {  	s29 =	sadd.s32 $0x100, s29;
	v16 =	vld [tilespmem:s28+$0xB630];
	v21 =	vmul.f32 v21, v23;
	v12 =	vadd.f32 v22, v12  }
0x303: {  	v22 =	vld [tilespmem:s28+$0xB600]  }
0x304: {  	v23 =	vld [tilespmem:s28+$0x10400]  }
0x305: {  	v24 =	vld [tilespmem:s28+$0xB610]  }
0x306: {  	v25 =	vld [tilespmem:s28+$0x10410]  }
0x307: {  	v26 =	vld [tilespmem:s28+$0xB620]  }
0x308: {  	v27 =	vld [tilespmem:s28+$0x10420]  }
0x309: {  	v13 =	vmul.f32 v19, v13  }
0x30a: {  	v14 =	vadd.f32 v21, v14;
	v19 =	vld [tilespmem:s28+$0x10430];
	v15 =	vmul.f32 v20, v15  }
0x30b: {  	v13 =	vadd.f32 v13, v18;
	v18 =	vmul.f32 v23, v22;
	v20 =	vmul.f32 v25, v24  }
0x30c: {  	v15 =	vadd.f32 v15, v17  }
0x30d: {  	v17 =	vmul.f32 v27, v26;
	v14 =	vadd.f32 v18, v14;
	v13 =	vadd.f32 v20, v13;
	_ =	sdelay $0x1  }
0x30e: {  	v16 =	vmul.f32 v19, v16;
	v15 =	vadd.f32 v17, v15;
	v13 =	vadd.f32 v13, v14;
	_ =	sdelay $0x1  }
0x30f: {  	v12 =	vadd.f32 v16, v12;
	v13 =	vadd.f32 v15, v13;
	_ =	sdelay $0x1  }
0x310: {  	v12 =	vadd.f32 v12, v13;
	_ =	sdelay $0x1  }
0x311: {  	v13 =	vperm.xlane v12, v0;
	_ =	sdelay $0x1  }
0x312: {  	s29 =	simm.s32 $0x0;
	v12 =	vadd.f32 v13, v12  }
0x313: {  	v19 =	vld [tilespmem:s29+$0x10400]  }
0x314: {  	v16 =	vld [tilespmem:s29+$0x10430];
	v13 =	vperm.xlane v12, v1  }
0x315: {  	v14 =	vld [tilespmem:s29+$0xBCB0]  }
0x316: {  	v18 =	vld [tilespmem:s29+$0xBC80];
	v12 =	vadd.f32 v13, v12;
	_ =	sdelay $0x1  }
0x317: {  	v21 =	vld [tilespmem:s29+$0x10410];
	v13 =	vperm.xlane v12, v2  }
0x318: {  	v15 =	vld [tilespmem:s29+$0xBC90]  }
0x319: {  	v22 =	vld [tilespmem:s29+$0x10420];
	v14 =	vmul.f32 v16, v14;
	v12 =	vadd.f32 v13, v12  }
0x31a: {  	s28 =	simm.s32 $0x40;
	v17 =	vld [tilespmem:s29+$0xBCA0];
	v20 =	vimm.f32 $0.0e+00;
	v23 =	vmul.f32 v19, v18;
	v16 =	vimm.f32 $0.0e+00  }
0x31b: {  	s29 =	simm.s32 $0x200;
	v18 =	vld [tilespmem:s28+$0xBCB0];
	v19 =	vimm.f32 $0.0e+00;
	v14 =	vadd.f32 v14, v16;
	v13 =	vperm.xlane v12, v3  }
.LBB2_45:
0x31c: {  	p0 =	sne.s32 s29, $0x1900;
	v24 =	vld [tilespmem:s28+$0x10430]  }
0x31d: {  	v25 =	vld [tilespmem:s28+$0xBC80];
	v16 =	vadd.f32 v23, v16;
	v21 =	vmul.f32 v21, v15  }
0x31e: {  	v23 =	vld [tilespmem:s28+$0x10400]  }
.Ltmp21:
0x31f: {  	v15 =	vld [tilespmem:s28+$0xBC90];
	v20 =	vadd.f32 v21, v20;
	v22 =	vmul.f32 v22, v17;
	(pc) =	sbr.rel @p0 .LBB2_45-.Ltmp21, $4  }
0x320: {  	v21 =	vld [tilespmem:s28+$0x10410]  }
0x321: {  	v17 =	vld [tilespmem:s28+$0xBCA0];
	v24 =	vmul.f32 v24, v18;
	v19 =	vadd.f32 v22, v19  }
0x322: {  	v22 =	vld [tilespmem:s28+$0x10420];
	s28 =	sshra.s32 s29, $0x2  }
0x323: {  	s29 =	sadd.s32 $0x100, s29;
	v18 =	vld [tilespmem:s28+$0xBCB0];
	v23 =	vmul.f32 v23, v25;
	v14 =	vadd.f32 v24, v14  }
0x324: {  	v24 =	vld [tilespmem:s28+$0xBC80]  }
0x325: {  	v25 =	vld [tilespmem:s28+$0x10400]  }
0x326: {  	v26 =	vld [tilespmem:s28+$0xBC90]  }
0x327: {  	v27 =	vld [tilespmem:s28+$0x10410]  }
0x328: {  	v28 =	vld [tilespmem:s28+$0xBCA0]  }
0x329: {  	v29 =	vld [tilespmem:s28+$0x10420]  }
0x32a: {  	v15 =	vmul.f32 v21, v15  }
0x32b: {  	v16 =	vadd.f32 v23, v16;
	v21 =	vld [tilespmem:s28+$0x10430];
	v17 =	vmul.f32 v22, v17  }
0x32c: {  	v15 =	vadd.f32 v15, v20;
	v20 =	vmul.f32 v25, v24;
	v22 =	vmul.f32 v27, v26  }
0x32d: {  	v17 =	vadd.f32 v17, v19  }
0x32e: {  	v19 =	vmul.f32 v29, v28;
	v16 =	vadd.f32 v20, v16;
	v15 =	vadd.f32 v22, v15;
	_ =	sdelay $0x1  }
0x32f: {  	v18 =	vmul.f32 v21, v18;
	v17 =	vadd.f32 v19, v17;
	v15 =	vadd.f32 v15, v16;
	_ =	sdelay $0x1  }
0x330: {  	v14 =	vadd.f32 v18, v14;
	v15 =	vadd.f32 v17, v15;
	_ =	sdelay $0x1  }
0x331: {  	v14 =	vadd.f32 v14, v15;
	_ =	sdelay $0x1  }
0x332: {  	v15 =	vperm.xlane v14, v0;
	_ =	sdelay $0x1  }
0x333: {  	s29 =	simm.s32 $0x0;
	v14 =	vadd.f32 v15, v14  }
0x334: {  	v21 =	vld [tilespmem:s29+$0x10400]  }
0x335: {  	v18 =	vld [tilespmem:s29+$0x10430];
	v15 =	vperm.xlane v14, v1  }
0x336: {  	v16 =	vld [tilespmem:s29+$0xC330]  }
0x337: {  	v20 =	vld [tilespmem:s29+$0xC300];
	v14 =	vadd.f32 v15, v14;
	_ =	sdelay $0x1  }
0x338: {  	v23 =	vld [tilespmem:s29+$0x10410];
	v15 =	vperm.xlane v14, v2  }
0x339: {  	v17 =	vld [tilespmem:s29+$0xC310]  }
0x33a: {  	v24 =	vld [tilespmem:s29+$0x10420];
	v16 =	vmul.f32 v18, v16;
	v14 =	vadd.f32 v15, v14  }
0x33b: {  	s28 =	simm.s32 $0x40;
	v19 =	vld [tilespmem:s29+$0xC320];
	v22 =	vimm.f32 $0.0e+00;
	v25 =	vmul.f32 v21, v20;
	v18 =	vimm.f32 $0.0e+00  }
0x33c: {  	s29 =	simm.s32 $0x200;
	v20 =	vld [tilespmem:s28+$0xC330];
	v21 =	vimm.f32 $0.0e+00;
	v16 =	vadd.f32 v16, v18;
	v15 =	vperm.xlane v14, v3  }
.LBB2_47:
0x33d: {  	p0 =	sne.s32 s29, $0x1900;
	v26 =	vld [tilespmem:s28+$0x10430]  }
0x33e: {  	v27 =	vld [tilespmem:s28+$0xC300];
	v18 =	vadd.f32 v25, v18;
	v23 =	vmul.f32 v23, v17  }
0x33f: {  	v25 =	vld [tilespmem:s28+$0x10400]  }
.Ltmp22:
0x340: {  	v17 =	vld [tilespmem:s28+$0xC310];
	v22 =	vadd.f32 v23, v22;
	v24 =	vmul.f32 v24, v19;
	(pc) =	sbr.rel @p0 .LBB2_47-.Ltmp22, $4  }
0x341: {  	v23 =	vld [tilespmem:s28+$0x10410]  }
0x342: {  	v19 =	vld [tilespmem:s28+$0xC320];
	v26 =	vmul.f32 v26, v20;
	v21 =	vadd.f32 v24, v21  }
0x343: {  	v24 =	vld [tilespmem:s28+$0x10420];
	s28 =	sshra.s32 s29, $0x2  }
0x344: {  	s29 =	sadd.s32 $0x100, s29;
	v20 =	vld [tilespmem:s28+$0xC330];
	v25 =	vmul.f32 v25, v27;
	v16 =	vadd.f32 v26, v16  }
0x345: {  	v26 =	vld [tilespmem:s28+$0xC300]  }
0x346: {  	v27 =	vld [tilespmem:s28+$0x10400]  }
0x347: {  	v28 =	vld [tilespmem:s28+$0xC310]  }
0x348: {  	v29 =	vld [tilespmem:s28+$0x10410]  }
0x349: {  	v30 =	vld [tilespmem:s28+$0xC320]  }
0x34a: {  	v31 =	vld [tilespmem:s28+$0x10420]  }
0x34b: {  	v17 =	vmul.f32 v23, v17  }
0x34c: {  	v18 =	vadd.f32 v25, v18;
	v23 =	vld [tilespmem:s28+$0x10430];
	v19 =	vmul.f32 v24, v19  }
0x34d: {  	v17 =	vadd.f32 v17, v22;
	v22 =	vmul.f32 v27, v26;
	v24 =	vmul.f32 v29, v28  }
0x34e: {  	v19 =	vadd.f32 v19, v21  }
0x34f: {  	v21 =	vmul.f32 v31, v30;
	v18 =	vadd.f32 v22, v18;
	v17 =	vadd.f32 v24, v17;
	_ =	sdelay $0x1  }
0x350: {  	v20 =	vmul.f32 v23, v20;
	v19 =	vadd.f32 v21, v19;
	v17 =	vadd.f32 v17, v18;
	_ =	sdelay $0x1  }
0x351: {  	v16 =	vadd.f32 v20, v16;
	v17 =	vadd.f32 v19, v17;
	_ =	sdelay $0x1  }
0x352: {  	v16 =	vadd.f32 v16, v17;
	_ =	sdelay $0x1  }
0x353: {  	v17 =	vperm.xlane v16, v0;
	_ =	sdelay $0x1  }
0x354: {  	s29 =	simm.s32 $0x0;
	v16 =	vadd.f32 v17, v16  }
0x355: {  	v23 =	vld [tilespmem:s29+$0x10400]  }
0x356: {  	v20 =	vld [tilespmem:s29+$0x10430];
	v17 =	vperm.xlane v16, v1  }
0x357: {  	v18 =	vld [tilespmem:s29+$0xC9B0]  }
0x358: {  	v22 =	vld [tilespmem:s29+$0xC980];
	v16 =	vadd.f32 v17, v16;
	_ =	sdelay $0x1  }
0x359: {  	v25 =	vld [tilespmem:s29+$0x10410];
	v17 =	vperm.xlane v16, v2  }
0x35a: {  	v19 =	vld [tilespmem:s29+$0xC990]  }
0x35b: {  	v26 =	vld [tilespmem:s29+$0x10420];
	v18 =	vmul.f32 v20, v18;
	v16 =	vadd.f32 v17, v16  }
0x35c: {  	s28 =	simm.s32 $0x40;
	v21 =	vld [tilespmem:s29+$0xC9A0];
	v24 =	vimm.f32 $0.0e+00;
	v27 =	vmul.f32 v23, v22;
	v20 =	vimm.f32 $0.0e+00  }
0x35d: {  	s29 =	simm.s32 $0x200;
	v22 =	vld [tilespmem:s28+$0xC9B0];
	v23 =	vimm.f32 $0.0e+00;
	v18 =	vadd.f32 v18, v20;
	v17 =	vperm.xlane v16, v3  }
.LBB2_49:
0x35e: {  	p0 =	sne.s32 s29, $0x1900;
	v28 =	vld [tilespmem:s28+$0x10430]  }
0x35f: {  	v29 =	vld [tilespmem:s28+$0xC980];
	v20 =	vadd.f32 v27, v20;
	v25 =	vmul.f32 v25, v19  }
0x360: {  	v27 =	vld [tilespmem:s28+$0x10400]  }
.Ltmp23:
0x361: {  	v19 =	vld [tilespmem:s28+$0xC990];
	v24 =	vadd.f32 v25, v24;
	v26 =	vmul.f32 v26, v21;
	(pc) =	sbr.rel @p0 .LBB2_49-.Ltmp23, $4  }
0x362: {  	v25 =	vld [tilespmem:s28+$0x10410]  }
0x363: {  	v21 =	vld [tilespmem:s28+$0xC9A0];
	v28 =	vmul.f32 v28, v22;
	v23 =	vadd.f32 v26, v23  }
0x364: {  	v26 =	vld [tilespmem:s28+$0x10420];
	s28 =	sshra.s32 s29, $0x2  }
0x365: {  	s29 =	sadd.s32 $0x100, s29;
	v22 =	vld [tilespmem:s28+$0xC9B0];
	v27 =	vmul.f32 v27, v29;
	v18 =	vadd.f32 v28, v18  }
0x366: {  	v28 =	vld [tilespmem:s28+$0xC980]  }
0x367: {  	v29 =	vld [tilespmem:s28+$0x10400]  }
0x368: {  	v30 =	vld [tilespmem:s28+$0xC990]  }
0x369: {  	v31 =	vld [tilespmem:s28+$0x10410]  }
0x36a: {  	v32 =	vld [tilespmem:s28+$0xC9A0]  }
0x36b: {  	v33 =	vld [tilespmem:s28+$0x10420]  }
0x36c: {  	v19 =	vmul.f32 v25, v19  }
0x36d: {  	v20 =	vadd.f32 v27, v20;
	v25 =	vld [tilespmem:s28+$0x10430];
	v21 =	vmul.f32 v26, v21  }
0x36e: {  	v19 =	vadd.f32 v19, v24;
	v24 =	vmul.f32 v29, v28;
	v26 =	vmul.f32 v31, v30  }
0x36f: {  	v21 =	vadd.f32 v21, v23  }
0x370: {  	v23 =	vmul.f32 v33, v32;
	v20 =	vadd.f32 v24, v20;
	v19 =	vadd.f32 v26, v19;
	_ =	sdelay $0x1  }
0x371: {  	v22 =	vmul.f32 v25, v22;
	v21 =	vadd.f32 v23, v21;
	v19 =	vadd.f32 v19, v20;
	_ =	sdelay $0x1  }
0x372: {  	v18 =	vadd.f32 v22, v18;
	v19 =	vadd.f32 v21, v19;
	_ =	sdelay $0x1  }
0x373: {  	v18 =	vadd.f32 v18, v19;
	_ =	sdelay $0x1  }
0x374: {  	v19 =	vperm.xlane v18, v0;
	_ =	sdelay $0x1  }
0x375: {  	s29 =	simm.s32 $0x0;
	v18 =	vadd.f32 v19, v18  }
0x376: {  	v25 =	vld [tilespmem:s29+$0x10400]  }
0x377: {  	v22 =	vld [tilespmem:s29+$0x10430];
	v19 =	vperm.xlane v18, v1  }
0x378: {  	v20 =	vld [tilespmem:s29+$0xD030]  }
0x379: {  	v24 =	vld [tilespmem:s29+$0xD000];
	v18 =	vadd.f32 v19, v18;
	_ =	sdelay $0x1  }
0x37a: {  	v27 =	vld [tilespmem:s29+$0x10410];
	v19 =	vperm.xlane v18, v2  }
0x37b: {  	v21 =	vld [tilespmem:s29+$0xD010]  }
0x37c: {  	v28 =	vld [tilespmem:s29+$0x10420];
	v20 =	vmul.f32 v22, v20;
	v18 =	vadd.f32 v19, v18  }
0x37d: {  	s28 =	simm.s32 $0x40;
	v23 =	vld [tilespmem:s29+$0xD020];
	v26 =	vimm.f32 $0.0e+00;
	v29 =	vmul.f32 v25, v24;
	v22 =	vimm.f32 $0.0e+00  }
0x37e: {  	s29 =	simm.s32 $0x200;
	v24 =	vld [tilespmem:s28+$0xD030];
	v25 =	vimm.f32 $0.0e+00;
	v20 =	vadd.f32 v20, v22;
	v19 =	vperm.xlane v18, v3  }
.LBB2_51:
0x37f: {  	p0 =	sne.s32 s29, $0x1900;
	v30 =	vld [tilespmem:s28+$0x10430]  }
0x380: {  	v31 =	vld [tilespmem:s28+$0xD000];
	v22 =	vadd.f32 v29, v22;
	v27 =	vmul.f32 v27, v21  }
0x381: {  	v29 =	vld [tilespmem:s28+$0x10400]  }
.Ltmp24:
0x382: {  	v21 =	vld [tilespmem:s28+$0xD010];
	v26 =	vadd.f32 v27, v26;
	v28 =	vmul.f32 v28, v23;
	(pc) =	sbr.rel @p0 .LBB2_51-.Ltmp24, $4  }
0x383: {  	v27 =	vld [tilespmem:s28+$0x10410]  }
0x384: {  	v23 =	vld [tilespmem:s28+$0xD020];
	v30 =	vmul.f32 v30, v24;
	v25 =	vadd.f32 v28, v25  }
0x385: {  	v28 =	vld [tilespmem:s28+$0x10420];
	s28 =	sshra.s32 s29, $0x2  }
0x386: {  	s29 =	sadd.s32 $0x100, s29;
	v24 =	vld [tilespmem:s28+$0xD030];
	v29 =	vmul.f32 v29, v31;
	v20 =	vadd.f32 v30, v20  }
0x387: {  	v30 =	vld [tilespmem:s28+$0xD000]  }
0x388: {  	v31 =	vld [tilespmem:s28+$0x10400]  }
0x389: {  	v32 =	vld [tilespmem:s28+$0xD010]  }
0x38a: {  	v33 =	vld [tilespmem:s28+$0x10410]  }
0x38b: {  	v34 =	vld [tilespmem:s28+$0xD020]  }
0x38c: {  	v35 =	vld [tilespmem:s28+$0x10420]  }
0x38d: {  	v21 =	vmul.f32 v27, v21  }
0x38e: {  	v22 =	vadd.f32 v29, v22;
	v27 =	vld [tilespmem:s28+$0x10430];
	v23 =	vmul.f32 v28, v23  }
0x38f: {  	v21 =	vadd.f32 v21, v26;
	v26 =	vmul.f32 v31, v30;
	v28 =	vmul.f32 v33, v32  }
0x390: {  	v23 =	vadd.f32 v23, v25  }
0x391: {  	v25 =	vmul.f32 v35, v34;
	v22 =	vadd.f32 v26, v22;
	v21 =	vadd.f32 v28, v21;
	_ =	sdelay $0x1  }
0x392: {  	v24 =	vmul.f32 v27, v24;
	v23 =	vadd.f32 v25, v23;
	v21 =	vadd.f32 v21, v22;
	_ =	sdelay $0x1  }
0x393: {  	v20 =	vadd.f32 v24, v20;
	v21 =	vadd.f32 v23, v21;
	_ =	sdelay $0x1  }
0x394: {  	v20 =	vadd.f32 v20, v21;
	_ =	sdelay $0x1  }
0x395: {  	v21 =	vperm.xlane v20, v0;
	_ =	sdelay $0x1  }
0x396: {  	s29 =	simm.s32 $0x0;
	v20 =	vadd.f32 v21, v20  }
0x397: {  	v27 =	vld [tilespmem:s29+$0x10400]  }
0x398: {  	v24 =	vld [tilespmem:s29+$0x10430];
	v21 =	vperm.xlane v20, v1  }
0x399: {  	v22 =	vld [tilespmem:s29+$0xD6B0]  }
0x39a: {  	v26 =	vld [tilespmem:s29+$0xD680];
	v20 =	vadd.f32 v21, v20;
	_ =	sdelay $0x1  }
0x39b: {  	v29 =	vld [tilespmem:s29+$0x10410];
	v21 =	vperm.xlane v20, v2  }
0x39c: {  	v23 =	vld [tilespmem:s29+$0xD690]  }
0x39d: {  	v30 =	vld [tilespmem:s29+$0x10420];
	v22 =	vmul.f32 v24, v22;
	v20 =	vadd.f32 v21, v20  }
0x39e: {  	s28 =	simm.s32 $0x40;
	v25 =	vld [tilespmem:s29+$0xD6A0];
	v28 =	vimm.f32 $0.0e+00;
	v31 =	vmul.f32 v27, v26;
	v24 =	vimm.f32 $0.0e+00  }
0x39f: {  	s29 =	simm.s32 $0x200;
	v26 =	vld [tilespmem:s28+$0xD6B0];
	v27 =	vimm.f32 $0.0e+00;
	v22 =	vadd.f32 v22, v24;
	v21 =	vperm.xlane v20, v3  }
.LBB2_53:
0x3a0: {  	p0 =	sne.s32 s29, $0x1900;
	v32 =	vld [tilespmem:s28+$0x10430]  }
0x3a1: {  	v33 =	vld [tilespmem:s28+$0xD680];
	v24 =	vadd.f32 v31, v24;
	v29 =	vmul.f32 v29, v23  }
0x3a2: {  	v31 =	vld [tilespmem:s28+$0x10400]  }
.Ltmp25:
0x3a3: {  	v23 =	vld [tilespmem:s28+$0xD690];
	v28 =	vadd.f32 v29, v28;
	v30 =	vmul.f32 v30, v25;
	(pc) =	sbr.rel @p0 .LBB2_53-.Ltmp25, $4  }
0x3a4: {  	v29 =	vld [tilespmem:s28+$0x10410]  }
0x3a5: {  	v25 =	vld [tilespmem:s28+$0xD6A0];
	v32 =	vmul.f32 v32, v26;
	v27 =	vadd.f32 v30, v27  }
0x3a6: {  	v30 =	vld [tilespmem:s28+$0x10420];
	s28 =	sshra.s32 s29, $0x2  }
0x3a7: {  	s29 =	sadd.s32 $0x100, s29;
	v26 =	vld [tilespmem:s28+$0xD6B0];
	v31 =	vmul.f32 v31, v33;
	v22 =	vadd.f32 v32, v22  }
0x3a8: {  	v32 =	vld [tilespmem:s28+$0xD680]  }
0x3a9: {  	v33 =	vld [tilespmem:s28+$0x10400]  }
0x3aa: {  	v34 =	vld [tilespmem:s28+$0xD690]  }
0x3ab: {  	v35 =	vld [tilespmem:s28+$0x10410]  }
0x3ac: {  	v36 =	vld [tilespmem:s28+$0xD6A0]  }
0x3ad: {  	v37 =	vld [tilespmem:s28+$0x10420]  }
0x3ae: {  	v23 =	vmul.f32 v29, v23  }
0x3af: {  	v24 =	vadd.f32 v31, v24;
	v29 =	vld [tilespmem:s28+$0x10430];
	v25 =	vmul.f32 v30, v25  }
0x3b0: {  	v23 =	vadd.f32 v23, v28;
	v28 =	vmul.f32 v33, v32;
	v30 =	vmul.f32 v35, v34  }
0x3b1: {  	v25 =	vadd.f32 v25, v27  }
0x3b2: {  	v27 =	vmul.f32 v37, v36;
	v24 =	vadd.f32 v28, v24;
	v23 =	vadd.f32 v30, v23;
	_ =	sdelay $0x1  }
0x3b3: {  	v26 =	vmul.f32 v29, v26;
	v25 =	vadd.f32 v27, v25;
	v23 =	vadd.f32 v23, v24;
	_ =	sdelay $0x1  }
0x3b4: {  	v22 =	vadd.f32 v26, v22;
	v23 =	vadd.f32 v25, v23;
	_ =	sdelay $0x1  }
0x3b5: {  	v22 =	vadd.f32 v22, v23;
	_ =	sdelay $0x1  }
0x3b6: {  	v23 =	vperm.xlane v22, v0;
	_ =	sdelay $0x1  }
0x3b7: {  	s29 =	simm.s32 $0x0;
	v22 =	vadd.f32 v23, v22  }
0x3b8: {  	v29 =	vld [tilespmem:s29+$0x10400]  }
0x3b9: {  	v26 =	vld [tilespmem:s29+$0x10430];
	v23 =	vperm.xlane v22, v1  }
0x3ba: {  	v24 =	vld [tilespmem:s29+$0xDD30]  }
0x3bb: {  	v28 =	vld [tilespmem:s29+$0xDD00];
	v22 =	vadd.f32 v23, v22;
	_ =	sdelay $0x1  }
0x3bc: {  	v31 =	vld [tilespmem:s29+$0x10410];
	v23 =	vperm.xlane v22, v2  }
0x3bd: {  	v25 =	vld [tilespmem:s29+$0xDD10]  }
0x3be: {  	v32 =	vld [tilespmem:s29+$0x10420];
	v24 =	vmul.f32 v26, v24;
	v22 =	vadd.f32 v23, v22  }
0x3bf: {  	s28 =	simm.s32 $0x40;
	v27 =	vld [tilespmem:s29+$0xDD20];
	v30 =	vimm.f32 $0.0e+00;
	v33 =	vmul.f32 v29, v28;
	v26 =	vimm.f32 $0.0e+00  }
0x3c0: {  	s29 =	simm.s32 $0x200;
	v28 =	vld [tilespmem:s28+$0xDD30];
	v29 =	vimm.f32 $0.0e+00;
	v24 =	vadd.f32 v24, v26;
	v23 =	vperm.xlane v22, v3  }
.LBB2_55:
0x3c1: {  	p0 =	sne.s32 s29, $0x1900;
	v34 =	vld [tilespmem:s28+$0x10430]  }
0x3c2: {  	v35 =	vld [tilespmem:s28+$0xDD00];
	v26 =	vadd.f32 v33, v26;
	v31 =	vmul.f32 v31, v25  }
0x3c3: {  	v33 =	vld [tilespmem:s28+$0x10400]  }
.Ltmp26:
0x3c4: {  	v25 =	vld [tilespmem:s28+$0xDD10];
	v30 =	vadd.f32 v31, v30;
	v32 =	vmul.f32 v32, v27;
	(pc) =	sbr.rel @p0 .LBB2_55-.Ltmp26, $4  }
0x3c5: {  	v31 =	vld [tilespmem:s28+$0x10410]  }
0x3c6: {  	v27 =	vld [tilespmem:s28+$0xDD20];
	v34 =	vmul.f32 v34, v28;
	v29 =	vadd.f32 v32, v29  }
0x3c7: {  	v32 =	vld [tilespmem:s28+$0x10420];
	s28 =	sshra.s32 s29, $0x2  }
0x3c8: {  	s29 =	sadd.s32 $0x100, s29;
	v28 =	vld [tilespmem:s28+$0xDD30];
	v33 =	vmul.f32 v33, v35;
	v24 =	vadd.f32 v34, v24  }
0x3c9: {  	v34 =	vld [tilespmem:s28+$0xDD00]  }
0x3ca: {  	v35 =	vld [tilespmem:s28+$0x10400]  }
0x3cb: {  	v36 =	vld [tilespmem:s28+$0xDD10]  }
0x3cc: {  	v37 =	vld [tilespmem:s28+$0x10410]  }
0x3cd: {  	v38 =	vld [tilespmem:s28+$0xDD20]  }
0x3ce: {  	v39 =	vld [tilespmem:s28+$0x10420]  }
0x3cf: {  	v25 =	vmul.f32 v31, v25  }
0x3d0: {  	v26 =	vadd.f32 v33, v26;
	v31 =	vld [tilespmem:s28+$0x10430];
	v27 =	vmul.f32 v32, v27  }
0x3d1: {  	v25 =	vadd.f32 v25, v30;
	v30 =	vmul.f32 v35, v34;
	v63 =	vmul.f32 v37, v36  }
0x3d2: {  	v27 =	vadd.f32 v27, v29  }
0x3d3: {  	v29 =	vmul.f32 v39, v38;
	v26 =	vadd.f32 v30, v26;
	v25 =	vadd.f32 v63, v25;
	_ =	sdelay $0x1  }
0x3d4: {  	v28 =	vmul.f32 v31, v28;
	v27 =	vadd.f32 v29, v27;
	v25 =	vadd.f32 v25, v26;
	_ =	sdelay $0x1  }
0x3d5: {  	v24 =	vadd.f32 v28, v24;
	v25 =	vadd.f32 v27, v25;
	_ =	sdelay $0x1  }
0x3d6: {  	v24 =	vadd.f32 v24, v25;
	_ =	sdelay $0x1  }
0x3d7: {  	v25 =	vperm.xlane v24, v0;
	_ =	sdelay $0x1  }
0x3d8: {  	s29 =	simm.s32 $0x0;
	v24 =	vadd.f32 v25, v24  }
0x3d9: {  	v31 =	vld [tilespmem:s29+$0x10400]  }
0x3da: {  	v28 =	vld [tilespmem:s29+$0x10430];
	v25 =	vperm.xlane v24, v1  }
0x3db: {  	v26 =	vld [tilespmem:s29+$0xE3B0]  }
0x3dc: {  	v30 =	vld [tilespmem:s29+$0xE380];
	v24 =	vadd.f32 v25, v24;
	_ =	sdelay $0x1  }
0x3dd: {  	v33 =	vld [tilespmem:s29+$0x10410];
	v25 =	vperm.xlane v24, v2  }
0x3de: {  	v27 =	vld [tilespmem:s29+$0xE390]  }
0x3df: {  	v34 =	vld [tilespmem:s29+$0x10420];
	v26 =	vmul.f32 v28, v26;
	v24 =	vadd.f32 v25, v24  }
0x3e0: {  	s28 =	simm.s32 $0x40;
	v32 =	vimm.f32 $0.0e+00;
	v29 =	vld [tilespmem:s29+$0xE3A0];
	v35 =	vmul.f32 v31, v30;
	v28 =	vimm.f32 $0.0e+00  }
0x3e1: {  	s29 =	simm.s32 $0x200;
	v30 =	vld [tilespmem:s28+$0xE3B0];
	v31 =	vimm.f32 $0.0e+00;
	v26 =	vadd.f32 v26, v28;
	v25 =	vperm.xlane v24, v3  }
.LBB2_57:
0x3e2: {  	p0 =	sne.s32 s29, $0x1900;
	v36 =	vld [tilespmem:s28+$0x10430]  }
0x3e3: {  	v37 =	vld [tilespmem:s28+$0xE380];
	v28 =	vadd.f32 v35, v28;
	v33 =	vmul.f32 v33, v27  }
0x3e4: {  	v35 =	vld [tilespmem:s28+$0x10400]  }
.Ltmp27:
0x3e5: {  	v27 =	vld [tilespmem:s28+$0xE390];
	v32 =	vadd.f32 v33, v32;
	v34 =	vmul.f32 v34, v29;
	(pc) =	sbr.rel @p0 .LBB2_57-.Ltmp27, $4  }
0x3e6: {  	v33 =	vld [tilespmem:s28+$0x10410]  }
0x3e7: {  	v29 =	vld [tilespmem:s28+$0xE3A0];
	v36 =	vmul.f32 v36, v30;
	v31 =	vadd.f32 v34, v31  }
0x3e8: {  	v34 =	vld [tilespmem:s28+$0x10420];
	s28 =	sshra.s32 s29, $0x2  }
0x3e9: {  	s29 =	sadd.s32 $0x100, s29;
	v30 =	vld [tilespmem:s28+$0xE3B0];
	v35 =	vmul.f32 v35, v37;
	v26 =	vadd.f32 v36, v26  }
0x3ea: {  	v36 =	vld [tilespmem:s28+$0xE380]  }
0x3eb: {  	v37 =	vld [tilespmem:s28+$0x10400]  }
0x3ec: {  	v38 =	vld [tilespmem:s28+$0xE390]  }
0x3ed: {  	v39 =	vld [tilespmem:s28+$0x10410]  }
0x3ee: {  	v40 =	vld [tilespmem:s28+$0xE3A0]  }
0x3ef: {  	v41 =	vld [tilespmem:s28+$0x10420]  }
0x3f0: {  	v27 =	vmul.f32 v33, v27  }
0x3f1: {  	v59 =	vld [tilespmem:s28+$0x10430];
	v28 =	vadd.f32 v35, v28;
	v29 =	vmul.f32 v34, v29  }
0x3f2: {  	v27 =	vadd.f32 v27, v32;
	v60 =	vmul.f32 v37, v36;
	v61 =	vmul.f32 v39, v38  }
0x3f3: {  	v29 =	vadd.f32 v29, v31  }
0x3f4: {  	v31 =	vmul.f32 v41, v40;
	v28 =	vadd.f32 v60, v28;
	v27 =	vadd.f32 v61, v27;
	_ =	sdelay $0x1  }
0x3f5: {  	v30 =	vmul.f32 v59, v30;
	v29 =	vadd.f32 v31, v29;
	v27 =	vadd.f32 v27, v28;
	_ =	sdelay $0x1  }
0x3f6: {  	v26 =	vadd.f32 v30, v26;
	v27 =	vadd.f32 v29, v27;
	_ =	sdelay $0x1  }
0x3f7: {  	v26 =	vadd.f32 v26, v27;
	_ =	sdelay $0x1  }
0x3f8: {  	v27 =	vperm.xlane v26, v0;
	_ =	sdelay $0x1  }
0x3f9: {  	v26 =	vadd.f32 v27, v26  }
0x3fa: {  	s29 =	simm.s32 $0x0  }
0x3fb: {  	v30 =	vld [tilespmem:s29+$0x10430];
	v27 =	vperm.xlane v26, v1  }
0x3fc: {  	v28 =	vld [tilespmem:s29+$0xEA30]  }
0x3fd: {  	v62 =	vld [tilespmem:s29+$0xEA00];
	v26 =	vadd.f32 v27, v26  }
0x3fe: {  	v63 =	vld [tilespmem:s29+$0x10400]  }
0x3ff: {  	v35 =	vld [tilespmem:s29+$0x10410];
	v27 =	vperm.xlane v26, v2  }
0x400: {  	v29 =	vld [tilespmem:s29+$0xEA10]  }
0x401: {  	v36 =	vld [tilespmem:s29+$0x10420];
	v28 =	vmul.f32 v30, v28;
	v26 =	vadd.f32 v27, v26  }
0x402: {  	s28 =	simm.s32 $0x40;
	v33 =	vimm.f32 $0.0e+00;
	v34 =	vimm.f32 $0.0e+00;
	v31 =	vld [tilespmem:s29+$0xEA20];
	v30 =	vimm.f32 $0.0e+00  }
0x403: {  	v32 =	vld [tilespmem:s28+$0xEA30];
	v37 =	vmul.f32 v63, v62;
	s29 =	simm.s32 $0x200;
	v28 =	vadd.f32 v28, v30;
	v27 =	vperm.xlane v26, v3  }
.LBB2_59:
0x404: {  	p0 =	sne.s32 s29, $0x1900;
	v38 =	vld [tilespmem:s28+$0x10430]  }
0x405: {  	v39 =	vld [tilespmem:s28+$0xEA00];
	v30 =	vadd.f32 v37, v30;
	v35 =	vmul.f32 v35, v29  }
0x406: {  	v37 =	vld [tilespmem:s28+$0x10400]  }
.Ltmp28:
0x407: {  	v29 =	vld [tilespmem:s28+$0xEA10];
	v34 =	vadd.f32 v35, v34;
	v36 =	vmul.f32 v36, v31;
	(pc) =	sbr.rel @p0 .LBB2_59-.Ltmp28, $4  }
0x408: {  	v35 =	vld [tilespmem:s28+$0x10410]  }
0x409: {  	v31 =	vld [tilespmem:s28+$0xEA20];
	v38 =	vmul.f32 v38, v32;
	v33 =	vadd.f32 v36, v33  }
0x40a: {  	v36 =	vld [tilespmem:s28+$0x10420];
	s28 =	sshra.s32 s29, $0x2  }
0x40b: {  	s29 =	sadd.s32 $0x100, s29;
	v32 =	vld [tilespmem:s28+$0xEA30];
	v37 =	vmul.f32 v37, v39;
	v28 =	vadd.f32 v38, v28  }
0x40c: {  	v38 =	vld [tilespmem:s28+$0xEA00]  }
0x40d: {  	v39 =	vld [tilespmem:s28+$0x10400]  }
0x40e: {  	v40 =	vld [tilespmem:s28+$0xEA10]  }
0x40f: {  	v41 =	vld [tilespmem:s28+$0x10410]  }
0x410: {  	v42 =	vld [tilespmem:s28+$0xEA20]  }
0x411: {  	v43 =	vld [tilespmem:s28+$0x10420]  }
0x412: {  	v29 =	vmul.f32 v35, v29  }
0x413: {  	v57 =	vld [tilespmem:s28+$0x10430];
	v30 =	vadd.f32 v37, v30;
	v31 =	vmul.f32 v36, v31  }
0x414: {  	v29 =	vadd.f32 v29, v34;
	v58 =	vmul.f32 v39, v38;
	v59 =	vmul.f32 v41, v40  }
0x415: {  	v31 =	vadd.f32 v31, v33  }
0x416: {  	v60 =	vmul.f32 v43, v42;
	v30 =	vadd.f32 v58, v30;
	v29 =	vadd.f32 v59, v29;
	_ =	sdelay $0x1  }
0x417: {  	v32 =	vmul.f32 v57, v32;
	v31 =	vadd.f32 v60, v31;
	v29 =	vadd.f32 v29, v30;
	_ =	sdelay $0x1  }
0x418: {  	v28 =	vadd.f32 v32, v28;
	v29 =	vadd.f32 v31, v29;
	_ =	sdelay $0x1  }
0x419: {  	v28 =	vadd.f32 v28, v29;
	_ =	sdelay $0x1  }
0x41a: {  	v29 =	vperm.xlane v28, v0;
	_ =	sdelay $0x1  }
0x41b: {  	v28 =	vadd.f32 v29, v28  }
0x41c: {  	s29 =	simm.s32 $0x0  }
0x41d: {  	v61 =	vld [tilespmem:s29+$0x10430];
	v29 =	vperm.xlane v28, v1  }
0x41e: {  	v30 =	vld [tilespmem:s29+$0xF0B0]  }
0x41f: {  	v62 =	vld [tilespmem:s29+$0xF080];
	v28 =	vadd.f32 v29, v28  }
0x420: {  	v63 =	vld [tilespmem:s29+$0x10400]  }
0x421: {  	v37 =	vld [tilespmem:s29+$0x10410];
	v29 =	vperm.xlane v28, v2  }
0x422: {  	v31 =	vld [tilespmem:s29+$0xF090]  }
0x423: {  	v33 =	vld [tilespmem:s29+$0xF0A0];
	v30 =	vmul.f32 v61, v30;
	v28 =	vadd.f32 v29, v28  }
0x424: {  	s28 =	simm.s32 $0x40;
	v35 =	vimm.f32 $0.0e+00;
	v36 =	vimm.f32 $0.0e+00;
	v38 =	vld [tilespmem:s29+$0x10420];
	v32 =	vimm.f32 $0.0e+00  }
0x425: {  	v34 =	vld [tilespmem:s28+$0xF0B0];
	v39 =	vmul.f32 v63, v62;
	s29 =	simm.s32 $0x200;
	v30 =	vadd.f32 v30, v32;
	v29 =	vperm.xlane v28, v3  }
.LBB2_61:
0x426: {  	p0 =	sne.s32 s29, $0x1900;
	v40 =	vld [tilespmem:s28+$0x10430]  }
0x427: {  	v41 =	vld [tilespmem:s28+$0xF080];
	v32 =	vadd.f32 v39, v32;
	v37 =	vmul.f32 v37, v31  }
0x428: {  	v39 =	vld [tilespmem:s28+$0x10400]  }
.Ltmp29:
0x429: {  	v31 =	vld [tilespmem:s28+$0xF090];
	v36 =	vadd.f32 v37, v36;
	v38 =	vmul.f32 v38, v33;
	(pc) =	sbr.rel @p0 .LBB2_61-.Ltmp29, $4  }
0x42a: {  	v37 =	vld [tilespmem:s28+$0x10410]  }
0x42b: {  	v33 =	vld [tilespmem:s28+$0xF0A0];
	v40 =	vmul.f32 v40, v34;
	v35 =	vadd.f32 v38, v35  }
0x42c: {  	v38 =	vld [tilespmem:s28+$0x10420];
	s28 =	sshra.s32 s29, $0x2  }
0x42d: {  	s29 =	sadd.s32 $0x100, s29;
	v34 =	vld [tilespmem:s28+$0xF0B0];
	v39 =	vmul.f32 v39, v41;
	v30 =	vadd.f32 v40, v30  }
0x42e: {  	v40 =	vld [tilespmem:s28+$0xF080]  }
0x42f: {  	v41 =	vld [tilespmem:s28+$0x10400]  }
0x430: {  	v42 =	vld [tilespmem:s28+$0xF090]  }
0x431: {  	v43 =	vld [tilespmem:s28+$0x10410]  }
0x432: {  	v44 =	vld [tilespmem:s28+$0xF0A0]  }
0x433: {  	v45 =	vld [tilespmem:s28+$0x10420]  }
0x434: {  	v31 =	vmul.f32 v37, v31  }
0x435: {  	v56 =	vld [tilespmem:s28+$0x10430];
	v32 =	vadd.f32 v39, v32;
	v33 =	vmul.f32 v38, v33  }
0x436: {  	v31 =	vadd.f32 v31, v36;
	v57 =	vmul.f32 v41, v40;
	v58 =	vmul.f32 v43, v42  }
0x437: {  	v33 =	vadd.f32 v33, v35  }
0x438: {  	v59 =	vmul.f32 v45, v44;
	v32 =	vadd.f32 v57, v32;
	v31 =	vadd.f32 v58, v31;
	_ =	sdelay $0x1  }
0x439: {  	v34 =	vmul.f32 v56, v34;
	v33 =	vadd.f32 v59, v33;
	v31 =	vadd.f32 v31, v32;
	_ =	sdelay $0x1  }
0x43a: {  	v30 =	vadd.f32 v34, v30;
	v31 =	vadd.f32 v33, v31;
	_ =	sdelay $0x1  }
0x43b: {  	v30 =	vadd.f32 v30, v31;
	_ =	sdelay $0x1  }
0x43c: {  	v31 =	vperm.xlane v30, v0;
	_ =	sdelay $0x1  }
0x43d: {  	v30 =	vadd.f32 v31, v30  }
0x43e: {  	s29 =	simm.s32 $0x0  }
0x43f: {  	v60 =	vld [tilespmem:s29+$0xF730];
	v31 =	vperm.xlane v30, v1  }
0x440: {  	v61 =	vld [tilespmem:s29+$0x10430]  }
0x441: {  	v62 =	vld [tilespmem:s29+$0xF700];
	v30 =	vadd.f32 v31, v30  }
0x442: {  	v63 =	vld [tilespmem:s29+$0x10400]  }
0x443: {  	v39 =	vld [tilespmem:s29+$0x10410];
	v31 =	vperm.xlane v30, v2  }
0x444: {  	v33 =	vld [tilespmem:s29+$0xF710]  }
0x445: {  	v35 =	vld [tilespmem:s29+$0xF720];
	v32 =	vmul.f32 v61, v60;
	v30 =	vadd.f32 v31, v30  }
0x446: {  	s28 =	simm.s32 $0x40;
	v37 =	vimm.f32 $0.0e+00;
	v38 =	vimm.f32 $0.0e+00;
	v40 =	vld [tilespmem:s29+$0x10420];
	v34 =	vimm.f32 $0.0e+00  }
0x447: {  	v36 =	vld [tilespmem:s28+$0xF730];
	v41 =	vmul.f32 v63, v62;
	s29 =	simm.s32 $0x200;
	v32 =	vadd.f32 v32, v34;
	v31 =	vperm.xlane v30, v3  }
.LBB2_63:
0x448: {  	p0 =	sne.s32 s29, $0x1900;
	v42 =	vld [tilespmem:s28+$0x10430]  }
0x449: {  	v43 =	vld [tilespmem:s28+$0xF700];
	v34 =	vadd.f32 v41, v34;
	v39 =	vmul.f32 v39, v33  }
0x44a: {  	v41 =	vld [tilespmem:s28+$0x10400]  }
.Ltmp30:
0x44b: {  	v33 =	vld [tilespmem:s28+$0xF710];
	v38 =	vadd.f32 v39, v38;
	v40 =	vmul.f32 v40, v35;
	(pc) =	sbr.rel @p0 .LBB2_63-.Ltmp30, $4  }
0x44c: {  	v39 =	vld [tilespmem:s28+$0x10410]  }
0x44d: {  	v35 =	vld [tilespmem:s28+$0xF720];
	v42 =	vmul.f32 v42, v36;
	v37 =	vadd.f32 v40, v37  }
0x44e: {  	v40 =	vld [tilespmem:s28+$0x10420];
	s28 =	sshra.s32 s29, $0x2  }
0x44f: {  	s29 =	sadd.s32 $0x100, s29;
	v36 =	vld [tilespmem:s28+$0xF730];
	v41 =	vmul.f32 v41, v43;
	v32 =	vadd.f32 v42, v32  }
0x450: {  	v42 =	vld [tilespmem:s28+$0xF700]  }
0x451: {  	v43 =	vld [tilespmem:s28+$0x10400]  }
0x452: {  	v44 =	vld [tilespmem:s28+$0xF710]  }
0x453: {  	v45 =	vld [tilespmem:s28+$0x10410]  }
0x454: {  	v46 =	vld [tilespmem:s28+$0xF720]  }
0x455: {  	v47 =	vld [tilespmem:s28+$0x10420]  }
0x456: {  	v33 =	vmul.f32 v39, v33  }
0x457: {  	v56 =	vld [tilespmem:s28+$0x10430];
	v34 =	vadd.f32 v41, v34;
	v35 =	vmul.f32 v40, v35  }
0x458: {  	v33 =	vadd.f32 v33, v38;
	v57 =	vmul.f32 v43, v42;
	v58 =	vmul.f32 v45, v44  }
0x459: {  	v35 =	vadd.f32 v35, v37  }
0x45a: {  	v59 =	vmul.f32 v47, v46;
	v34 =	vadd.f32 v57, v34;
	v33 =	vadd.f32 v58, v33;
	_ =	sdelay $0x1  }
0x45b: {  	v36 =	vmul.f32 v56, v36;
	v35 =	vadd.f32 v59, v35;
	v33 =	vadd.f32 v33, v34;
	_ =	sdelay $0x1  }
0x45c: {  	v32 =	vadd.f32 v36, v32;
	v33 =	vadd.f32 v35, v33;
	_ =	sdelay $0x1  }
0x45d: {  	v32 =	vadd.f32 v32, v33;
	_ =	sdelay $0x1  }
0x45e: {  	v33 =	vperm.xlane v32, v0;
	_ =	sdelay $0x1  }
0x45f: {  	v32 =	vadd.f32 v33, v32  }
0x460: {  	s29 =	simm.s32 $0x0  }
0x461: {  	v60 =	vld [tilespmem:s29+$0xFDB0];
	v33 =	vperm.xlane v32, v1  }
0x462: {  	v61 =	vld [tilespmem:s29+$0x10430]  }
0x463: {  	v62 =	vld [tilespmem:s29+$0xFD80];
	v32 =	vadd.f32 v33, v32  }
0x464: {  	v63 =	vld [tilespmem:s29+$0x10400]  }
0x465: {  	v41 =	vld [tilespmem:s29+$0x10410];
	v33 =	vperm.xlane v32, v2  }
0x466: {  	v35 =	vld [tilespmem:s29+$0xFD90]  }
0x467: {  	v37 =	vld [tilespmem:s29+$0xFDA0];
	v34 =	vmul.f32 v61, v60;
	v32 =	vadd.f32 v33, v32  }
0x468: {  	s28 =	simm.s32 $0x40;
	v39 =	vimm.f32 $0.0e+00;
	v40 =	vimm.f32 $0.0e+00;
	v42 =	vld [tilespmem:s29+$0x10420];
	v36 =	vimm.f32 $0.0e+00  }
0x469: {  	v38 =	vld [tilespmem:s28+$0xFDB0];
	v43 =	vmul.f32 v63, v62;
	s29 =	simm.s32 $0x200;
	v34 =	vadd.f32 v34, v36;
	v33 =	vperm.xlane v32, v3  }
.LBB2_65:
0x46a: {  	p0 =	sne.s32 s29, $0x1900;
	v44 =	vld [tilespmem:s28+$0x10430]  }
0x46b: {  	v45 =	vld [tilespmem:s28+$0xFD80];
	v36 =	vadd.f32 v43, v36;
	v41 =	vmul.f32 v41, v35  }
0x46c: {  	v43 =	vld [tilespmem:s28+$0x10400]  }
.Ltmp31:
0x46d: {  	v35 =	vld [tilespmem:s28+$0xFD90];
	v40 =	vadd.f32 v41, v40;
	v42 =	vmul.f32 v42, v37;
	(pc) =	sbr.rel @p0 .LBB2_65-.Ltmp31, $4  }
0x46e: {  	v41 =	vld [tilespmem:s28+$0x10410]  }
0x46f: {  	v37 =	vld [tilespmem:s28+$0xFDA0];
	v44 =	vmul.f32 v44, v38;
	v39 =	vadd.f32 v42, v39  }
0x470: {  	v42 =	vld [tilespmem:s28+$0x10420];
	s28 =	sshra.s32 s29, $0x2  }
0x471: {  	s29 =	sadd.s32 $0x100, s29;
	v38 =	vld [tilespmem:s28+$0xFDB0];
	v43 =	vmul.f32 v43, v45;
	v34 =	vadd.f32 v44, v34  }
0x472: {  	v44 =	vld [tilespmem:s28+$0xFD80]  }
0x473: {  	v45 =	vld [tilespmem:s28+$0x10400]  }
0x474: {  	v46 =	vld [tilespmem:s28+$0xFD90]  }
0x475: {  	v47 =	vld [tilespmem:s28+$0x10410]  }
0x476: {  	v48 =	vld [tilespmem:s28+$0xFDA0]  }
0x477: {  	v49 =	vld [tilespmem:s28+$0x10420]  }
0x478: {  	v35 =	vmul.f32 v41, v35  }
0x479: {  	v51 =	vld [tilespmem:s28+$0x10430];
	v36 =	vadd.f32 v43, v36;
	v37 =	vmul.f32 v42, v37  }
0x47a: {  	v35 =	vadd.f32 v35, v40;
	v52 =	vmul.f32 v45, v44;
	v53 =	vmul.f32 v47, v46  }
0x47b: {  	v37 =	vadd.f32 v37, v39  }
0x47c: {  	v54 =	vmul.f32 v49, v48;
	v36 =	vadd.f32 v52, v36;
	v35 =	vadd.f32 v53, v35;
	_ =	sdelay $0x1  }
0x47d: {  	v38 =	vmul.f32 v51, v38;
	v37 =	vadd.f32 v54, v37;
	v35 =	vadd.f32 v35, v36;
	_ =	sdelay $0x1  }
0x47e: {  	v34 =	vadd.f32 v38, v34;
	v35 =	vadd.f32 v37, v35;
	_ =	sdelay $0x1  }
0x47f: {  	v34 =	vadd.f32 v34, v35;
	_ =	sdelay $0x1  }
0x480: {  	v4 =	vadd.f32 v5, v4;
	v5 =	vadd.f32 v7, v6;
	v55 =	vperm.xlane v34, v0  }
0x481: {  	v56 =	vadd.f32 v9, v8  }
0x482: {  	v4 =	vsel vm0, v4, v5;
	v5 =	vadd.f32 v11, v10;
	v6 =	vadd.f32 v55, v34  }
0x483: {  	v57 =	vadd.f32 v13, v12;
	v4 =	vsel vm1, v4, v56  }
0x484: {  	v4 =	vsel vm2, v4, v5;
	v5 =	vadd.f32 v15, v14;
	v58 =	vperm.xlane v6, v1  }
0x485: {  	v59 =	vadd.f32 v17, v16;
	v4 =	vsel vm3, v4, v57  }
0x486: {  	v4 =	vsel vm4, v4, v5;
	v5 =	vadd.f32 v19, v18;
	v6 =	vadd.f32 v58, v6  }
0x487: {  	v60 =	vadd.f32 v21, v20;
	v4 =	vsel vm5, v4, v59  }
0x488: {  	v4 =	vsel vm6, v4, v5;
	v5 =	vadd.f32 v23, v22;
	v8 =	vperm.xlane v6, v2  }
0x489: {  	v61 =	vadd.f32 v25, v24;
	v4 =	vsel vm7, v4, v60  }
0x48a: {  	v4 =	vsel vm8, v4, v5;
	v5 =	vadd.f32 v27, v26;
	v6 =	vadd.f32 v8, v6  }
0x48b: {  	v62 =	vadd.f32 v29, v28;
	s25 =	sadd.s32 $0x1, s25;
	v4 =	vsel vm9, v4, v61  }
0x48c: {  	p0 =	sne.s32 s25, $0x10;
	v4 =	vsel vm10, v4, v5;
	v5 =	vadd.f32 v31, v30;
	v8 =	vperm.xlane v6, v3  }
.Ltmp32:
0x48d: {  	v63 =	vadd.f32 v33, v32;
	v4 =	vsel vm11, v4, v62;
	(pc) =	sbr.rel @p0 .LBB2_2-.Ltmp32, $4  }
0x48e: {  	v4 =	vsel vm12, v4, v5;
	v5 =	vadd.f32 v8, v6  }
0x48f: {  	s26 =	sshll.u32 s26, $0x4;
	v4 =	vsel vm13, v4, v63  }
0x490: {  	s26 =	sand.u32 $0x3FFFFFF0, s26;
	v4 =	vsel vm14, v4, v5  }
0x491: {  	[tilespmem:s26+$0x10A80] =	vst v4  }
0x492: {  	s24 =	sadd.s32 $0x1, s24  }
0x493: {  	p0 =	sne.s32 s24, s8  }
.Ltmp33:
0x494: {  	_ = 	snop;
	(pc) =	sbr.rel @p0 .LBB2_1-.Ltmp33, $4  }
0x495: {  	[hbm4b:s7+s2] =	stream.linear.scatter [tilespmem:s23], [sflag:$0x3], $0x200, $0x38;
	[tilespmem:$0x10C80] =	vst v63  }
0x496: {  	_ =	swait.ge [sflag:s9], $0x200  }
0x497: {  	[sflag:s9] =	ssyncset.done $0x0  }
0x498: {  	[sflag:s9] =	ssyncadd.s32 $0xFFFFFE00  }
0x499: {  	_ =	sfence.sel $0x180000  }
0x49a: {  	[bflag:$0x0] =	sbarrier.arrive $0xFFFF  }
0x49b: {  	p0 =	sne.s32 s1, $0x0;
	_ =	strace $0x90000047  }
0x49c: {  	s0 =	sadd.s32 @!p0 $0x100000, s0;
	[bflag:$0x2] =	sbarrier.arrive $0xFFFF  }
0x49d: {  	[sflag:s0] =	ssyncadd.tile.s32 @!p0 $0x1;
	_ =	shalt  }
.Lfunc_end2:
_tile_overlayer_lowered:
.L_overlay_start_2:
0x49e: {  	(tag) =	ssettag $0x2  }
0x49f: {  	s0 =	rddreg [dreg:$0x0];
	s2 =	stileid.u32  }
0x4a0: {  	s1 =	rddreg [dreg:$0x1];
	p0 =	sne.s32 s2, $0x0  }
0x4a1: {  	s3 =	rddreg [dreg:$0x2];
	[bflag:$0x3] =	sbarrier.arrive $0xFFFF;
	s2 =	simm.s32 @!p0 $0x1C03  }
0x4a2: {  	[timem:s3], [sflag:s2] =	dma.local @!p0 [hbm:s0], s1  }
0x4a3: {  	s0 =	simm.s32 @!p0 $0x3  }
0x4a4: {  	_ =	swait.ge @!p0 [sflag:s0], s1  }
0x4a5: {  	s1 =	ssub.s32 @!p0 $0x0, s1;
	[sflag:s0] =	ssyncset.done @!p0 $0x0  }
0x4a6: {  	[sflag:s0] =	ssyncadd.s32 @!p0 s1  }
0x4a7: {  	[bflag:$0x3] =	sbarrier.arrive $0xFFFF  }
0x4a8: {  	_ =	shalt  }

</sc_bundles>
